<compile_context>
chip_gen: v7x
topology: tpu7x:2x2x1
jax: 0.10.2.dev20260603
libtpu: 0.0.44.dev20260713+nightly
codegen_flags: <defaults>
</compile_context>

<pallas_src>
import functools

import jax
import jax.numpy as jnp
from jax import lax
from jax.experimental import pallas as pl
from jax.experimental.pallas import tpu as pltpu
from jax.experimental.pallas import tpu_sc as plsc

N = 10000
E = 320000
D = 128
BN_EPS = 1e-5

NC = 2
NS = 16
NW = NC * NS
EPW = E // NW
L = 16

CHD = 125
NCHD = EPW // CHD
RPT = 624
TAIL = N - NS * RPT
TOFF = NS * RPT

NBIN = 2
HB = N // NBIN
DUM = 8
ACCR = HB + DUM
CB = 128
NCB = 42
CAP = NCB * CB
ZR = 104
RPA = 312
TAILA = ACCR - NS * RPA
TOFFA = NS * RPA




def _deg_body(dst_hbm, ones_hbm, zeros1_hbm, deg0, deg1, dst_v, ones_v, dacc,
              dsem):
    cid = lax.axis_index("c")
    sid = lax.axis_index("s")
    wid = cid * NS + sid
    pltpu.sync_copy(dst_hbm.at[wid], dst_v)
    pltpu.sync_copy(ones_hbm, ones_v)
    pltpu.sync_copy(zeros1_hbm, dacc.at[pl.ds(sid * RPT, RPT)])

    @pl.when(sid == NS - 1)
    def _():
        pltpu.sync_copy(zeros1_hbm.at[pl.ds(0, TAIL)],
                        dacc.at[pl.ds(TOFF, TAIL)])

    plsc.subcore_barrier()

    def step(j, carry):
        @pl.when(j >= 4)
        def _():
            pltpu.make_async_copy(ones_v, dacc.at[dst_v.at[j - 4]],
                                  dsem).wait()

        pltpu.async_copy(ones_v, dacc.at[dst_v.at[j]], dsem, add=True)
        return carry

    lax.fori_loop(0, NCHD, step, 0)

    def drain(j, carry):
        pltpu.make_async_copy(ones_v, dacc.at[dst_v.at[j]], dsem).wait()
        return carry

    lax.fori_loop(NCHD - 4, NCHD, drain, 0)
    plsc.subcore_barrier()
    sl = pl.ds(sid * RPT, RPT)
    tl = pl.ds(TOFF, TAIL)

    @pl.when(cid == 0)
    def _():
        pltpu.sync_copy(dacc.at[sl], deg0.at[sl])

        @pl.when(sid == NS - 1)
        def _():
            pltpu.sync_copy(dacc.at[tl], deg0.at[tl])

    @pl.when(cid == 1)
    def _():
        pltpu.sync_copy(dacc.at[sl], deg1.at[sl])

        @pl.when(sid == NS - 1)
        def _():
            pltpu.sync_copy(dacc.at[tl], deg1.at[tl])


def _bin_body(src_hbm, dst_hbm, oAs, oAd, oBs, oBd,
              stage_s, stage_d, bAs, bAd, bBs, bBd):
    cid = lax.axis_index("c")
    sid = lax.axis_index("s")
    wid = cid * NS + sid
    pltpu.sync_copy(src_hbm.at[pl.ds(wid * EPW, EPW)], stage_s)
    pltpu.sync_copy(dst_hbm.at[pl.ds(wid * EPW, EPW)], stage_d)

    iota = lax.iota(jnp.int32, L)
    pad_d = HB + (iota % DUM)
    pad_s = wid * 256 + iota * 16

    def prefill(q, carry):
        sl = pl.ds(q * L, L)
        bAs[sl] = pad_s
        bAd[sl] = pad_d
        bBs[sl] = pad_s
        bBd[sl] = pad_d
        return carry

    lax.fori_loop(0, CAP // L, prefill, 0)

    def step(i, carry):
        pA, pB = carry
        sl = pl.ds(i * L, L)
        s = stage_s[sl]
        d = stage_d[sl]
        m0 = d < HB
        n0 = plsc.all_reduce_population_count(m0)
        c = plsc.cumsum(m0.astype(jnp.int32))
        pos0 = pA + c - 1
        plsc.store_scatter(bAs, [pos0], s, mask=m0)
        plsc.store_scatter(bAd, [pos0], d, mask=m0)
        m1 = jnp.logical_not(m0)
        c1 = plsc.cumsum(m1.astype(jnp.int32))
        pos1 = pB + c1 - 1
        plsc.store_scatter(bBs, [pos1], s, mask=m1)
        plsc.store_scatter(bBd, [pos1], d - HB, mask=m1)
        return pA + n0, pB + (L - n0)

    lax.fori_loop(0, EPW // L, step,
                  (jnp.zeros((L,), jnp.int32), jnp.zeros((L,), jnp.int32)))

    out = pl.ds(wid * CAP, CAP)
    pltpu.sync_copy(bAs, oAs.at[out])
    pltpu.sync_copy(bAd, oAd.at[out])
    pltpu.sync_copy(bBs, oBs.at[out])
    pltpu.sync_copy(bBd, oBd.at[out])


def _agg_body(t_hbm, srcA, dstA, srcB, dstB, zeros_hbm, out,
              src_v, dst_v, r0, r1, r2, r3, acc,
              g0, g1, g2, g3, s0, s1, s2, s3):
    cid = lax.axis_index("c")
    sid = lax.axis_index("s")
    bufs = (r0, r1, r2, r3)
    gsem = (g0, g1, g2, g3)
    ssem = (s0, s1, s2, s3)
    NBUF = 4
    NC2 = 2 * NCB
    ROUNDS = NC2 // NBUF

    @pl.when(cid == 0)
    def _():
        pltpu.sync_copy(srcA.at[2 * sid], src_v.at[pl.ds(0, NCB)])
        pltpu.sync_copy(srcA.at[2 * sid + 1], src_v.at[pl.ds(NCB, NCB)])
        pltpu.sync_copy(dstA.at[2 * sid], dst_v.at[pl.ds(0, NCB)])
        pltpu.sync_copy(dstA.at[2 * sid + 1], dst_v.at[pl.ds(NCB, NCB)])

    @pl.when(cid == 1)
    def _():
        pltpu.sync_copy(srcB.at[2 * sid], src_v.at[pl.ds(0, NCB)])
        pltpu.sync_copy(srcB.at[2 * sid + 1], src_v.at[pl.ds(NCB, NCB)])
        pltpu.sync_copy(dstB.at[2 * sid], dst_v.at[pl.ds(0, NCB)])
        pltpu.sync_copy(dstB.at[2 * sid + 1], dst_v.at[pl.ds(NCB, NCB)])

    for q in range(RPA // ZR):
        pltpu.sync_copy(zeros_hbm, acc.at[pl.ds(sid * RPA + q * ZR, ZR)])

    @pl.when(sid == NS - 1)
    def _():
        pltpu.sync_copy(zeros_hbm.at[pl.ds(0, TAILA)],
                        acc.at[pl.ds(TOFFA, TAILA)])

    plsc.subcore_barrier()

    for q in range(NBUF):
        pltpu.async_copy(t_hbm.at[src_v.at[q]], bufs[q], gsem[q])

    def rnd(jj, carry):
        j0 = jj * NBUF
        for q in range(NBUF):
            pltpu.make_async_copy(
                t_hbm.at[src_v.at[j0 + q]], bufs[q], gsem[q]).wait()
            pltpu.async_copy(bufs[q], acc.at[dst_v.at[j0 + q]], ssem[q],
                             add=True)
        for q in range(NBUF):
            pltpu.make_async_copy(
                bufs[q], acc.at[dst_v.at[j0 + q]], ssem[q]).wait()

            @pl.when(j0 + NBUF + q < NC2)
            def _():
                pltpu.async_copy(
                    t_hbm.at[src_v.at[j0 + NBUF + q]], bufs[q], gsem[q])
        return carry

    lax.fori_loop(0, ROUNDS, rnd, 0)

    plsc.subcore_barrier()
    sl = pl.ds(sid * RPA, RPA)
    tsl = pl.ds(TOFFA, HB - TOFFA)

    @pl.when(cid == 0)
    def _():
        pltpu.sync_copy(acc.at[sl], out.at[pl.ds(sid * RPA, RPA)])

        @pl.when(sid == NS - 1)
        def _():
            pltpu.sync_copy(acc.at[tsl], out.at[pl.ds(TOFFA, HB - TOFFA)])

    @pl.when(cid == 1)
    def _():
        pltpu.sync_copy(acc.at[sl], out.at[pl.ds(HB + sid * RPA, RPA)])

        @pl.when(sid == NS - 1)
        def _():
            pltpu.sync_copy(acc.at[tsl],
                            out.at[pl.ds(HB + TOFFA, HB - TOFFA)])


@functools.lru_cache(maxsize=None)
def _sc_kernels():
    mesh = plsc.VectorSubcoreMesh(
        core_axis_name="c", subcore_axis_name="s", num_cores=NC,
        num_subcores=NS)
    deg = functools.partial(
        pl.kernel,
        out_type=(
            jax.ShapeDtypeStruct((N, 1), jnp.float32),
            jax.ShapeDtypeStruct((N, 1), jnp.float32),
        ),
        mesh=mesh,
        scratch_types=(
            pltpu.VMEM((NCHD, CHD), jnp.int32),
            pltpu.VMEM((CHD, 1), jnp.float32),
            pltpu.VMEM_SHARED((N, 1), jnp.float32),
            pltpu.SemaphoreType.DMA,
        ),
    )(_deg_body)
    bink = functools.partial(
        pl.kernel,
        out_type=tuple(
            jax.ShapeDtypeStruct((NW * CAP,), jnp.int32) for _ in range(4)
        ),
        mesh=mesh,
        scratch_types=(
            pltpu.VMEM((EPW,), jnp.int32),
            pltpu.VMEM((EPW,), jnp.int32),
            pltpu.VMEM((CAP,), jnp.int32),
            pltpu.VMEM((CAP,), jnp.int32),
            pltpu.VMEM((CAP,), jnp.int32),
            pltpu.VMEM((CAP,), jnp.int32),
        ),
        compiler_params=pltpu.CompilerParams(needs_layout_passes=False),
    )(_bin_body)
    agg = functools.partial(
        pl.kernel,
        out_type=jax.ShapeDtypeStruct((N, D), jnp.float32),
        mesh=mesh,
        scratch_types=(
            pltpu.VMEM((2 * NCB, CB), jnp.int32),
            pltpu.VMEM((2 * NCB, CB), jnp.int32),
            pltpu.VMEM((CB, D), jnp.float32),
            pltpu.VMEM((CB, D), jnp.float32),
            pltpu.VMEM((CB, D), jnp.float32),
            pltpu.VMEM((CB, D), jnp.float32),
            pltpu.VMEM_SHARED((ACCR, D), jnp.float32),
            pltpu.SemaphoreType.DMA,
            pltpu.SemaphoreType.DMA,
            pltpu.SemaphoreType.DMA,
            pltpu.SemaphoreType.DMA,
            pltpu.SemaphoreType.DMA,
            pltpu.SemaphoreType.DMA,
            pltpu.SemaphoreType.DMA,
            pltpu.SemaphoreType.DMA,
        ),
    )(_agg_body)
    return deg, bink, agg



BM = 2000
GRID = N // BM


def _dinv(d0, d1):
    deg = d0 + d1
    return jnp.where(deg > 0.0, lax.rsqrt(deg), 0.0)


def _lin_body(d0_ref, d1_ref, x_ref, w_ref, b_ref, o_ref):
    dinv = _dinv(d0_ref[...], d1_ref[...])
    h = jnp.dot(x_ref[...], w_ref[...], preferred_element_type=jnp.float32)
    o_ref[...] = (h + b_ref[...]) * dinv


def _mid_body(d0_ref, d1_ref, a_ref, g_ref, be_ref, w_ref, b_ref, o_ref):
    dinv = _dinv(d0_ref[...], d1_ref[...])
    z = a_ref[...] * dinv
    gs = g_ref[...] * lax.rsqrt(jnp.float32(1.0 + BN_EPS))
    z = jnp.maximum(z * gs + be_ref[...], 0.0)
    h = jnp.dot(z, w_ref[...], preferred_element_type=jnp.float32)
    o_ref[...] = (h + b_ref[...]) * dinv


def _lsm_body(d0_ref, d1_ref, a_ref, o_ref):
    dinv = _dinv(d0_ref[...], d1_ref[...])
    z = a_ref[...] * dinv
    m = jnp.max(z, axis=-1, keepdims=True)
    s = z - m
    o_ref[...] = s - jnp.log(jnp.sum(jnp.exp(s), axis=-1, keepdims=True))


_col = pl.BlockSpec((BM, 1), lambda i: (i, 0))
_row = pl.BlockSpec((BM, D), lambda i: (i, 0))
_vec = pl.BlockSpec((1, D), lambda i: (0, 0))
_mat = pl.BlockSpec((D, D), lambda i: (0, 0))
_out = jax.ShapeDtypeStruct((N, D), jnp.float32)

_lin = pl.pallas_call(
    _lin_body, grid=(GRID,),
    in_specs=[_col, _col, _row, _mat, _vec],
    out_specs=_row, out_shape=_out)

_mid = pl.pallas_call(
    _mid_body, grid=(GRID,),
    in_specs=[_col, _col, _row, _vec, _vec, _mat, _vec],
    out_specs=_row, out_shape=_out)

_lsm = pl.pallas_call(
    _lsm_body, grid=(GRID,),
    in_specs=[_col, _col, _row],
    out_specs=_row, out_shape=_out)




def kernel(x, adj_t, W1, b1, g1, be1, W2, b2, g2, be2, W3, b3):
    src = adj_t[0]
    dst = adj_t[1]
    dst3 = dst.reshape(NW, NCHD, CHD)
    ones_c = jnp.ones((CHD, 1), jnp.float32)
    zeros1 = jnp.zeros((RPT, 1), jnp.float32)
    zeros_t = jnp.zeros((ZR, D), jnp.float32)
    b1r, b2r, b3r = (v.reshape(1, D) for v in (b1, b2, b3))
    g1r, g2r = g1.reshape(1, D), g2.reshape(1, D)
    be1r, be2r = be1.reshape(1, D), be2.reshape(1, D)

    _deg, _bin, _agg = _sc_kernels()
    d0, d1 = _deg(dst3, ones_c, zeros1)
    sAf, dAf, sBf, dBf = _bin(src, dst)
    sA3 = sAf.reshape(NW, NCB, CB)
    dA3 = dAf.reshape(NW, NCB, CB)
    sB3 = sBf.reshape(NW, NCB, CB)
    dB3 = dBf.reshape(NW, NCB, CB)

    t1 = _lin(d0, d1, x, W1, b1r)
    a = _agg(t1, sA3, dA3, sB3, dB3, zeros_t)
    t2 = _mid(d0, d1, a, g1r, be1r, W2, b2r)
    a = _agg(t2, sA3, dA3, sB3, dB3, zeros_t)
    t3 = _mid(d0, d1, a, g2r, be2r, W3, b3r)
    a = _agg(t3, sA3, dA3, sB3, dB3, zeros_t)
    return _lsm(d0, d1, a)

# --- scband reference (transcript-rebuilt; emitter-appended) ---
"""Pipeline reference for scband-gcn-22454089023507 (READ-ONLY COPY).

The authoritative reference and input builder live on the scoring server;
editing this copy changes nothing except your own understanding.
"""

import jax, jax.numpy as jnp
import numpy as np

N = 10000
E = 320000
D_IN = 128
D_HID = 128
D_OUT = 128
BN_EPS = 1e-5


def gcn_layer(x, W, b, src, dst, n_nodes):
    # linear transform then symmetric-normalized scatter-add aggregation
    deg = jnp.zeros((n_nodes,), dtype=x.dtype).at[dst].add(1.0)
    dinv = jnp.where(deg > 0, 1.0 / jnp.sqrt(deg), 0.0)
    h = x @ W + b
    norm = (dinv[src] * dinv[dst])[:, None]
    msgs = h[src] * norm
    out = jnp.zeros((n_nodes, W.shape[1]), dtype=x.dtype).at[dst].add(msgs)
    return out


def bn_eval(x, gamma, beta):
    # BatchNorm1d in eval mode with running_mean=0, running_var=1
    return x * (gamma / jnp.sqrt(1.0 + BN_EPS)) + beta


def setup_inputs(seed: int = 0) -> dict:
    key = jax.random.key(seed)
    ks = jax.random.split(key, 12)
    x = jax.random.normal(ks[0], (N, D_IN), dtype=jnp.float32)
    adj_t = jax.random.randint(ks[1], (2, E), 0, N, dtype=jnp.int32)
    s1 = 1.0 / np.sqrt(D_IN)
    s2 = 1.0 / np.sqrt(D_HID)
    W1 = jax.random.uniform(ks[2], (D_IN, D_HID), jnp.float32, -s1, s1)
    b1 = jnp.zeros((D_HID,), jnp.float32)
    g1 = jnp.ones((D_HID,), jnp.float32)
    be1 = jnp.zeros((D_HID,), jnp.float32)
    W2 = jax.random.uniform(ks[3], (D_HID, D_HID), jnp.float32, -s2, s2)
    b2 = jnp.zeros((D_HID,), jnp.float32)
    g2 = jnp.ones((D_HID,), jnp.float32)
    be2 = jnp.zeros((D_HID,), jnp.float32)
    W3 = jax.random.uniform(ks[4], (D_HID, D_OUT), jnp.float32, -s2, s2)
    b3 = jnp.zeros((D_OUT,), jnp.float32)
    return {"x": x, "adj_t": adj_t, "W1": W1, "b1": b1, "g1": g1, "be1": be1,
            "W2": W2, "b2": b2, "g2": g2, "be2": be2, "W3": W3, "b3": b3}


def reference(x, adj_t, W1, b1, g1, be1, W2, b2, g2, be2, W3, b3):
    src = adj_t[0]
    dst = adj_t[1]
    h = gcn_layer(x, W1, b1, src, dst, N)
    h = bn_eval(h, g1, be1)
    h = jax.nn.relu(h)
    h = gcn_layer(h, W2, b2, src, dst, N)
    h = bn_eval(h, g2, be2)
    h = jax.nn.relu(h)
    h = gcn_layer(h, W3, b3, src, dst, N)
    return jax.nn.log_softmax(h, axis=-1)

if __name__ == "__main__":
    import jax
    _d = setup_inputs()
    print(jax.jit(kernel)(*tuple(_d.values())))

</pallas_src>

<mosaic_0001>
#map = affine_map<(d0, d1) -> (0)>
module attributes {stable_mosaic.version = 14 : i64} {
  func.func @_bin_body(%arg0: i32, %arg1: i32, %arg2: memref<320000xi32, #tpu.memory_space<hbm>>, %arg3: memref<320000xi32, #tpu.memory_space<hbm>>, %arg4: memref<172032xi32, #tpu.memory_space<hbm>>, %arg5: memref<172032xi32, #tpu.memory_space<hbm>>, %arg6: memref<172032xi32, #tpu.memory_space<hbm>>, %arg7: memref<172032xi32, #tpu.memory_space<hbm>>, %arg8: memref<10000xi32, #tpu.memory_space<vmem>>, %arg9: memref<10000xi32, #tpu.memory_space<vmem>>, %arg10: memref<5376xi32, #tpu.memory_space<vmem>>, %arg11: memref<5376xi32, #tpu.memory_space<vmem>>, %arg12: memref<5376xi32, #tpu.memory_space<vmem>>, %arg13: memref<5376xi32, #tpu.memory_space<vmem>>) attributes {dimension_semantics = [#tpu.dimension_semantics<core_parallel>, #tpu.dimension_semantics<subcore_parallel>], iteration_bounds = array<i64: 2, 16>, scalar_prefetch = 0 : i64, scratch_operands = 6 : i64, tpu.core_type = #tpu.core_type<sc_vector_subcore>, window_params = [{transform_indices = #map}, {transform_indices = #map}, {transform_indices = #map}, {transform_indices = #map}, {transform_indices = #map}, {transform_indices = #map}]} {
    %mul3A = arith.constant 16 : i32
    %mul3A_0 = arith.muli %arg0, %mul3A : i32
    %add3A = arith.addi %mul3A_0, %arg1 : i32
    %mul3A_1 = arith.constant 10000 : i32
    %mul3A_2 = arith.muli %add3A, %mul3A_1 : i32
    "tpu.region"() ({
      %run_scoped3A = tpu.sem_alloc : memref<!tpu.dma_semaphore, #tpu.memory_space<semaphore_mem>>
      %dma_start3A = tpu.memref_slice %arg2[%mul3A_2] : memref<320000xi32, #tpu.memory_space<hbm>> -> memref<10000xi32, #tpu.memory_space<hbm>>
      %dma_start3A_46 = tpu.memref_slice %arg2[%mul3A_2] : memref<320000xi32, #tpu.memory_space<hbm>> -> memref<10000xi32, #tpu.memory_space<hbm>>
      tpu.enqueue_dma source(%dma_start3A_46 : memref<10000xi32, #tpu.memory_space<hbm>>) target(%arg8 : memref<10000xi32, #tpu.memory_space<vmem>>) target_semaphore(%run_scoped3A : memref<!tpu.dma_semaphore, #tpu.memory_space<semaphore_mem>>)
      %dma_wait3A = tpu.memref_slice %arg2[%mul3A_2] : memref<320000xi32, #tpu.memory_space<hbm>> -> memref<10000xi32, #tpu.memory_space<hbm>>
      %dma_wait3A_47 = tpu.memref_slice %arg2[%mul3A_2] : memref<320000xi32, #tpu.memory_space<hbm>> -> memref<10000xi32, #tpu.memory_space<hbm>>
      tpu.wait_dma2 semaphore(%run_scoped3A : memref<!tpu.dma_semaphore, #tpu.memory_space<semaphore_mem>>) src(%dma_wait3A_47 : memref<10000xi32, #tpu.memory_space<hbm>>) dst(%arg8 : memref<10000xi32, #tpu.memory_space<vmem>>)
      tpu.yield
    }) : () -> ()
    %mul3A_3 = arith.constant 10000 : i32
    %mul3A_4 = arith.muli %add3A, %mul3A_3 : i32
    "tpu.region"() ({
      %run_scoped3A = tpu.sem_alloc : memref<!tpu.dma_semaphore, #tpu.memory_space<semaphore_mem>>
      %dma_start3A = tpu.memref_slice %arg3[%mul3A_4] : memref<320000xi32, #tpu.memory_space<hbm>> -> memref<10000xi32, #tpu.memory_space<hbm>>
      %dma_start3A_46 = tpu.memref_slice %arg3[%mul3A_4] : memref<320000xi32, #tpu.memory_space<hbm>> -> memref<10000xi32, #tpu.memory_space<hbm>>
      tpu.enqueue_dma source(%dma_start3A_46 : memref<10000xi32, #tpu.memory_space<hbm>>) target(%arg9 : memref<10000xi32, #tpu.memory_space<vmem>>) target_semaphore(%run_scoped3A : memref<!tpu.dma_semaphore, #tpu.memory_space<semaphore_mem>>)
      %dma_wait3A = tpu.memref_slice %arg3[%mul3A_4] : memref<320000xi32, #tpu.memory_space<hbm>> -> memref<10000xi32, #tpu.memory_space<hbm>>
      %dma_wait3A_47 = tpu.memref_slice %arg3[%mul3A_4] : memref<320000xi32, #tpu.memory_space<hbm>> -> memref<10000xi32, #tpu.memory_space<hbm>>
      tpu.wait_dma2 semaphore(%run_scoped3A : memref<!tpu.dma_semaphore, #tpu.memory_space<semaphore_mem>>) src(%dma_wait3A_47 : memref<10000xi32, #tpu.memory_space<hbm>>) dst(%arg9 : memref<10000xi32, #tpu.memory_space<vmem>>)
      tpu.yield
    }) : () -> ()
    %iota3A = tpu.iota {dimensions = array<i32: 0>} : vector<16xi32>
    %jit3A = arith.constant 8 : i32
    %eq3A = arith.constant 0 : i32
    %eq3A_5 = arith.cmpi eq, %jit3A, %eq3A : i32
    %jit3A_6 = arith.constant 1 : i32
    %select_n3A = arith.select %eq3A_5, %jit3A_6, %jit3A : i32
    %rem3A = vector.broadcast %select_n3A : i32 to vector<16xi32>
    %rem3A_7 = arith.remsi %iota3A, %rem3A : vector<16xi32>
    %ne3A = arith.constant 0 : i32
    %ne3A_8 = vector.broadcast %ne3A : i32 to vector<16xi32>
    %ne3A_9 = arith.cmpi ne, %rem3A_7, %ne3A_8 : vector<16xi32>
    %lt3A = arith.constant 0 : i32
    %lt3A_10 = vector.broadcast %lt3A : i32 to vector<16xi32>
    %lt3A_11 = arith.cmpi slt, %rem3A_7, %lt3A_10 : vector<16xi32>
    %lt3A_12 = arith.constant 0 : i32
    %lt3A_13 = arith.cmpi slt, %select_n3A, %lt3A_12 : i32
    %ne3A_14 = vector.broadcast %lt3A_13 : i1 to vector<16xi1>
    %ne3A_15 = vector.broadcast %ne3A_14 : vector<16xi1> to vector<16xi1>
    %ne3A_16 = arith.xori %lt3A_11, %ne3A_15 : vector<16xi1>
    %and3A = arith.andi %ne3A_16, %ne3A_9 : vector<16xi1>
    %add3A_17 = vector.broadcast %select_n3A : i32 to vector<16xi32>
    %add3A_18 = arith.addi %rem3A_7, %add3A_17 : vector<16xi32>
    %select_n3A_19 = arith.select %and3A, %add3A_18, %rem3A_7 : vector<16xi1>, vector<16xi32>
    %add3A_20 = arith.constant 5000 : i32
    %add3A_21 = vector.broadcast %add3A_20 : i32 to vector<16xi32>
    %add3A_22 = arith.addi %add3A_21, %select_n3A_19 : vector<16xi32>
    %mul3A_23 = arith.constant 256 : i32
    %mul3A_24 = arith.muli %add3A, %mul3A_23 : i32
    %mul3A_25 = arith.constant 16 : i32
    %mul3A_26 = vector.broadcast %mul3A_25 : i32 to vector<16xi32>
    %mul3A_27 = arith.muli %iota3A, %mul3A_26 : vector<16xi32>
    %add3A_28 = vector.broadcast %mul3A_24 : i32 to vector<16xi32>
    %add3A_29 = arith.addi %add3A_28, %mul3A_27 : vector<16xi32>
    %scan3A = arith.constant 0 : i32
    %scan3A_30 = arith.constant 0 : i32
    %scan3A_31 = arith.constant 336 : i32
    %scan3A_32 = arith.addi %scan3A_30, %scan3A_31 : i32
    %scan3A_33 = arith.constant 1 : i32
    scf.for %scan3A_46 = %scan3A_30 to %scan3A_32 step %scan3A_33  : i32 {
      %mul3A_47 = arith.constant 16 : i32
      %mul3A_48 = arith.muli %scan3A_46, %mul3A_47 : i32
      %swap3A = arith.index_cast %mul3A_48 : i32 to index
      %swap3A_49 = tpu.vector_load %arg10[%swap3A] {strides = array<i32>} : memref<5376xi32, #tpu.memory_space<vmem>>, vector<16xi32>,
      tpu.vector_store %arg10[%swap3A], %add3A_29 {strides = array<i32>} : memref<5376xi32, #tpu.memory_space<vmem>>, vector<16xi32>,
      %swap3A_50 = arith.index_cast %mul3A_48 : i32 to index
      %swap3A_51 = tpu.vector_load %arg11[%swap3A_50] {strides = array<i32>} : memref<5376xi32, #tpu.memory_space<vmem>>, vector<16xi32>,
      tpu.vector_store %arg11[%swap3A_50], %add3A_22 {strides = array<i32>} : memref<5376xi32, #tpu.memory_space<vmem>>, vector<16xi32>,
      %swap3A_52 = arith.index_cast %mul3A_48 : i32 to index
      %swap3A_53 = tpu.vector_load %arg12[%swap3A_52] {strides = array<i32>} : memref<5376xi32, #tpu.memory_space<vmem>>, vector<16xi32>,
      tpu.vector_store %arg12[%swap3A_52], %add3A_29 {strides = array<i32>} : memref<5376xi32, #tpu.memory_space<vmem>>, vector<16xi32>,
      %swap3A_54 = arith.index_cast %mul3A_48 : i32 to index
      %swap3A_55 = tpu.vector_load %arg13[%swap3A_54] {strides = array<i32>} : memref<5376xi32, #tpu.memory_space<vmem>>, vector<16xi32>,
      tpu.vector_store %arg13[%swap3A_54], %add3A_22 {strides = array<i32>} : memref<5376xi32, #tpu.memory_space<vmem>>, vector<16xi32>,
    }
    %scan3A_34 = arith.constant 336 : i32
    %broadcast_in_dim3A = arith.constant 0 : i32
    %broadcast_in_dim3A_35 = vector.broadcast %broadcast_in_dim3A : i32 to vector<16xi32>
    %broadcast_in_dim3A_36 = arith.constant 0 : i32
    %broadcast_in_dim3A_37 = vector.broadcast %broadcast_in_dim3A_36 : i32 to vector<16xi32>
    %scan3A_38 = arith.constant 0 : i32
    %scan3A_39 = arith.constant 625 : i32
    %scan3A_40 = arith.addi %scan3A_38, %scan3A_39 : i32
    %scan3A_41 = arith.constant 1 : i32
    %scan3A_42:2 = scf.for %scan3A_46 = %scan3A_38 to %scan3A_40 step %scan3A_41 iter_args(%scan3A_47 = %broadcast_in_dim3A_35, %scan3A_48 = %broadcast_in_dim3A_37) -> (vector<16xi32>, vector<16xi32>)  : i32 {
      %mul3A_49 = arith.constant 16 : i32
      %mul3A_50 = arith.muli %scan3A_46, %mul3A_49 : i32
      %get3A = arith.index_cast %mul3A_50 : i32 to index
      %get3A_51 = tpu.vector_load %arg8[%get3A] {strides = array<i32>} : memref<10000xi32, #tpu.memory_space<vmem>>, vector<16xi32>,
      %get3A_52 = arith.index_cast %mul3A_50 : i32 to index
      %get3A_53 = tpu.vector_load %arg9[%get3A_52] {strides = array<i32>} : memref<10000xi32, #tpu.memory_space<vmem>>, vector<16xi32>,
      %lt3A_54 = arith.constant 5000 : i32
      %lt3A_55 = vector.broadcast %lt3A_54 : i32 to vector<16xi32>
      %lt3A_56 = arith.cmpi slt, %get3A_53, %lt3A_55 : vector<16xi32>
      %all_reduce_population_count3A = tpu.all_reduce %lt3A_56 {dim = 0 : i64, kind = #tpu.reduction_kind<sum>} : vector<16xi1> -> vector<16xi32>
      %convert_element_type3A = arith.extui %lt3A_56 : vector<16xi1> to vector<16xi32>
      %broadcast_in_dim3A_57 = arith.constant true
      %broadcast_in_dim3A_58 = vector.broadcast %broadcast_in_dim3A_57 : i1 to vector<16xi1>
      %masked_cumsum3A = tpu.scan <sum>, %convert_element_type3A masked %broadcast_in_dim3A_58 : vector<16xi32>, vector<16xi1> -> vector<16xi32>
      %add3A_59 = arith.addi %scan3A_47, %masked_cumsum3A : vector<16xi32>
      %sub3A = arith.constant 1 : i32
      %sub3A_60 = vector.broadcast %sub3A : i32 to vector<16xi32>
      %sub3A_61 = arith.subi %add3A_59, %sub3A_60 : vector<16xi32>
      tpu.vector_store_idx %arg10[%sub3A_61], %get3A_51 masked %lt3A_56 : memref<5376xi32, #tpu.memory_space<vmem>>[vector<16xi32>], vector<16xi32>, vector<16xi1>
      tpu.vector_store_idx %arg11[%sub3A_61], %get3A_53 masked %lt3A_56 : memref<5376xi32, #tpu.memory_space<vmem>>[vector<16xi32>], vector<16xi32>, vector<16xi1>
      %not3A = arith.constant dense<true> : vector<16xi1>
      %not3A_62 = arith.xori %lt3A_56, %not3A : vector<16xi1>
      %convert_element_type3A_63 = arith.extui %not3A_62 : vector<16xi1> to vector<16xi32>
      %broadcast_in_dim3A_64 = arith.constant true
      %broadcast_in_dim3A_65 = vector.broadcast %broadcast_in_dim3A_64 : i1 to vector<16xi1>
      %masked_cumsum3A_66 = tpu.scan <sum>, %convert_element_type3A_63 masked %broadcast_in_dim3A_65 : vector<16xi32>, vector<16xi1> -> vector<16xi32>
      %add3A_67 = arith.addi %scan3A_48, %masked_cumsum3A_66 : vector<16xi32>
      %sub3A_68 = arith.constant 1 : i32
      %sub3A_69 = vector.broadcast %sub3A_68 : i32 to vector<16xi32>
      %sub3A_70 = arith.subi %add3A_67, %sub3A_69 : vector<16xi32>
      tpu.vector_store_idx %arg12[%sub3A_70], %get3A_51 masked %not3A_62 : memref<5376xi32, #tpu.memory_space<vmem>>[vector<16xi32>], vector<16xi32>, vector<16xi1>
      %sub3A_71 = arith.constant 5000 : i32
      %sub3A_72 = vector.broadcast %sub3A_71 : i32 to vector<16xi32>
      %sub3A_73 = arith.subi %get3A_53, %sub3A_72 : vector<16xi32>
      tpu.vector_store_idx %arg13[%sub3A_70], %sub3A_73 masked %not3A_62 : memref<5376xi32, #tpu.memory_space<vmem>>[vector<16xi32>], vector<16xi32>, vector<16xi1>
      %add3A_74 = arith.addi %scan3A_47, %all_reduce_population_count3A : vector<16xi32>
      %sub3A_75 = arith.constant 16 : i32
      %sub3A_76 = vector.broadcast %sub3A_75 : i32 to vector<16xi32>
      %sub3A_77 = arith.subi %sub3A_76, %all_reduce_population_count3A : vector<16xi32>
      %add3A_78 = arith.addi %scan3A_48, %sub3A_77 : vector<16xi32>
      scf.yield %add3A_74, %add3A_78 : vector<16xi32>, vector<16xi32>
    }
    %scan3A_43 = arith.constant 625 : i32
    %mul3A_44 = arith.constant 5376 : i32
    %mul3A_45 = arith.muli %add3A, %mul3A_44 : i32
    "tpu.region"() ({
      %run_scoped3A = tpu.sem_alloc : memref<!tpu.dma_semaphore, #tpu.memory_space<semaphore_mem>>
      %dma_start3A = tpu.memref_slice %arg4[%mul3A_45] : memref<172032xi32, #tpu.memory_space<hbm>> -> memref<5376xi32, #tpu.memory_space<hbm>>
      %dma_start3A_46 = tpu.memref_slice %arg4[%mul3A_45] : memref<172032xi32, #tpu.memory_space<hbm>> -> memref<5376xi32, #tpu.memory_space<hbm>>
      tpu.enqueue_dma source(%arg10 : memref<5376xi32, #tpu.memory_space<vmem>>) target(%dma_start3A_46 : memref<5376xi32, #tpu.memory_space<hbm>>) target_semaphore(%run_scoped3A : memref<!tpu.dma_semaphore, #tpu.memory_space<semaphore_mem>>)
      %dma_wait3A = tpu.memref_slice %arg4[%mul3A_45] : memref<172032xi32, #tpu.memory_space<hbm>> -> memref<5376xi32, #tpu.memory_space<hbm>>
      %dma_wait3A_47 = tpu.memref_slice %arg4[%mul3A_45] : memref<172032xi32, #tpu.memory_space<hbm>> -> memref<5376xi32, #tpu.memory_space<hbm>>
      tpu.wait_dma2 semaphore(%run_scoped3A : memref<!tpu.dma_semaphore, #tpu.memory_space<semaphore_mem>>) src(%arg10 : memref<5376xi32, #tpu.memory_space<vmem>>) dst(%dma_wait3A_47 : memref<5376xi32, #tpu.memory_space<hbm>>)
      tpu.yield
    }) : () -> ()
    "tpu.region"() ({
      %run_scoped3A = tpu.sem_alloc : memref<!tpu.dma_semaphore, #tpu.memory_space<semaphore_mem>>
      %dma_start3A = tpu.memref_slice %arg5[%mul3A_45] : memref<172032xi32, #tpu.memory_space<hbm>> -> memref<5376xi32, #tpu.memory_space<hbm>>
      %dma_start3A_46 = tpu.memref_slice %arg5[%mul3A_45] : memref<172032xi32, #tpu.memory_space<hbm>> -> memref<5376xi32, #tpu.memory_space<hbm>>
      tpu.enqueue_dma source(%arg11 : memref<5376xi32, #tpu.memory_space<vmem>>) target(%dma_start3A_46 : memref<5376xi32, #tpu.memory_space<hbm>>) target_semaphore(%run_scoped3A : memref<!tpu.dma_semaphore, #tpu.memory_space<semaphore_mem>>)
      %dma_wait3A = tpu.memref_slice %arg5[%mul3A_45] : memref<172032xi32, #tpu.memory_space<hbm>> -> memref<5376xi32, #tpu.memory_space<hbm>>
      %dma_wait3A_47 = tpu.memref_slice %arg5[%mul3A_45] : memref<172032xi32, #tpu.memory_space<hbm>> -> memref<5376xi32, #tpu.memory_space<hbm>>
      tpu.wait_dma2 semaphore(%run_scoped3A : memref<!tpu.dma_semaphore, #tpu.memory_space<semaphore_mem>>) src(%arg11 : memref<5376xi32, #tpu.memory_space<vmem>>) dst(%dma_wait3A_47 : memref<5376xi32, #tpu.memory_space<hbm>>)
      tpu.yield
    }) : () -> ()
    "tpu.region"() ({
      %run_scoped3A = tpu.sem_alloc : memref<!tpu.dma_semaphore, #tpu.memory_space<semaphore_mem>>
      %dma_start3A = tpu.memref_slice %arg6[%mul3A_45] : memref<172032xi32, #tpu.memory_space<hbm>> -> memref<5376xi32, #tpu.memory_space<hbm>>
      %dma_start3A_46 = tpu.memref_slice %arg6[%mul3A_45] : memref<172032xi32, #tpu.memory_space<hbm>> -> memref<5376xi32, #tpu.memory_space<hbm>>
      tpu.enqueue_dma source(%arg12 : memref<5376xi32, #tpu.memory_space<vmem>>) target(%dma_start3A_46 : memref<5376xi32, #tpu.memory_space<hbm>>) target_semaphore(%run_scoped3A : memref<!tpu.dma_semaphore, #tpu.memory_space<semaphore_mem>>)
      %dma_wait3A = tpu.memref_slice %arg6[%mul3A_45] : memref<172032xi32, #tpu.memory_space<hbm>> -> memref<5376xi32, #tpu.memory_space<hbm>>
      %dma_wait3A_47 = tpu.memref_slice %arg6[%mul3A_45] : memref<172032xi32, #tpu.memory_space<hbm>> -> memref<5376xi32, #tpu.memory_space<hbm>>
      tpu.wait_dma2 semaphore(%run_scoped3A : memref<!tpu.dma_semaphore, #tpu.memory_space<semaphore_mem>>) src(%arg12 : memref<5376xi32, #tpu.memory_space<vmem>>) dst(%dma_wait3A_47 : memref<5376xi32, #tpu.memory_space<hbm>>)
      tpu.yield
    }) : () -> ()
    "tpu.region"() ({
      %run_scoped3A = tpu.sem_alloc : memref<!tpu.dma_semaphore, #tpu.memory_space<semaphore_mem>>
      %dma_start3A = tpu.memref_slice %arg7[%mul3A_45] : memref<172032xi32, #tpu.memory_space<hbm>> -> memref<5376xi32, #tpu.memory_space<hbm>>
      %dma_start3A_46 = tpu.memref_slice %arg7[%mul3A_45] : memref<172032xi32, #tpu.memory_space<hbm>> -> memref<5376xi32, #tpu.memory_space<hbm>>
      tpu.enqueue_dma source(%arg13 : memref<5376xi32, #tpu.memory_space<vmem>>) target(%dma_start3A_46 : memref<5376xi32, #tpu.memory_space<hbm>>) target_semaphore(%run_scoped3A : memref<!tpu.dma_semaphore, #tpu.memory_space<semaphore_mem>>)
      %dma_wait3A = tpu.memref_slice %arg7[%mul3A_45] : memref<172032xi32, #tpu.memory_space<hbm>> -> memref<5376xi32, #tpu.memory_space<hbm>>
      %dma_wait3A_47 = tpu.memref_slice %arg7[%mul3A_45] : memref<172032xi32, #tpu.memory_space<hbm>> -> memref<5376xi32, #tpu.memory_space<hbm>>
      tpu.wait_dma2 semaphore(%run_scoped3A : memref<!tpu.dma_semaphore, #tpu.memory_space<semaphore_mem>>) src(%arg13 : memref<5376xi32, #tpu.memory_space<vmem>>) dst(%dma_wait3A_47 : memref<5376xi32, #tpu.memory_space<hbm>>)
      tpu.yield
    }) : () -> ()
    return
  }
}

#map = affine_map<(d0, d1) -> (0, 0, 0)>
#map1 = affine_map<(d0, d1) -> (0, 0)>
module attributes {stable_mosaic.version = 14 : i64} {
  func.func @_deg_body(%arg0: i32, %arg1: i32, %arg2: memref<32x80x125xi32, #tpu.memory_space<hbm>>, %arg3: memref<125x1xf32, #tpu.memory_space<hbm>>, %arg4: memref<624x1xf32, #tpu.memory_space<hbm>>, %arg5: memref<10000x1xf32, #tpu.memory_space<hbm>>, %arg6: memref<10000x1xf32, #tpu.memory_space<hbm>>, %arg7: memref<80x125xi32, #tpu.memory_space<vmem>>, %arg8: memref<125x1xf32, #tpu.memory_space<vmem>>, %arg9: memref<10000x1xf32, #tpu.memory_space<vmem_shared>>, %arg10: memref<!tpu.dma_semaphore, #tpu.memory_space<semaphore_mem>>) attributes {dimension_semantics = [#tpu.dimension_semantics<core_parallel>, #tpu.dimension_semantics<subcore_parallel>], iteration_bounds = array<i64: 2, 16>, scalar_prefetch = 0 : i64, scratch_operands = 4 : i64, tpu.core_type = #tpu.core_type<sc_vector_subcore>, window_params = [{transform_indices = #map}, {transform_indices = #map1}, {transform_indices = #map1}, {transform_indices = #map1}, {transform_indices = #map1}]} {
    %mul3A = arith.constant 16 : i32
    %mul3A_0 = arith.muli %arg0, %mul3A : i32
    %add3A = arith.addi %mul3A_0, %arg1 : i32
    "tpu.region"() ({
      %run_scoped3A = tpu.sem_alloc : memref<!tpu.dma_semaphore, #tpu.memory_space<semaphore_mem>>
      %dma_start3A = arith.constant 0 : i32
      %dma_start3A_29 = arith.constant 0 : i32
      %dma_start3A_30 = tpu.memref_slice %arg2[%add3A, %dma_start3A, %dma_start3A_29] : memref<32x80x125xi32, #tpu.memory_space<hbm>> -> memref<1x80x125xi32, #tpu.memory_space<hbm>>
      %dma_start3A_31 = tpu.memref_squeeze %dma_start3A_30 : memref<1x80x125xi32, #tpu.memory_space<hbm>> -> memref<80x125xi32, #tpu.memory_space<hbm>>
      %dma_start3A_32 = arith.constant 0 : i32
      %dma_start3A_33 = arith.constant 0 : i32
      %dma_start3A_34 = tpu.memref_slice %arg2[%add3A, %dma_start3A_32, %dma_start3A_33] : memref<32x80x125xi32, #tpu.memory_space<hbm>> -> memref<1x80x125xi32, #tpu.memory_space<hbm>>
      %dma_start3A_35 = tpu.memref_squeeze %dma_start3A_34 : memref<1x80x125xi32, #tpu.memory_space<hbm>> -> memref<80x125xi32, #tpu.memory_space<hbm>>
      tpu.enqueue_dma source(%dma_start3A_35 : memref<80x125xi32, #tpu.memory_space<hbm>>) target(%arg7 : memref<80x125xi32, #tpu.memory_space<vmem>>) target_semaphore(%run_scoped3A : memref<!tpu.dma_semaphore, #tpu.memory_space<semaphore_mem>>)
      %dma_wait3A = arith.constant 0 : i32
      %dma_wait3A_36 = arith.constant 0 : i32
      %dma_wait3A_37 = tpu.memref_slice %arg2[%add3A, %dma_wait3A, %dma_wait3A_36] : memref<32x80x125xi32, #tpu.memory_space<hbm>> -> memref<1x80x125xi32, #tpu.memory_space<hbm>>
      %dma_wait3A_38 = tpu.memref_squeeze %dma_wait3A_37 : memref<1x80x125xi32, #tpu.memory_space<hbm>> -> memref<80x125xi32, #tpu.memory_space<hbm>>
      %dma_wait3A_39 = arith.constant 0 : i32
      %dma_wait3A_40 = arith.constant 0 : i32
      %dma_wait3A_41 = tpu.memref_slice %arg2[%add3A, %dma_wait3A_39, %dma_wait3A_40] : memref<32x80x125xi32, #tpu.memory_space<hbm>> -> memref<1x80x125xi32, #tpu.memory_space<hbm>>
      %dma_wait3A_42 = tpu.memref_squeeze %dma_wait3A_41 : memref<1x80x125xi32, #tpu.memory_space<hbm>> -> memref<80x125xi32, #tpu.memory_space<hbm>>
      tpu.wait_dma2 semaphore(%run_scoped3A : memref<!tpu.dma_semaphore, #tpu.memory_space<semaphore_mem>>) src(%dma_wait3A_42 : memref<80x125xi32, #tpu.memory_space<hbm>>) dst(%arg7 : memref<80x125xi32, #tpu.memory_space<vmem>>)
      tpu.yield
    }) : () -> ()
    "tpu.region"() ({
      %run_scoped3A = tpu.sem_alloc : memref<!tpu.dma_semaphore, #tpu.memory_space<semaphore_mem>>
      tpu.enqueue_dma source(%arg3 : memref<125x1xf32, #tpu.memory_space<hbm>>) target(%arg8 : memref<125x1xf32, #tpu.memory_space<vmem>>) target_semaphore(%run_scoped3A : memref<!tpu.dma_semaphore, #tpu.memory_space<semaphore_mem>>)
      tpu.wait_dma2 semaphore(%run_scoped3A : memref<!tpu.dma_semaphore, #tpu.memory_space<semaphore_mem>>) src(%arg3 : memref<125x1xf32, #tpu.memory_space<hbm>>) dst(%arg8 : memref<125x1xf32, #tpu.memory_space<vmem>>)
      tpu.yield
    }) : () -> ()
    %mul3A_1 = arith.constant 624 : i32
    %mul3A_2 = arith.muli %arg1, %mul3A_1 : i32
    "tpu.region"() ({
      %run_scoped3A = tpu.sem_alloc : memref<!tpu.dma_semaphore, #tpu.memory_space<semaphore_mem>>
      %dma_start3A = arith.constant 0 : i32
      %dma_start3A_29 = tpu.memref_slice %arg9[%mul3A_2, %dma_start3A] : memref<10000x1xf32, #tpu.memory_space<vmem_shared>> -> memref<624x1xf32, #tpu.memory_space<vmem_shared>>
      tpu.enqueue_dma source(%arg4 : memref<624x1xf32, #tpu.memory_space<hbm>>) target(%dma_start3A_29 : memref<624x1xf32, #tpu.memory_space<vmem_shared>>) target_semaphore(%run_scoped3A : memref<!tpu.dma_semaphore, #tpu.memory_space<semaphore_mem>>)
      %dma_wait3A = arith.constant 0 : i32
      %dma_wait3A_30 = tpu.memref_slice %arg9[%mul3A_2, %dma_wait3A] : memref<10000x1xf32, #tpu.memory_space<vmem_shared>> -> memref<624x1xf32, #tpu.memory_space<vmem_shared>>
      tpu.wait_dma2 semaphore(%run_scoped3A : memref<!tpu.dma_semaphore, #tpu.memory_space<semaphore_mem>>) src(%arg4 : memref<624x1xf32, #tpu.memory_space<hbm>>) dst(%dma_wait3A_30 : memref<624x1xf32, #tpu.memory_space<vmem_shared>>)
      tpu.yield
    }) : () -> ()
    %eq3A = arith.constant 15 : i32
    %eq3A_3 = arith.cmpi eq, %arg1, %eq3A : i32
    %convert_element_type3A = arith.extui %eq3A_3 : i1 to i32
    %cond3A = arith.constant 0 : i32
    %cond3A_4 = arith.cmpi ne, %convert_element_type3A, %cond3A : i32
    scf.if %cond3A_4 {
      "tpu.region"() ({
        %run_scoped3A = tpu.sem_alloc : memref<!tpu.dma_semaphore, #tpu.memory_space<semaphore_mem>>
        %dma_start3A = arith.constant 9984 : i32
        %dma_start3A_29 = arith.constant 0 : i32
        %dma_start3A_30 = tpu.memref_slice %arg9[%dma_start3A, %dma_start3A_29] : memref<10000x1xf32, #tpu.memory_space<vmem_shared>> -> memref<16x1xf32, #tpu.memory_space<vmem_shared>>
        %dma_start3A_31 = arith.constant 0 : i32
        %dma_start3A_32 = arith.constant 0 : i32
        %dma_start3A_33 = tpu.memref_slice %arg4[%dma_start3A_31, %dma_start3A_32] : memref<624x1xf32, #tpu.memory_space<hbm>> -> memref<16x1xf32, #tpu.memory_space<hbm>>
        tpu.enqueue_dma source(%dma_start3A_33 : memref<16x1xf32, #tpu.memory_space<hbm>>) target(%dma_start3A_30 : memref<16x1xf32, #tpu.memory_space<vmem_shared>>) target_semaphore(%run_scoped3A : memref<!tpu.dma_semaphore, #tpu.memory_space<semaphore_mem>>)
        %dma_wait3A = arith.constant 9984 : i32
        %dma_wait3A_34 = arith.constant 0 : i32
        %dma_wait3A_35 = tpu.memref_slice %arg9[%dma_wait3A, %dma_wait3A_34] : memref<10000x1xf32, #tpu.memory_space<vmem_shared>> -> memref<16x1xf32, #tpu.memory_space<vmem_shared>>
        %dma_wait3A_36 = arith.constant 0 : i32
        %dma_wait3A_37 = arith.constant 0 : i32
        %dma_wait3A_38 = tpu.memref_slice %arg4[%dma_wait3A_36, %dma_wait3A_37] : memref<624x1xf32, #tpu.memory_space<hbm>> -> memref<16x1xf32, #tpu.memory_space<hbm>>
        tpu.wait_dma2 semaphore(%run_scoped3A : memref<!tpu.dma_semaphore, #tpu.memory_space<semaphore_mem>>) src(%dma_wait3A_38 : memref<16x1xf32, #tpu.memory_space<hbm>>) dst(%dma_wait3A_35 : memref<16x1xf32, #tpu.memory_space<vmem_shared>>)
        tpu.yield
      }) : () -> ()
    } else {
    }
    %barrier3A = arith.constant 0 : index
    tpu.barrier barrier_id(%barrier3A)
    %scan3A = arith.constant 0 : i32
    %scan3A_5 = arith.constant 0 : i32
    %scan3A_6 = arith.constant 80 : i32
    %scan3A_7 = arith.addi %scan3A_5, %scan3A_6 : i32
    %scan3A_8 = arith.constant 1 : i32
    scf.for %scan3A_29 = %scan3A_5 to %scan3A_7 step %scan3A_8  : i32 {
      %ge3A = arith.constant 4 : i32
      %ge3A_30 = arith.cmpi sge, %scan3A_29, %ge3A : i32
      %convert_element_type3A_31 = arith.extui %ge3A_30 : i1 to i32
      %cond3A_32 = arith.constant 0 : i32
      %cond3A_33 = arith.cmpi ne, %convert_element_type3A_31, %cond3A_32 : i32
      scf.if %cond3A_33 {
        %sub3A = arith.constant 4 : i32
        %sub3A_39 = arith.subi %scan3A_29, %sub3A : i32
        %dma_wait3A = arith.constant 0 : i32
        %dma_wait3A_40 = tpu.memref_slice %arg7[%sub3A_39, %dma_wait3A] : memref<80x125xi32, #tpu.memory_space<vmem>> -> memref<1x125xi32, #tpu.memory_space<vmem>>
        %dma_wait3A_41 = tpu.memref_squeeze %dma_wait3A_40 : memref<1x125xi32, #tpu.memory_space<vmem>> -> memref<125xi32, #tpu.memory_space<vmem>>
        %dma_wait3A_42 = arith.constant 0 : i32
        %dma_wait3A_43 = arith.constant 0 : i32
        %dma_wait3A_44 = tpu.memref_slice %arg9[%dma_wait3A_42, %dma_wait3A_43] : memref<10000x1xf32, #tpu.memory_space<vmem_shared>> -> memref<10000x1xf32, #tpu.memory_space<vmem_shared>>
        tpu.wait_indirect_dma semaphore(%arg10 : memref<!tpu.dma_semaphore, #tpu.memory_space<semaphore_mem>>) src(%arg8 : memref<125x1xf32, #tpu.memory_space<vmem>>) dst(%dma_wait3A_44 : memref<10000x1xf32, #tpu.memory_space<vmem_shared>>)
      } else {
      }
      %dma_start3A = arith.constant 0 : i32
      %dma_start3A_34 = tpu.memref_slice %arg7[%scan3A_29, %dma_start3A] : memref<80x125xi32, #tpu.memory_space<vmem>> -> memref<1x125xi32, #tpu.memory_space<vmem>>
      %dma_start3A_35 = tpu.memref_squeeze %dma_start3A_34 : memref<1x125xi32, #tpu.memory_space<vmem>> -> memref<125xi32, #tpu.memory_space<vmem>>
      %dma_start3A_36 = arith.constant 0 : i32
      %dma_start3A_37 = arith.constant 0 : i32
      %dma_start3A_38 = tpu.memref_slice %arg9[%dma_start3A_36, %dma_start3A_37] : memref<10000x1xf32, #tpu.memory_space<vmem_shared>> -> memref<10000x1xf32, #tpu.memory_space<vmem_shared>>
      tpu.enqueue_indirect_dma source(%arg8 : memref<125x1xf32, #tpu.memory_space<vmem>>) target(%dma_start3A_38 : memref<10000x1xf32, #tpu.memory_space<vmem_shared>>) offsets(%dma_start3A_35 : memref<125xi32, #tpu.memory_space<vmem>>) semaphore(%arg10 : memref<!tpu.dma_semaphore, #tpu.memory_space<semaphore_mem>>) {add = true}
    }
    %scan3A_9 = arith.constant 80 : i32
    %scan3A_10 = arith.constant 0 : i32
    %scan3A_11 = arith.constant 76 : i32
    %scan3A_12 = arith.constant 4 : i32
    %scan3A_13 = arith.addi %scan3A_11, %scan3A_12 : i32
    %scan3A_14 = arith.constant 1 : i32
    scf.for %scan3A_29 = %scan3A_11 to %scan3A_13 step %scan3A_14  : i32 {
      %dma_wait3A = arith.constant 0 : i32
      %dma_wait3A_30 = tpu.memref_slice %arg7[%scan3A_29, %dma_wait3A] : memref<80x125xi32, #tpu.memory_space<vmem>> -> memref<1x125xi32, #tpu.memory_space<vmem>>
      %dma_wait3A_31 = tpu.memref_squeeze %dma_wait3A_30 : memref<1x125xi32, #tpu.memory_space<vmem>> -> memref<125xi32, #tpu.memory_space<vmem>>
      %dma_wait3A_32 = arith.constant 0 : i32
      %dma_wait3A_33 = arith.constant 0 : i32
      %dma_wait3A_34 = tpu.memref_slice %arg9[%dma_wait3A_32, %dma_wait3A_33] : memref<10000x1xf32, #tpu.memory_space<vmem_shared>> -> memref<10000x1xf32, #tpu.memory_space<vmem_shared>>
      tpu.wait_indirect_dma semaphore(%arg10 : memref<!tpu.dma_semaphore, #tpu.memory_space<semaphore_mem>>) src(%arg8 : memref<125x1xf32, #tpu.memory_space<vmem>>) dst(%dma_wait3A_34 : memref<10000x1xf32, #tpu.memory_space<vmem_shared>>)
    }
    %scan3A_15 = arith.constant 4 : i32
    %barrier3A_16 = arith.constant 0 : index
    tpu.barrier barrier_id(%barrier3A_16)
    %mul3A_17 = arith.constant 624 : i32
    %mul3A_18 = arith.muli %arg1, %mul3A_17 : i32
    %eq3A_19 = arith.constant 0 : i32
    %eq3A_20 = arith.cmpi eq, %arg0, %eq3A_19 : i32
    %convert_element_type3A_21 = arith.extui %eq3A_20 : i1 to i32
    %cond3A_22 = arith.constant 0 : i32
    %cond3A_23 = arith.cmpi ne, %convert_element_type3A_21, %cond3A_22 : i32
    scf.if %cond3A_23 {
      "tpu.region"() ({
        %run_scoped3A = tpu.sem_alloc : memref<!tpu.dma_semaphore, #tpu.memory_space<semaphore_mem>>
        %dma_start3A = arith.constant 0 : i32
        %dma_start3A_34 = tpu.memref_slice %arg5[%mul3A_18, %dma_start3A] : memref<10000x1xf32, #tpu.memory_space<hbm>> -> memref<624x1xf32, #tpu.memory_space<hbm>>
        %dma_start3A_35 = arith.constant 0 : i32
        %dma_start3A_36 = tpu.memref_slice %arg9[%mul3A_18, %dma_start3A_35] : memref<10000x1xf32, #tpu.memory_space<vmem_shared>> -> memref<624x1xf32, #tpu.memory_space<vmem_shared>>
        tpu.enqueue_dma source(%dma_start3A_36 : memref<624x1xf32, #tpu.memory_space<vmem_shared>>) target(%dma_start3A_34 : memref<624x1xf32, #tpu.memory_space<hbm>>) target_semaphore(%run_scoped3A : memref<!tpu.dma_semaphore, #tpu.memory_space<semaphore_mem>>)
        %dma_wait3A = arith.constant 0 : i32
        %dma_wait3A_37 = tpu.memref_slice %arg5[%mul3A_18, %dma_wait3A] : memref<10000x1xf32, #tpu.memory_space<hbm>> -> memref<624x1xf32, #tpu.memory_space<hbm>>
        %dma_wait3A_38 = arith.constant 0 : i32
        %dma_wait3A_39 = tpu.memref_slice %arg9[%mul3A_18, %dma_wait3A_38] : memref<10000x1xf32, #tpu.memory_space<vmem_shared>> -> memref<624x1xf32, #tpu.memory_space<vmem_shared>>
        tpu.wait_dma2 semaphore(%run_scoped3A : memref<!tpu.dma_semaphore, #tpu.memory_space<semaphore_mem>>) src(%dma_wait3A_39 : memref<624x1xf32, #tpu.memory_space<vmem_shared>>) dst(%dma_wait3A_37 : memref<624x1xf32, #tpu.memory_space<hbm>>)
        tpu.yield
      }) : () -> ()
      %eq3A_29 = arith.constant 15 : i32
      %eq3A_30 = arith.cmpi eq, %arg1, %eq3A_29 : i32
      %convert_element_type3A_31 = arith.extui %eq3A_30 : i1 to i32
      %cond3A_32 = arith.constant 0 : i32
      %cond3A_33 = arith.cmpi ne, %convert_element_type3A_31, %cond3A_32 : i32
      scf.if %cond3A_33 {
        "tpu.region"() ({
          %run_scoped3A = tpu.sem_alloc : memref<!tpu.dma_semaphore, #tpu.memory_space<semaphore_mem>>
          %dma_start3A = arith.constant 9984 : i32
          %dma_start3A_34 = arith.constant 0 : i32
          %dma_start3A_35 = tpu.memref_slice %arg5[%dma_start3A, %dma_start3A_34] : memref<10000x1xf32, #tpu.memory_space<hbm>> -> memref<16x1xf32, #tpu.memory_space<hbm>>
          %dma_start3A_36 = arith.constant 9984 : i32
          %dma_start3A_37 = arith.constant 0 : i32
          %dma_start3A_38 = tpu.memref_slice %arg9[%dma_start3A_36, %dma_start3A_37] : memref<10000x1xf32, #tpu.memory_space<vmem_shared>> -> memref<16x1xf32, #tpu.memory_space<vmem_shared>>
          tpu.enqueue_dma source(%dma_start3A_38 : memref<16x1xf32, #tpu.memory_space<vmem_shared>>) target(%dma_start3A_35 : memref<16x1xf32, #tpu.memory_space<hbm>>) target_semaphore(%run_scoped3A : memref<!tpu.dma_semaphore, #tpu.memory_space<semaphore_mem>>)
          %dma_wait3A = arith.constant 9984 : i32
          %dma_wait3A_39 = arith.constant 0 : i32
          %dma_wait3A_40 = tpu.memref_slice %arg5[%dma_wait3A, %dma_wait3A_39] : memref<10000x1xf32, #tpu.memory_space<hbm>> -> memref<16x1xf32, #tpu.memory_space<hbm>>
          %dma_wait3A_41 = arith.constant 9984 : i32
          %dma_wait3A_42 = arith.constant 0 : i32
          %dma_wait3A_43 = tpu.memref_slice %arg9[%dma_wait3A_41, %dma_wait3A_42] : memref<10000x1xf32, #tpu.memory_space<vmem_shared>> -> memref<16x1xf32, #tpu.memory_space<vmem_shared>>
          tpu.wait_dma2 semaphore(%run_scoped3A : memref<!tpu.dma_semaphore, #tpu.memory_space<semaphore_mem>>) src(%dma_wait3A_43 : memref<16x1xf32, #tpu.memory_space<vmem_shared>>) dst(%dma_wait3A_40 : memref<16x1xf32, #tpu.memory_space<hbm>>)
          tpu.yield
        }) : () -> ()
      } else {
      }
    } else {
    }
    %eq3A_24 = arith.constant 1 : i32
    %eq3A_25 = arith.cmpi eq, %arg0, %eq3A_24 : i32
    %convert_element_type3A_26 = arith.extui %eq3A_25 : i1 to i32
    %cond3A_27 = arith.constant 0 : i32
    %cond3A_28 = arith.cmpi ne, %convert_element_type3A_26, %cond3A_27 : i32
    scf.if %cond3A_28 {
      "tpu.region"() ({
        %run_scoped3A = tpu.sem_alloc : memref<!tpu.dma_semaphore, #tpu.memory_space<semaphore_mem>>
        %dma_start3A = arith.constant 0 : i32
        %dma_start3A_34 = tpu.memref_slice %arg6[%mul3A_18, %dma_start3A] : memref<10000x1xf32, #tpu.memory_space<hbm>> -> memref<624x1xf32, #tpu.memory_space<hbm>>
        %dma_start3A_35 = arith.constant 0 : i32
        %dma_start3A_36 = tpu.memref_slice %arg9[%mul3A_18, %dma_start3A_35] : memref<10000x1xf32, #tpu.memory_space<vmem_shared>> -> memref<624x1xf32, #tpu.memory_space<vmem_shared>>
        tpu.enqueue_dma source(%dma_start3A_36 : memref<624x1xf32, #tpu.memory_space<vmem_shared>>) target(%dma_start3A_34 : memref<624x1xf32, #tpu.memory_space<hbm>>) target_semaphore(%run_scoped3A : memref<!tpu.dma_semaphore, #tpu.memory_space<semaphore_mem>>)
        %dma_wait3A = arith.constant 0 : i32
        %dma_wait3A_37 = tpu.memref_slice %arg6[%mul3A_18, %dma_wait3A] : memref<10000x1xf32, #tpu.memory_space<hbm>> -> memref<624x1xf32, #tpu.memory_space<hbm>>
        %dma_wait3A_38 = arith.constant 0 : i32
        %dma_wait3A_39 = tpu.memref_slice %arg9[%mul3A_18, %dma_wait3A_38] : memref<10000x1xf32, #tpu.memory_space<vmem_shared>> -> memref<624x1xf32, #tpu.memory_space<vmem_shared>>
        tpu.wait_dma2 semaphore(%run_scoped3A : memref<!tpu.dma_semaphore, #tpu.memory_space<semaphore_mem>>) src(%dma_wait3A_39 : memref<624x1xf32, #tpu.memory_space<vmem_shared>>) dst(%dma_wait3A_37 : memref<624x1xf32, #tpu.memory_space<hbm>>)
        tpu.yield
      }) : () -> ()
      %eq3A_29 = arith.constant 15 : i32
      %eq3A_30 = arith.cmpi eq, %arg1, %eq3A_29 : i32
      %convert_element_type3A_31 = arith.extui %eq3A_30 : i1 to i32
      %cond3A_32 = arith.constant 0 : i32
      %cond3A_33 = arith.cmpi ne, %convert_element_type3A_31, %cond3A_32 : i32
      scf.if %cond3A_33 {
        "tpu.region"() ({
          %run_scoped3A = tpu.sem_alloc : memref<!tpu.dma_semaphore, #tpu.memory_space<semaphore_mem>>
          %dma_start3A = arith.constant 9984 : i32
          %dma_start3A_34 = arith.constant 0 : i32
          %dma_start3A_35 = tpu.memref_slice %arg6[%dma_start3A, %dma_start3A_34] : memref<10000x1xf32, #tpu.memory_space<hbm>> -> memref<16x1xf32, #tpu.memory_space<hbm>>
          %dma_start3A_36 = arith.constant 9984 : i32
          %dma_start3A_37 = arith.constant 0 : i32
          %dma_start3A_38 = tpu.memref_slice %arg9[%dma_start3A_36, %dma_start3A_37] : memref<10000x1xf32, #tpu.memory_space<vmem_shared>> -> memref<16x1xf32, #tpu.memory_space<vmem_shared>>
          tpu.enqueue_dma source(%dma_start3A_38 : memref<16x1xf32, #tpu.memory_space<vmem_shared>>) target(%dma_start3A_35 : memref<16x1xf32, #tpu.memory_space<hbm>>) target_semaphore(%run_scoped3A : memref<!tpu.dma_semaphore, #tpu.memory_space<semaphore_mem>>)
          %dma_wait3A = arith.constant 9984 : i32
          %dma_wait3A_39 = arith.constant 0 : i32
          %dma_wait3A_40 = tpu.memref_slice %arg6[%dma_wait3A, %dma_wait3A_39] : memref<10000x1xf32, #tpu.memory_space<hbm>> -> memref<16x1xf32, #tpu.memory_space<hbm>>
          %dma_wait3A_41 = arith.constant 9984 : i32
          %dma_wait3A_42 = arith.constant 0 : i32
          %dma_wait3A_43 = tpu.memref_slice %arg9[%dma_wait3A_41, %dma_wait3A_42] : memref<10000x1xf32, #tpu.memory_space<vmem_shared>> -> memref<16x1xf32, #tpu.memory_space<vmem_shared>>
          tpu.wait_dma2 semaphore(%run_scoped3A : memref<!tpu.dma_semaphore, #tpu.memory_space<semaphore_mem>>) src(%dma_wait3A_43 : memref<16x1xf32, #tpu.memory_space<vmem_shared>>) dst(%dma_wait3A_40 : memref<16x1xf32, #tpu.memory_space<hbm>>)
          tpu.yield
        }) : () -> ()
      } else {
      }
    } else {
    }
    return
  }
}

#map = affine_map<(d0, d1) -> (0, 0)>
#map1 = affine_map<(d0, d1) -> (0, 0, 0)>
module attributes {stable_mosaic.version = 14 : i64} {
  func.func @_agg_body(%arg0: i32, %arg1: i32, %arg2: memref<10000x128xf32, #tpu.memory_space<hbm>>, %arg3: memref<32x42x128xi32, #tpu.memory_space<hbm>>, %arg4: memref<32x42x128xi32, #tpu.memory_space<hbm>>, %arg5: memref<32x42x128xi32, #tpu.memory_space<hbm>>, %arg6: memref<32x42x128xi32, #tpu.memory_space<hbm>>, %arg7: memref<104x128xf32, #tpu.memory_space<hbm>>, %arg8: memref<10000x128xf32, #tpu.memory_space<hbm>>, %arg9: memref<84x128xi32, #tpu.memory_space<vmem>>, %arg10: memref<84x128xi32, #tpu.memory_space<vmem>>, %arg11: memref<128x128xf32, #tpu.memory_space<vmem>>, %arg12: memref<128x128xf32, #tpu.memory_space<vmem>>, %arg13: memref<128x128xf32, #tpu.memory_space<vmem>>, %arg14: memref<128x128xf32, #tpu.memory_space<vmem>>, %arg15: memref<5008x128xf32, #tpu.memory_space<vmem_shared>>, %arg16: memref<!tpu.dma_semaphore, #tpu.memory_space<semaphore_mem>>, %arg17: memref<!tpu.dma_semaphore, #tpu.memory_space<semaphore_mem>>, %arg18: memref<!tpu.dma_semaphore, #tpu.memory_space<semaphore_mem>>, %arg19: memref<!tpu.dma_semaphore, #tpu.memory_space<semaphore_mem>>, %arg20: memref<!tpu.dma_semaphore, #tpu.memory_space<semaphore_mem>>, %arg21: memref<!tpu.dma_semaphore, #tpu.memory_space<semaphore_mem>>, %arg22: memref<!tpu.dma_semaphore, #tpu.memory_space<semaphore_mem>>, %arg23: memref<!tpu.dma_semaphore, #tpu.memory_space<semaphore_mem>>) attributes {dimension_semantics = [#tpu.dimension_semantics<core_parallel>, #tpu.dimension_semantics<subcore_parallel>], iteration_bounds = array<i64: 2, 16>, scalar_prefetch = 0 : i64, scratch_operands = 15 : i64, tpu.core_type = #tpu.core_type<sc_vector_subcore>, window_params = [{transform_indices = #map}, {transform_indices = #map1}, {transform_indices = #map1}, {transform_indices = #map1}, {transform_indices = #map1}, {transform_indices = #map}, {transform_indices = #map}]} {
    %eq3A = arith.constant 0 : i32
    %eq3A_0 = arith.cmpi eq, %arg0, %eq3A : i32
    %convert_element_type3A = arith.extui %eq3A_0 : i1 to i32
    %cond3A = arith.constant 0 : i32
    %cond3A_1 = arith.cmpi ne, %convert_element_type3A, %cond3A : i32
    scf.if %cond3A_1 {
      %mul3A_67 = arith.constant 2 : i32
      %mul3A_68 = arith.muli %mul3A_67, %arg1 : i32
      "tpu.region"() ({
        %run_scoped3A = tpu.sem_alloc : memref<!tpu.dma_semaphore, #tpu.memory_space<semaphore_mem>>
        %dma_start3A_79 = arith.constant 0 : i32
        %dma_start3A_80 = arith.constant 0 : i32
        %dma_start3A_81 = tpu.memref_slice %arg9[%dma_start3A_79, %dma_start3A_80] : memref<84x128xi32, #tpu.memory_space<vmem>> -> memref<42x128xi32, #tpu.memory_space<vmem>>
        %dma_start3A_82 = arith.constant 0 : i32
        %dma_start3A_83 = arith.constant 0 : i32
        %dma_start3A_84 = tpu.memref_slice %arg3[%mul3A_68, %dma_start3A_82, %dma_start3A_83] : memref<32x42x128xi32, #tpu.memory_space<hbm>> -> memref<1x42x128xi32, #tpu.memory_space<hbm>>
        %dma_start3A_85 = tpu.memref_squeeze %dma_start3A_84 : memref<1x42x128xi32, #tpu.memory_space<hbm>> -> memref<42x128xi32, #tpu.memory_space<hbm>>
        %dma_start3A_86 = arith.constant 0 : i32
        %dma_start3A_87 = arith.constant 0 : i32
        %dma_start3A_88 = tpu.memref_slice %arg9[%dma_start3A_86, %dma_start3A_87] : memref<84x128xi32, #tpu.memory_space<vmem>> -> memref<42x128xi32, #tpu.memory_space<vmem>>
        %dma_start3A_89 = arith.constant 0 : i32
        %dma_start3A_90 = arith.constant 0 : i32
        %dma_start3A_91 = tpu.memref_slice %arg3[%mul3A_68, %dma_start3A_89, %dma_start3A_90] : memref<32x42x128xi32, #tpu.memory_space<hbm>> -> memref<1x42x128xi32, #tpu.memory_space<hbm>>
        %dma_start3A_92 = tpu.memref_squeeze %dma_start3A_91 : memref<1x42x128xi32, #tpu.memory_space<hbm>> -> memref<42x128xi32, #tpu.memory_space<hbm>>
        tpu.enqueue_dma source(%dma_start3A_92 : memref<42x128xi32, #tpu.memory_space<hbm>>) target(%dma_start3A_88 : memref<42x128xi32, #tpu.memory_space<vmem>>) target_semaphore(%run_scoped3A : memref<!tpu.dma_semaphore, #tpu.memory_space<semaphore_mem>>)
        %dma_wait3A = arith.constant 0 : i32
        %dma_wait3A_93 = arith.constant 0 : i32
        %dma_wait3A_94 = tpu.memref_slice %arg9[%dma_wait3A, %dma_wait3A_93] : memref<84x128xi32, #tpu.memory_space<vmem>> -> memref<42x128xi32, #tpu.memory_space<vmem>>
        %dma_wait3A_95 = arith.constant 0 : i32
        %dma_wait3A_96 = arith.constant 0 : i32
        %dma_wait3A_97 = tpu.memref_slice %arg3[%mul3A_68, %dma_wait3A_95, %dma_wait3A_96] : memref<32x42x128xi32, #tpu.memory_space<hbm>> -> memref<1x42x128xi32, #tpu.memory_space<hbm>>
        %dma_wait3A_98 = tpu.memref_squeeze %dma_wait3A_97 : memref<1x42x128xi32, #tpu.memory_space<hbm>> -> memref<42x128xi32, #tpu.memory_space<hbm>>
        %dma_wait3A_99 = arith.constant 0 : i32
        %dma_wait3A_100 = arith.constant 0 : i32
        %dma_wait3A_101 = tpu.memref_slice %arg9[%dma_wait3A_99, %dma_wait3A_100] : memref<84x128xi32, #tpu.memory_space<vmem>> -> memref<42x128xi32, #tpu.memory_space<vmem>>
        %dma_wait3A_102 = arith.constant 0 : i32
        %dma_wait3A_103 = arith.constant 0 : i32
        %dma_wait3A_104 = tpu.memref_slice %arg3[%mul3A_68, %dma_wait3A_102, %dma_wait3A_103] : memref<32x42x128xi32, #tpu.memory_space<hbm>> -> memref<1x42x128xi32, #tpu.memory_space<hbm>>
        %dma_wait3A_105 = tpu.memref_squeeze %dma_wait3A_104 : memref<1x42x128xi32, #tpu.memory_space<hbm>> -> memref<42x128xi32, #tpu.memory_space<hbm>>
        tpu.wait_dma2 semaphore(%run_scoped3A : memref<!tpu.dma_semaphore, #tpu.memory_space<semaphore_mem>>) src(%dma_wait3A_105 : memref<42x128xi32, #tpu.memory_space<hbm>>) dst(%dma_wait3A_101 : memref<42x128xi32, #tpu.memory_space<vmem>>)
        tpu.yield
      }) : () -> ()
      %mul3A_69 = arith.constant 2 : i32
      %mul3A_70 = arith.muli %mul3A_69, %arg1 : i32
      %add3A_71 = arith.constant 1 : i32
      %add3A_72 = arith.addi %mul3A_70, %add3A_71 : i32
      "tpu.region"() ({
        %run_scoped3A = tpu.sem_alloc : memref<!tpu.dma_semaphore, #tpu.memory_space<semaphore_mem>>
        %dma_start3A_79 = arith.constant 42 : i32
        %dma_start3A_80 = arith.constant 0 : i32
        %dma_start3A_81 = tpu.memref_slice %arg9[%dma_start3A_79, %dma_start3A_80] : memref<84x128xi32, #tpu.memory_space<vmem>> -> memref<42x128xi32, #tpu.memory_space<vmem>>
        %dma_start3A_82 = arith.constant 0 : i32
        %dma_start3A_83 = arith.constant 0 : i32
        %dma_start3A_84 = tpu.memref_slice %arg3[%add3A_72, %dma_start3A_82, %dma_start3A_83] : memref<32x42x128xi32, #tpu.memory_space<hbm>> -> memref<1x42x128xi32, #tpu.memory_space<hbm>>
        %dma_start3A_85 = tpu.memref_squeeze %dma_start3A_84 : memref<1x42x128xi32, #tpu.memory_space<hbm>> -> memref<42x128xi32, #tpu.memory_space<hbm>>
        %dma_start3A_86 = arith.constant 42 : i32
        %dma_start3A_87 = arith.constant 0 : i32
        %dma_start3A_88 = tpu.memref_slice %arg9[%dma_start3A_86, %dma_start3A_87] : memref<84x128xi32, #tpu.memory_space<vmem>> -> memref<42x128xi32, #tpu.memory_space<vmem>>
        %dma_start3A_89 = arith.constant 0 : i32
        %dma_start3A_90 = arith.constant 0 : i32
        %dma_start3A_91 = tpu.memref_slice %arg3[%add3A_72, %dma_start3A_89, %dma_start3A_90] : memref<32x42x128xi32, #tpu.memory_space<hbm>> -> memref<1x42x128xi32, #tpu.memory_space<hbm>>
        %dma_start3A_92 = tpu.memref_squeeze %dma_start3A_91 : memref<1x42x128xi32, #tpu.memory_space<hbm>> -> memref<42x128xi32, #tpu.memory_space<hbm>>
        tpu.enqueue_dma source(%dma_start3A_92 : memref<42x128xi32, #tpu.memory_space<hbm>>) target(%dma_start3A_88 : memref<42x128xi32, #tpu.memory_space<vmem>>) target_semaphore(%run_scoped3A : memref<!tpu.dma_semaphore, #tpu.memory_space<semaphore_mem>>)
        %dma_wait3A = arith.constant 42 : i32
        %dma_wait3A_93 = arith.constant 0 : i32
        %dma_wait3A_94 = tpu.memref_slice %arg9[%dma_wait3A, %dma_wait3A_93] : memref<84x128xi32, #tpu.memory_space<vmem>> -> memref<42x128xi32, #tpu.memory_space<vmem>>
        %dma_wait3A_95 = arith.constant 0 : i32
        %dma_wait3A_96 = arith.constant 0 : i32
        %dma_wait3A_97 = tpu.memref_slice %arg3[%add3A_72, %dma_wait3A_95, %dma_wait3A_96] : memref<32x42x128xi32, #tpu.memory_space<hbm>> -> memref<1x42x128xi32, #tpu.memory_space<hbm>>
        %dma_wait3A_98 = tpu.memref_squeeze %dma_wait3A_97 : memref<1x42x128xi32, #tpu.memory_space<hbm>> -> memref<42x128xi32, #tpu.memory_space<hbm>>
        %dma_wait3A_99 = arith.constant 42 : i32
        %dma_wait3A_100 = arith.constant 0 : i32
        %dma_wait3A_101 = tpu.memref_slice %arg9[%dma_wait3A_99, %dma_wait3A_100] : memref<84x128xi32, #tpu.memory_space<vmem>> -> memref<42x128xi32, #tpu.memory_space<vmem>>
        %dma_wait3A_102 = arith.constant 0 : i32
        %dma_wait3A_103 = arith.constant 0 : i32
        %dma_wait3A_104 = tpu.memref_slice %arg3[%add3A_72, %dma_wait3A_102, %dma_wait3A_103] : memref<32x42x128xi32, #tpu.memory_space<hbm>> -> memref<1x42x128xi32, #tpu.memory_space<hbm>>
        %dma_wait3A_105 = tpu.memref_squeeze %dma_wait3A_104 : memref<1x42x128xi32, #tpu.memory_space<hbm>> -> memref<42x128xi32, #tpu.memory_space<hbm>>
        tpu.wait_dma2 semaphore(%run_scoped3A : memref<!tpu.dma_semaphore, #tpu.memory_space<semaphore_mem>>) src(%dma_wait3A_105 : memref<42x128xi32, #tpu.memory_space<hbm>>) dst(%dma_wait3A_101 : memref<42x128xi32, #tpu.memory_space<vmem>>)
        tpu.yield
      }) : () -> ()
      %mul3A_73 = arith.constant 2 : i32
      %mul3A_74 = arith.muli %mul3A_73, %arg1 : i32
      "tpu.region"() ({
        %run_scoped3A = tpu.sem_alloc : memref<!tpu.dma_semaphore, #tpu.memory_space<semaphore_mem>>
        %dma_start3A_79 = arith.constant 0 : i32
        %dma_start3A_80 = arith.constant 0 : i32
        %dma_start3A_81 = tpu.memref_slice %arg10[%dma_start3A_79, %dma_start3A_80] : memref<84x128xi32, #tpu.memory_space<vmem>> -> memref<42x128xi32, #tpu.memory_space<vmem>>
        %dma_start3A_82 = arith.constant 0 : i32
        %dma_start3A_83 = arith.constant 0 : i32
        %dma_start3A_84 = tpu.memref_slice %arg4[%mul3A_74, %dma_start3A_82, %dma_start3A_83] : memref<32x42x128xi32, #tpu.memory_space<hbm>> -> memref<1x42x128xi32, #tpu.memory_space<hbm>>
        %dma_start3A_85 = tpu.memref_squeeze %dma_start3A_84 : memref<1x42x128xi32, #tpu.memory_space<hbm>> -> memref<42x128xi32, #tpu.memory_space<hbm>>
        %dma_start3A_86 = arith.constant 0 : i32
        %dma_start3A_87 = arith.constant 0 : i32
        %dma_start3A_88 = tpu.memref_slice %arg10[%dma_start3A_86, %dma_start3A_87] : memref<84x128xi32, #tpu.memory_space<vmem>> -> memref<42x128xi32, #tpu.memory_space<vmem>>
        %dma_start3A_89 = arith.constant 0 : i32
        %dma_start3A_90 = arith.constant 0 : i32
        %dma_start3A_91 = tpu.memref_slice %arg4[%mul3A_74, %dma_start3A_89, %dma_start3A_90] : memref<32x42x128xi32, #tpu.memory_space<hbm>> -> memref<1x42x128xi32, #tpu.memory_space<hbm>>
        %dma_start3A_92 = tpu.memref_squeeze %dma_start3A_91 : memref<1x42x128xi32, #tpu.memory_space<hbm>> -> memref<42x128xi32, #tpu.memory_space<hbm>>
        tpu.enqueue_dma source(%dma_start3A_92 : memref<42x128xi32, #tpu.memory_space<hbm>>) target(%dma_start3A_88 : memref<42x128xi32, #tpu.memory_space<vmem>>) target_semaphore(%run_scoped3A : memref<!tpu.dma_semaphore, #tpu.memory_space<semaphore_mem>>)
        %dma_wait3A = arith.constant 0 : i32
        %dma_wait3A_93 = arith.constant 0 : i32
        %dma_wait3A_94 = tpu.memref_slice %arg10[%dma_wait3A, %dma_wait3A_93] : memref<84x128xi32, #tpu.memory_space<vmem>> -> memref<42x128xi32, #tpu.memory_space<vmem>>
        %dma_wait3A_95 = arith.constant 0 : i32
        %dma_wait3A_96 = arith.constant 0 : i32
        %dma_wait3A_97 = tpu.memref_slice %arg4[%mul3A_74, %dma_wait3A_95, %dma_wait3A_96] : memref<32x42x128xi32, #tpu.memory_space<hbm>> -> memref<1x42x128xi32, #tpu.memory_space<hbm>>
        %dma_wait3A_98 = tpu.memref_squeeze %dma_wait3A_97 : memref<1x42x128xi32, #tpu.memory_space<hbm>> -> memref<42x128xi32, #tpu.memory_space<hbm>>
        %dma_wait3A_99 = arith.constant 0 : i32
        %dma_wait3A_100 = arith.constant 0 : i32
        %dma_wait3A_101 = tpu.memref_slice %arg10[%dma_wait3A_99, %dma_wait3A_100] : memref<84x128xi32, #tpu.memory_space<vmem>> -> memref<42x128xi32, #tpu.memory_space<vmem>>
        %dma_wait3A_102 = arith.constant 0 : i32
        %dma_wait3A_103 = arith.constant 0 : i32
        %dma_wait3A_104 = tpu.memref_slice %arg4[%mul3A_74, %dma_wait3A_102, %dma_wait3A_103] : memref<32x42x128xi32, #tpu.memory_space<hbm>> -> memref<1x42x128xi32, #tpu.memory_space<hbm>>
        %dma_wait3A_105 = tpu.memref_squeeze %dma_wait3A_104 : memref<1x42x128xi32, #tpu.memory_space<hbm>> -> memref<42x128xi32, #tpu.memory_space<hbm>>
        tpu.wait_dma2 semaphore(%run_scoped3A : memref<!tpu.dma_semaphore, #tpu.memory_space<semaphore_mem>>) src(%dma_wait3A_105 : memref<42x128xi32, #tpu.memory_space<hbm>>) dst(%dma_wait3A_101 : memref<42x128xi32, #tpu.memory_space<vmem>>)
        tpu.yield
      }) : () -> ()
      %mul3A_75 = arith.constant 2 : i32
      %mul3A_76 = arith.muli %mul3A_75, %arg1 : i32
      %add3A_77 = arith.constant 1 : i32
      %add3A_78 = arith.addi %mul3A_76, %add3A_77 : i32
      "tpu.region"() ({
        %run_scoped3A = tpu.sem_alloc : memref<!tpu.dma_semaphore, #tpu.memory_space<semaphore_mem>>
        %dma_start3A_79 = arith.constant 42 : i32
        %dma_start3A_80 = arith.constant 0 : i32
        %dma_start3A_81 = tpu.memref_slice %arg10[%dma_start3A_79, %dma_start3A_80] : memref<84x128xi32, #tpu.memory_space<vmem>> -> memref<42x128xi32, #tpu.memory_space<vmem>>
        %dma_start3A_82 = arith.constant 0 : i32
        %dma_start3A_83 = arith.constant 0 : i32
        %dma_start3A_84 = tpu.memref_slice %arg4[%add3A_78, %dma_start3A_82, %dma_start3A_83] : memref<32x42x128xi32, #tpu.memory_space<hbm>> -> memref<1x42x128xi32, #tpu.memory_space<hbm>>
        %dma_start3A_85 = tpu.memref_squeeze %dma_start3A_84 : memref<1x42x128xi32, #tpu.memory_space<hbm>> -> memref<42x128xi32, #tpu.memory_space<hbm>>
        %dma_start3A_86 = arith.constant 42 : i32
        %dma_start3A_87 = arith.constant 0 : i32
        %dma_start3A_88 = tpu.memref_slice %arg10[%dma_start3A_86, %dma_start3A_87] : memref<84x128xi32, #tpu.memory_space<vmem>> -> memref<42x128xi32, #tpu.memory_space<vmem>>
        %dma_start3A_89 = arith.constant 0 : i32
        %dma_start3A_90 = arith.constant 0 : i32
        %dma_start3A_91 = tpu.memref_slice %arg4[%add3A_78, %dma_start3A_89, %dma_start3A_90] : memref<32x42x128xi32, #tpu.memory_space<hbm>> -> memref<1x42x128xi32, #tpu.memory_space<hbm>>
        %dma_start3A_92 = tpu.memref_squeeze %dma_start3A_91 : memref<1x42x128xi32, #tpu.memory_space<hbm>> -> memref<42x128xi32, #tpu.memory_space<hbm>>
        tpu.enqueue_dma source(%dma_start3A_92 : memref<42x128xi32, #tpu.memory_space<hbm>>) target(%dma_start3A_88 : memref<42x128xi32, #tpu.memory_space<vmem>>) target_semaphore(%run_scoped3A : memref<!tpu.dma_semaphore, #tpu.memory_space<semaphore_mem>>)
        %dma_wait3A = arith.constant 42 : i32
        %dma_wait3A_93 = arith.constant 0 : i32
        %dma_wait3A_94 = tpu.memref_slice %arg10[%dma_wait3A, %dma_wait3A_93] : memref<84x128xi32, #tpu.memory_space<vmem>> -> memref<42x128xi32, #tpu.memory_space<vmem>>
        %dma_wait3A_95 = arith.constant 0 : i32
        %dma_wait3A_96 = arith.constant 0 : i32
        %dma_wait3A_97 = tpu.memref_slice %arg4[%add3A_78, %dma_wait3A_95, %dma_wait3A_96] : memref<32x42x128xi32, #tpu.memory_space<hbm>> -> memref<1x42x128xi32, #tpu.memory_space<hbm>>
        %dma_wait3A_98 = tpu.memref_squeeze %dma_wait3A_97 : memref<1x42x128xi32, #tpu.memory_space<hbm>> -> memref<42x128xi32, #tpu.memory_space<hbm>>
        %dma_wait3A_99 = arith.constant 42 : i32
        %dma_wait3A_100 = arith.constant 0 : i32
        %dma_wait3A_101 = tpu.memref_slice %arg10[%dma_wait3A_99, %dma_wait3A_100] : memref<84x128xi32, #tpu.memory_space<vmem>> -> memref<42x128xi32, #tpu.memory_space<vmem>>
        %dma_wait3A_102 = arith.constant 0 : i32
        %dma_wait3A_103 = arith.constant 0 : i32
        %dma_wait3A_104 = tpu.memref_slice %arg4[%add3A_78, %dma_wait3A_102, %dma_wait3A_103] : memref<32x42x128xi32, #tpu.memory_space<hbm>> -> memref<1x42x128xi32, #tpu.memory_space<hbm>>
        %dma_wait3A_105 = tpu.memref_squeeze %dma_wait3A_104 : memref<1x42x128xi32, #tpu.memory_space<hbm>> -> memref<42x128xi32, #tpu.memory_space<hbm>>
        tpu.wait_dma2 semaphore(%run_scoped3A : memref<!tpu.dma_semaphore, #tpu.memory_space<semaphore_mem>>) src(%dma_wait3A_105 : memref<42x128xi32, #tpu.memory_space<hbm>>) dst(%dma_wait3A_101 : memref<42x128xi32, #tpu.memory_space<vmem>>)
        tpu.yield
      }) : () -> ()
    } else {
    }
    %eq3A_2 = arith.constant 1 : i32
    %eq3A_3 = arith.cmpi eq, %arg0, %eq3A_2 : i32
    %convert_element_type3A_4 = arith.extui %eq3A_3 : i1 to i32
    %cond3A_5 = arith.constant 0 : i32
    %cond3A_6 = arith.cmpi ne, %convert_element_type3A_4, %cond3A_5 : i32
    scf.if %cond3A_6 {
      %mul3A_67 = arith.constant 2 : i32
      %mul3A_68 = arith.muli %mul3A_67, %arg1 : i32
      "tpu.region"() ({
        %run_scoped3A = tpu.sem_alloc : memref<!tpu.dma_semaphore, #tpu.memory_space<semaphore_mem>>
        %dma_start3A_79 = arith.constant 0 : i32
        %dma_start3A_80 = arith.constant 0 : i32
        %dma_start3A_81 = tpu.memref_slice %arg9[%dma_start3A_79, %dma_start3A_80] : memref<84x128xi32, #tpu.memory_space<vmem>> -> memref<42x128xi32, #tpu.memory_space<vmem>>
        %dma_start3A_82 = arith.constant 0 : i32
        %dma_start3A_83 = arith.constant 0 : i32
        %dma_start3A_84 = tpu.memref_slice %arg5[%mul3A_68, %dma_start3A_82, %dma_start3A_83] : memref<32x42x128xi32, #tpu.memory_space<hbm>> -> memref<1x42x128xi32, #tpu.memory_space<hbm>>
        %dma_start3A_85 = tpu.memref_squeeze %dma_start3A_84 : memref<1x42x128xi32, #tpu.memory_space<hbm>> -> memref<42x128xi32, #tpu.memory_space<hbm>>
        %dma_start3A_86 = arith.constant 0 : i32
        %dma_start3A_87 = arith.constant 0 : i32
        %dma_start3A_88 = tpu.memref_slice %arg9[%dma_start3A_86, %dma_start3A_87] : memref<84x128xi32, #tpu.memory_space<vmem>> -> memref<42x128xi32, #tpu.memory_space<vmem>>
        %dma_start3A_89 = arith.constant 0 : i32
        %dma_start3A_90 = arith.constant 0 : i32
        %dma_start3A_91 = tpu.memref_slice %arg5[%mul3A_68, %dma_start3A_89, %dma_start3A_90] : memref<32x42x128xi32, #tpu.memory_space<hbm>> -> memref<1x42x128xi32, #tpu.memory_space<hbm>>
        %dma_start3A_92 = tpu.memref_squeeze %dma_start3A_91 : memref<1x42x128xi32, #tpu.memory_space<hbm>> -> memref<42x128xi32, #tpu.memory_space<hbm>>
        tpu.enqueue_dma source(%dma_start3A_92 : memref<42x128xi32, #tpu.memory_space<hbm>>) target(%dma_start3A_88 : memref<42x128xi32, #tpu.memory_space<vmem>>) target_semaphore(%run_scoped3A : memref<!tpu.dma_semaphore, #tpu.memory_space<semaphore_mem>>)
        %dma_wait3A = arith.constant 0 : i32
        %dma_wait3A_93 = arith.constant 0 : i32
        %dma_wait3A_94 = tpu.memref_slice %arg9[%dma_wait3A, %dma_wait3A_93] : memref<84x128xi32, #tpu.memory_space<vmem>> -> memref<42x128xi32, #tpu.memory_space<vmem>>
        %dma_wait3A_95 = arith.constant 0 : i32
        %dma_wait3A_96 = arith.constant 0 : i32
        %dma_wait3A_97 = tpu.memref_slice %arg5[%mul3A_68, %dma_wait3A_95, %dma_wait3A_96] : memref<32x42x128xi32, #tpu.memory_space<hbm>> -> memref<1x42x128xi32, #tpu.memory_space<hbm>>
        %dma_wait3A_98 = tpu.memref_squeeze %dma_wait3A_97 : memref<1x42x128xi32, #tpu.memory_space<hbm>> -> memref<42x128xi32, #tpu.memory_space<hbm>>
        %dma_wait3A_99 = arith.constant 0 : i32
        %dma_wait3A_100 = arith.constant 0 : i32
        %dma_wait3A_101 = tpu.memref_slice %arg9[%dma_wait3A_99, %dma_wait3A_100] : memref<84x128xi32, #tpu.memory_space<vmem>> -> memref<42x128xi32, #tpu.memory_space<vmem>>
        %dma_wait3A_102 = arith.constant 0 : i32
        %dma_wait3A_103 = arith.constant 0 : i32
        %dma_wait3A_104 = tpu.memref_slice %arg5[%mul3A_68, %dma_wait3A_102, %dma_wait3A_103] : memref<32x42x128xi32, #tpu.memory_space<hbm>> -> memref<1x42x128xi32, #tpu.memory_space<hbm>>
        %dma_wait3A_105 = tpu.memref_squeeze %dma_wait3A_104 : memref<1x42x128xi32, #tpu.memory_space<hbm>> -> memref<42x128xi32, #tpu.memory_space<hbm>>
        tpu.wait_dma2 semaphore(%run_scoped3A : memref<!tpu.dma_semaphore, #tpu.memory_space<semaphore_mem>>) src(%dma_wait3A_105 : memref<42x128xi32, #tpu.memory_space<hbm>>) dst(%dma_wait3A_101 : memref<42x128xi32, #tpu.memory_space<vmem>>)
        tpu.yield
      }) : () -> ()
      %mul3A_69 = arith.constant 2 : i32
      %mul3A_70 = arith.muli %mul3A_69, %arg1 : i32
      %add3A_71 = arith.constant 1 : i32
      %add3A_72 = arith.addi %mul3A_70, %add3A_71 : i32
      "tpu.region"() ({
        %run_scoped3A = tpu.sem_alloc : memref<!tpu.dma_semaphore, #tpu.memory_space<semaphore_mem>>
        %dma_start3A_79 = arith.constant 42 : i32
        %dma_start3A_80 = arith.constant 0 : i32
        %dma_start3A_81 = tpu.memref_slice %arg9[%dma_start3A_79, %dma_start3A_80] : memref<84x128xi32, #tpu.memory_space<vmem>> -> memref<42x128xi32, #tpu.memory_space<vmem>>
        %dma_start3A_82 = arith.constant 0 : i32
        %dma_start3A_83 = arith.constant 0 : i32
        %dma_start3A_84 = tpu.memref_slice %arg5[%add3A_72, %dma_start3A_82, %dma_start3A_83] : memref<32x42x128xi32, #tpu.memory_space<hbm>> -> memref<1x42x128xi32, #tpu.memory_space<hbm>>
        %dma_start3A_85 = tpu.memref_squeeze %dma_start3A_84 : memref<1x42x128xi32, #tpu.memory_space<hbm>> -> memref<42x128xi32, #tpu.memory_space<hbm>>
        %dma_start3A_86 = arith.constant 42 : i32
        %dma_start3A_87 = arith.constant 0 : i32
        %dma_start3A_88 = tpu.memref_slice %arg9[%dma_start3A_86, %dma_start3A_87] : memref<84x128xi32, #tpu.memory_space<vmem>> -> memref<42x128xi32, #tpu.memory_space<vmem>>
        %dma_start3A_89 = arith.constant 0 : i32
        %dma_start3A_90 = arith.constant 0 : i32
        %dma_start3A_91 = tpu.memref_slice %arg5[%add3A_72, %dma_start3A_89, %dma_start3A_90] : memref<32x42x128xi32, #tpu.memory_space<hbm>> -> memref<1x42x128xi32, #tpu.memory_space<hbm>>
        %dma_start3A_92 = tpu.memref_squeeze %dma_start3A_91 : memref<1x42x128xi32, #tpu.memory_space<hbm>> -> memref<42x128xi32, #tpu.memory_space<hbm>>
        tpu.enqueue_dma source(%dma_start3A_92 : memref<42x128xi32, #tpu.memory_space<hbm>>) target(%dma_start3A_88 : memref<42x128xi32, #tpu.memory_space<vmem>>) target_semaphore(%run_scoped3A : memref<!tpu.dma_semaphore, #tpu.memory_space<semaphore_mem>>)
        %dma_wait3A = arith.constant 42 : i32
        %dma_wait3A_93 = arith.constant 0 : i32
        %dma_wait3A_94 = tpu.memref_slice %arg9[%dma_wait3A, %dma_wait3A_93] : memref<84x128xi32, #tpu.memory_space<vmem>> -> memref<42x128xi32, #tpu.memory_space<vmem>>
        %dma_wait3A_95 = arith.constant 0 : i32
        %dma_wait3A_96 = arith.constant 0 : i32
        %dma_wait3A_97 = tpu.memref_slice %arg5[%add3A_72, %dma_wait3A_95, %dma_wait3A_96] : memref<32x42x128xi32, #tpu.memory_space<hbm>> -> memref<1x42x128xi32, #tpu.memory_space<hbm>>
        %dma_wait3A_98 = tpu.memref_squeeze %dma_wait3A_97 : memref<1x42x128xi32, #tpu.memory_space<hbm>> -> memref<42x128xi32, #tpu.memory_space<hbm>>
        %dma_wait3A_99 = arith.constant 42 : i32
        %dma_wait3A_100 = arith.constant 0 : i32
        %dma_wait3A_101 = tpu.memref_slice %arg9[%dma_wait3A_99, %dma_wait3A_100] : memref<84x128xi32, #tpu.memory_space<vmem>> -> memref<42x128xi32, #tpu.memory_space<vmem>>
        %dma_wait3A_102 = arith.constant 0 : i32
        %dma_wait3A_103 = arith.constant 0 : i32
        %dma_wait3A_104 = tpu.memref_slice %arg5[%add3A_72, %dma_wait3A_102, %dma_wait3A_103] : memref<32x42x128xi32, #tpu.memory_space<hbm>> -> memref<1x42x128xi32, #tpu.memory_space<hbm>>
        %dma_wait3A_105 = tpu.memref_squeeze %dma_wait3A_104 : memref<1x42x128xi32, #tpu.memory_space<hbm>> -> memref<42x128xi32, #tpu.memory_space<hbm>>
        tpu.wait_dma2 semaphore(%run_scoped3A : memref<!tpu.dma_semaphore, #tpu.memory_space<semaphore_mem>>) src(%dma_wait3A_105 : memref<42x128xi32, #tpu.memory_space<hbm>>) dst(%dma_wait3A_101 : memref<42x128xi32, #tpu.memory_space<vmem>>)
        tpu.yield
      }) : () -> ()
      %mul3A_73 = arith.constant 2 : i32
      %mul3A_74 = arith.muli %mul3A_73, %arg1 : i32
      "tpu.region"() ({
        %run_scoped3A = tpu.sem_alloc : memref<!tpu.dma_semaphore, #tpu.memory_space<semaphore_mem>>
        %dma_start3A_79 = arith.constant 0 : i32
        %dma_start3A_80 = arith.constant 0 : i32
        %dma_start3A_81 = tpu.memref_slice %arg10[%dma_start3A_79, %dma_start3A_80] : memref<84x128xi32, #tpu.memory_space<vmem>> -> memref<42x128xi32, #tpu.memory_space<vmem>>
        %dma_start3A_82 = arith.constant 0 : i32
        %dma_start3A_83 = arith.constant 0 : i32
        %dma_start3A_84 = tpu.memref_slice %arg6[%mul3A_74, %dma_start3A_82, %dma_start3A_83] : memref<32x42x128xi32, #tpu.memory_space<hbm>> -> memref<1x42x128xi32, #tpu.memory_space<hbm>>
        %dma_start3A_85 = tpu.memref_squeeze %dma_start3A_84 : memref<1x42x128xi32, #tpu.memory_space<hbm>> -> memref<42x128xi32, #tpu.memory_space<hbm>>
        %dma_start3A_86 = arith.constant 0 : i32
        %dma_start3A_87 = arith.constant 0 : i32
        %dma_start3A_88 = tpu.memref_slice %arg10[%dma_start3A_86, %dma_start3A_87] : memref<84x128xi32, #tpu.memory_space<vmem>> -> memref<42x128xi32, #tpu.memory_space<vmem>>
        %dma_start3A_89 = arith.constant 0 : i32
        %dma_start3A_90 = arith.constant 0 : i32
        %dma_start3A_91 = tpu.memref_slice %arg6[%mul3A_74, %dma_start3A_89, %dma_start3A_90] : memref<32x42x128xi32, #tpu.memory_space<hbm>> -> memref<1x42x128xi32, #tpu.memory_space<hbm>>
        %dma_start3A_92 = tpu.memref_squeeze %dma_start3A_91 : memref<1x42x128xi32, #tpu.memory_space<hbm>> -> memref<42x128xi32, #tpu.memory_space<hbm>>
        tpu.enqueue_dma source(%dma_start3A_92 : memref<42x128xi32, #tpu.memory_space<hbm>>) target(%dma_start3A_88 : memref<42x128xi32, #tpu.memory_space<vmem>>) target_semaphore(%run_scoped3A : memref<!tpu.dma_semaphore, #tpu.memory_space<semaphore_mem>>)
        %dma_wait3A = arith.constant 0 : i32
        %dma_wait3A_93 = arith.constant 0 : i32
        %dma_wait3A_94 = tpu.memref_slice %arg10[%dma_wait3A, %dma_wait3A_93] : memref<84x128xi32, #tpu.memory_space<vmem>> -> memref<42x128xi32, #tpu.memory_space<vmem>>
        %dma_wait3A_95 = arith.constant 0 : i32
        %dma_wait3A_96 = arith.constant 0 : i32
        %dma_wait3A_97 = tpu.memref_slice %arg6[%mul3A_74, %dma_wait3A_95, %dma_wait3A_96] : memref<32x42x128xi32, #tpu.memory_space<hbm>> -> memref<1x42x128xi32, #tpu.memory_space<hbm>>
        %dma_wait3A_98 = tpu.memref_squeeze %dma_wait3A_97 : memref<1x42x128xi32, #tpu.memory_space<hbm>> -> memref<42x128xi32, #tpu.memory_space<hbm>>
        %dma_wait3A_99 = arith.constant 0 : i32
        %dma_wait3A_100 = arith.constant 0 : i32
        %dma_wait3A_101 = tpu.memref_slice %arg10[%dma_wait3A_99, %dma_wait3A_100] : memref<84x128xi32, #tpu.memory_space<vmem>> -> memref<42x128xi32, #tpu.memory_space<vmem>>
        %dma_wait3A_102 = arith.constant 0 : i32
        %dma_wait3A_103 = arith.constant 0 : i32
        %dma_wait3A_104 = tpu.memref_slice %arg6[%mul3A_74, %dma_wait3A_102, %dma_wait3A_103] : memref<32x42x128xi32, #tpu.memory_space<hbm>> -> memref<1x42x128xi32, #tpu.memory_space<hbm>>
        %dma_wait3A_105 = tpu.memref_squeeze %dma_wait3A_104 : memref<1x42x128xi32, #tpu.memory_space<hbm>> -> memref<42x128xi32, #tpu.memory_space<hbm>>
        tpu.wait_dma2 semaphore(%run_scoped3A : memref<!tpu.dma_semaphore, #tpu.memory_space<semaphore_mem>>) src(%dma_wait3A_105 : memref<42x128xi32, #tpu.memory_space<hbm>>) dst(%dma_wait3A_101 : memref<42x128xi32, #tpu.memory_space<vmem>>)
        tpu.yield
      }) : () -> ()
      %mul3A_75 = arith.constant 2 : i32
      %mul3A_76 = arith.muli %mul3A_75, %arg1 : i32
      %add3A_77 = arith.constant 1 : i32
      %add3A_78 = arith.addi %mul3A_76, %add3A_77 : i32
      "tpu.region"() ({
        %run_scoped3A = tpu.sem_alloc : memref<!tpu.dma_semaphore, #tpu.memory_space<semaphore_mem>>
        %dma_start3A_79 = arith.constant 42 : i32
        %dma_start3A_80 = arith.constant 0 : i32
        %dma_start3A_81 = tpu.memref_slice %arg10[%dma_start3A_79, %dma_start3A_80] : memref<84x128xi32, #tpu.memory_space<vmem>> -> memref<42x128xi32, #tpu.memory_space<vmem>>
        %dma_start3A_82 = arith.constant 0 : i32
        %dma_start3A_83 = arith.constant 0 : i32
        %dma_start3A_84 = tpu.memref_slice %arg6[%add3A_78, %dma_start3A_82, %dma_start3A_83] : memref<32x42x128xi32, #tpu.memory_space<hbm>> -> memref<1x42x128xi32, #tpu.memory_space<hbm>>
        %dma_start3A_85 = tpu.memref_squeeze %dma_start3A_84 : memref<1x42x128xi32, #tpu.memory_space<hbm>> -> memref<42x128xi32, #tpu.memory_space<hbm>>
        %dma_start3A_86 = arith.constant 42 : i32
        %dma_start3A_87 = arith.constant 0 : i32
        %dma_start3A_88 = tpu.memref_slice %arg10[%dma_start3A_86, %dma_start3A_87] : memref<84x128xi32, #tpu.memory_space<vmem>> -> memref<42x128xi32, #tpu.memory_space<vmem>>
        %dma_start3A_89 = arith.constant 0 : i32
        %dma_start3A_90 = arith.constant 0 : i32
        %dma_start3A_91 = tpu.memref_slice %arg6[%add3A_78, %dma_start3A_89, %dma_start3A_90] : memref<32x42x128xi32, #tpu.memory_space<hbm>> -> memref<1x42x128xi32, #tpu.memory_space<hbm>>
        %dma_start3A_92 = tpu.memref_squeeze %dma_start3A_91 : memref<1x42x128xi32, #tpu.memory_space<hbm>> -> memref<42x128xi32, #tpu.memory_space<hbm>>
        tpu.enqueue_dma source(%dma_start3A_92 : memref<42x128xi32, #tpu.memory_space<hbm>>) target(%dma_start3A_88 : memref<42x128xi32, #tpu.memory_space<vmem>>) target_semaphore(%run_scoped3A : memref<!tpu.dma_semaphore, #tpu.memory_space<semaphore_mem>>)
        %dma_wait3A = arith.constant 42 : i32
        %dma_wait3A_93 = arith.constant 0 : i32
        %dma_wait3A_94 = tpu.memref_slice %arg10[%dma_wait3A, %dma_wait3A_93] : memref<84x128xi32, #tpu.memory_space<vmem>> -> memref<42x128xi32, #tpu.memory_space<vmem>>
        %dma_wait3A_95 = arith.constant 0 : i32
        %dma_wait3A_96 = arith.constant 0 : i32
        %dma_wait3A_97 = tpu.memref_slice %arg6[%add3A_78, %dma_wait3A_95, %dma_wait3A_96] : memref<32x42x128xi32, #tpu.memory_space<hbm>> -> memref<1x42x128xi32, #tpu.memory_space<hbm>>
        %dma_wait3A_98 = tpu.memref_squeeze %dma_wait3A_97 : memref<1x42x128xi32, #tpu.memory_space<hbm>> -> memref<42x128xi32, #tpu.memory_space<hbm>>
        %dma_wait3A_99 = arith.constant 42 : i32
        %dma_wait3A_100 = arith.constant 0 : i32
        %dma_wait3A_101 = tpu.memref_slice %arg10[%dma_wait3A_99, %dma_wait3A_100] : memref<84x128xi32, #tpu.memory_space<vmem>> -> memref<42x128xi32, #tpu.memory_space<vmem>>
        %dma_wait3A_102 = arith.constant 0 : i32
        %dma_wait3A_103 = arith.constant 0 : i32
        %dma_wait3A_104 = tpu.memref_slice %arg6[%add3A_78, %dma_wait3A_102, %dma_wait3A_103] : memref<32x42x128xi32, #tpu.memory_space<hbm>> -> memref<1x42x128xi32, #tpu.memory_space<hbm>>
        %dma_wait3A_105 = tpu.memref_squeeze %dma_wait3A_104 : memref<1x42x128xi32, #tpu.memory_space<hbm>> -> memref<42x128xi32, #tpu.memory_space<hbm>>
        tpu.wait_dma2 semaphore(%run_scoped3A : memref<!tpu.dma_semaphore, #tpu.memory_space<semaphore_mem>>) src(%dma_wait3A_105 : memref<42x128xi32, #tpu.memory_space<hbm>>) dst(%dma_wait3A_101 : memref<42x128xi32, #tpu.memory_space<vmem>>)
        tpu.yield
      }) : () -> ()
    } else {
    }
    %mul3A = arith.constant 312 : i32
    %mul3A_7 = arith.muli %arg1, %mul3A : i32
    %add3A = arith.constant 0 : i32
    %add3A_8 = arith.addi %mul3A_7, %add3A : i32
    "tpu.region"() ({
      %run_scoped3A = tpu.sem_alloc : memref<!tpu.dma_semaphore, #tpu.memory_space<semaphore_mem>>
      %dma_start3A_67 = arith.constant 0 : i32
      %dma_start3A_68 = tpu.memref_slice %arg15[%add3A_8, %dma_start3A_67] : memref<5008x128xf32, #tpu.memory_space<vmem_shared>> -> memref<104x128xf32, #tpu.memory_space<vmem_shared>>
      tpu.enqueue_dma source(%arg7 : memref<104x128xf32, #tpu.memory_space<hbm>>) target(%dma_start3A_68 : memref<104x128xf32, #tpu.memory_space<vmem_shared>>) target_semaphore(%run_scoped3A : memref<!tpu.dma_semaphore, #tpu.memory_space<semaphore_mem>>)
      %dma_wait3A = arith.constant 0 : i32
      %dma_wait3A_69 = tpu.memref_slice %arg15[%add3A_8, %dma_wait3A] : memref<5008x128xf32, #tpu.memory_space<vmem_shared>> -> memref<104x128xf32, #tpu.memory_space<vmem_shared>>
      tpu.wait_dma2 semaphore(%run_scoped3A : memref<!tpu.dma_semaphore, #tpu.memory_space<semaphore_mem>>) src(%arg7 : memref<104x128xf32, #tpu.memory_space<hbm>>) dst(%dma_wait3A_69 : memref<104x128xf32, #tpu.memory_space<vmem_shared>>)
      tpu.yield
    }) : () -> ()
    %mul3A_9 = arith.constant 312 : i32
    %mul3A_10 = arith.muli %arg1, %mul3A_9 : i32
    %add3A_11 = arith.constant 104 : i32
    %add3A_12 = arith.addi %mul3A_10, %add3A_11 : i32
    "tpu.region"() ({
      %run_scoped3A = tpu.sem_alloc : memref<!tpu.dma_semaphore, #tpu.memory_space<semaphore_mem>>
      %dma_start3A_67 = arith.constant 0 : i32
      %dma_start3A_68 = tpu.memref_slice %arg15[%add3A_12, %dma_start3A_67] : memref<5008x128xf32, #tpu.memory_space<vmem_shared>> -> memref<104x128xf32, #tpu.memory_space<vmem_shared>>
      tpu.enqueue_dma source(%arg7 : memref<104x128xf32, #tpu.memory_space<hbm>>) target(%dma_start3A_68 : memref<104x128xf32, #tpu.memory_space<vmem_shared>>) target_semaphore(%run_scoped3A : memref<!tpu.dma_semaphore, #tpu.memory_space<semaphore_mem>>)
      %dma_wait3A = arith.constant 0 : i32
      %dma_wait3A_69 = tpu.memref_slice %arg15[%add3A_12, %dma_wait3A] : memref<5008x128xf32, #tpu.memory_space<vmem_shared>> -> memref<104x128xf32, #tpu.memory_space<vmem_shared>>
      tpu.wait_dma2 semaphore(%run_scoped3A : memref<!tpu.dma_semaphore, #tpu.memory_space<semaphore_mem>>) src(%arg7 : memref<104x128xf32, #tpu.memory_space<hbm>>) dst(%dma_wait3A_69 : memref<104x128xf32, #tpu.memory_space<vmem_shared>>)
      tpu.yield
    }) : () -> ()
    %mul3A_13 = arith.constant 312 : i32
    %mul3A_14 = arith.muli %arg1, %mul3A_13 : i32
    %add3A_15 = arith.constant 208 : i32
    %add3A_16 = arith.addi %mul3A_14, %add3A_15 : i32
    "tpu.region"() ({
      %run_scoped3A = tpu.sem_alloc : memref<!tpu.dma_semaphore, #tpu.memory_space<semaphore_mem>>
      %dma_start3A_67 = arith.constant 0 : i32
      %dma_start3A_68 = tpu.memref_slice %arg15[%add3A_16, %dma_start3A_67] : memref<5008x128xf32, #tpu.memory_space<vmem_shared>> -> memref<104x128xf32, #tpu.memory_space<vmem_shared>>
      tpu.enqueue_dma source(%arg7 : memref<104x128xf32, #tpu.memory_space<hbm>>) target(%dma_start3A_68 : memref<104x128xf32, #tpu.memory_space<vmem_shared>>) target_semaphore(%run_scoped3A : memref<!tpu.dma_semaphore, #tpu.memory_space<semaphore_mem>>)
      %dma_wait3A = arith.constant 0 : i32
      %dma_wait3A_69 = tpu.memref_slice %arg15[%add3A_16, %dma_wait3A] : memref<5008x128xf32, #tpu.memory_space<vmem_shared>> -> memref<104x128xf32, #tpu.memory_space<vmem_shared>>
      tpu.wait_dma2 semaphore(%run_scoped3A : memref<!tpu.dma_semaphore, #tpu.memory_space<semaphore_mem>>) src(%arg7 : memref<104x128xf32, #tpu.memory_space<hbm>>) dst(%dma_wait3A_69 : memref<104x128xf32, #tpu.memory_space<vmem_shared>>)
      tpu.yield
    }) : () -> ()
    %eq3A_17 = arith.constant 15 : i32
    %eq3A_18 = arith.cmpi eq, %arg1, %eq3A_17 : i32
    %convert_element_type3A_19 = arith.extui %eq3A_18 : i1 to i32
    %cond3A_20 = arith.constant 0 : i32
    %cond3A_21 = arith.cmpi ne, %convert_element_type3A_19, %cond3A_20 : i32
    scf.if %cond3A_21 {
      "tpu.region"() ({
        %run_scoped3A = tpu.sem_alloc : memref<!tpu.dma_semaphore, #tpu.memory_space<semaphore_mem>>
        %dma_start3A_67 = arith.constant 4992 : i32
        %dma_start3A_68 = arith.constant 0 : i32
        %dma_start3A_69 = tpu.memref_slice %arg15[%dma_start3A_67, %dma_start3A_68] : memref<5008x128xf32, #tpu.memory_space<vmem_shared>> -> memref<16x128xf32, #tpu.memory_space<vmem_shared>>
        %dma_start3A_70 = arith.constant 0 : i32
        %dma_start3A_71 = arith.constant 0 : i32
        %dma_start3A_72 = tpu.memref_slice %arg7[%dma_start3A_70, %dma_start3A_71] : memref<104x128xf32, #tpu.memory_space<hbm>> -> memref<16x128xf32, #tpu.memory_space<hbm>>
        tpu.enqueue_dma source(%dma_start3A_72 : memref<16x128xf32, #tpu.memory_space<hbm>>) target(%dma_start3A_69 : memref<16x128xf32, #tpu.memory_space<vmem_shared>>) target_semaphore(%run_scoped3A : memref<!tpu.dma_semaphore, #tpu.memory_space<semaphore_mem>>)
        %dma_wait3A = arith.constant 4992 : i32
        %dma_wait3A_73 = arith.constant 0 : i32
        %dma_wait3A_74 = tpu.memref_slice %arg15[%dma_wait3A, %dma_wait3A_73] : memref<5008x128xf32, #tpu.memory_space<vmem_shared>> -> memref<16x128xf32, #tpu.memory_space<vmem_shared>>
        %dma_wait3A_75 = arith.constant 0 : i32
        %dma_wait3A_76 = arith.constant 0 : i32
        %dma_wait3A_77 = tpu.memref_slice %arg7[%dma_wait3A_75, %dma_wait3A_76] : memref<104x128xf32, #tpu.memory_space<hbm>> -> memref<16x128xf32, #tpu.memory_space<hbm>>
        tpu.wait_dma2 semaphore(%run_scoped3A : memref<!tpu.dma_semaphore, #tpu.memory_space<semaphore_mem>>) src(%dma_wait3A_77 : memref<16x128xf32, #tpu.memory_space<hbm>>) dst(%dma_wait3A_74 : memref<16x128xf32, #tpu.memory_space<vmem_shared>>)
        tpu.yield
      }) : () -> ()
    } else {
    }
    %barrier3A = arith.constant 0 : index
    tpu.barrier barrier_id(%barrier3A)
    %dma_start3A = arith.constant 0 : i32
    %dma_start3A_22 = arith.constant 0 : i32
    %dma_start3A_23 = tpu.memref_slice %arg9[%dma_start3A, %dma_start3A_22] : memref<84x128xi32, #tpu.memory_space<vmem>> -> memref<1x128xi32, #tpu.memory_space<vmem>>
    %dma_start3A_24 = tpu.memref_squeeze %dma_start3A_23 : memref<1x128xi32, #tpu.memory_space<vmem>> -> memref<128xi32, #tpu.memory_space<vmem>>
    %dma_start3A_25 = arith.constant 0 : i32
    %dma_start3A_26 = arith.constant 0 : i32
    %dma_start3A_27 = tpu.memref_slice %arg2[%dma_start3A_25, %dma_start3A_26] : memref<10000x128xf32, #tpu.memory_space<hbm>> -> memref<10000x128xf32, #tpu.memory_space<hbm>>
    tpu.enqueue_indirect_dma source(%dma_start3A_27 : memref<10000x128xf32, #tpu.memory_space<hbm>>) target(%arg11 : memref<128x128xf32, #tpu.memory_space<vmem>>) offsets(%dma_start3A_24 : memref<128xi32, #tpu.memory_space<vmem>>) semaphore(%arg16 : memref<!tpu.dma_semaphore, #tpu.memory_space<semaphore_mem>>)
    %dma_start3A_28 = arith.constant 1 : i32
    %dma_start3A_29 = arith.constant 0 : i32
    %dma_start3A_30 = tpu.memref_slice %arg9[%dma_start3A_28, %dma_start3A_29] : memref<84x128xi32, #tpu.memory_space<vmem>> -> memref<1x128xi32, #tpu.memory_space<vmem>>
    %dma_start3A_31 = tpu.memref_squeeze %dma_start3A_30 : memref<1x128xi32, #tpu.memory_space<vmem>> -> memref<128xi32, #tpu.memory_space<vmem>>
    %dma_start3A_32 = arith.constant 0 : i32
    %dma_start3A_33 = arith.constant 0 : i32
    %dma_start3A_34 = tpu.memref_slice %arg2[%dma_start3A_32, %dma_start3A_33] : memref<10000x128xf32, #tpu.memory_space<hbm>> -> memref<10000x128xf32, #tpu.memory_space<hbm>>
    tpu.enqueue_indirect_dma source(%dma_start3A_34 : memref<10000x128xf32, #tpu.memory_space<hbm>>) target(%arg12 : memref<128x128xf32, #tpu.memory_space<vmem>>) offsets(%dma_start3A_31 : memref<128xi32, #tpu.memory_space<vmem>>) semaphore(%arg17 : memref<!tpu.dma_semaphore, #tpu.memory_space<semaphore_mem>>)
    %dma_start3A_35 = arith.constant 2 : i32
    %dma_start3A_36 = arith.constant 0 : i32
    %dma_start3A_37 = tpu.memref_slice %arg9[%dma_start3A_35, %dma_start3A_36] : memref<84x128xi32, #tpu.memory_space<vmem>> -> memref<1x128xi32, #tpu.memory_space<vmem>>
    %dma_start3A_38 = tpu.memref_squeeze %dma_start3A_37 : memref<1x128xi32, #tpu.memory_space<vmem>> -> memref<128xi32, #tpu.memory_space<vmem>>
    %dma_start3A_39 = arith.constant 0 : i32
    %dma_start3A_40 = arith.constant 0 : i32
    %dma_start3A_41 = tpu.memref_slice %arg2[%dma_start3A_39, %dma_start3A_40] : memref<10000x128xf32, #tpu.memory_space<hbm>> -> memref<10000x128xf32, #tpu.memory_space<hbm>>
    tpu.enqueue_indirect_dma source(%dma_start3A_41 : memref<10000x128xf32, #tpu.memory_space<hbm>>) target(%arg13 : memref<128x128xf32, #tpu.memory_space<vmem>>) offsets(%dma_start3A_38 : memref<128xi32, #tpu.memory_space<vmem>>) semaphore(%arg18 : memref<!tpu.dma_semaphore, #tpu.memory_space<semaphore_mem>>)
    %dma_start3A_42 = arith.constant 3 : i32
    %dma_start3A_43 = arith.constant 0 : i32
    %dma_start3A_44 = tpu.memref_slice %arg9[%dma_start3A_42, %dma_start3A_43] : memref<84x128xi32, #tpu.memory_space<vmem>> -> memref<1x128xi32, #tpu.memory_space<vmem>>
    %dma_start3A_45 = tpu.memref_squeeze %dma_start3A_44 : memref<1x128xi32, #tpu.memory_space<vmem>> -> memref<128xi32, #tpu.memory_space<vmem>>
    %dma_start3A_46 = arith.constant 0 : i32
    %dma_start3A_47 = arith.constant 0 : i32
    %dma_start3A_48 = tpu.memref_slice %arg2[%dma_start3A_46, %dma_start3A_47] : memref<10000x128xf32, #tpu.memory_space<hbm>> -> memref<10000x128xf32, #tpu.memory_space<hbm>>
    tpu.enqueue_indirect_dma source(%dma_start3A_48 : memref<10000x128xf32, #tpu.memory_space<hbm>>) target(%arg14 : memref<128x128xf32, #tpu.memory_space<vmem>>) offsets(%dma_start3A_45 : memref<128xi32, #tpu.memory_space<vmem>>) semaphore(%arg19 : memref<!tpu.dma_semaphore, #tpu.memory_space<semaphore_mem>>)
    %scan3A = arith.constant 0 : i32
    %scan3A_49 = arith.constant 0 : i32
    %scan3A_50 = arith.constant 21 : i32
    %scan3A_51 = arith.addi %scan3A_49, %scan3A_50 : i32
    %scan3A_52 = arith.constant 1 : i32
    scf.for %scan3A_67 = %scan3A_49 to %scan3A_51 step %scan3A_52  : i32 {
      %mul3A_68 = arith.constant 4 : i32
      %mul3A_69 = arith.muli %scan3A_67, %mul3A_68 : i32
      %add3A_70 = arith.constant 0 : i32
      %add3A_71 = arith.addi %mul3A_69, %add3A_70 : i32
      %dma_wait3A = arith.constant 0 : i32
      %dma_wait3A_72 = tpu.memref_slice %arg9[%add3A_71, %dma_wait3A] : memref<84x128xi32, #tpu.memory_space<vmem>> -> memref<1x128xi32, #tpu.memory_space<vmem>>
      %dma_wait3A_73 = tpu.memref_squeeze %dma_wait3A_72 : memref<1x128xi32, #tpu.memory_space<vmem>> -> memref<128xi32, #tpu.memory_space<vmem>>
      %dma_wait3A_74 = arith.constant 0 : i32
      %dma_wait3A_75 = arith.constant 0 : i32
      %dma_wait3A_76 = tpu.memref_slice %arg2[%dma_wait3A_74, %dma_wait3A_75] : memref<10000x128xf32, #tpu.memory_space<hbm>> -> memref<10000x128xf32, #tpu.memory_space<hbm>>
      tpu.wait_indirect_dma semaphore(%arg16 : memref<!tpu.dma_semaphore, #tpu.memory_space<semaphore_mem>>) src(%dma_wait3A_76 : memref<10000x128xf32, #tpu.memory_space<hbm>>) dst(%arg11 : memref<128x128xf32, #tpu.memory_space<vmem>>)
      %add3A_77 = arith.constant 0 : i32
      %add3A_78 = arith.addi %mul3A_69, %add3A_77 : i32
      %dma_start3A_79 = arith.constant 0 : i32
      %dma_start3A_80 = tpu.memref_slice %arg10[%add3A_78, %dma_start3A_79] : memref<84x128xi32, #tpu.memory_space<vmem>> -> memref<1x128xi32, #tpu.memory_space<vmem>>
      %dma_start3A_81 = tpu.memref_squeeze %dma_start3A_80 : memref<1x128xi32, #tpu.memory_space<vmem>> -> memref<128xi32, #tpu.memory_space<vmem>>
      %dma_start3A_82 = arith.constant 0 : i32
      %dma_start3A_83 = arith.constant 0 : i32
      %dma_start3A_84 = tpu.memref_slice %arg15[%dma_start3A_82, %dma_start3A_83] : memref<5008x128xf32, #tpu.memory_space<vmem_shared>> -> memref<5008x128xf32, #tpu.memory_space<vmem_shared>>
      tpu.enqueue_indirect_dma source(%arg11 : memref<128x128xf32, #tpu.memory_space<vmem>>) target(%dma_start3A_84 : memref<5008x128xf32, #tpu.memory_space<vmem_shared>>) offsets(%dma_start3A_81 : memref<128xi32, #tpu.memory_space<vmem>>) semaphore(%arg20 : memref<!tpu.dma_semaphore, #tpu.memory_space<semaphore_mem>>) {add = true}
      %add3A_85 = arith.constant 1 : i32
      %add3A_86 = arith.addi %mul3A_69, %add3A_85 : i32
      %dma_wait3A_87 = arith.constant 0 : i32
      %dma_wait3A_88 = tpu.memref_slice %arg9[%add3A_86, %dma_wait3A_87] : memref<84x128xi32, #tpu.memory_space<vmem>> -> memref<1x128xi32, #tpu.memory_space<vmem>>
      %dma_wait3A_89 = tpu.memref_squeeze %dma_wait3A_88 : memref<1x128xi32, #tpu.memory_space<vmem>> -> memref<128xi32, #tpu.memory_space<vmem>>
      %dma_wait3A_90 = arith.constant 0 : i32
      %dma_wait3A_91 = arith.constant 0 : i32
      %dma_wait3A_92 = tpu.memref_slice %arg2[%dma_wait3A_90, %dma_wait3A_91] : memref<10000x128xf32, #tpu.memory_space<hbm>> -> memref<10000x128xf32, #tpu.memory_space<hbm>>
      tpu.wait_indirect_dma semaphore(%arg17 : memref<!tpu.dma_semaphore, #tpu.memory_space<semaphore_mem>>) src(%dma_wait3A_92 : memref<10000x128xf32, #tpu.memory_space<hbm>>) dst(%arg12 : memref<128x128xf32, #tpu.memory_space<vmem>>)
      %add3A_93 = arith.constant 1 : i32
      %add3A_94 = arith.addi %mul3A_69, %add3A_93 : i32
      %dma_start3A_95 = arith.constant 0 : i32
      %dma_start3A_96 = tpu.memref_slice %arg10[%add3A_94, %dma_start3A_95] : memref<84x128xi32, #tpu.memory_space<vmem>> -> memref<1x128xi32, #tpu.memory_space<vmem>>
      %dma_start3A_97 = tpu.memref_squeeze %dma_start3A_96 : memref<1x128xi32, #tpu.memory_space<vmem>> -> memref<128xi32, #tpu.memory_space<vmem>>
      %dma_start3A_98 = arith.constant 0 : i32
      %dma_start3A_99 = arith.constant 0 : i32
      %dma_start3A_100 = tpu.memref_slice %arg15[%dma_start3A_98, %dma_start3A_99] : memref<5008x128xf32, #tpu.memory_space<vmem_shared>> -> memref<5008x128xf32, #tpu.memory_space<vmem_shared>>
      tpu.enqueue_indirect_dma source(%arg12 : memref<128x128xf32, #tpu.memory_space<vmem>>) target(%dma_start3A_100 : memref<5008x128xf32, #tpu.memory_space<vmem_shared>>) offsets(%dma_start3A_97 : memref<128xi32, #tpu.memory_space<vmem>>) semaphore(%arg21 : memref<!tpu.dma_semaphore, #tpu.memory_space<semaphore_mem>>) {add = true}
      %add3A_101 = arith.constant 2 : i32
      %add3A_102 = arith.addi %mul3A_69, %add3A_101 : i32
      %dma_wait3A_103 = arith.constant 0 : i32
      %dma_wait3A_104 = tpu.memref_slice %arg9[%add3A_102, %dma_wait3A_103] : memref<84x128xi32, #tpu.memory_space<vmem>> -> memref<1x128xi32, #tpu.memory_space<vmem>>
      %dma_wait3A_105 = tpu.memref_squeeze %dma_wait3A_104 : memref<1x128xi32, #tpu.memory_space<vmem>> -> memref<128xi32, #tpu.memory_space<vmem>>
      %dma_wait3A_106 = arith.constant 0 : i32
      %dma_wait3A_107 = arith.constant 0 : i32
      %dma_wait3A_108 = tpu.memref_slice %arg2[%dma_wait3A_106, %dma_wait3A_107] : memref<10000x128xf32, #tpu.memory_space<hbm>> -> memref<10000x128xf32, #tpu.memory_space<hbm>>
      tpu.wait_indirect_dma semaphore(%arg18 : memref<!tpu.dma_semaphore, #tpu.memory_space<semaphore_mem>>) src(%dma_wait3A_108 : memref<10000x128xf32, #tpu.memory_space<hbm>>) dst(%arg13 : memref<128x128xf32, #tpu.memory_space<vmem>>)
      %add3A_109 = arith.constant 2 : i32
      %add3A_110 = arith.addi %mul3A_69, %add3A_109 : i32
      %dma_start3A_111 = arith.constant 0 : i32
      %dma_start3A_112 = tpu.memref_slice %arg10[%add3A_110, %dma_start3A_111] : memref<84x128xi32, #tpu.memory_space<vmem>> -> memref<1x128xi32, #tpu.memory_space<vmem>>
      %dma_start3A_113 = tpu.memref_squeeze %dma_start3A_112 : memref<1x128xi32, #tpu.memory_space<vmem>> -> memref<128xi32, #tpu.memory_space<vmem>>
      %dma_start3A_114 = arith.constant 0 : i32
      %dma_start3A_115 = arith.constant 0 : i32
      %dma_start3A_116 = tpu.memref_slice %arg15[%dma_start3A_114, %dma_start3A_115] : memref<5008x128xf32, #tpu.memory_space<vmem_shared>> -> memref<5008x128xf32, #tpu.memory_space<vmem_shared>>
      tpu.enqueue_indirect_dma source(%arg13 : memref<128x128xf32, #tpu.memory_space<vmem>>) target(%dma_start3A_116 : memref<5008x128xf32, #tpu.memory_space<vmem_shared>>) offsets(%dma_start3A_113 : memref<128xi32, #tpu.memory_space<vmem>>) semaphore(%arg22 : memref<!tpu.dma_semaphore, #tpu.memory_space<semaphore_mem>>) {add = true}
      %add3A_117 = arith.constant 3 : i32
      %add3A_118 = arith.addi %mul3A_69, %add3A_117 : i32
      %dma_wait3A_119 = arith.constant 0 : i32
      %dma_wait3A_120 = tpu.memref_slice %arg9[%add3A_118, %dma_wait3A_119] : memref<84x128xi32, #tpu.memory_space<vmem>> -> memref<1x128xi32, #tpu.memory_space<vmem>>
      %dma_wait3A_121 = tpu.memref_squeeze %dma_wait3A_120 : memref<1x128xi32, #tpu.memory_space<vmem>> -> memref<128xi32, #tpu.memory_space<vmem>>
      %dma_wait3A_122 = arith.constant 0 : i32
      %dma_wait3A_123 = arith.constant 0 : i32
      %dma_wait3A_124 = tpu.memref_slice %arg2[%dma_wait3A_122, %dma_wait3A_123] : memref<10000x128xf32, #tpu.memory_space<hbm>> -> memref<10000x128xf32, #tpu.memory_space<hbm>>
      tpu.wait_indirect_dma semaphore(%arg19 : memref<!tpu.dma_semaphore, #tpu.memory_space<semaphore_mem>>) src(%dma_wait3A_124 : memref<10000x128xf32, #tpu.memory_space<hbm>>) dst(%arg14 : memref<128x128xf32, #tpu.memory_space<vmem>>)
      %add3A_125 = arith.constant 3 : i32
      %add3A_126 = arith.addi %mul3A_69, %add3A_125 : i32
      %dma_start3A_127 = arith.constant 0 : i32
      %dma_start3A_128 = tpu.memref_slice %arg10[%add3A_126, %dma_start3A_127] : memref<84x128xi32, #tpu.memory_space<vmem>> -> memref<1x128xi32, #tpu.memory_space<vmem>>
      %dma_start3A_129 = tpu.memref_squeeze %dma_start3A_128 : memref<1x128xi32, #tpu.memory_space<vmem>> -> memref<128xi32, #tpu.memory_space<vmem>>
      %dma_start3A_130 = arith.constant 0 : i32
      %dma_start3A_131 = arith.constant 0 : i32
      %dma_start3A_132 = tpu.memref_slice %arg15[%dma_start3A_130, %dma_start3A_131] : memref<5008x128xf32, #tpu.memory_space<vmem_shared>> -> memref<5008x128xf32, #tpu.memory_space<vmem_shared>>
      tpu.enqueue_indirect_dma source(%arg14 : memref<128x128xf32, #tpu.memory_space<vmem>>) target(%dma_start3A_132 : memref<5008x128xf32, #tpu.memory_space<vmem_shared>>) offsets(%dma_start3A_129 : memref<128xi32, #tpu.memory_space<vmem>>) semaphore(%arg23 : memref<!tpu.dma_semaphore, #tpu.memory_space<semaphore_mem>>) {add = true}
      %add3A_133 = arith.constant 0 : i32
      %add3A_134 = arith.addi %mul3A_69, %add3A_133 : i32
      %dma_wait3A_135 = arith.constant 0 : i32
      %dma_wait3A_136 = tpu.memref_slice %arg10[%add3A_134, %dma_wait3A_135] : memref<84x128xi32, #tpu.memory_space<vmem>> -> memref<1x128xi32, #tpu.memory_space<vmem>>
      %dma_wait3A_137 = tpu.memref_squeeze %dma_wait3A_136 : memref<1x128xi32, #tpu.memory_space<vmem>> -> memref<128xi32, #tpu.memory_space<vmem>>
      %dma_wait3A_138 = arith.constant 0 : i32
      %dma_wait3A_139 = arith.constant 0 : i32
      %dma_wait3A_140 = tpu.memref_slice %arg15[%dma_wait3A_138, %dma_wait3A_139] : memref<5008x128xf32, #tpu.memory_space<vmem_shared>> -> memref<5008x128xf32, #tpu.memory_space<vmem_shared>>
      tpu.wait_indirect_dma semaphore(%arg20 : memref<!tpu.dma_semaphore, #tpu.memory_space<semaphore_mem>>) src(%arg11 : memref<128x128xf32, #tpu.memory_space<vmem>>) dst(%dma_wait3A_140 : memref<5008x128xf32, #tpu.memory_space<vmem_shared>>)
      %add3A_141 = arith.constant 4 : i32
      %add3A_142 = arith.addi %mul3A_69, %add3A_141 : i32
      %add3A_143 = arith.constant 0 : i32
      %add3A_144 = arith.addi %add3A_142, %add3A_143 : i32
      %lt3A = arith.constant 84 : i32
      %lt3A_145 = arith.cmpi slt, %add3A_144, %lt3A : i32
      %convert_element_type3A_146 = arith.extui %lt3A_145 : i1 to i32
      %cond3A_147 = arith.constant 0 : i32
      %cond3A_148 = arith.cmpi ne, %convert_element_type3A_146, %cond3A_147 : i32
      scf.if %cond3A_148 {
        %add3A_200 = arith.constant 4 : i32
        %add3A_201 = arith.addi %mul3A_69, %add3A_200 : i32
        %add3A_202 = arith.constant 0 : i32
        %add3A_203 = arith.addi %add3A_201, %add3A_202 : i32
        %dma_start3A_204 = arith.constant 0 : i32
        %dma_start3A_205 = tpu.memref_slice %arg9[%add3A_203, %dma_start3A_204] : memref<84x128xi32, #tpu.memory_space<vmem>> -> memref<1x128xi32, #tpu.memory_space<vmem>>
        %dma_start3A_206 = tpu.memref_squeeze %dma_start3A_205 : memref<1x128xi32, #tpu.memory_space<vmem>> -> memref<128xi32, #tpu.memory_space<vmem>>
        %dma_start3A_207 = arith.constant 0 : i32
        %dma_start3A_208 = arith.constant 0 : i32
        %dma_start3A_209 = tpu.memref_slice %arg2[%dma_start3A_207, %dma_start3A_208] : memref<10000x128xf32, #tpu.memory_space<hbm>> -> memref<10000x128xf32, #tpu.memory_space<hbm>>
        tpu.enqueue_indirect_dma source(%dma_start3A_209 : memref<10000x128xf32, #tpu.memory_space<hbm>>) target(%arg11 : memref<128x128xf32, #tpu.memory_space<vmem>>) offsets(%dma_start3A_206 : memref<128xi32, #tpu.memory_space<vmem>>) semaphore(%arg16 : memref<!tpu.dma_semaphore, #tpu.memory_space<semaphore_mem>>)
      } else {
      }
      %add3A_149 = arith.constant 1 : i32
      %add3A_150 = arith.addi %mul3A_69, %add3A_149 : i32
      %dma_wait3A_151 = arith.constant 0 : i32
      %dma_wait3A_152 = tpu.memref_slice %arg10[%add3A_150, %dma_wait3A_151] : memref<84x128xi32, #tpu.memory_space<vmem>> -> memref<1x128xi32, #tpu.memory_space<vmem>>
      %dma_wait3A_153 = tpu.memref_squeeze %dma_wait3A_152 : memref<1x128xi32, #tpu.memory_space<vmem>> -> memref<128xi32, #tpu.memory_space<vmem>>
      %dma_wait3A_154 = arith.constant 0 : i32
      %dma_wait3A_155 = arith.constant 0 : i32
      %dma_wait3A_156 = tpu.memref_slice %arg15[%dma_wait3A_154, %dma_wait3A_155] : memref<5008x128xf32, #tpu.memory_space<vmem_shared>> -> memref<5008x128xf32, #tpu.memory_space<vmem_shared>>
      tpu.wait_indirect_dma semaphore(%arg21 : memref<!tpu.dma_semaphore, #tpu.memory_space<semaphore_mem>>) src(%arg12 : memref<128x128xf32, #tpu.memory_space<vmem>>) dst(%dma_wait3A_156 : memref<5008x128xf32, #tpu.memory_space<vmem_shared>>)
      %add3A_157 = arith.constant 4 : i32
      %add3A_158 = arith.addi %mul3A_69, %add3A_157 : i32
      %add3A_159 = arith.constant 1 : i32
      %add3A_160 = arith.addi %add3A_158, %add3A_159 : i32
      %lt3A_161 = arith.constant 84 : i32
      %lt3A_162 = arith.cmpi slt, %add3A_160, %lt3A_161 : i32
      %convert_element_type3A_163 = arith.extui %lt3A_162 : i1 to i32
      %cond3A_164 = arith.constant 0 : i32
      %cond3A_165 = arith.cmpi ne, %convert_element_type3A_163, %cond3A_164 : i32
      scf.if %cond3A_165 {
        %add3A_200 = arith.constant 4 : i32
        %add3A_201 = arith.addi %mul3A_69, %add3A_200 : i32
        %add3A_202 = arith.constant 1 : i32
        %add3A_203 = arith.addi %add3A_201, %add3A_202 : i32
        %dma_start3A_204 = arith.constant 0 : i32
        %dma_start3A_205 = tpu.memref_slice %arg9[%add3A_203, %dma_start3A_204] : memref<84x128xi32, #tpu.memory_space<vmem>> -> memref<1x128xi32, #tpu.memory_space<vmem>>
        %dma_start3A_206 = tpu.memref_squeeze %dma_start3A_205 : memref<1x128xi32, #tpu.memory_space<vmem>> -> memref<128xi32, #tpu.memory_space<vmem>>
        %dma_start3A_207 = arith.constant 0 : i32
        %dma_start3A_208 = arith.constant 0 : i32
        %dma_start3A_209 = tpu.memref_slice %arg2[%dma_start3A_207, %dma_start3A_208] : memref<10000x128xf32, #tpu.memory_space<hbm>> -> memref<10000x128xf32, #tpu.memory_space<hbm>>
        tpu.enqueue_indirect_dma source(%dma_start3A_209 : memref<10000x128xf32, #tpu.memory_space<hbm>>) target(%arg12 : memref<128x128xf32, #tpu.memory_space<vmem>>) offsets(%dma_start3A_206 : memref<128xi32, #tpu.memory_space<vmem>>) semaphore(%arg17 : memref<!tpu.dma_semaphore, #tpu.memory_space<semaphore_mem>>)
      } else {
      }
      %add3A_166 = arith.constant 2 : i32
      %add3A_167 = arith.addi %mul3A_69, %add3A_166 : i32
      %dma_wait3A_168 = arith.constant 0 : i32
      %dma_wait3A_169 = tpu.memref_slice %arg10[%add3A_167, %dma_wait3A_168] : memref<84x128xi32, #tpu.memory_space<vmem>> -> memref<1x128xi32, #tpu.memory_space<vmem>>
      %dma_wait3A_170 = tpu.memref_squeeze %dma_wait3A_169 : memref<1x128xi32, #tpu.memory_space<vmem>> -> memref<128xi32, #tpu.memory_space<vmem>>
      %dma_wait3A_171 = arith.constant 0 : i32
      %dma_wait3A_172 = arith.constant 0 : i32
      %dma_wait3A_173 = tpu.memref_slice %arg15[%dma_wait3A_171, %dma_wait3A_172] : memref<5008x128xf32, #tpu.memory_space<vmem_shared>> -> memref<5008x128xf32, #tpu.memory_space<vmem_shared>>
      tpu.wait_indirect_dma semaphore(%arg22 : memref<!tpu.dma_semaphore, #tpu.memory_space<semaphore_mem>>) src(%arg13 : memref<128x128xf32, #tpu.memory_space<vmem>>) dst(%dma_wait3A_173 : memref<5008x128xf32, #tpu.memory_space<vmem_shared>>)
      %add3A_174 = arith.constant 4 : i32
      %add3A_175 = arith.addi %mul3A_69, %add3A_174 : i32
      %add3A_176 = arith.constant 2 : i32
      %add3A_177 = arith.addi %add3A_175, %add3A_176 : i32
      %lt3A_178 = arith.constant 84 : i32
      %lt3A_179 = arith.cmpi slt, %add3A_177, %lt3A_178 : i32
      %convert_element_type3A_180 = arith.extui %lt3A_179 : i1 to i32
      %cond3A_181 = arith.constant 0 : i32
      %cond3A_182 = arith.cmpi ne, %convert_element_type3A_180, %cond3A_181 : i32
      scf.if %cond3A_182 {
        %add3A_200 = arith.constant 4 : i32
        %add3A_201 = arith.addi %mul3A_69, %add3A_200 : i32
        %add3A_202 = arith.constant 2 : i32
        %add3A_203 = arith.addi %add3A_201, %add3A_202 : i32
        %dma_start3A_204 = arith.constant 0 : i32
        %dma_start3A_205 = tpu.memref_slice %arg9[%add3A_203, %dma_start3A_204] : memref<84x128xi32, #tpu.memory_space<vmem>> -> memref<1x128xi32, #tpu.memory_space<vmem>>
        %dma_start3A_206 = tpu.memref_squeeze %dma_start3A_205 : memref<1x128xi32, #tpu.memory_space<vmem>> -> memref<128xi32, #tpu.memory_space<vmem>>
        %dma_start3A_207 = arith.constant 0 : i32
        %dma_start3A_208 = arith.constant 0 : i32
        %dma_start3A_209 = tpu.memref_slice %arg2[%dma_start3A_207, %dma_start3A_208] : memref<10000x128xf32, #tpu.memory_space<hbm>> -> memref<10000x128xf32, #tpu.memory_space<hbm>>
        tpu.enqueue_indirect_dma source(%dma_start3A_209 : memref<10000x128xf32, #tpu.memory_space<hbm>>) target(%arg13 : memref<128x128xf32, #tpu.memory_space<vmem>>) offsets(%dma_start3A_206 : memref<128xi32, #tpu.memory_space<vmem>>) semaphore(%arg18 : memref<!tpu.dma_semaphore, #tpu.memory_space<semaphore_mem>>)
      } else {
      }
      %add3A_183 = arith.constant 3 : i32
      %add3A_184 = arith.addi %mul3A_69, %add3A_183 : i32
      %dma_wait3A_185 = arith.constant 0 : i32
      %dma_wait3A_186 = tpu.memref_slice %arg10[%add3A_184, %dma_wait3A_185] : memref<84x128xi32, #tpu.memory_space<vmem>> -> memref<1x128xi32, #tpu.memory_space<vmem>>
      %dma_wait3A_187 = tpu.memref_squeeze %dma_wait3A_186 : memref<1x128xi32, #tpu.memory_space<vmem>> -> memref<128xi32, #tpu.memory_space<vmem>>
      %dma_wait3A_188 = arith.constant 0 : i32
      %dma_wait3A_189 = arith.constant 0 : i32
      %dma_wait3A_190 = tpu.memref_slice %arg15[%dma_wait3A_188, %dma_wait3A_189] : memref<5008x128xf32, #tpu.memory_space<vmem_shared>> -> memref<5008x128xf32, #tpu.memory_space<vmem_shared>>
      tpu.wait_indirect_dma semaphore(%arg23 : memref<!tpu.dma_semaphore, #tpu.memory_space<semaphore_mem>>) src(%arg14 : memref<128x128xf32, #tpu.memory_space<vmem>>) dst(%dma_wait3A_190 : memref<5008x128xf32, #tpu.memory_space<vmem_shared>>)
      %add3A_191 = arith.constant 4 : i32
      %add3A_192 = arith.addi %mul3A_69, %add3A_191 : i32
      %add3A_193 = arith.constant 3 : i32
      %add3A_194 = arith.addi %add3A_192, %add3A_193 : i32
      %lt3A_195 = arith.constant 84 : i32
      %lt3A_196 = arith.cmpi slt, %add3A_194, %lt3A_195 : i32
      %convert_element_type3A_197 = arith.extui %lt3A_196 : i1 to i32
      %cond3A_198 = arith.constant 0 : i32
      %cond3A_199 = arith.cmpi ne, %convert_element_type3A_197, %cond3A_198 : i32
      scf.if %cond3A_199 {
        %add3A_200 = arith.constant 4 : i32
        %add3A_201 = arith.addi %mul3A_69, %add3A_200 : i32
        %add3A_202 = arith.constant 3 : i32
        %add3A_203 = arith.addi %add3A_201, %add3A_202 : i32
        %dma_start3A_204 = arith.constant 0 : i32
        %dma_start3A_205 = tpu.memref_slice %arg9[%add3A_203, %dma_start3A_204] : memref<84x128xi32, #tpu.memory_space<vmem>> -> memref<1x128xi32, #tpu.memory_space<vmem>>
        %dma_start3A_206 = tpu.memref_squeeze %dma_start3A_205 : memref<1x128xi32, #tpu.memory_space<vmem>> -> memref<128xi32, #tpu.memory_space<vmem>>
        %dma_start3A_207 = arith.constant 0 : i32
        %dma_start3A_208 = arith.constant 0 : i32
        %dma_start3A_209 = tpu.memref_slice %arg2[%dma_start3A_207, %dma_start3A_208] : memref<10000x128xf32, #tpu.memory_space<hbm>> -> memref<10000x128xf32, #tpu.memory_space<hbm>>
        tpu.enqueue_indirect_dma source(%dma_start3A_209 : memref<10000x128xf32, #tpu.memory_space<hbm>>) target(%arg14 : memref<128x128xf32, #tpu.memory_space<vmem>>) offsets(%dma_start3A_206 : memref<128xi32, #tpu.memory_space<vmem>>) semaphore(%arg19 : memref<!tpu.dma_semaphore, #tpu.memory_space<semaphore_mem>>)
      } else {
      }
    }
    %scan3A_53 = arith.constant 21 : i32
    %barrier3A_54 = arith.constant 0 : index
    tpu.barrier barrier_id(%barrier3A_54)
    %mul3A_55 = arith.constant 312 : i32
    %mul3A_56 = arith.muli %arg1, %mul3A_55 : i32
    %eq3A_57 = arith.constant 0 : i32
    %eq3A_58 = arith.cmpi eq, %arg0, %eq3A_57 : i32
    %convert_element_type3A_59 = arith.extui %eq3A_58 : i1 to i32
    %cond3A_60 = arith.constant 0 : i32
    %cond3A_61 = arith.cmpi ne, %convert_element_type3A_59, %cond3A_60 : i32
    scf.if %cond3A_61 {
      %mul3A_67 = arith.constant 312 : i32
      %mul3A_68 = arith.muli %arg1, %mul3A_67 : i32
      "tpu.region"() ({
        %run_scoped3A = tpu.sem_alloc : memref<!tpu.dma_semaphore, #tpu.memory_space<semaphore_mem>>
        %dma_start3A_74 = arith.constant 0 : i32
        %dma_start3A_75 = tpu.memref_slice %arg8[%mul3A_68, %dma_start3A_74] : memref<10000x128xf32, #tpu.memory_space<hbm>> -> memref<312x128xf32, #tpu.memory_space<hbm>>
        %dma_start3A_76 = arith.constant 0 : i32
        %dma_start3A_77 = tpu.memref_slice %arg15[%mul3A_56, %dma_start3A_76] : memref<5008x128xf32, #tpu.memory_space<vmem_shared>> -> memref<312x128xf32, #tpu.memory_space<vmem_shared>>
        tpu.enqueue_dma source(%dma_start3A_77 : memref<312x128xf32, #tpu.memory_space<vmem_shared>>) target(%dma_start3A_75 : memref<312x128xf32, #tpu.memory_space<hbm>>) target_semaphore(%run_scoped3A : memref<!tpu.dma_semaphore, #tpu.memory_space<semaphore_mem>>)
        %dma_wait3A = arith.constant 0 : i32
        %dma_wait3A_78 = tpu.memref_slice %arg8[%mul3A_68, %dma_wait3A] : memref<10000x128xf32, #tpu.memory_space<hbm>> -> memref<312x128xf32, #tpu.memory_space<hbm>>
        %dma_wait3A_79 = arith.constant 0 : i32
        %dma_wait3A_80 = tpu.memref_slice %arg15[%mul3A_56, %dma_wait3A_79] : memref<5008x128xf32, #tpu.memory_space<vmem_shared>> -> memref<312x128xf32, #tpu.memory_space<vmem_shared>>
        tpu.wait_dma2 semaphore(%run_scoped3A : memref<!tpu.dma_semaphore, #tpu.memory_space<semaphore_mem>>) src(%dma_wait3A_80 : memref<312x128xf32, #tpu.memory_space<vmem_shared>>) dst(%dma_wait3A_78 : memref<312x128xf32, #tpu.memory_space<hbm>>)
        tpu.yield
      }) : () -> ()
      %eq3A_69 = arith.constant 15 : i32
      %eq3A_70 = arith.cmpi eq, %arg1, %eq3A_69 : i32
      %convert_element_type3A_71 = arith.extui %eq3A_70 : i1 to i32
      %cond3A_72 = arith.constant 0 : i32
      %cond3A_73 = arith.cmpi ne, %convert_element_type3A_71, %cond3A_72 : i32
      scf.if %cond3A_73 {
        "tpu.region"() ({
          %run_scoped3A = tpu.sem_alloc : memref<!tpu.dma_semaphore, #tpu.memory_space<semaphore_mem>>
          %dma_start3A_74 = arith.constant 4992 : i32
          %dma_start3A_75 = arith.constant 0 : i32
          %dma_start3A_76 = tpu.memref_slice %arg8[%dma_start3A_74, %dma_start3A_75] : memref<10000x128xf32, #tpu.memory_space<hbm>> -> memref<8x128xf32, #tpu.memory_space<hbm>>
          %dma_start3A_77 = arith.constant 4992 : i32
          %dma_start3A_78 = arith.constant 0 : i32
          %dma_start3A_79 = tpu.memref_slice %arg15[%dma_start3A_77, %dma_start3A_78] : memref<5008x128xf32, #tpu.memory_space<vmem_shared>> -> memref<8x128xf32, #tpu.memory_space<vmem_shared>>
          tpu.enqueue_dma source(%dma_start3A_79 : memref<8x128xf32, #tpu.memory_space<vmem_shared>>) target(%dma_start3A_76 : memref<8x128xf32, #tpu.memory_space<hbm>>) target_semaphore(%run_scoped3A : memref<!tpu.dma_semaphore, #tpu.memory_space<semaphore_mem>>)
          %dma_wait3A = arith.constant 4992 : i32
          %dma_wait3A_80 = arith.constant 0 : i32
          %dma_wait3A_81 = tpu.memref_slice %arg8[%dma_wait3A, %dma_wait3A_80] : memref<10000x128xf32, #tpu.memory_space<hbm>> -> memref<8x128xf32, #tpu.memory_space<hbm>>
          %dma_wait3A_82 = arith.constant 4992 : i32
          %dma_wait3A_83 = arith.constant 0 : i32
          %dma_wait3A_84 = tpu.memref_slice %arg15[%dma_wait3A_82, %dma_wait3A_83] : memref<5008x128xf32, #tpu.memory_space<vmem_shared>> -> memref<8x128xf32, #tpu.memory_space<vmem_shared>>
          tpu.wait_dma2 semaphore(%run_scoped3A : memref<!tpu.dma_semaphore, #tpu.memory_space<semaphore_mem>>) src(%dma_wait3A_84 : memref<8x128xf32, #tpu.memory_space<vmem_shared>>) dst(%dma_wait3A_81 : memref<8x128xf32, #tpu.memory_space<hbm>>)
          tpu.yield
        }) : () -> ()
      } else {
      }
    } else {
    }
    %eq3A_62 = arith.constant 1 : i32
    %eq3A_63 = arith.cmpi eq, %arg0, %eq3A_62 : i32
    %convert_element_type3A_64 = arith.extui %eq3A_63 : i1 to i32
    %cond3A_65 = arith.constant 0 : i32
    %cond3A_66 = arith.cmpi ne, %convert_element_type3A_64, %cond3A_65 : i32
    scf.if %cond3A_66 {
      %mul3A_67 = arith.constant 312 : i32
      %mul3A_68 = arith.muli %arg1, %mul3A_67 : i32
      %add3A_69 = arith.constant 5000 : i32
      %add3A_70 = arith.addi %add3A_69, %mul3A_68 : i32
      "tpu.region"() ({
        %run_scoped3A = tpu.sem_alloc : memref<!tpu.dma_semaphore, #tpu.memory_space<semaphore_mem>>
        %dma_start3A_76 = arith.constant 0 : i32
        %dma_start3A_77 = tpu.memref_slice %arg8[%add3A_70, %dma_start3A_76] : memref<10000x128xf32, #tpu.memory_space<hbm>> -> memref<312x128xf32, #tpu.memory_space<hbm>>
        %dma_start3A_78 = arith.constant 0 : i32
        %dma_start3A_79 = tpu.memref_slice %arg15[%mul3A_56, %dma_start3A_78] : memref<5008x128xf32, #tpu.memory_space<vmem_shared>> -> memref<312x128xf32, #tpu.memory_space<vmem_shared>>
        tpu.enqueue_dma source(%dma_start3A_79 : memref<312x128xf32, #tpu.memory_space<vmem_shared>>) target(%dma_start3A_77 : memref<312x128xf32, #tpu.memory_space<hbm>>) target_semaphore(%run_scoped3A : memref<!tpu.dma_semaphore, #tpu.memory_space<semaphore_mem>>)
        %dma_wait3A = arith.constant 0 : i32
        %dma_wait3A_80 = tpu.memref_slice %arg8[%add3A_70, %dma_wait3A] : memref<10000x128xf32, #tpu.memory_space<hbm>> -> memref<312x128xf32, #tpu.memory_space<hbm>>
        %dma_wait3A_81 = arith.constant 0 : i32
        %dma_wait3A_82 = tpu.memref_slice %arg15[%mul3A_56, %dma_wait3A_81] : memref<5008x128xf32, #tpu.memory_space<vmem_shared>> -> memref<312x128xf32, #tpu.memory_space<vmem_shared>>
        tpu.wait_dma2 semaphore(%run_scoped3A : memref<!tpu.dma_semaphore, #tpu.memory_space<semaphore_mem>>) src(%dma_wait3A_82 : memref<312x128xf32, #tpu.memory_space<vmem_shared>>) dst(%dma_wait3A_80 : memref<312x128xf32, #tpu.memory_space<hbm>>)
        tpu.yield
      }) : () -> ()
      %eq3A_71 = arith.constant 15 : i32
      %eq3A_72 = arith.cmpi eq, %arg1, %eq3A_71 : i32
      %convert_element_type3A_73 = arith.extui %eq3A_72 : i1 to i32
      %cond3A_74 = arith.constant 0 : i32
      %cond3A_75 = arith.cmpi ne, %convert_element_type3A_73, %cond3A_74 : i32
      scf.if %cond3A_75 {
        "tpu.region"() ({
          %run_scoped3A = tpu.sem_alloc : memref<!tpu.dma_semaphore, #tpu.memory_space<semaphore_mem>>
          %dma_start3A_76 = arith.constant 9992 : i32
          %dma_start3A_77 = arith.constant 0 : i32
          %dma_start3A_78 = tpu.memref_slice %arg8[%dma_start3A_76, %dma_start3A_77] : memref<10000x128xf32, #tpu.memory_space<hbm>> -> memref<8x128xf32, #tpu.memory_space<hbm>>
          %dma_start3A_79 = arith.constant 4992 : i32
          %dma_start3A_80 = arith.constant 0 : i32
          %dma_start3A_81 = tpu.memref_slice %arg15[%dma_start3A_79, %dma_start3A_80] : memref<5008x128xf32, #tpu.memory_space<vmem_shared>> -> memref<8x128xf32, #tpu.memory_space<vmem_shared>>
          tpu.enqueue_dma source(%dma_start3A_81 : memref<8x128xf32, #tpu.memory_space<vmem_shared>>) target(%dma_start3A_78 : memref<8x128xf32, #tpu.memory_space<hbm>>) target_semaphore(%run_scoped3A : memref<!tpu.dma_semaphore, #tpu.memory_space<semaphore_mem>>)
          %dma_wait3A = arith.constant 9992 : i32
          %dma_wait3A_82 = arith.constant 0 : i32
          %dma_wait3A_83 = tpu.memref_slice %arg8[%dma_wait3A, %dma_wait3A_82] : memref<10000x128xf32, #tpu.memory_space<hbm>> -> memref<8x128xf32, #tpu.memory_space<hbm>>
          %dma_wait3A_84 = arith.constant 4992 : i32
          %dma_wait3A_85 = arith.constant 0 : i32
          %dma_wait3A_86 = tpu.memref_slice %arg15[%dma_wait3A_84, %dma_wait3A_85] : memref<5008x128xf32, #tpu.memory_space<vmem_shared>> -> memref<8x128xf32, #tpu.memory_space<vmem_shared>>
          tpu.wait_dma2 semaphore(%run_scoped3A : memref<!tpu.dma_semaphore, #tpu.memory_space<semaphore_mem>>) src(%dma_wait3A_86 : memref<8x128xf32, #tpu.memory_space<vmem_shared>>) dst(%dma_wait3A_83 : memref<8x128xf32, #tpu.memory_space<hbm>>)
          tpu.yield
        }) : () -> ()
      } else {
      }
    } else {
    }
    return
  }
}

#map = affine_map<(d0, d1) -> (0, 0)>
#map1 = affine_map<(d0, d1) -> (0, 0, 0)>
module attributes {stable_mosaic.version = 14 : i64} {
  func.func @_agg_body(%arg0: i32, %arg1: i32, %arg2: memref<10000x128xf32, #tpu.memory_space<hbm>>, %arg3: memref<32x42x128xi32, #tpu.memory_space<hbm>>, %arg4: memref<32x42x128xi32, #tpu.memory_space<hbm>>, %arg5: memref<32x42x128xi32, #tpu.memory_space<hbm>>, %arg6: memref<32x42x128xi32, #tpu.memory_space<hbm>>, %arg7: memref<104x128xf32, #tpu.memory_space<hbm>>, %arg8: memref<10000x128xf32, #tpu.memory_space<hbm>>, %arg9: memref<84x128xi32, #tpu.memory_space<vmem>>, %arg10: memref<84x128xi32, #tpu.memory_space<vmem>>, %arg11: memref<128x128xf32, #tpu.memory_space<vmem>>, %arg12: memref<128x128xf32, #tpu.memory_space<vmem>>, %arg13: memref<128x128xf32, #tpu.memory_space<vmem>>, %arg14: memref<128x128xf32, #tpu.memory_space<vmem>>, %arg15: memref<5008x128xf32, #tpu.memory_space<vmem_shared>>, %arg16: memref<!tpu.dma_semaphore, #tpu.memory_space<semaphore_mem>>, %arg17: memref<!tpu.dma_semaphore, #tpu.memory_space<semaphore_mem>>, %arg18: memref<!tpu.dma_semaphore, #tpu.memory_space<semaphore_mem>>, %arg19: memref<!tpu.dma_semaphore, #tpu.memory_space<semaphore_mem>>, %arg20: memref<!tpu.dma_semaphore, #tpu.memory_space<semaphore_mem>>, %arg21: memref<!tpu.dma_semaphore, #tpu.memory_space<semaphore_mem>>, %arg22: memref<!tpu.dma_semaphore, #tpu.memory_space<semaphore_mem>>, %arg23: memref<!tpu.dma_semaphore, #tpu.memory_space<semaphore_mem>>) attributes {dimension_semantics = [#tpu.dimension_semantics<core_parallel>, #tpu.dimension_semantics<subcore_parallel>], iteration_bounds = array<i64: 2, 16>, scalar_prefetch = 0 : i64, scratch_operands = 15 : i64, tpu.core_type = #tpu.core_type<sc_vector_subcore>, window_params = [{transform_indices = #map}, {transform_indices = #map1}, {transform_indices = #map1}, {transform_indices = #map1}, {transform_indices = #map1}, {transform_indices = #map}, {transform_indices = #map}]} {
    %eq3A = arith.constant 0 : i32
    %eq3A_0 = arith.cmpi eq, %arg0, %eq3A : i32
    %convert_element_type3A = arith.extui %eq3A_0 : i1 to i32
    %cond3A = arith.constant 0 : i32
    %cond3A_1 = arith.cmpi ne, %convert_element_type3A, %cond3A : i32
    scf.if %cond3A_1 {
      %mul3A_67 = arith.constant 2 : i32
      %mul3A_68 = arith.muli %mul3A_67, %arg1 : i32
      "tpu.region"() ({
        %run_scoped3A = tpu.sem_alloc : memref<!tpu.dma_semaphore, #tpu.memory_space<semaphore_mem>>
        %dma_start3A_79 = arith.constant 0 : i32
        %dma_start3A_80 = arith.constant 0 : i32
        %dma_start3A_81 = tpu.memref_slice %arg9[%dma_start3A_79, %dma_start3A_80] : memref<84x128xi32, #tpu.memory_space<vmem>> -> memref<42x128xi32, #tpu.memory_space<vmem>>
        %dma_start3A_82 = arith.constant 0 : i32
        %dma_start3A_83 = arith.constant 0 : i32
        %dma_start3A_84 = tpu.memref_slice %arg3[%mul3A_68, %dma_start3A_82, %dma_start3A_83] : memref<32x42x128xi32, #tpu.memory_space<hbm>> -> memref<1x42x128xi32, #tpu.memory_space<hbm>>
        %dma_start3A_85 = tpu.memref_squeeze %dma_start3A_84 : memref<1x42x128xi32, #tpu.memory_space<hbm>> -> memref<42x128xi32, #tpu.memory_space<hbm>>
        %dma_start3A_86 = arith.constant 0 : i32
        %dma_start3A_87 = arith.constant 0 : i32
        %dma_start3A_88 = tpu.memref_slice %arg9[%dma_start3A_86, %dma_start3A_87] : memref<84x128xi32, #tpu.memory_space<vmem>> -> memref<42x128xi32, #tpu.memory_space<vmem>>
        %dma_start3A_89 = arith.constant 0 : i32
        %dma_start3A_90 = arith.constant 0 : i32
        %dma_start3A_91 = tpu.memref_slice %arg3[%mul3A_68, %dma_start3A_89, %dma_start3A_90] : memref<32x42x128xi32, #tpu.memory_space<hbm>> -> memref<1x42x128xi32, #tpu.memory_space<hbm>>
        %dma_start3A_92 = tpu.memref_squeeze %dma_start3A_91 : memref<1x42x128xi32, #tpu.memory_space<hbm>> -> memref<42x128xi32, #tpu.memory_space<hbm>>
        tpu.enqueue_dma source(%dma_start3A_92 : memref<42x128xi32, #tpu.memory_space<hbm>>) target(%dma_start3A_88 : memref<42x128xi32, #tpu.memory_space<vmem>>) target_semaphore(%run_scoped3A : memref<!tpu.dma_semaphore, #tpu.memory_space<semaphore_mem>>)
        %dma_wait3A = arith.constant 0 : i32
        %dma_wait3A_93 = arith.constant 0 : i32
        %dma_wait3A_94 = tpu.memref_slice %arg9[%dma_wait3A, %dma_wait3A_93] : memref<84x128xi32, #tpu.memory_space<vmem>> -> memref<42x128xi32, #tpu.memory_space<vmem>>
        %dma_wait3A_95 = arith.constant 0 : i32
        %dma_wait3A_96 = arith.constant 0 : i32
        %dma_wait3A_97 = tpu.memref_slice %arg3[%mul3A_68, %dma_wait3A_95, %dma_wait3A_96] : memref<32x42x128xi32, #tpu.memory_space<hbm>> -> memref<1x42x128xi32, #tpu.memory_space<hbm>>
        %dma_wait3A_98 = tpu.memref_squeeze %dma_wait3A_97 : memref<1x42x128xi32, #tpu.memory_space<hbm>> -> memref<42x128xi32, #tpu.memory_space<hbm>>
        %dma_wait3A_99 = arith.constant 0 : i32
        %dma_wait3A_100 = arith.constant 0 : i32
        %dma_wait3A_101 = tpu.memref_slice %arg9[%dma_wait3A_99, %dma_wait3A_100] : memref<84x128xi32, #tpu.memory_space<vmem>> -> memref<42x128xi32, #tpu.memory_space<vmem>>
        %dma_wait3A_102 = arith.constant 0 : i32
        %dma_wait3A_103 = arith.constant 0 : i32
        %dma_wait3A_104 = tpu.memref_slice %arg3[%mul3A_68, %dma_wait3A_102, %dma_wait3A_103] : memref<32x42x128xi32, #tpu.memory_space<hbm>> -> memref<1x42x128xi32, #tpu.memory_space<hbm>>
        %dma_wait3A_105 = tpu.memref_squeeze %dma_wait3A_104 : memref<1x42x128xi32, #tpu.memory_space<hbm>> -> memref<42x128xi32, #tpu.memory_space<hbm>>
        tpu.wait_dma2 semaphore(%run_scoped3A : memref<!tpu.dma_semaphore, #tpu.memory_space<semaphore_mem>>) src(%dma_wait3A_105 : memref<42x128xi32, #tpu.memory_space<hbm>>) dst(%dma_wait3A_101 : memref<42x128xi32, #tpu.memory_space<vmem>>)
        tpu.yield
      }) : () -> ()
      %mul3A_69 = arith.constant 2 : i32
      %mul3A_70 = arith.muli %mul3A_69, %arg1 : i32
      %add3A_71 = arith.constant 1 : i32
      %add3A_72 = arith.addi %mul3A_70, %add3A_71 : i32
      "tpu.region"() ({
        %run_scoped3A = tpu.sem_alloc : memref<!tpu.dma_semaphore, #tpu.memory_space<semaphore_mem>>
        %dma_start3A_79 = arith.constant 42 : i32
        %dma_start3A_80 = arith.constant 0 : i32
        %dma_start3A_81 = tpu.memref_slice %arg9[%dma_start3A_79, %dma_start3A_80] : memref<84x128xi32, #tpu.memory_space<vmem>> -> memref<42x128xi32, #tpu.memory_space<vmem>>
        %dma_start3A_82 = arith.constant 0 : i32
        %dma_start3A_83 = arith.constant 0 : i32
        %dma_start3A_84 = tpu.memref_slice %arg3[%add3A_72, %dma_start3A_82, %dma_start3A_83] : memref<32x42x128xi32, #tpu.memory_space<hbm>> -> memref<1x42x128xi32, #tpu.memory_space<hbm>>
        %dma_start3A_85 = tpu.memref_squeeze %dma_start3A_84 : memref<1x42x128xi32, #tpu.memory_space<hbm>> -> memref<42x128xi32, #tpu.memory_space<hbm>>
        %dma_start3A_86 = arith.constant 42 : i32
        %dma_start3A_87 = arith.constant 0 : i32
        %dma_start3A_88 = tpu.memref_slice %arg9[%dma_start3A_86, %dma_start3A_87] : memref<84x128xi32, #tpu.memory_space<vmem>> -> memref<42x128xi32, #tpu.memory_space<vmem>>
        %dma_start3A_89 = arith.constant 0 : i32
        %dma_start3A_90 = arith.constant 0 : i32
        %dma_start3A_91 = tpu.memref_slice %arg3[%add3A_72, %dma_start3A_89, %dma_start3A_90] : memref<32x42x128xi32, #tpu.memory_space<hbm>> -> memref<1x42x128xi32, #tpu.memory_space<hbm>>
        %dma_start3A_92 = tpu.memref_squeeze %dma_start3A_91 : memref<1x42x128xi32, #tpu.memory_space<hbm>> -> memref<42x128xi32, #tpu.memory_space<hbm>>
        tpu.enqueue_dma source(%dma_start3A_92 : memref<42x128xi32, #tpu.memory_space<hbm>>) target(%dma_start3A_88 : memref<42x128xi32, #tpu.memory_space<vmem>>) target_semaphore(%run_scoped3A : memref<!tpu.dma_semaphore, #tpu.memory_space<semaphore_mem>>)
        %dma_wait3A = arith.constant 42 : i32
        %dma_wait3A_93 = arith.constant 0 : i32
        %dma_wait3A_94 = tpu.memref_slice %arg9[%dma_wait3A, %dma_wait3A_93] : memref<84x128xi32, #tpu.memory_space<vmem>> -> memref<42x128xi32, #tpu.memory_space<vmem>>
        %dma_wait3A_95 = arith.constant 0 : i32
        %dma_wait3A_96 = arith.constant 0 : i32
        %dma_wait3A_97 = tpu.memref_slice %arg3[%add3A_72, %dma_wait3A_95, %dma_wait3A_96] : memref<32x42x128xi32, #tpu.memory_space<hbm>> -> memref<1x42x128xi32, #tpu.memory_space<hbm>>
        %dma_wait3A_98 = tpu.memref_squeeze %dma_wait3A_97 : memref<1x42x128xi32, #tpu.memory_space<hbm>> -> memref<42x128xi32, #tpu.memory_space<hbm>>
        %dma_wait3A_99 = arith.constant 42 : i32
        %dma_wait3A_100 = arith.constant 0 : i32
        %dma_wait3A_101 = tpu.memref_slice %arg9[%dma_wait3A_99, %dma_wait3A_100] : memref<84x128xi32, #tpu.memory_space<vmem>> -> memref<42x128xi32, #tpu.memory_space<vmem>>
        %dma_wait3A_102 = arith.constant 0 : i32
        %dma_wait3A_103 = arith.constant 0 : i32
        %dma_wait3A_104 = tpu.memref_slice %arg3[%add3A_72, %dma_wait3A_102, %dma_wait3A_103] : memref<32x42x128xi32, #tpu.memory_space<hbm>> -> memref<1x42x128xi32, #tpu.memory_space<hbm>>
        %dma_wait3A_105 = tpu.memref_squeeze %dma_wait3A_104 : memref<1x42x128xi32, #tpu.memory_space<hbm>> -> memref<42x128xi32, #tpu.memory_space<hbm>>
        tpu.wait_dma2 semaphore(%run_scoped3A : memref<!tpu.dma_semaphore, #tpu.memory_space<semaphore_mem>>) src(%dma_wait3A_105 : memref<42x128xi32, #tpu.memory_space<hbm>>) dst(%dma_wait3A_101 : memref<42x128xi32, #tpu.memory_space<vmem>>)
        tpu.yield
      }) : () -> ()
      %mul3A_73 = arith.constant 2 : i32
      %mul3A_74 = arith.muli %mul3A_73, %arg1 : i32
      "tpu.region"() ({
        %run_scoped3A = tpu.sem_alloc : memref<!tpu.dma_semaphore, #tpu.memory_space<semaphore_mem>>
        %dma_start3A_79 = arith.constant 0 : i32
        %dma_start3A_80 = arith.constant 0 : i32
        %dma_start3A_81 = tpu.memref_slice %arg10[%dma_start3A_79, %dma_start3A_80] : memref<84x128xi32, #tpu.memory_space<vmem>> -> memref<42x128xi32, #tpu.memory_space<vmem>>
        %dma_start3A_82 = arith.constant 0 : i32
        %dma_start3A_83 = arith.constant 0 : i32
        %dma_start3A_84 = tpu.memref_slice %arg4[%mul3A_74, %dma_start3A_82, %dma_start3A_83] : memref<32x42x128xi32, #tpu.memory_space<hbm>> -> memref<1x42x128xi32, #tpu.memory_space<hbm>>
        %dma_start3A_85 = tpu.memref_squeeze %dma_start3A_84 : memref<1x42x128xi32, #tpu.memory_space<hbm>> -> memref<42x128xi32, #tpu.memory_space<hbm>>
        %dma_start3A_86 = arith.constant 0 : i32
        %dma_start3A_87 = arith.constant 0 : i32
        %dma_start3A_88 = tpu.memref_slice %arg10[%dma_start3A_86, %dma_start3A_87] : memref<84x128xi32, #tpu.memory_space<vmem>> -> memref<42x128xi32, #tpu.memory_space<vmem>>
        %dma_start3A_89 = arith.constant 0 : i32
        %dma_start3A_90 = arith.constant 0 : i32
        %dma_start3A_91 = tpu.memref_slice %arg4[%mul3A_74, %dma_start3A_89, %dma_start3A_90] : memref<32x42x128xi32, #tpu.memory_space<hbm>> -> memref<1x42x128xi32, #tpu.memory_space<hbm>>
        %dma_start3A_92 = tpu.memref_squeeze %dma_start3A_91 : memref<1x42x128xi32, #tpu.memory_space<hbm>> -> memref<42x128xi32, #tpu.memory_space<hbm>>
        tpu.enqueue_dma source(%dma_start3A_92 : memref<42x128xi32, #tpu.memory_space<hbm>>) target(%dma_start3A_88 : memref<42x128xi32, #tpu.memory_space<vmem>>) target_semaphore(%run_scoped3A : memref<!tpu.dma_semaphore, #tpu.memory_space<semaphore_mem>>)
        %dma_wait3A = arith.constant 0 : i32
        %dma_wait3A_93 = arith.constant 0 : i32
        %dma_wait3A_94 = tpu.memref_slice %arg10[%dma_wait3A, %dma_wait3A_93] : memref<84x128xi32, #tpu.memory_space<vmem>> -> memref<42x128xi32, #tpu.memory_space<vmem>>
        %dma_wait3A_95 = arith.constant 0 : i32
        %dma_wait3A_96 = arith.constant 0 : i32
        %dma_wait3A_97 = tpu.memref_slice %arg4[%mul3A_74, %dma_wait3A_95, %dma_wait3A_96] : memref<32x42x128xi32, #tpu.memory_space<hbm>> -> memref<1x42x128xi32, #tpu.memory_space<hbm>>
        %dma_wait3A_98 = tpu.memref_squeeze %dma_wait3A_97 : memref<1x42x128xi32, #tpu.memory_space<hbm>> -> memref<42x128xi32, #tpu.memory_space<hbm>>
        %dma_wait3A_99 = arith.constant 0 : i32
        %dma_wait3A_100 = arith.constant 0 : i32
        %dma_wait3A_101 = tpu.memref_slice %arg10[%dma_wait3A_99, %dma_wait3A_100] : memref<84x128xi32, #tpu.memory_space<vmem>> -> memref<42x128xi32, #tpu.memory_space<vmem>>
        %dma_wait3A_102 = arith.constant 0 : i32
        %dma_wait3A_103 = arith.constant 0 : i32
        %dma_wait3A_104 = tpu.memref_slice %arg4[%mul3A_74, %dma_wait3A_102, %dma_wait3A_103] : memref<32x42x128xi32, #tpu.memory_space<hbm>> -> memref<1x42x128xi32, #tpu.memory_space<hbm>>
        %dma_wait3A_105 = tpu.memref_squeeze %dma_wait3A_104 : memref<1x42x128xi32, #tpu.memory_space<hbm>> -> memref<42x128xi32, #tpu.memory_space<hbm>>
        tpu.wait_dma2 semaphore(%run_scoped3A : memref<!tpu.dma_semaphore, #tpu.memory_space<semaphore_mem>>) src(%dma_wait3A_105 : memref<42x128xi32, #tpu.memory_space<hbm>>) dst(%dma_wait3A_101 : memref<42x128xi32, #tpu.memory_space<vmem>>)
        tpu.yield
      }) : () -> ()
      %mul3A_75 = arith.constant 2 : i32
      %mul3A_76 = arith.muli %mul3A_75, %arg1 : i32
      %add3A_77 = arith.constant 1 : i32
      %add3A_78 = arith.addi %mul3A_76, %add3A_77 : i32
      "tpu.region"() ({
        %run_scoped3A = tpu.sem_alloc : memref<!tpu.dma_semaphore, #tpu.memory_space<semaphore_mem>>
        %dma_start3A_79 = arith.constant 42 : i32
        %dma_start3A_80 = arith.constant 0 : i32
        %dma_start3A_81 = tpu.memref_slice %arg10[%dma_start3A_79, %dma_start3A_80] : memref<84x128xi32, #tpu.memory_space<vmem>> -> memref<42x128xi32, #tpu.memory_space<vmem>>
        %dma_start3A_82 = arith.constant 0 : i32
        %dma_start3A_83 = arith.constant 0 : i32
        %dma_start3A_84 = tpu.memref_slice %arg4[%add3A_78, %dma_start3A_82, %dma_start3A_83] : memref<32x42x128xi32, #tpu.memory_space<hbm>> -> memref<1x42x128xi32, #tpu.memory_space<hbm>>
        %dma_start3A_85 = tpu.memref_squeeze %dma_start3A_84 : memref<1x42x128xi32, #tpu.memory_space<hbm>> -> memref<42x128xi32, #tpu.memory_space<hbm>>
        %dma_start3A_86 = arith.constant 42 : i32
        %dma_start3A_87 = arith.constant 0 : i32
        %dma_start3A_88 = tpu.memref_slice %arg10[%dma_start3A_86, %dma_start3A_87] : memref<84x128xi32, #tpu.memory_space<vmem>> -> memref<42x128xi32, #tpu.memory_space<vmem>>
        %dma_start3A_89 = arith.constant 0 : i32
        %dma_start3A_90 = arith.constant 0 : i32
        %dma_start3A_91 = tpu.memref_slice %arg4[%add3A_78, %dma_start3A_89, %dma_start3A_90] : memref<32x42x128xi32, #tpu.memory_space<hbm>> -> memref<1x42x128xi32, #tpu.memory_space<hbm>>
        %dma_start3A_92 = tpu.memref_squeeze %dma_start3A_91 : memref<1x42x128xi32, #tpu.memory_space<hbm>> -> memref<42x128xi32, #tpu.memory_space<hbm>>
        tpu.enqueue_dma source(%dma_start3A_92 : memref<42x128xi32, #tpu.memory_space<hbm>>) target(%dma_start3A_88 : memref<42x128xi32, #tpu.memory_space<vmem>>) target_semaphore(%run_scoped3A : memref<!tpu.dma_semaphore, #tpu.memory_space<semaphore_mem>>)
        %dma_wait3A = arith.constant 42 : i32
        %dma_wait3A_93 = arith.constant 0 : i32
        %dma_wait3A_94 = tpu.memref_slice %arg10[%dma_wait3A, %dma_wait3A_93] : memref<84x128xi32, #tpu.memory_space<vmem>> -> memref<42x128xi32, #tpu.memory_space<vmem>>
        %dma_wait3A_95 = arith.constant 0 : i32
        %dma_wait3A_96 = arith.constant 0 : i32
        %dma_wait3A_97 = tpu.memref_slice %arg4[%add3A_78, %dma_wait3A_95, %dma_wait3A_96] : memref<32x42x128xi32, #tpu.memory_space<hbm>> -> memref<1x42x128xi32, #tpu.memory_space<hbm>>
        %dma_wait3A_98 = tpu.memref_squeeze %dma_wait3A_97 : memref<1x42x128xi32, #tpu.memory_space<hbm>> -> memref<42x128xi32, #tpu.memory_space<hbm>>
        %dma_wait3A_99 = arith.constant 42 : i32
        %dma_wait3A_100 = arith.constant 0 : i32
        %dma_wait3A_101 = tpu.memref_slice %arg10[%dma_wait3A_99, %dma_wait3A_100] : memref<84x128xi32, #tpu.memory_space<vmem>> -> memref<42x128xi32, #tpu.memory_space<vmem>>
        %dma_wait3A_102 = arith.constant 0 : i32
        %dma_wait3A_103 = arith.constant 0 : i32
        %dma_wait3A_104 = tpu.memref_slice %arg4[%add3A_78, %dma_wait3A_102, %dma_wait3A_103] : memref<32x42x128xi32, #tpu.memory_space<hbm>> -> memref<1x42x128xi32, #tpu.memory_space<hbm>>
        %dma_wait3A_105 = tpu.memref_squeeze %dma_wait3A_104 : memref<1x42x128xi32, #tpu.memory_space<hbm>> -> memref<42x128xi32, #tpu.memory_space<hbm>>
        tpu.wait_dma2 semaphore(%run_scoped3A : memref<!tpu.dma_semaphore, #tpu.memory_space<semaphore_mem>>) src(%dma_wait3A_105 : memref<42x128xi32, #tpu.memory_space<hbm>>) dst(%dma_wait3A_101 : memref<42x128xi32, #tpu.memory_space<vmem>>)
        tpu.yield
      }) : () -> ()
    } else {
    }
    %eq3A_2 = arith.constant 1 : i32
    %eq3A_3 = arith.cmpi eq, %arg0, %eq3A_2 : i32
    %convert_element_type3A_4 = arith.extui %eq3A_3 : i1 to i32
    %cond3A_5 = arith.constant 0 : i32
    %cond3A_6 = arith.cmpi ne, %convert_element_type3A_4, %cond3A_5 : i32
    scf.if %cond3A_6 {
      %mul3A_67 = arith.constant 2 : i32
      %mul3A_68 = arith.muli %mul3A_67, %arg1 : i32
      "tpu.region"() ({
        %run_scoped3A = tpu.sem_alloc : memref<!tpu.dma_semaphore, #tpu.memory_space<semaphore_mem>>
        %dma_start3A_79 = arith.constant 0 : i32
        %dma_start3A_80 = arith.constant 0 : i32
        %dma_start3A_81 = tpu.memref_slice %arg9[%dma_start3A_79, %dma_start3A_80] : memref<84x128xi32, #tpu.memory_space<vmem>> -> memref<42x128xi32, #tpu.memory_space<vmem>>
        %dma_start3A_82 = arith.constant 0 : i32
        %dma_start3A_83 = arith.constant 0 : i32
        %dma_start3A_84 = tpu.memref_slice %arg5[%mul3A_68, %dma_start3A_82, %dma_start3A_83] : memref<32x42x128xi32, #tpu.memory_space<hbm>> -> memref<1x42x128xi32, #tpu.memory_space<hbm>>
        %dma_start3A_85 = tpu.memref_squeeze %dma_start3A_84 : memref<1x42x128xi32, #tpu.memory_space<hbm>> -> memref<42x128xi32, #tpu.memory_space<hbm>>
        %dma_start3A_86 = arith.constant 0 : i32
        %dma_start3A_87 = arith.constant 0 : i32
        %dma_start3A_88 = tpu.memref_slice %arg9[%dma_start3A_86, %dma_start3A_87] : memref<84x128xi32, #tpu.memory_space<vmem>> -> memref<42x128xi32, #tpu.memory_space<vmem>>
        %dma_start3A_89 = arith.constant 0 : i32
        %dma_start3A_90 = arith.constant 0 : i32
        %dma_start3A_91 = tpu.memref_slice %arg5[%mul3A_68, %dma_start3A_89, %dma_start3A_90] : memref<32x42x128xi32, #tpu.memory_space<hbm>> -> memref<1x42x128xi32, #tpu.memory_space<hbm>>
        %dma_start3A_92 = tpu.memref_squeeze %dma_start3A_91 : memref<1x42x128xi32, #tpu.memory_space<hbm>> -> memref<42x128xi32, #tpu.memory_space<hbm>>
        tpu.enqueue_dma source(%dma_start3A_92 : memref<42x128xi32, #tpu.memory_space<hbm>>) target(%dma_start3A_88 : memref<42x128xi32, #tpu.memory_space<vmem>>) target_semaphore(%run_scoped3A : memref<!tpu.dma_semaphore, #tpu.memory_space<semaphore_mem>>)
        %dma_wait3A = arith.constant 0 : i32
        %dma_wait3A_93 = arith.constant 0 : i32
        %dma_wait3A_94 = tpu.memref_slice %arg9[%dma_wait3A, %dma_wait3A_93] : memref<84x128xi32, #tpu.memory_space<vmem>> -> memref<42x128xi32, #tpu.memory_space<vmem>>
        %dma_wait3A_95 = arith.constant 0 : i32
        %dma_wait3A_96 = arith.constant 0 : i32
        %dma_wait3A_97 = tpu.memref_slice %arg5[%mul3A_68, %dma_wait3A_95, %dma_wait3A_96] : memref<32x42x128xi32, #tpu.memory_space<hbm>> -> memref<1x42x128xi32, #tpu.memory_space<hbm>>
        %dma_wait3A_98 = tpu.memref_squeeze %dma_wait3A_97 : memref<1x42x128xi32, #tpu.memory_space<hbm>> -> memref<42x128xi32, #tpu.memory_space<hbm>>
        %dma_wait3A_99 = arith.constant 0 : i32
        %dma_wait3A_100 = arith.constant 0 : i32
        %dma_wait3A_101 = tpu.memref_slice %arg9[%dma_wait3A_99, %dma_wait3A_100] : memref<84x128xi32, #tpu.memory_space<vmem>> -> memref<42x128xi32, #tpu.memory_space<vmem>>
        %dma_wait3A_102 = arith.constant 0 : i32
        %dma_wait3A_103 = arith.constant 0 : i32
        %dma_wait3A_104 = tpu.memref_slice %arg5[%mul3A_68, %dma_wait3A_102, %dma_wait3A_103] : memref<32x42x128xi32, #tpu.memory_space<hbm>> -> memref<1x42x128xi32, #tpu.memory_space<hbm>>
        %dma_wait3A_105 = tpu.memref_squeeze %dma_wait3A_104 : memref<1x42x128xi32, #tpu.memory_space<hbm>> -> memref<42x128xi32, #tpu.memory_space<hbm>>
        tpu.wait_dma2 semaphore(%run_scoped3A : memref<!tpu.dma_semaphore, #tpu.memory_space<semaphore_mem>>) src(%dma_wait3A_105 : memref<42x128xi32, #tpu.memory_space<hbm>>) dst(%dma_wait3A_101 : memref<42x128xi32, #tpu.memory_space<vmem>>)
        tpu.yield
      }) : () -> ()
      %mul3A_69 = arith.constant 2 : i32
      %mul3A_70 = arith.muli %mul3A_69, %arg1 : i32
      %add3A_71 = arith.constant 1 : i32
      %add3A_72 = arith.addi %mul3A_70, %add3A_71 : i32
      "tpu.region"() ({
        %run_scoped3A = tpu.sem_alloc : memref<!tpu.dma_semaphore, #tpu.memory_space<semaphore_mem>>
        %dma_start3A_79 = arith.constant 42 : i32
        %dma_start3A_80 = arith.constant 0 : i32
        %dma_start3A_81 = tpu.memref_slice %arg9[%dma_start3A_79, %dma_start3A_80] : memref<84x128xi32, #tpu.memory_space<vmem>> -> memref<42x128xi32, #tpu.memory_space<vmem>>
        %dma_start3A_82 = arith.constant 0 : i32
        %dma_start3A_83 = arith.constant 0 : i32
        %dma_start3A_84 = tpu.memref_slice %arg5[%add3A_72, %dma_start3A_82, %dma_start3A_83] : memref<32x42x128xi32, #tpu.memory_space<hbm>> -> memref<1x42x128xi32, #tpu.memory_space<hbm>>
        %dma_start3A_85 = tpu.memref_squeeze %dma_start3A_84 : memref<1x42x128xi32, #tpu.memory_space<hbm>> -> memref<42x128xi32, #tpu.memory_space<hbm>>
        %dma_start3A_86 = arith.constant 42 : i32
        %dma_start3A_87 = arith.constant 0 : i32
        %dma_start3A_88 = tpu.memref_slice %arg9[%dma_start3A_86, %dma_start3A_87] : memref<84x128xi32, #tpu.memory_space<vmem>> -> memref<42x128xi32, #tpu.memory_space<vmem>>
        %dma_start3A_89 = arith.constant 0 : i32
        %dma_start3A_90 = arith.constant 0 : i32
        %dma_start3A_91 = tpu.memref_slice %arg5[%add3A_72, %dma_start3A_89, %dma_start3A_90] : memref<32x42x128xi32, #tpu.memory_space<hbm>> -> memref<1x42x128xi32, #tpu.memory_space<hbm>>
        %dma_start3A_92 = tpu.memref_squeeze %dma_start3A_91 : memref<1x42x128xi32, #tpu.memory_space<hbm>> -> memref<42x128xi32, #tpu.memory_space<hbm>>
        tpu.enqueue_dma source(%dma_start3A_92 : memref<42x128xi32, #tpu.memory_space<hbm>>) target(%dma_start3A_88 : memref<42x128xi32, #tpu.memory_space<vmem>>) target_semaphore(%run_scoped3A : memref<!tpu.dma_semaphore, #tpu.memory_space<semaphore_mem>>)
        %dma_wait3A = arith.constant 42 : i32
        %dma_wait3A_93 = arith.constant 0 : i32
        %dma_wait3A_94 = tpu.memref_slice %arg9[%dma_wait3A, %dma_wait3A_93] : memref<84x128xi32, #tpu.memory_space<vmem>> -> memref<42x128xi32, #tpu.memory_space<vmem>>
        %dma_wait3A_95 = arith.constant 0 : i32
        %dma_wait3A_96 = arith.constant 0 : i32
        %dma_wait3A_97 = tpu.memref_slice %arg5[%add3A_72, %dma_wait3A_95, %dma_wait3A_96] : memref<32x42x128xi32, #tpu.memory_space<hbm>> -> memref<1x42x128xi32, #tpu.memory_space<hbm>>
        %dma_wait3A_98 = tpu.memref_squeeze %dma_wait3A_97 : memref<1x42x128xi32, #tpu.memory_space<hbm>> -> memref<42x128xi32, #tpu.memory_space<hbm>>
        %dma_wait3A_99 = arith.constant 42 : i32
        %dma_wait3A_100 = arith.constant 0 : i32
        %dma_wait3A_101 = tpu.memref_slice %arg9[%dma_wait3A_99, %dma_wait3A_100] : memref<84x128xi32, #tpu.memory_space<vmem>> -> memref<42x128xi32, #tpu.memory_space<vmem>>
        %dma_wait3A_102 = arith.constant 0 : i32
        %dma_wait3A_103 = arith.constant 0 : i32
        %dma_wait3A_104 = tpu.memref_slice %arg5[%add3A_72, %dma_wait3A_102, %dma_wait3A_103] : memref<32x42x128xi32, #tpu.memory_space<hbm>> -> memref<1x42x128xi32, #tpu.memory_space<hbm>>
        %dma_wait3A_105 = tpu.memref_squeeze %dma_wait3A_104 : memref<1x42x128xi32, #tpu.memory_space<hbm>> -> memref<42x128xi32, #tpu.memory_space<hbm>>
        tpu.wait_dma2 semaphore(%run_scoped3A : memref<!tpu.dma_semaphore, #tpu.memory_space<semaphore_mem>>) src(%dma_wait3A_105 : memref<42x128xi32, #tpu.memory_space<hbm>>) dst(%dma_wait3A_101 : memref<42x128xi32, #tpu.memory_space<vmem>>)
        tpu.yield
      }) : () -> ()
      %mul3A_73 = arith.constant 2 : i32
      %mul3A_74 = arith.muli %mul3A_73, %arg1 : i32
      "tpu.region"() ({
        %run_scoped3A = tpu.sem_alloc : memref<!tpu.dma_semaphore, #tpu.memory_space<semaphore_mem>>
        %dma_start3A_79 = arith.constant 0 : i32
        %dma_start3A_80 = arith.constant 0 : i32
        %dma_start3A_81 = tpu.memref_slice %arg10[%dma_start3A_79, %dma_start3A_80] : memref<84x128xi32, #tpu.memory_space<vmem>> -> memref<42x128xi32, #tpu.memory_space<vmem>>
        %dma_start3A_82 = arith.constant 0 : i32
        %dma_start3A_83 = arith.constant 0 : i32
        %dma_start3A_84 = tpu.memref_slice %arg6[%mul3A_74, %dma_start3A_82, %dma_start3A_83] : memref<32x42x128xi32, #tpu.memory_space<hbm>> -> memref<1x42x128xi32, #tpu.memory_space<hbm>>
        %dma_start3A_85 = tpu.memref_squeeze %dma_start3A_84 : memref<1x42x128xi32, #tpu.memory_space<hbm>> -> memref<42x128xi32, #tpu.memory_space<hbm>>
        %dma_start3A_86 = arith.constant 0 : i32
        %dma_start3A_87 = arith.constant 0 : i32
        %dma_start3A_88 = tpu.memref_slice %arg10[%dma_start3A_86, %dma_start3A_87] : memref<84x128xi32, #tpu.memory_space<vmem>> -> memref<42x128xi32, #tpu.memory_space<vmem>>
        %dma_start3A_89 = arith.constant 0 : i32
        %dma_start3A_90 = arith.constant 0 : i32
        %dma_start3A_91 = tpu.memref_slice %arg6[%mul3A_74, %dma_start3A_89, %dma_start3A_90] : memref<32x42x128xi32, #tpu.memory_space<hbm>> -> memref<1x42x128xi32, #tpu.memory_space<hbm>>
        %dma_start3A_92 = tpu.memref_squeeze %dma_start3A_91 : memref<1x42x128xi32, #tpu.memory_space<hbm>> -> memref<42x128xi32, #tpu.memory_space<hbm>>
        tpu.enqueue_dma source(%dma_start3A_92 : memref<42x128xi32, #tpu.memory_space<hbm>>) target(%dma_start3A_88 : memref<42x128xi32, #tpu.memory_space<vmem>>) target_semaphore(%run_scoped3A : memref<!tpu.dma_semaphore, #tpu.memory_space<semaphore_mem>>)
        %dma_wait3A = arith.constant 0 : i32
        %dma_wait3A_93 = arith.constant 0 : i32
        %dma_wait3A_94 = tpu.memref_slice %arg10[%dma_wait3A, %dma_wait3A_93] : memref<84x128xi32, #tpu.memory_space<vmem>> -> memref<42x128xi32, #tpu.memory_space<vmem>>
        %dma_wait3A_95 = arith.constant 0 : i32
        %dma_wait3A_96 = arith.constant 0 : i32
        %dma_wait3A_97 = tpu.memref_slice %arg6[%mul3A_74, %dma_wait3A_95, %dma_wait3A_96] : memref<32x42x128xi32, #tpu.memory_space<hbm>> -> memref<1x42x128xi32, #tpu.memory_space<hbm>>
        %dma_wait3A_98 = tpu.memref_squeeze %dma_wait3A_97 : memref<1x42x128xi32, #tpu.memory_space<hbm>> -> memref<42x128xi32, #tpu.memory_space<hbm>>
        %dma_wait3A_99 = arith.constant 0 : i32
        %dma_wait3A_100 = arith.constant 0 : i32
        %dma_wait3A_101 = tpu.memref_slice %arg10[%dma_wait3A_99, %dma_wait3A_100] : memref<84x128xi32, #tpu.memory_space<vmem>> -> memref<42x128xi32, #tpu.memory_space<vmem>>
        %dma_wait3A_102 = arith.constant 0 : i32
        %dma_wait3A_103 = arith.constant 0 : i32
        %dma_wait3A_104 = tpu.memref_slice %arg6[%mul3A_74, %dma_wait3A_102, %dma_wait3A_103] : memref<32x42x128xi32, #tpu.memory_space<hbm>> -> memref<1x42x128xi32, #tpu.memory_space<hbm>>
        %dma_wait3A_105 = tpu.memref_squeeze %dma_wait3A_104 : memref<1x42x128xi32, #tpu.memory_space<hbm>> -> memref<42x128xi32, #tpu.memory_space<hbm>>
        tpu.wait_dma2 semaphore(%run_scoped3A : memref<!tpu.dma_semaphore, #tpu.memory_space<semaphore_mem>>) src(%dma_wait3A_105 : memref<42x128xi32, #tpu.memory_space<hbm>>) dst(%dma_wait3A_101 : memref<42x128xi32, #tpu.memory_space<vmem>>)
        tpu.yield
      }) : () -> ()
      %mul3A_75 = arith.constant 2 : i32
      %mul3A_76 = arith.muli %mul3A_75, %arg1 : i32
      %add3A_77 = arith.constant 1 : i32
      %add3A_78 = arith.addi %mul3A_76, %add3A_77 : i32
      "tpu.region"() ({
        %run_scoped3A = tpu.sem_alloc : memref<!tpu.dma_semaphore, #tpu.memory_space<semaphore_mem>>
        %dma_start3A_79 = arith.constant 42 : i32
        %dma_start3A_80 = arith.constant 0 : i32
        %dma_start3A_81 = tpu.memref_slice %arg10[%dma_start3A_79, %dma_start3A_80] : memref<84x128xi32, #tpu.memory_space<vmem>> -> memref<42x128xi32, #tpu.memory_space<vmem>>
        %dma_start3A_82 = arith.constant 0 : i32
        %dma_start3A_83 = arith.constant 0 : i32
        %dma_start3A_84 = tpu.memref_slice %arg6[%add3A_78, %dma_start3A_82, %dma_start3A_83] : memref<32x42x128xi32, #tpu.memory_space<hbm>> -> memref<1x42x128xi32, #tpu.memory_space<hbm>>
        %dma_start3A_85 = tpu.memref_squeeze %dma_start3A_84 : memref<1x42x128xi32, #tpu.memory_space<hbm>> -> memref<42x128xi32, #tpu.memory_space<hbm>>
        %dma_start3A_86 = arith.constant 42 : i32
        %dma_start3A_87 = arith.constant 0 : i32
        %dma_start3A_88 = tpu.memref_slice %arg10[%dma_start3A_86, %dma_start3A_87] : memref<84x128xi32, #tpu.memory_space<vmem>> -> memref<42x128xi32, #tpu.memory_space<vmem>>
        %dma_start3A_89 = arith.constant 0 : i32
        %dma_start3A_90 = arith.constant 0 : i32
        %dma_start3A_91 = tpu.memref_slice %arg6[%add3A_78, %dma_start3A_89, %dma_start3A_90] : memref<32x42x128xi32, #tpu.memory_space<hbm>> -> memref<1x42x128xi32, #tpu.memory_space<hbm>>
        %dma_start3A_92 = tpu.memref_squeeze %dma_start3A_91 : memref<1x42x128xi32, #tpu.memory_space<hbm>> -> memref<42x128xi32, #tpu.memory_space<hbm>>
        tpu.enqueue_dma source(%dma_start3A_92 : memref<42x128xi32, #tpu.memory_space<hbm>>) target(%dma_start3A_88 : memref<42x128xi32, #tpu.memory_space<vmem>>) target_semaphore(%run_scoped3A : memref<!tpu.dma_semaphore, #tpu.memory_space<semaphore_mem>>)
        %dma_wait3A = arith.constant 42 : i32
        %dma_wait3A_93 = arith.constant 0 : i32
        %dma_wait3A_94 = tpu.memref_slice %arg10[%dma_wait3A, %dma_wait3A_93] : memref<84x128xi32, #tpu.memory_space<vmem>> -> memref<42x128xi32, #tpu.memory_space<vmem>>
        %dma_wait3A_95 = arith.constant 0 : i32
        %dma_wait3A_96 = arith.constant 0 : i32
        %dma_wait3A_97 = tpu.memref_slice %arg6[%add3A_78, %dma_wait3A_95, %dma_wait3A_96] : memref<32x42x128xi32, #tpu.memory_space<hbm>> -> memref<1x42x128xi32, #tpu.memory_space<hbm>>
        %dma_wait3A_98 = tpu.memref_squeeze %dma_wait3A_97 : memref<1x42x128xi32, #tpu.memory_space<hbm>> -> memref<42x128xi32, #tpu.memory_space<hbm>>
        %dma_wait3A_99 = arith.constant 42 : i32
        %dma_wait3A_100 = arith.constant 0 : i32
        %dma_wait3A_101 = tpu.memref_slice %arg10[%dma_wait3A_99, %dma_wait3A_100] : memref<84x128xi32, #tpu.memory_space<vmem>> -> memref<42x128xi32, #tpu.memory_space<vmem>>
        %dma_wait3A_102 = arith.constant 0 : i32
        %dma_wait3A_103 = arith.constant 0 : i32
        %dma_wait3A_104 = tpu.memref_slice %arg6[%add3A_78, %dma_wait3A_102, %dma_wait3A_103] : memref<32x42x128xi32, #tpu.memory_space<hbm>> -> memref<1x42x128xi32, #tpu.memory_space<hbm>>
        %dma_wait3A_105 = tpu.memref_squeeze %dma_wait3A_104 : memref<1x42x128xi32, #tpu.memory_space<hbm>> -> memref<42x128xi32, #tpu.memory_space<hbm>>
        tpu.wait_dma2 semaphore(%run_scoped3A : memref<!tpu.dma_semaphore, #tpu.memory_space<semaphore_mem>>) src(%dma_wait3A_105 : memref<42x128xi32, #tpu.memory_space<hbm>>) dst(%dma_wait3A_101 : memref<42x128xi32, #tpu.memory_space<vmem>>)
        tpu.yield
      }) : () -> ()
    } else {
    }
    %mul3A = arith.constant 312 : i32
    %mul3A_7 = arith.muli %arg1, %mul3A : i32
    %add3A = arith.constant 0 : i32
    %add3A_8 = arith.addi %mul3A_7, %add3A : i32
    "tpu.region"() ({
      %run_scoped3A = tpu.sem_alloc : memref<!tpu.dma_semaphore, #tpu.memory_space<semaphore_mem>>
      %dma_start3A_67 = arith.constant 0 : i32
      %dma_start3A_68 = tpu.memref_slice %arg15[%add3A_8, %dma_start3A_67] : memref<5008x128xf32, #tpu.memory_space<vmem_shared>> -> memref<104x128xf32, #tpu.memory_space<vmem_shared>>
      tpu.enqueue_dma source(%arg7 : memref<104x128xf32, #tpu.memory_space<hbm>>) target(%dma_start3A_68 : memref<104x128xf32, #tpu.memory_space<vmem_shared>>) target_semaphore(%run_scoped3A : memref<!tpu.dma_semaphore, #tpu.memory_space<semaphore_mem>>)
      %dma_wait3A = arith.constant 0 : i32
      %dma_wait3A_69 = tpu.memref_slice %arg15[%add3A_8, %dma_wait3A] : memref<5008x128xf32, #tpu.memory_space<vmem_shared>> -> memref<104x128xf32, #tpu.memory_space<vmem_shared>>
      tpu.wait_dma2 semaphore(%run_scoped3A : memref<!tpu.dma_semaphore, #tpu.memory_space<semaphore_mem>>) src(%arg7 : memref<104x128xf32, #tpu.memory_space<hbm>>) dst(%dma_wait3A_69 : memref<104x128xf32, #tpu.memory_space<vmem_shared>>)
      tpu.yield
    }) : () -> ()
    %mul3A_9 = arith.constant 312 : i32
    %mul3A_10 = arith.muli %arg1, %mul3A_9 : i32
    %add3A_11 = arith.constant 104 : i32
    %add3A_12 = arith.addi %mul3A_10, %add3A_11 : i32
    "tpu.region"() ({
      %run_scoped3A = tpu.sem_alloc : memref<!tpu.dma_semaphore, #tpu.memory_space<semaphore_mem>>
      %dma_start3A_67 = arith.constant 0 : i32
      %dma_start3A_68 = tpu.memref_slice %arg15[%add3A_12, %dma_start3A_67] : memref<5008x128xf32, #tpu.memory_space<vmem_shared>> -> memref<104x128xf32, #tpu.memory_space<vmem_shared>>
      tpu.enqueue_dma source(%arg7 : memref<104x128xf32, #tpu.memory_space<hbm>>) target(%dma_start3A_68 : memref<104x128xf32, #tpu.memory_space<vmem_shared>>) target_semaphore(%run_scoped3A : memref<!tpu.dma_semaphore, #tpu.memory_space<semaphore_mem>>)
      %dma_wait3A = arith.constant 0 : i32
      %dma_wait3A_69 = tpu.memref_slice %arg15[%add3A_12, %dma_wait3A] : memref<5008x128xf32, #tpu.memory_space<vmem_shared>> -> memref<104x128xf32, #tpu.memory_space<vmem_shared>>
      tpu.wait_dma2 semaphore(%run_scoped3A : memref<!tpu.dma_semaphore, #tpu.memory_space<semaphore_mem>>) src(%arg7 : memref<104x128xf32, #tpu.memory_space<hbm>>) dst(%dma_wait3A_69 : memref<104x128xf32, #tpu.memory_space<vmem_shared>>)
      tpu.yield
    }) : () -> ()
    %mul3A_13 = arith.constant 312 : i32
    %mul3A_14 = arith.muli %arg1, %mul3A_13 : i32
    %add3A_15 = arith.constant 208 : i32
    %add3A_16 = arith.addi %mul3A_14, %add3A_15 : i32
    "tpu.region"() ({
      %run_scoped3A = tpu.sem_alloc : memref<!tpu.dma_semaphore, #tpu.memory_space<semaphore_mem>>
      %dma_start3A_67 = arith.constant 0 : i32
      %dma_start3A_68 = tpu.memref_slice %arg15[%add3A_16, %dma_start3A_67] : memref<5008x128xf32, #tpu.memory_space<vmem_shared>> -> memref<104x128xf32, #tpu.memory_space<vmem_shared>>
      tpu.enqueue_dma source(%arg7 : memref<104x128xf32, #tpu.memory_space<hbm>>) target(%dma_start3A_68 : memref<104x128xf32, #tpu.memory_space<vmem_shared>>) target_semaphore(%run_scoped3A : memref<!tpu.dma_semaphore, #tpu.memory_space<semaphore_mem>>)
      %dma_wait3A = arith.constant 0 : i32
      %dma_wait3A_69 = tpu.memref_slice %arg15[%add3A_16, %dma_wait3A] : memref<5008x128xf32, #tpu.memory_space<vmem_shared>> -> memref<104x128xf32, #tpu.memory_space<vmem_shared>>
      tpu.wait_dma2 semaphore(%run_scoped3A : memref<!tpu.dma_semaphore, #tpu.memory_space<semaphore_mem>>) src(%arg7 : memref<104x128xf32, #tpu.memory_space<hbm>>) dst(%dma_wait3A_69 : memref<104x128xf32, #tpu.memory_space<vmem_shared>>)
      tpu.yield
    }) : () -> ()
    %eq3A_17 = arith.constant 15 : i32
    %eq3A_18 = arith.cmpi eq, %arg1, %eq3A_17 : i32
    %convert_element_type3A_19 = arith.extui %eq3A_18 : i1 to i32
    %cond3A_20 = arith.constant 0 : i32
    %cond3A_21 = arith.cmpi ne, %convert_element_type3A_19, %cond3A_20 : i32
    scf.if %cond3A_21 {
      "tpu.region"() ({
        %run_scoped3A = tpu.sem_alloc : memref<!tpu.dma_semaphore, #tpu.memory_space<semaphore_mem>>
        %dma_start3A_67 = arith.constant 4992 : i32
        %dma_start3A_68 = arith.constant 0 : i32
        %dma_start3A_69 = tpu.memref_slice %arg15[%dma_start3A_67, %dma_start3A_68] : memref<5008x128xf32, #tpu.memory_space<vmem_shared>> -> memref<16x128xf32, #tpu.memory_space<vmem_shared>>
        %dma_start3A_70 = arith.constant 0 : i32
        %dma_start3A_71 = arith.constant 0 : i32
        %dma_start3A_72 = tpu.memref_slice %arg7[%dma_start3A_70, %dma_start3A_71] : memref<104x128xf32, #tpu.memory_space<hbm>> -> memref<16x128xf32, #tpu.memory_space<hbm>>
        tpu.enqueue_dma source(%dma_start3A_72 : memref<16x128xf32, #tpu.memory_space<hbm>>) target(%dma_start3A_69 : memref<16x128xf32, #tpu.memory_space<vmem_shared>>) target_semaphore(%run_scoped3A : memref<!tpu.dma_semaphore, #tpu.memory_space<semaphore_mem>>)
        %dma_wait3A = arith.constant 4992 : i32
        %dma_wait3A_73 = arith.constant 0 : i32
        %dma_wait3A_74 = tpu.memref_slice %arg15[%dma_wait3A, %dma_wait3A_73] : memref<5008x128xf32, #tpu.memory_space<vmem_shared>> -> memref<16x128xf32, #tpu.memory_space<vmem_shared>>
        %dma_wait3A_75 = arith.constant 0 : i32
        %dma_wait3A_76 = arith.constant 0 : i32
        %dma_wait3A_77 = tpu.memref_slice %arg7[%dma_wait3A_75, %dma_wait3A_76] : memref<104x128xf32, #tpu.memory_space<hbm>> -> memref<16x128xf32, #tpu.memory_space<hbm>>
        tpu.wait_dma2 semaphore(%run_scoped3A : memref<!tpu.dma_semaphore, #tpu.memory_space<semaphore_mem>>) src(%dma_wait3A_77 : memref<16x128xf32, #tpu.memory_space<hbm>>) dst(%dma_wait3A_74 : memref<16x128xf32, #tpu.memory_space<vmem_shared>>)
        tpu.yield
      }) : () -> ()
    } else {
    }
    %barrier3A = arith.constant 0 : index
    tpu.barrier barrier_id(%barrier3A)
    %dma_start3A = arith.constant 0 : i32
    %dma_start3A_22 = arith.constant 0 : i32
    %dma_start3A_23 = tpu.memref_slice %arg9[%dma_start3A, %dma_start3A_22] : memref<84x128xi32, #tpu.memory_space<vmem>> -> memref<1x128xi32, #tpu.memory_space<vmem>>
    %dma_start3A_24 = tpu.memref_squeeze %dma_start3A_23 : memref<1x128xi32, #tpu.memory_space<vmem>> -> memref<128xi32, #tpu.memory_space<vmem>>
    %dma_start3A_25 = arith.constant 0 : i32
    %dma_start3A_26 = arith.constant 0 : i32
    %dma_start3A_27 = tpu.memref_slice %arg2[%dma_start3A_25, %dma_start3A_26] : memref<10000x128xf32, #tpu.memory_space<hbm>> -> memref<10000x128xf32, #tpu.memory_space<hbm>>
    tpu.enqueue_indirect_dma source(%dma_start3A_27 : memref<10000x128xf32, #tpu.memory_space<hbm>>) target(%arg11 : memref<128x128xf32, #tpu.memory_space<vmem>>) offsets(%dma_start3A_24 : memref<128xi32, #tpu.memory_space<vmem>>) semaphore(%arg16 : memref<!tpu.dma_semaphore, #tpu.memory_space<semaphore_mem>>)
    %dma_start3A_28 = arith.constant 1 : i32
    %dma_start3A_29 = arith.constant 0 : i32
    %dma_start3A_30 = tpu.memref_slice %arg9[%dma_start3A_28, %dma_start3A_29] : memref<84x128xi32, #tpu.memory_space<vmem>> -> memref<1x128xi32, #tpu.memory_space<vmem>>
    %dma_start3A_31 = tpu.memref_squeeze %dma_start3A_30 : memref<1x128xi32, #tpu.memory_space<vmem>> -> memref<128xi32, #tpu.memory_space<vmem>>
    %dma_start3A_32 = arith.constant 0 : i32
    %dma_start3A_33 = arith.constant 0 : i32
    %dma_start3A_34 = tpu.memref_slice %arg2[%dma_start3A_32, %dma_start3A_33] : memref<10000x128xf32, #tpu.memory_space<hbm>> -> memref<10000x128xf32, #tpu.memory_space<hbm>>
    tpu.enqueue_indirect_dma source(%dma_start3A_34 : memref<10000x128xf32, #tpu.memory_space<hbm>>) target(%arg12 : memref<128x128xf32, #tpu.memory_space<vmem>>) offsets(%dma_start3A_31 : memref<128xi32, #tpu.memory_space<vmem>>) semaphore(%arg17 : memref<!tpu.dma_semaphore, #tpu.memory_space<semaphore_mem>>)
    %dma_start3A_35 = arith.constant 2 : i32
    %dma_start3A_36 = arith.constant 0 : i32
    %dma_start3A_37 = tpu.memref_slice %arg9[%dma_start3A_35, %dma_start3A_36] : memref<84x128xi32, #tpu.memory_space<vmem>> -> memref<1x128xi32, #tpu.memory_space<vmem>>
    %dma_start3A_38 = tpu.memref_squeeze %dma_start3A_37 : memref<1x128xi32, #tpu.memory_space<vmem>> -> memref<128xi32, #tpu.memory_space<vmem>>
    %dma_start3A_39 = arith.constant 0 : i32
    %dma_start3A_40 = arith.constant 0 : i32
    %dma_start3A_41 = tpu.memref_slice %arg2[%dma_start3A_39, %dma_start3A_40] : memref<10000x128xf32, #tpu.memory_space<hbm>> -> memref<10000x128xf32, #tpu.memory_space<hbm>>
    tpu.enqueue_indirect_dma source(%dma_start3A_41 : memref<10000x128xf32, #tpu.memory_space<hbm>>) target(%arg13 : memref<128x128xf32, #tpu.memory_space<vmem>>) offsets(%dma_start3A_38 : memref<128xi32, #tpu.memory_space<vmem>>) semaphore(%arg18 : memref<!tpu.dma_semaphore, #tpu.memory_space<semaphore_mem>>)
    %dma_start3A_42 = arith.constant 3 : i32
    %dma_start3A_43 = arith.constant 0 : i32
    %dma_start3A_44 = tpu.memref_slice %arg9[%dma_start3A_42, %dma_start3A_43] : memref<84x128xi32, #tpu.memory_space<vmem>> -> memref<1x128xi32, #tpu.memory_space<vmem>>
    %dma_start3A_45 = tpu.memref_squeeze %dma_start3A_44 : memref<1x128xi32, #tpu.memory_space<vmem>> -> memref<128xi32, #tpu.memory_space<vmem>>
    %dma_start3A_46 = arith.constant 0 : i32
    %dma_start3A_47 = arith.constant 0 : i32
    %dma_start3A_48 = tpu.memref_slice %arg2[%dma_start3A_46, %dma_start3A_47] : memref<10000x128xf32, #tpu.memory_space<hbm>> -> memref<10000x128xf32, #tpu.memory_space<hbm>>
    tpu.enqueue_indirect_dma source(%dma_start3A_48 : memref<10000x128xf32, #tpu.memory_space<hbm>>) target(%arg14 : memref<128x128xf32, #tpu.memory_space<vmem>>) offsets(%dma_start3A_45 : memref<128xi32, #tpu.memory_space<vmem>>) semaphore(%arg19 : memref<!tpu.dma_semaphore, #tpu.memory_space<semaphore_mem>>)
    %scan3A = arith.constant 0 : i32
    %scan3A_49 = arith.constant 0 : i32
    %scan3A_50 = arith.constant 21 : i32
    %scan3A_51 = arith.addi %scan3A_49, %scan3A_50 : i32
    %scan3A_52 = arith.constant 1 : i32
    scf.for %scan3A_67 = %scan3A_49 to %scan3A_51 step %scan3A_52  : i32 {
      %mul3A_68 = arith.constant 4 : i32
      %mul3A_69 = arith.muli %scan3A_67, %mul3A_68 : i32
      %add3A_70 = arith.constant 0 : i32
      %add3A_71 = arith.addi %mul3A_69, %add3A_70 : i32
      %dma_wait3A = arith.constant 0 : i32
      %dma_wait3A_72 = tpu.memref_slice %arg9[%add3A_71, %dma_wait3A] : memref<84x128xi32, #tpu.memory_space<vmem>> -> memref<1x128xi32, #tpu.memory_space<vmem>>
      %dma_wait3A_73 = tpu.memref_squeeze %dma_wait3A_72 : memref<1x128xi32, #tpu.memory_space<vmem>> -> memref<128xi32, #tpu.memory_space<vmem>>
      %dma_wait3A_74 = arith.constant 0 : i32
      %dma_wait3A_75 = arith.constant 0 : i32
      %dma_wait3A_76 = tpu.memref_slice %arg2[%dma_wait3A_74, %dma_wait3A_75] : memref<10000x128xf32, #tpu.memory_space<hbm>> -> memref<10000x128xf32, #tpu.memory_space<hbm>>
      tpu.wait_indirect_dma semaphore(%arg16 : memref<!tpu.dma_semaphore, #tpu.memory_space<semaphore_mem>>) src(%dma_wait3A_76 : memref<10000x128xf32, #tpu.memory_space<hbm>>) dst(%arg11 : memref<128x128xf32, #tpu.memory_space<vmem>>)
      %add3A_77 = arith.constant 0 : i32
      %add3A_78 = arith.addi %mul3A_69, %add3A_77 : i32
      %dma_start3A_79 = arith.constant 0 : i32
      %dma_start3A_80 = tpu.memref_slice %arg10[%add3A_78, %dma_start3A_79] : memref<84x128xi32, #tpu.memory_space<vmem>> -> memref<1x128xi32, #tpu.memory_space<vmem>>
      %dma_start3A_81 = tpu.memref_squeeze %dma_start3A_80 : memref<1x128xi32, #tpu.memory_space<vmem>> -> memref<128xi32, #tpu.memory_space<vmem>>
      %dma_start3A_82 = arith.constant 0 : i32
      %dma_start3A_83 = arith.constant 0 : i32
      %dma_start3A_84 = tpu.memref_slice %arg15[%dma_start3A_82, %dma_start3A_83] : memref<5008x128xf32, #tpu.memory_space<vmem_shared>> -> memref<5008x128xf32, #tpu.memory_space<vmem_shared>>
      tpu.enqueue_indirect_dma source(%arg11 : memref<128x128xf32, #tpu.memory_space<vmem>>) target(%dma_start3A_84 : memref<5008x128xf32, #tpu.memory_space<vmem_shared>>) offsets(%dma_start3A_81 : memref<128xi32, #tpu.memory_space<vmem>>) semaphore(%arg20 : memref<!tpu.dma_semaphore, #tpu.memory_space<semaphore_mem>>) {add = true}
      %add3A_85 = arith.constant 1 : i32
      %add3A_86 = arith.addi %mul3A_69, %add3A_85 : i32
      %dma_wait3A_87 = arith.constant 0 : i32
      %dma_wait3A_88 = tpu.memref_slice %arg9[%add3A_86, %dma_wait3A_87] : memref<84x128xi32, #tpu.memory_space<vmem>> -> memref<1x128xi32, #tpu.memory_space<vmem>>
      %dma_wait3A_89 = tpu.memref_squeeze %dma_wait3A_88 : memref<1x128xi32, #tpu.memory_space<vmem>> -> memref<128xi32, #tpu.memory_space<vmem>>
      %dma_wait3A_90 = arith.constant 0 : i32
      %dma_wait3A_91 = arith.constant 0 : i32
      %dma_wait3A_92 = tpu.memref_slice %arg2[%dma_wait3A_90, %dma_wait3A_91] : memref<10000x128xf32, #tpu.memory_space<hbm>> -> memref<10000x128xf32, #tpu.memory_space<hbm>>
      tpu.wait_indirect_dma semaphore(%arg17 : memref<!tpu.dma_semaphore, #tpu.memory_space<semaphore_mem>>) src(%dma_wait3A_92 : memref<10000x128xf32, #tpu.memory_space<hbm>>) dst(%arg12 : memref<128x128xf32, #tpu.memory_space<vmem>>)
      %add3A_93 = arith.constant 1 : i32
      %add3A_94 = arith.addi %mul3A_69, %add3A_93 : i32
      %dma_start3A_95 = arith.constant 0 : i32
      %dma_start3A_96 = tpu.memref_slice %arg10[%add3A_94, %dma_start3A_95] : memref<84x128xi32, #tpu.memory_space<vmem>> -> memref<1x128xi32, #tpu.memory_space<vmem>>
      %dma_start3A_97 = tpu.memref_squeeze %dma_start3A_96 : memref<1x128xi32, #tpu.memory_space<vmem>> -> memref<128xi32, #tpu.memory_space<vmem>>
      %dma_start3A_98 = arith.constant 0 : i32
      %dma_start3A_99 = arith.constant 0 : i32
      %dma_start3A_100 = tpu.memref_slice %arg15[%dma_start3A_98, %dma_start3A_99] : memref<5008x128xf32, #tpu.memory_space<vmem_shared>> -> memref<5008x128xf32, #tpu.memory_space<vmem_shared>>
      tpu.enqueue_indirect_dma source(%arg12 : memref<128x128xf32, #tpu.memory_space<vmem>>) target(%dma_start3A_100 : memref<5008x128xf32, #tpu.memory_space<vmem_shared>>) offsets(%dma_start3A_97 : memref<128xi32, #tpu.memory_space<vmem>>) semaphore(%arg21 : memref<!tpu.dma_semaphore, #tpu.memory_space<semaphore_mem>>) {add = true}
      %add3A_101 = arith.constant 2 : i32
      %add3A_102 = arith.addi %mul3A_69, %add3A_101 : i32
      %dma_wait3A_103 = arith.constant 0 : i32
      %dma_wait3A_104 = tpu.memref_slice %arg9[%add3A_102, %dma_wait3A_103] : memref<84x128xi32, #tpu.memory_space<vmem>> -> memref<1x128xi32, #tpu.memory_space<vmem>>
      %dma_wait3A_105 = tpu.memref_squeeze %dma_wait3A_104 : memref<1x128xi32, #tpu.memory_space<vmem>> -> memref<128xi32, #tpu.memory_space<vmem>>
      %dma_wait3A_106 = arith.constant 0 : i32
      %dma_wait3A_107 = arith.constant 0 : i32
      %dma_wait3A_108 = tpu.memref_slice %arg2[%dma_wait3A_106, %dma_wait3A_107] : memref<10000x128xf32, #tpu.memory_space<hbm>> -> memref<10000x128xf32, #tpu.memory_space<hbm>>
      tpu.wait_indirect_dma semaphore(%arg18 : memref<!tpu.dma_semaphore, #tpu.memory_space<semaphore_mem>>) src(%dma_wait3A_108 : memref<10000x128xf32, #tpu.memory_space<hbm>>) dst(%arg13 : memref<128x128xf32, #tpu.memory_space<vmem>>)
      %add3A_109 = arith.constant 2 : i32
      %add3A_110 = arith.addi %mul3A_69, %add3A_109 : i32
      %dma_start3A_111 = arith.constant 0 : i32
      %dma_start3A_112 = tpu.memref_slice %arg10[%add3A_110, %dma_start3A_111] : memref<84x128xi32, #tpu.memory_space<vmem>> -> memref<1x128xi32, #tpu.memory_space<vmem>>
      %dma_start3A_113 = tpu.memref_squeeze %dma_start3A_112 : memref<1x128xi32, #tpu.memory_space<vmem>> -> memref<128xi32, #tpu.memory_space<vmem>>
      %dma_start3A_114 = arith.constant 0 : i32
      %dma_start3A_115 = arith.constant 0 : i32
      %dma_start3A_116 = tpu.memref_slice %arg15[%dma_start3A_114, %dma_start3A_115] : memref<5008x128xf32, #tpu.memory_space<vmem_shared>> -> memref<5008x128xf32, #tpu.memory_space<vmem_shared>>
      tpu.enqueue_indirect_dma source(%arg13 : memref<128x128xf32, #tpu.memory_space<vmem>>) target(%dma_start3A_116 : memref<5008x128xf32, #tpu.memory_space<vmem_shared>>) offsets(%dma_start3A_113 : memref<128xi32, #tpu.memory_space<vmem>>) semaphore(%arg22 : memref<!tpu.dma_semaphore, #tpu.memory_space<semaphore_mem>>) {add = true}
      %add3A_117 = arith.constant 3 : i32
      %add3A_118 = arith.addi %mul3A_69, %add3A_117 : i32
      %dma_wait3A_119 = arith.constant 0 : i32
      %dma_wait3A_120 = tpu.memref_slice %arg9[%add3A_118, %dma_wait3A_119] : memref<84x128xi32, #tpu.memory_space<vmem>> -> memref<1x128xi32, #tpu.memory_space<vmem>>
      %dma_wait3A_121 = tpu.memref_squeeze %dma_wait3A_120 : memref<1x128xi32, #tpu.memory_space<vmem>> -> memref<128xi32, #tpu.memory_space<vmem>>
      %dma_wait3A_122 = arith.constant 0 : i32
      %dma_wait3A_123 = arith.constant 0 : i32
      %dma_wait3A_124 = tpu.memref_slice %arg2[%dma_wait3A_122, %dma_wait3A_123] : memref<10000x128xf32, #tpu.memory_space<hbm>> -> memref<10000x128xf32, #tpu.memory_space<hbm>>
      tpu.wait_indirect_dma semaphore(%arg19 : memref<!tpu.dma_semaphore, #tpu.memory_space<semaphore_mem>>) src(%dma_wait3A_124 : memref<10000x128xf32, #tpu.memory_space<hbm>>) dst(%arg14 : memref<128x128xf32, #tpu.memory_space<vmem>>)
      %add3A_125 = arith.constant 3 : i32
      %add3A_126 = arith.addi %mul3A_69, %add3A_125 : i32
      %dma_start3A_127 = arith.constant 0 : i32
      %dma_start3A_128 = tpu.memref_slice %arg10[%add3A_126, %dma_start3A_127] : memref<84x128xi32, #tpu.memory_space<vmem>> -> memref<1x128xi32, #tpu.memory_space<vmem>>
      %dma_start3A_129 = tpu.memref_squeeze %dma_start3A_128 : memref<1x128xi32, #tpu.memory_space<vmem>> -> memref<128xi32, #tpu.memory_space<vmem>>
      %dma_start3A_130 = arith.constant 0 : i32
      %dma_start3A_131 = arith.constant 0 : i32
      %dma_start3A_132 = tpu.memref_slice %arg15[%dma_start3A_130, %dma_start3A_131] : memref<5008x128xf32, #tpu.memory_space<vmem_shared>> -> memref<5008x128xf32, #tpu.memory_space<vmem_shared>>
      tpu.enqueue_indirect_dma source(%arg14 : memref<128x128xf32, #tpu.memory_space<vmem>>) target(%dma_start3A_132 : memref<5008x128xf32, #tpu.memory_space<vmem_shared>>) offsets(%dma_start3A_129 : memref<128xi32, #tpu.memory_space<vmem>>) semaphore(%arg23 : memref<!tpu.dma_semaphore, #tpu.memory_space<semaphore_mem>>) {add = true}
      %add3A_133 = arith.constant 0 : i32
      %add3A_134 = arith.addi %mul3A_69, %add3A_133 : i32
      %dma_wait3A_135 = arith.constant 0 : i32
      %dma_wait3A_136 = tpu.memref_slice %arg10[%add3A_134, %dma_wait3A_135] : memref<84x128xi32, #tpu.memory_space<vmem>> -> memref<1x128xi32, #tpu.memory_space<vmem>>
      %dma_wait3A_137 = tpu.memref_squeeze %dma_wait3A_136 : memref<1x128xi32, #tpu.memory_space<vmem>> -> memref<128xi32, #tpu.memory_space<vmem>>
      %dma_wait3A_138 = arith.constant 0 : i32
      %dma_wait3A_139 = arith.constant 0 : i32
      %dma_wait3A_140 = tpu.memref_slice %arg15[%dma_wait3A_138, %dma_wait3A_139] : memref<5008x128xf32, #tpu.memory_space<vmem_shared>> -> memref<5008x128xf32, #tpu.memory_space<vmem_shared>>
      tpu.wait_indirect_dma semaphore(%arg20 : memref<!tpu.dma_semaphore, #tpu.memory_space<semaphore_mem>>) src(%arg11 : memref<128x128xf32, #tpu.memory_space<vmem>>) dst(%dma_wait3A_140 : memref<5008x128xf32, #tpu.memory_space<vmem_shared>>)
      %add3A_141 = arith.constant 4 : i32
      %add3A_142 = arith.addi %mul3A_69, %add3A_141 : i32
      %add3A_143 = arith.constant 0 : i32
      %add3A_144 = arith.addi %add3A_142, %add3A_143 : i32
      %lt3A = arith.constant 84 : i32
      %lt3A_145 = arith.cmpi slt, %add3A_144, %lt3A : i32
      %convert_element_type3A_146 = arith.extui %lt3A_145 : i1 to i32
      %cond3A_147 = arith.constant 0 : i32
      %cond3A_148 = arith.cmpi ne, %convert_element_type3A_146, %cond3A_147 : i32
      scf.if %cond3A_148 {
        %add3A_200 = arith.constant 4 : i32
        %add3A_201 = arith.addi %mul3A_69, %add3A_200 : i32
        %add3A_202 = arith.constant 0 : i32
        %add3A_203 = arith.addi %add3A_201, %add3A_202 : i32
        %dma_start3A_204 = arith.constant 0 : i32
        %dma_start3A_205 = tpu.memref_slice %arg9[%add3A_203, %dma_start3A_204] : memref<84x128xi32, #tpu.memory_space<vmem>> -> memref<1x128xi32, #tpu.memory_space<vmem>>
        %dma_start3A_206 = tpu.memref_squeeze %dma_start3A_205 : memref<1x128xi32, #tpu.memory_space<vmem>> -> memref<128xi32, #tpu.memory_space<vmem>>
        %dma_start3A_207 = arith.constant 0 : i32
        %dma_start3A_208 = arith.constant 0 : i32
        %dma_start3A_209 = tpu.memref_slice %arg2[%dma_start3A_207, %dma_start3A_208] : memref<10000x128xf32, #tpu.memory_space<hbm>> -> memref<10000x128xf32, #tpu.memory_space<hbm>>
        tpu.enqueue_indirect_dma source(%dma_start3A_209 : memref<10000x128xf32, #tpu.memory_space<hbm>>) target(%arg11 : memref<128x128xf32, #tpu.memory_space<vmem>>) offsets(%dma_start3A_206 : memref<128xi32, #tpu.memory_space<vmem>>) semaphore(%arg16 : memref<!tpu.dma_semaphore, #tpu.memory_space<semaphore_mem>>)
      } else {
      }
      %add3A_149 = arith.constant 1 : i32
      %add3A_150 = arith.addi %mul3A_69, %add3A_149 : i32
      %dma_wait3A_151 = arith.constant 0 : i32
      %dma_wait3A_152 = tpu.memref_slice %arg10[%add3A_150, %dma_wait3A_151] : memref<84x128xi32, #tpu.memory_space<vmem>> -> memref<1x128xi32, #tpu.memory_space<vmem>>
      %dma_wait3A_153 = tpu.memref_squeeze %dma_wait3A_152 : memref<1x128xi32, #tpu.memory_space<vmem>> -> memref<128xi32, #tpu.memory_space<vmem>>
      %dma_wait3A_154 = arith.constant 0 : i32
      %dma_wait3A_155 = arith.constant 0 : i32
      %dma_wait3A_156 = tpu.memref_slice %arg15[%dma_wait3A_154, %dma_wait3A_155] : memref<5008x128xf32, #tpu.memory_space<vmem_shared>> -> memref<5008x128xf32, #tpu.memory_space<vmem_shared>>
      tpu.wait_indirect_dma semaphore(%arg21 : memref<!tpu.dma_semaphore, #tpu.memory_space<semaphore_mem>>) src(%arg12 : memref<128x128xf32, #tpu.memory_space<vmem>>) dst(%dma_wait3A_156 : memref<5008x128xf32, #tpu.memory_space<vmem_shared>>)
      %add3A_157 = arith.constant 4 : i32
      %add3A_158 = arith.addi %mul3A_69, %add3A_157 : i32
      %add3A_159 = arith.constant 1 : i32
      %add3A_160 = arith.addi %add3A_158, %add3A_159 : i32
      %lt3A_161 = arith.constant 84 : i32
      %lt3A_162 = arith.cmpi slt, %add3A_160, %lt3A_161 : i32
      %convert_element_type3A_163 = arith.extui %lt3A_162 : i1 to i32
      %cond3A_164 = arith.constant 0 : i32
      %cond3A_165 = arith.cmpi ne, %convert_element_type3A_163, %cond3A_164 : i32
      scf.if %cond3A_165 {
        %add3A_200 = arith.constant 4 : i32
        %add3A_201 = arith.addi %mul3A_69, %add3A_200 : i32
        %add3A_202 = arith.constant 1 : i32
        %add3A_203 = arith.addi %add3A_201, %add3A_202 : i32
        %dma_start3A_204 = arith.constant 0 : i32
        %dma_start3A_205 = tpu.memref_slice %arg9[%add3A_203, %dma_start3A_204] : memref<84x128xi32, #tpu.memory_space<vmem>> -> memref<1x128xi32, #tpu.memory_space<vmem>>
        %dma_start3A_206 = tpu.memref_squeeze %dma_start3A_205 : memref<1x128xi32, #tpu.memory_space<vmem>> -> memref<128xi32, #tpu.memory_space<vmem>>
        %dma_start3A_207 = arith.constant 0 : i32
        %dma_start3A_208 = arith.constant 0 : i32
        %dma_start3A_209 = tpu.memref_slice %arg2[%dma_start3A_207, %dma_start3A_208] : memref<10000x128xf32, #tpu.memory_space<hbm>> -> memref<10000x128xf32, #tpu.memory_space<hbm>>
        tpu.enqueue_indirect_dma source(%dma_start3A_209 : memref<10000x128xf32, #tpu.memory_space<hbm>>) target(%arg12 : memref<128x128xf32, #tpu.memory_space<vmem>>) offsets(%dma_start3A_206 : memref<128xi32, #tpu.memory_space<vmem>>) semaphore(%arg17 : memref<!tpu.dma_semaphore, #tpu.memory_space<semaphore_mem>>)
      } else {
      }
      %add3A_166 = arith.constant 2 : i32
      %add3A_167 = arith.addi %mul3A_69, %add3A_166 : i32
      %dma_wait3A_168 = arith.constant 0 : i32
      %dma_wait3A_169 = tpu.memref_slice %arg10[%add3A_167, %dma_wait3A_168] : memref<84x128xi32, #tpu.memory_space<vmem>> -> memref<1x128xi32, #tpu.memory_space<vmem>>
      %dma_wait3A_170 = tpu.memref_squeeze %dma_wait3A_169 : memref<1x128xi32, #tpu.memory_space<vmem>> -> memref<128xi32, #tpu.memory_space<vmem>>
      %dma_wait3A_171 = arith.constant 0 : i32
      %dma_wait3A_172 = arith.constant 0 : i32
      %dma_wait3A_173 = tpu.memref_slice %arg15[%dma_wait3A_171, %dma_wait3A_172] : memref<5008x128xf32, #tpu.memory_space<vmem_shared>> -> memref<5008x128xf32, #tpu.memory_space<vmem_shared>>
      tpu.wait_indirect_dma semaphore(%arg22 : memref<!tpu.dma_semaphore, #tpu.memory_space<semaphore_mem>>) src(%arg13 : memref<128x128xf32, #tpu.memory_space<vmem>>) dst(%dma_wait3A_173 : memref<5008x128xf32, #tpu.memory_space<vmem_shared>>)
      %add3A_174 = arith.constant 4 : i32
      %add3A_175 = arith.addi %mul3A_69, %add3A_174 : i32
      %add3A_176 = arith.constant 2 : i32
      %add3A_177 = arith.addi %add3A_175, %add3A_176 : i32
      %lt3A_178 = arith.constant 84 : i32
      %lt3A_179 = arith.cmpi slt, %add3A_177, %lt3A_178 : i32
      %convert_element_type3A_180 = arith.extui %lt3A_179 : i1 to i32
      %cond3A_181 = arith.constant 0 : i32
      %cond3A_182 = arith.cmpi ne, %convert_element_type3A_180, %cond3A_181 : i32
      scf.if %cond3A_182 {
        %add3A_200 = arith.constant 4 : i32
        %add3A_201 = arith.addi %mul3A_69, %add3A_200 : i32
        %add3A_202 = arith.constant 2 : i32
        %add3A_203 = arith.addi %add3A_201, %add3A_202 : i32
        %dma_start3A_204 = arith.constant 0 : i32
        %dma_start3A_205 = tpu.memref_slice %arg9[%add3A_203, %dma_start3A_204] : memref<84x128xi32, #tpu.memory_space<vmem>> -> memref<1x128xi32, #tpu.memory_space<vmem>>
        %dma_start3A_206 = tpu.memref_squeeze %dma_start3A_205 : memref<1x128xi32, #tpu.memory_space<vmem>> -> memref<128xi32, #tpu.memory_space<vmem>>
        %dma_start3A_207 = arith.constant 0 : i32
        %dma_start3A_208 = arith.constant 0 : i32
        %dma_start3A_209 = tpu.memref_slice %arg2[%dma_start3A_207, %dma_start3A_208] : memref<10000x128xf32, #tpu.memory_space<hbm>> -> memref<10000x128xf32, #tpu.memory_space<hbm>>
        tpu.enqueue_indirect_dma source(%dma_start3A_209 : memref<10000x128xf32, #tpu.memory_space<hbm>>) target(%arg13 : memref<128x128xf32, #tpu.memory_space<vmem>>) offsets(%dma_start3A_206 : memref<128xi32, #tpu.memory_space<vmem>>) semaphore(%arg18 : memref<!tpu.dma_semaphore, #tpu.memory_space<semaphore_mem>>)
      } else {
      }
      %add3A_183 = arith.constant 3 : i32
      %add3A_184 = arith.addi %mul3A_69, %add3A_183 : i32
      %dma_wait3A_185 = arith.constant 0 : i32
      %dma_wait3A_186 = tpu.memref_slice %arg10[%add3A_184, %dma_wait3A_185] : memref<84x128xi32, #tpu.memory_space<vmem>> -> memref<1x128xi32, #tpu.memory_space<vmem>>
      %dma_wait3A_187 = tpu.memref_squeeze %dma_wait3A_186 : memref<1x128xi32, #tpu.memory_space<vmem>> -> memref<128xi32, #tpu.memory_space<vmem>>
      %dma_wait3A_188 = arith.constant 0 : i32
      %dma_wait3A_189 = arith.constant 0 : i32
      %dma_wait3A_190 = tpu.memref_slice %arg15[%dma_wait3A_188, %dma_wait3A_189] : memref<5008x128xf32, #tpu.memory_space<vmem_shared>> -> memref<5008x128xf32, #tpu.memory_space<vmem_shared>>
      tpu.wait_indirect_dma semaphore(%arg23 : memref<!tpu.dma_semaphore, #tpu.memory_space<semaphore_mem>>) src(%arg14 : memref<128x128xf32, #tpu.memory_space<vmem>>) dst(%dma_wait3A_190 : memref<5008x128xf32, #tpu.memory_space<vmem_shared>>)
      %add3A_191 = arith.constant 4 : i32
      %add3A_192 = arith.addi %mul3A_69, %add3A_191 : i32
      %add3A_193 = arith.constant 3 : i32
      %add3A_194 = arith.addi %add3A_192, %add3A_193 : i32
      %lt3A_195 = arith.constant 84 : i32
      %lt3A_196 = arith.cmpi slt, %add3A_194, %lt3A_195 : i32
      %convert_element_type3A_197 = arith.extui %lt3A_196 : i1 to i32
      %cond3A_198 = arith.constant 0 : i32
      %cond3A_199 = arith.cmpi ne, %convert_element_type3A_197, %cond3A_198 : i32
      scf.if %cond3A_199 {
        %add3A_200 = arith.constant 4 : i32
        %add3A_201 = arith.addi %mul3A_69, %add3A_200 : i32
        %add3A_202 = arith.constant 3 : i32
        %add3A_203 = arith.addi %add3A_201, %add3A_202 : i32
        %dma_start3A_204 = arith.constant 0 : i32
        %dma_start3A_205 = tpu.memref_slice %arg9[%add3A_203, %dma_start3A_204] : memref<84x128xi32, #tpu.memory_space<vmem>> -> memref<1x128xi32, #tpu.memory_space<vmem>>
        %dma_start3A_206 = tpu.memref_squeeze %dma_start3A_205 : memref<1x128xi32, #tpu.memory_space<vmem>> -> memref<128xi32, #tpu.memory_space<vmem>>
        %dma_start3A_207 = arith.constant 0 : i32
        %dma_start3A_208 = arith.constant 0 : i32
        %dma_start3A_209 = tpu.memref_slice %arg2[%dma_start3A_207, %dma_start3A_208] : memref<10000x128xf32, #tpu.memory_space<hbm>> -> memref<10000x128xf32, #tpu.memory_space<hbm>>
        tpu.enqueue_indirect_dma source(%dma_start3A_209 : memref<10000x128xf32, #tpu.memory_space<hbm>>) target(%arg14 : memref<128x128xf32, #tpu.memory_space<vmem>>) offsets(%dma_start3A_206 : memref<128xi32, #tpu.memory_space<vmem>>) semaphore(%arg19 : memref<!tpu.dma_semaphore, #tpu.memory_space<semaphore_mem>>)
      } else {
      }
    }
    %scan3A_53 = arith.constant 21 : i32
    %barrier3A_54 = arith.constant 0 : index
    tpu.barrier barrier_id(%barrier3A_54)
    %mul3A_55 = arith.constant 312 : i32
    %mul3A_56 = arith.muli %arg1, %mul3A_55 : i32
    %eq3A_57 = arith.constant 0 : i32
    %eq3A_58 = arith.cmpi eq, %arg0, %eq3A_57 : i32
    %convert_element_type3A_59 = arith.extui %eq3A_58 : i1 to i32
    %cond3A_60 = arith.constant 0 : i32
    %cond3A_61 = arith.cmpi ne, %convert_element_type3A_59, %cond3A_60 : i32
    scf.if %cond3A_61 {
      %mul3A_67 = arith.constant 312 : i32
      %mul3A_68 = arith.muli %arg1, %mul3A_67 : i32
      "tpu.region"() ({
        %run_scoped3A = tpu.sem_alloc : memref<!tpu.dma_semaphore, #tpu.memory_space<semaphore_mem>>
        %dma_start3A_74 = arith.constant 0 : i32
        %dma_start3A_75 = tpu.memref_slice %arg8[%mul3A_68, %dma_start3A_74] : memref<10000x128xf32, #tpu.memory_space<hbm>> -> memref<312x128xf32, #tpu.memory_space<hbm>>
        %dma_start3A_76 = arith.constant 0 : i32
        %dma_start3A_77 = tpu.memref_slice %arg15[%mul3A_56, %dma_start3A_76] : memref<5008x128xf32, #tpu.memory_space<vmem_shared>> -> memref<312x128xf32, #tpu.memory_space<vmem_shared>>
        tpu.enqueue_dma source(%dma_start3A_77 : memref<312x128xf32, #tpu.memory_space<vmem_shared>>) target(%dma_start3A_75 : memref<312x128xf32, #tpu.memory_space<hbm>>) target_semaphore(%run_scoped3A : memref<!tpu.dma_semaphore, #tpu.memory_space<semaphore_mem>>)
        %dma_wait3A = arith.constant 0 : i32
        %dma_wait3A_78 = tpu.memref_slice %arg8[%mul3A_68, %dma_wait3A] : memref<10000x128xf32, #tpu.memory_space<hbm>> -> memref<312x128xf32, #tpu.memory_space<hbm>>
        %dma_wait3A_79 = arith.constant 0 : i32
        %dma_wait3A_80 = tpu.memref_slice %arg15[%mul3A_56, %dma_wait3A_79] : memref<5008x128xf32, #tpu.memory_space<vmem_shared>> -> memref<312x128xf32, #tpu.memory_space<vmem_shared>>
        tpu.wait_dma2 semaphore(%run_scoped3A : memref<!tpu.dma_semaphore, #tpu.memory_space<semaphore_mem>>) src(%dma_wait3A_80 : memref<312x128xf32, #tpu.memory_space<vmem_shared>>) dst(%dma_wait3A_78 : memref<312x128xf32, #tpu.memory_space<hbm>>)
        tpu.yield
      }) : () -> ()
      %eq3A_69 = arith.constant 15 : i32
      %eq3A_70 = arith.cmpi eq, %arg1, %eq3A_69 : i32
      %convert_element_type3A_71 = arith.extui %eq3A_70 : i1 to i32
      %cond3A_72 = arith.constant 0 : i32
      %cond3A_73 = arith.cmpi ne, %convert_element_type3A_71, %cond3A_72 : i32
      scf.if %cond3A_73 {
        "tpu.region"() ({
          %run_scoped3A = tpu.sem_alloc : memref<!tpu.dma_semaphore, #tpu.memory_space<semaphore_mem>>
          %dma_start3A_74 = arith.constant 4992 : i32
          %dma_start3A_75 = arith.constant 0 : i32
          %dma_start3A_76 = tpu.memref_slice %arg8[%dma_start3A_74, %dma_start3A_75] : memref<10000x128xf32, #tpu.memory_space<hbm>> -> memref<8x128xf32, #tpu.memory_space<hbm>>
          %dma_start3A_77 = arith.constant 4992 : i32
          %dma_start3A_78 = arith.constant 0 : i32
          %dma_start3A_79 = tpu.memref_slice %arg15[%dma_start3A_77, %dma_start3A_78] : memref<5008x128xf32, #tpu.memory_space<vmem_shared>> -> memref<8x128xf32, #tpu.memory_space<vmem_shared>>
          tpu.enqueue_dma source(%dma_start3A_79 : memref<8x128xf32, #tpu.memory_space<vmem_shared>>) target(%dma_start3A_76 : memref<8x128xf32, #tpu.memory_space<hbm>>) target_semaphore(%run_scoped3A : memref<!tpu.dma_semaphore, #tpu.memory_space<semaphore_mem>>)
          %dma_wait3A = arith.constant 4992 : i32
          %dma_wait3A_80 = arith.constant 0 : i32
          %dma_wait3A_81 = tpu.memref_slice %arg8[%dma_wait3A, %dma_wait3A_80] : memref<10000x128xf32, #tpu.memory_space<hbm>> -> memref<8x128xf32, #tpu.memory_space<hbm>>
          %dma_wait3A_82 = arith.constant 4992 : i32
          %dma_wait3A_83 = arith.constant 0 : i32
          %dma_wait3A_84 = tpu.memref_slice %arg15[%dma_wait3A_82, %dma_wait3A_83] : memref<5008x128xf32, #tpu.memory_space<vmem_shared>> -> memref<8x128xf32, #tpu.memory_space<vmem_shared>>
          tpu.wait_dma2 semaphore(%run_scoped3A : memref<!tpu.dma_semaphore, #tpu.memory_space<semaphore_mem>>) src(%dma_wait3A_84 : memref<8x128xf32, #tpu.memory_space<vmem_shared>>) dst(%dma_wait3A_81 : memref<8x128xf32, #tpu.memory_space<hbm>>)
          tpu.yield
        }) : () -> ()
      } else {
      }
    } else {
    }
    %eq3A_62 = arith.constant 1 : i32
    %eq3A_63 = arith.cmpi eq, %arg0, %eq3A_62 : i32
    %convert_element_type3A_64 = arith.extui %eq3A_63 : i1 to i32
    %cond3A_65 = arith.constant 0 : i32
    %cond3A_66 = arith.cmpi ne, %convert_element_type3A_64, %cond3A_65 : i32
    scf.if %cond3A_66 {
      %mul3A_67 = arith.constant 312 : i32
      %mul3A_68 = arith.muli %arg1, %mul3A_67 : i32
      %add3A_69 = arith.constant 5000 : i32
      %add3A_70 = arith.addi %add3A_69, %mul3A_68 : i32
      "tpu.region"() ({
        %run_scoped3A = tpu.sem_alloc : memref<!tpu.dma_semaphore, #tpu.memory_space<semaphore_mem>>
        %dma_start3A_76 = arith.constant 0 : i32
        %dma_start3A_77 = tpu.memref_slice %arg8[%add3A_70, %dma_start3A_76] : memref<10000x128xf32, #tpu.memory_space<hbm>> -> memref<312x128xf32, #tpu.memory_space<hbm>>
        %dma_start3A_78 = arith.constant 0 : i32
        %dma_start3A_79 = tpu.memref_slice %arg15[%mul3A_56, %dma_start3A_78] : memref<5008x128xf32, #tpu.memory_space<vmem_shared>> -> memref<312x128xf32, #tpu.memory_space<vmem_shared>>
        tpu.enqueue_dma source(%dma_start3A_79 : memref<312x128xf32, #tpu.memory_space<vmem_shared>>) target(%dma_start3A_77 : memref<312x128xf32, #tpu.memory_space<hbm>>) target_semaphore(%run_scoped3A : memref<!tpu.dma_semaphore, #tpu.memory_space<semaphore_mem>>)
        %dma_wait3A = arith.constant 0 : i32
        %dma_wait3A_80 = tpu.memref_slice %arg8[%add3A_70, %dma_wait3A] : memref<10000x128xf32, #tpu.memory_space<hbm>> -> memref<312x128xf32, #tpu.memory_space<hbm>>
        %dma_wait3A_81 = arith.constant 0 : i32
        %dma_wait3A_82 = tpu.memref_slice %arg15[%mul3A_56, %dma_wait3A_81] : memref<5008x128xf32, #tpu.memory_space<vmem_shared>> -> memref<312x128xf32, #tpu.memory_space<vmem_shared>>
        tpu.wait_dma2 semaphore(%run_scoped3A : memref<!tpu.dma_semaphore, #tpu.memory_space<semaphore_mem>>) src(%dma_wait3A_82 : memref<312x128xf32, #tpu.memory_space<vmem_shared>>) dst(%dma_wait3A_80 : memref<312x128xf32, #tpu.memory_space<hbm>>)
        tpu.yield
      }) : () -> ()
      %eq3A_71 = arith.constant 15 : i32
      %eq3A_72 = arith.cmpi eq, %arg1, %eq3A_71 : i32
      %convert_element_type3A_73 = arith.extui %eq3A_72 : i1 to i32
      %cond3A_74 = arith.constant 0 : i32
      %cond3A_75 = arith.cmpi ne, %convert_element_type3A_73, %cond3A_74 : i32
      scf.if %cond3A_75 {
        "tpu.region"() ({
          %run_scoped3A = tpu.sem_alloc : memref<!tpu.dma_semaphore, #tpu.memory_space<semaphore_mem>>
          %dma_start3A_76 = arith.constant 9992 : i32
          %dma_start3A_77 = arith.constant 0 : i32
          %dma_start3A_78 = tpu.memref_slice %arg8[%dma_start3A_76, %dma_start3A_77] : memref<10000x128xf32, #tpu.memory_space<hbm>> -> memref<8x128xf32, #tpu.memory_space<hbm>>
          %dma_start3A_79 = arith.constant 4992 : i32
          %dma_start3A_80 = arith.constant 0 : i32
          %dma_start3A_81 = tpu.memref_slice %arg15[%dma_start3A_79, %dma_start3A_80] : memref<5008x128xf32, #tpu.memory_space<vmem_shared>> -> memref<8x128xf32, #tpu.memory_space<vmem_shared>>
          tpu.enqueue_dma source(%dma_start3A_81 : memref<8x128xf32, #tpu.memory_space<vmem_shared>>) target(%dma_start3A_78 : memref<8x128xf32, #tpu.memory_space<hbm>>) target_semaphore(%run_scoped3A : memref<!tpu.dma_semaphore, #tpu.memory_space<semaphore_mem>>)
          %dma_wait3A = arith.constant 9992 : i32
          %dma_wait3A_82 = arith.constant 0 : i32
          %dma_wait3A_83 = tpu.memref_slice %arg8[%dma_wait3A, %dma_wait3A_82] : memref<10000x128xf32, #tpu.memory_space<hbm>> -> memref<8x128xf32, #tpu.memory_space<hbm>>
          %dma_wait3A_84 = arith.constant 4992 : i32
          %dma_wait3A_85 = arith.constant 0 : i32
          %dma_wait3A_86 = tpu.memref_slice %arg15[%dma_wait3A_84, %dma_wait3A_85] : memref<5008x128xf32, #tpu.memory_space<vmem_shared>> -> memref<8x128xf32, #tpu.memory_space<vmem_shared>>
          tpu.wait_dma2 semaphore(%run_scoped3A : memref<!tpu.dma_semaphore, #tpu.memory_space<semaphore_mem>>) src(%dma_wait3A_86 : memref<8x128xf32, #tpu.memory_space<vmem_shared>>) dst(%dma_wait3A_83 : memref<8x128xf32, #tpu.memory_space<hbm>>)
          tpu.yield
        }) : () -> ()
      } else {
      }
    } else {
    }
    return
  }
}

#map = affine_map<(d0, d1) -> (0, 0)>
#map1 = affine_map<(d0, d1) -> (0, 0, 0)>
module attributes {stable_mosaic.version = 14 : i64} {
  func.func @_agg_body(%arg0: i32, %arg1: i32, %arg2: memref<10000x128xf32, #tpu.memory_space<hbm>>, %arg3: memref<32x42x128xi32, #tpu.memory_space<hbm>>, %arg4: memref<32x42x128xi32, #tpu.memory_space<hbm>>, %arg5: memref<32x42x128xi32, #tpu.memory_space<hbm>>, %arg6: memref<32x42x128xi32, #tpu.memory_space<hbm>>, %arg7: memref<104x128xf32, #tpu.memory_space<hbm>>, %arg8: memref<10000x128xf32, #tpu.memory_space<hbm>>, %arg9: memref<84x128xi32, #tpu.memory_space<vmem>>, %arg10: memref<84x128xi32, #tpu.memory_space<vmem>>, %arg11: memref<128x128xf32, #tpu.memory_space<vmem>>, %arg12: memref<128x128xf32, #tpu.memory_space<vmem>>, %arg13: memref<128x128xf32, #tpu.memory_space<vmem>>, %arg14: memref<128x128xf32, #tpu.memory_space<vmem>>, %arg15: memref<5008x128xf32, #tpu.memory_space<vmem_shared>>, %arg16: memref<!tpu.dma_semaphore, #tpu.memory_space<semaphore_mem>>, %arg17: memref<!tpu.dma_semaphore, #tpu.memory_space<semaphore_mem>>, %arg18: memref<!tpu.dma_semaphore, #tpu.memory_space<semaphore_mem>>, %arg19: memref<!tpu.dma_semaphore, #tpu.memory_space<semaphore_mem>>, %arg20: memref<!tpu.dma_semaphore, #tpu.memory_space<semaphore_mem>>, %arg21: memref<!tpu.dma_semaphore, #tpu.memory_space<semaphore_mem>>, %arg22: memref<!tpu.dma_semaphore, #tpu.memory_space<semaphore_mem>>, %arg23: memref<!tpu.dma_semaphore, #tpu.memory_space<semaphore_mem>>) attributes {dimension_semantics = [#tpu.dimension_semantics<core_parallel>, #tpu.dimension_semantics<subcore_parallel>], iteration_bounds = array<i64: 2, 16>, scalar_prefetch = 0 : i64, scratch_operands = 15 : i64, tpu.core_type = #tpu.core_type<sc_vector_subcore>, window_params = [{transform_indices = #map}, {transform_indices = #map1}, {transform_indices = #map1}, {transform_indices = #map1}, {transform_indices = #map1}, {transform_indices = #map}, {transform_indices = #map}]} {
    %eq3A = arith.constant 0 : i32
    %eq3A_0 = arith.cmpi eq, %arg0, %eq3A : i32
    %convert_element_type3A = arith.extui %eq3A_0 : i1 to i32
    %cond3A = arith.constant 0 : i32
    %cond3A_1 = arith.cmpi ne, %convert_element_type3A, %cond3A : i32
    scf.if %cond3A_1 {
      %mul3A_67 = arith.constant 2 : i32
      %mul3A_68 = arith.muli %mul3A_67, %arg1 : i32
      "tpu.region"() ({
        %run_scoped3A = tpu.sem_alloc : memref<!tpu.dma_semaphore, #tpu.memory_space<semaphore_mem>>
        %dma_start3A_79 = arith.constant 0 : i32
        %dma_start3A_80 = arith.constant 0 : i32
        %dma_start3A_81 = tpu.memref_slice %arg9[%dma_start3A_79, %dma_start3A_80] : memref<84x128xi32, #tpu.memory_space<vmem>> -> memref<42x128xi32, #tpu.memory_space<vmem>>
        %dma_start3A_82 = arith.constant 0 : i32
        %dma_start3A_83 = arith.constant 0 : i32
        %dma_start3A_84 = tpu.memref_slice %arg3[%mul3A_68, %dma_start3A_82, %dma_start3A_83] : memref<32x42x128xi32, #tpu.memory_space<hbm>> -> memref<1x42x128xi32, #tpu.memory_space<hbm>>
        %dma_start3A_85 = tpu.memref_squeeze %dma_start3A_84 : memref<1x42x128xi32, #tpu.memory_space<hbm>> -> memref<42x128xi32, #tpu.memory_space<hbm>>
        %dma_start3A_86 = arith.constant 0 : i32
        %dma_start3A_87 = arith.constant 0 : i32
        %dma_start3A_88 = tpu.memref_slice %arg9[%dma_start3A_86, %dma_start3A_87] : memref<84x128xi32, #tpu.memory_space<vmem>> -> memref<42x128xi32, #tpu.memory_space<vmem>>
        %dma_start3A_89 = arith.constant 0 : i32
        %dma_start3A_90 = arith.constant 0 : i32
        %dma_start3A_91 = tpu.memref_slice %arg3[%mul3A_68, %dma_start3A_89, %dma_start3A_90] : memref<32x42x128xi32, #tpu.memory_space<hbm>> -> memref<1x42x128xi32, #tpu.memory_space<hbm>>
        %dma_start3A_92 = tpu.memref_squeeze %dma_start3A_91 : memref<1x42x128xi32, #tpu.memory_space<hbm>> -> memref<42x128xi32, #tpu.memory_space<hbm>>
        tpu.enqueue_dma source(%dma_start3A_92 : memref<42x128xi32, #tpu.memory_space<hbm>>) target(%dma_start3A_88 : memref<42x128xi32, #tpu.memory_space<vmem>>) target_semaphore(%run_scoped3A : memref<!tpu.dma_semaphore, #tpu.memory_space<semaphore_mem>>)
        %dma_wait3A = arith.constant 0 : i32
        %dma_wait3A_93 = arith.constant 0 : i32
        %dma_wait3A_94 = tpu.memref_slice %arg9[%dma_wait3A, %dma_wait3A_93] : memref<84x128xi32, #tpu.memory_space<vmem>> -> memref<42x128xi32, #tpu.memory_space<vmem>>
        %dma_wait3A_95 = arith.constant 0 : i32
        %dma_wait3A_96 = arith.constant 0 : i32
        %dma_wait3A_97 = tpu.memref_slice %arg3[%mul3A_68, %dma_wait3A_95, %dma_wait3A_96] : memref<32x42x128xi32, #tpu.memory_space<hbm>> -> memref<1x42x128xi32, #tpu.memory_space<hbm>>
        %dma_wait3A_98 = tpu.memref_squeeze %dma_wait3A_97 : memref<1x42x128xi32, #tpu.memory_space<hbm>> -> memref<42x128xi32, #tpu.memory_space<hbm>>
        %dma_wait3A_99 = arith.constant 0 : i32
        %dma_wait3A_100 = arith.constant 0 : i32
        %dma_wait3A_101 = tpu.memref_slice %arg9[%dma_wait3A_99, %dma_wait3A_100] : memref<84x128xi32, #tpu.memory_space<vmem>> -> memref<42x128xi32, #tpu.memory_space<vmem>>
        %dma_wait3A_102 = arith.constant 0 : i32
        %dma_wait3A_103 = arith.constant 0 : i32
        %dma_wait3A_104 = tpu.memref_slice %arg3[%mul3A_68, %dma_wait3A_102, %dma_wait3A_103] : memref<32x42x128xi32, #tpu.memory_space<hbm>> -> memref<1x42x128xi32, #tpu.memory_space<hbm>>
        %dma_wait3A_105 = tpu.memref_squeeze %dma_wait3A_104 : memref<1x42x128xi32, #tpu.memory_space<hbm>> -> memref<42x128xi32, #tpu.memory_space<hbm>>
        tpu.wait_dma2 semaphore(%run_scoped3A : memref<!tpu.dma_semaphore, #tpu.memory_space<semaphore_mem>>) src(%dma_wait3A_105 : memref<42x128xi32, #tpu.memory_space<hbm>>) dst(%dma_wait3A_101 : memref<42x128xi32, #tpu.memory_space<vmem>>)
        tpu.yield
      }) : () -> ()
      %mul3A_69 = arith.constant 2 : i32
      %mul3A_70 = arith.muli %mul3A_69, %arg1 : i32
      %add3A_71 = arith.constant 1 : i32
      %add3A_72 = arith.addi %mul3A_70, %add3A_71 : i32
      "tpu.region"() ({
        %run_scoped3A = tpu.sem_alloc : memref<!tpu.dma_semaphore, #tpu.memory_space<semaphore_mem>>
        %dma_start3A_79 = arith.constant 42 : i32
        %dma_start3A_80 = arith.constant 0 : i32
        %dma_start3A_81 = tpu.memref_slice %arg9[%dma_start3A_79, %dma_start3A_80] : memref<84x128xi32, #tpu.memory_space<vmem>> -> memref<42x128xi32, #tpu.memory_space<vmem>>
        %dma_start3A_82 = arith.constant 0 : i32
        %dma_start3A_83 = arith.constant 0 : i32
        %dma_start3A_84 = tpu.memref_slice %arg3[%add3A_72, %dma_start3A_82, %dma_start3A_83] : memref<32x42x128xi32, #tpu.memory_space<hbm>> -> memref<1x42x128xi32, #tpu.memory_space<hbm>>
        %dma_start3A_85 = tpu.memref_squeeze %dma_start3A_84 : memref<1x42x128xi32, #tpu.memory_space<hbm>> -> memref<42x128xi32, #tpu.memory_space<hbm>>
        %dma_start3A_86 = arith.constant 42 : i32
        %dma_start3A_87 = arith.constant 0 : i32
        %dma_start3A_88 = tpu.memref_slice %arg9[%dma_start3A_86, %dma_start3A_87] : memref<84x128xi32, #tpu.memory_space<vmem>> -> memref<42x128xi32, #tpu.memory_space<vmem>>
        %dma_start3A_89 = arith.constant 0 : i32
        %dma_start3A_90 = arith.constant 0 : i32
        %dma_start3A_91 = tpu.memref_slice %arg3[%add3A_72, %dma_start3A_89, %dma_start3A_90] : memref<32x42x128xi32, #tpu.memory_space<hbm>> -> memref<1x42x128xi32, #tpu.memory_space<hbm>>
        %dma_start3A_92 = tpu.memref_squeeze %dma_start3A_91 : memref<1x42x128xi32, #tpu.memory_space<hbm>> -> memref<42x128xi32, #tpu.memory_space<hbm>>
        tpu.enqueue_dma source(%dma_start3A_92 : memref<42x128xi32, #tpu.memory_space<hbm>>) target(%dma_start3A_88 : memref<42x128xi32, #tpu.memory_space<vmem>>) target_semaphore(%run_scoped3A : memref<!tpu.dma_semaphore, #tpu.memory_space<semaphore_mem>>)
        %dma_wait3A = arith.constant 42 : i32
        %dma_wait3A_93 = arith.constant 0 : i32
        %dma_wait3A_94 = tpu.memref_slice %arg9[%dma_wait3A, %dma_wait3A_93] : memref<84x128xi32, #tpu.memory_space<vmem>> -> memref<42x128xi32, #tpu.memory_space<vmem>>
        %dma_wait3A_95 = arith.constant 0 : i32
        %dma_wait3A_96 = arith.constant 0 : i32
        %dma_wait3A_97 = tpu.memref_slice %arg3[%add3A_72, %dma_wait3A_95, %dma_wait3A_96] : memref<32x42x128xi32, #tpu.memory_space<hbm>> -> memref<1x42x128xi32, #tpu.memory_space<hbm>>
        %dma_wait3A_98 = tpu.memref_squeeze %dma_wait3A_97 : memref<1x42x128xi32, #tpu.memory_space<hbm>> -> memref<42x128xi32, #tpu.memory_space<hbm>>
        %dma_wait3A_99 = arith.constant 42 : i32
        %dma_wait3A_100 = arith.constant 0 : i32
        %dma_wait3A_101 = tpu.memref_slice %arg9[%dma_wait3A_99, %dma_wait3A_100] : memref<84x128xi32, #tpu.memory_space<vmem>> -> memref<42x128xi32, #tpu.memory_space<vmem>>
        %dma_wait3A_102 = arith.constant 0 : i32
        %dma_wait3A_103 = arith.constant 0 : i32
        %dma_wait3A_104 = tpu.memref_slice %arg3[%add3A_72, %dma_wait3A_102, %dma_wait3A_103] : memref<32x42x128xi32, #tpu.memory_space<hbm>> -> memref<1x42x128xi32, #tpu.memory_space<hbm>>
        %dma_wait3A_105 = tpu.memref_squeeze %dma_wait3A_104 : memref<1x42x128xi32, #tpu.memory_space<hbm>> -> memref<42x128xi32, #tpu.memory_space<hbm>>
        tpu.wait_dma2 semaphore(%run_scoped3A : memref<!tpu.dma_semaphore, #tpu.memory_space<semaphore_mem>>) src(%dma_wait3A_105 : memref<42x128xi32, #tpu.memory_space<hbm>>) dst(%dma_wait3A_101 : memref<42x128xi32, #tpu.memory_space<vmem>>)
        tpu.yield
      }) : () -> ()
      %mul3A_73 = arith.constant 2 : i32
      %mul3A_74 = arith.muli %mul3A_73, %arg1 : i32
      "tpu.region"() ({
        %run_scoped3A = tpu.sem_alloc : memref<!tpu.dma_semaphore, #tpu.memory_space<semaphore_mem>>
        %dma_start3A_79 = arith.constant 0 : i32
        %dma_start3A_80 = arith.constant 0 : i32
        %dma_start3A_81 = tpu.memref_slice %arg10[%dma_start3A_79, %dma_start3A_80] : memref<84x128xi32, #tpu.memory_space<vmem>> -> memref<42x128xi32, #tpu.memory_space<vmem>>
        %dma_start3A_82 = arith.constant 0 : i32
        %dma_start3A_83 = arith.constant 0 : i32
        %dma_start3A_84 = tpu.memref_slice %arg4[%mul3A_74, %dma_start3A_82, %dma_start3A_83] : memref<32x42x128xi32, #tpu.memory_space<hbm>> -> memref<1x42x128xi32, #tpu.memory_space<hbm>>
        %dma_start3A_85 = tpu.memref_squeeze %dma_start3A_84 : memref<1x42x128xi32, #tpu.memory_space<hbm>> -> memref<42x128xi32, #tpu.memory_space<hbm>>
        %dma_start3A_86 = arith.constant 0 : i32
        %dma_start3A_87 = arith.constant 0 : i32
        %dma_start3A_88 = tpu.memref_slice %arg10[%dma_start3A_86, %dma_start3A_87] : memref<84x128xi32, #tpu.memory_space<vmem>> -> memref<42x128xi32, #tpu.memory_space<vmem>>
        %dma_start3A_89 = arith.constant 0 : i32
        %dma_start3A_90 = arith.constant 0 : i32
        %dma_start3A_91 = tpu.memref_slice %arg4[%mul3A_74, %dma_start3A_89, %dma_start3A_90] : memref<32x42x128xi32, #tpu.memory_space<hbm>> -> memref<1x42x128xi32, #tpu.memory_space<hbm>>
        %dma_start3A_92 = tpu.memref_squeeze %dma_start3A_91 : memref<1x42x128xi32, #tpu.memory_space<hbm>> -> memref<42x128xi32, #tpu.memory_space<hbm>>
        tpu.enqueue_dma source(%dma_start3A_92 : memref<42x128xi32, #tpu.memory_space<hbm>>) target(%dma_start3A_88 : memref<42x128xi32, #tpu.memory_space<vmem>>) target_semaphore(%run_scoped3A : memref<!tpu.dma_semaphore, #tpu.memory_space<semaphore_mem>>)
        %dma_wait3A = arith.constant 0 : i32
        %dma_wait3A_93 = arith.constant 0 : i32
        %dma_wait3A_94 = tpu.memref_slice %arg10[%dma_wait3A, %dma_wait3A_93] : memref<84x128xi32, #tpu.memory_space<vmem>> -> memref<42x128xi32, #tpu.memory_space<vmem>>
        %dma_wait3A_95 = arith.constant 0 : i32
        %dma_wait3A_96 = arith.constant 0 : i32
        %dma_wait3A_97 = tpu.memref_slice %arg4[%mul3A_74, %dma_wait3A_95, %dma_wait3A_96] : memref<32x42x128xi32, #tpu.memory_space<hbm>> -> memref<1x42x128xi32, #tpu.memory_space<hbm>>
        %dma_wait3A_98 = tpu.memref_squeeze %dma_wait3A_97 : memref<1x42x128xi32, #tpu.memory_space<hbm>> -> memref<42x128xi32, #tpu.memory_space<hbm>>
        %dma_wait3A_99 = arith.constant 0 : i32
        %dma_wait3A_100 = arith.constant 0 : i32
        %dma_wait3A_101 = tpu.memref_slice %arg10[%dma_wait3A_99, %dma_wait3A_100] : memref<84x128xi32, #tpu.memory_space<vmem>> -> memref<42x128xi32, #tpu.memory_space<vmem>>
        %dma_wait3A_102 = arith.constant 0 : i32
        %dma_wait3A_103 = arith.constant 0 : i32
        %dma_wait3A_104 = tpu.memref_slice %arg4[%mul3A_74, %dma_wait3A_102, %dma_wait3A_103] : memref<32x42x128xi32, #tpu.memory_space<hbm>> -> memref<1x42x128xi32, #tpu.memory_space<hbm>>
        %dma_wait3A_105 = tpu.memref_squeeze %dma_wait3A_104 : memref<1x42x128xi32, #tpu.memory_space<hbm>> -> memref<42x128xi32, #tpu.memory_space<hbm>>
        tpu.wait_dma2 semaphore(%run_scoped3A : memref<!tpu.dma_semaphore, #tpu.memory_space<semaphore_mem>>) src(%dma_wait3A_105 : memref<42x128xi32, #tpu.memory_space<hbm>>) dst(%dma_wait3A_101 : memref<42x128xi32, #tpu.memory_space<vmem>>)
        tpu.yield
      }) : () -> ()
      %mul3A_75 = arith.constant 2 : i32
      %mul3A_76 = arith.muli %mul3A_75, %arg1 : i32
      %add3A_77 = arith.constant 1 : i32
      %add3A_78 = arith.addi %mul3A_76, %add3A_77 : i32
      "tpu.region"() ({
        %run_scoped3A = tpu.sem_alloc : memref<!tpu.dma_semaphore, #tpu.memory_space<semaphore_mem>>
        %dma_start3A_79 = arith.constant 42 : i32
        %dma_start3A_80 = arith.constant 0 : i32
        %dma_start3A_81 = tpu.memref_slice %arg10[%dma_start3A_79, %dma_start3A_80] : memref<84x128xi32, #tpu.memory_space<vmem>> -> memref<42x128xi32, #tpu.memory_space<vmem>>
        %dma_start3A_82 = arith.constant 0 : i32
        %dma_start3A_83 = arith.constant 0 : i32
        %dma_start3A_84 = tpu.memref_slice %arg4[%add3A_78, %dma_start3A_82, %dma_start3A_83] : memref<32x42x128xi32, #tpu.memory_space<hbm>> -> memref<1x42x128xi32, #tpu.memory_space<hbm>>
        %dma_start3A_85 = tpu.memref_squeeze %dma_start3A_84 : memref<1x42x128xi32, #tpu.memory_space<hbm>> -> memref<42x128xi32, #tpu.memory_space<hbm>>
        %dma_start3A_86 = arith.constant 42 : i32
        %dma_start3A_87 = arith.constant 0 : i32
        %dma_start3A_88 = tpu.memref_slice %arg10[%dma_start3A_86, %dma_start3A_87] : memref<84x128xi32, #tpu.memory_space<vmem>> -> memref<42x128xi32, #tpu.memory_space<vmem>>
        %dma_start3A_89 = arith.constant 0 : i32
        %dma_start3A_90 = arith.constant 0 : i32
        %dma_start3A_91 = tpu.memref_slice %arg4[%add3A_78, %dma_start3A_89, %dma_start3A_90] : memref<32x42x128xi32, #tpu.memory_space<hbm>> -> memref<1x42x128xi32, #tpu.memory_space<hbm>>
        %dma_start3A_92 = tpu.memref_squeeze %dma_start3A_91 : memref<1x42x128xi32, #tpu.memory_space<hbm>> -> memref<42x128xi32, #tpu.memory_space<hbm>>
        tpu.enqueue_dma source(%dma_start3A_92 : memref<42x128xi32, #tpu.memory_space<hbm>>) target(%dma_start3A_88 : memref<42x128xi32, #tpu.memory_space<vmem>>) target_semaphore(%run_scoped3A : memref<!tpu.dma_semaphore, #tpu.memory_space<semaphore_mem>>)
        %dma_wait3A = arith.constant 42 : i32
        %dma_wait3A_93 = arith.constant 0 : i32
        %dma_wait3A_94 = tpu.memref_slice %arg10[%dma_wait3A, %dma_wait3A_93] : memref<84x128xi32, #tpu.memory_space<vmem>> -> memref<42x128xi32, #tpu.memory_space<vmem>>
        %dma_wait3A_95 = arith.constant 0 : i32
        %dma_wait3A_96 = arith.constant 0 : i32
        %dma_wait3A_97 = tpu.memref_slice %arg4[%add3A_78, %dma_wait3A_95, %dma_wait3A_96] : memref<32x42x128xi32, #tpu.memory_space<hbm>> -> memref<1x42x128xi32, #tpu.memory_space<hbm>>
        %dma_wait3A_98 = tpu.memref_squeeze %dma_wait3A_97 : memref<1x42x128xi32, #tpu.memory_space<hbm>> -> memref<42x128xi32, #tpu.memory_space<hbm>>
        %dma_wait3A_99 = arith.constant 42 : i32
        %dma_wait3A_100 = arith.constant 0 : i32
        %dma_wait3A_101 = tpu.memref_slice %arg10[%dma_wait3A_99, %dma_wait3A_100] : memref<84x128xi32, #tpu.memory_space<vmem>> -> memref<42x128xi32, #tpu.memory_space<vmem>>
        %dma_wait3A_102 = arith.constant 0 : i32
        %dma_wait3A_103 = arith.constant 0 : i32
        %dma_wait3A_104 = tpu.memref_slice %arg4[%add3A_78, %dma_wait3A_102, %dma_wait3A_103] : memref<32x42x128xi32, #tpu.memory_space<hbm>> -> memref<1x42x128xi32, #tpu.memory_space<hbm>>
        %dma_wait3A_105 = tpu.memref_squeeze %dma_wait3A_104 : memref<1x42x128xi32, #tpu.memory_space<hbm>> -> memref<42x128xi32, #tpu.memory_space<hbm>>
        tpu.wait_dma2 semaphore(%run_scoped3A : memref<!tpu.dma_semaphore, #tpu.memory_space<semaphore_mem>>) src(%dma_wait3A_105 : memref<42x128xi32, #tpu.memory_space<hbm>>) dst(%dma_wait3A_101 : memref<42x128xi32, #tpu.memory_space<vmem>>)
        tpu.yield
      }) : () -> ()
    } else {
    }
    %eq3A_2 = arith.constant 1 : i32
    %eq3A_3 = arith.cmpi eq, %arg0, %eq3A_2 : i32
    %convert_element_type3A_4 = arith.extui %eq3A_3 : i1 to i32
    %cond3A_5 = arith.constant 0 : i32
    %cond3A_6 = arith.cmpi ne, %convert_element_type3A_4, %cond3A_5 : i32
    scf.if %cond3A_6 {
      %mul3A_67 = arith.constant 2 : i32
      %mul3A_68 = arith.muli %mul3A_67, %arg1 : i32
      "tpu.region"() ({
        %run_scoped3A = tpu.sem_alloc : memref<!tpu.dma_semaphore, #tpu.memory_space<semaphore_mem>>
        %dma_start3A_79 = arith.constant 0 : i32
        %dma_start3A_80 = arith.constant 0 : i32
        %dma_start3A_81 = tpu.memref_slice %arg9[%dma_start3A_79, %dma_start3A_80] : memref<84x128xi32, #tpu.memory_space<vmem>> -> memref<42x128xi32, #tpu.memory_space<vmem>>
        %dma_start3A_82 = arith.constant 0 : i32
        %dma_start3A_83 = arith.constant 0 : i32
        %dma_start3A_84 = tpu.memref_slice %arg5[%mul3A_68, %dma_start3A_82, %dma_start3A_83] : memref<32x42x128xi32, #tpu.memory_space<hbm>> -> memref<1x42x128xi32, #tpu.memory_space<hbm>>
        %dma_start3A_85 = tpu.memref_squeeze %dma_start3A_84 : memref<1x42x128xi32, #tpu.memory_space<hbm>> -> memref<42x128xi32, #tpu.memory_space<hbm>>
        %dma_start3A_86 = arith.constant 0 : i32
        %dma_start3A_87 = arith.constant 0 : i32
        %dma_start3A_88 = tpu.memref_slice %arg9[%dma_start3A_86, %dma_start3A_87] : memref<84x128xi32, #tpu.memory_space<vmem>> -> memref<42x128xi32, #tpu.memory_space<vmem>>
        %dma_start3A_89 = arith.constant 0 : i32
        %dma_start3A_90 = arith.constant 0 : i32
        %dma_start3A_91 = tpu.memref_slice %arg5[%mul3A_68, %dma_start3A_89, %dma_start3A_90] : memref<32x42x128xi32, #tpu.memory_space<hbm>> -> memref<1x42x128xi32, #tpu.memory_space<hbm>>
        %dma_start3A_92 = tpu.memref_squeeze %dma_start3A_91 : memref<1x42x128xi32, #tpu.memory_space<hbm>> -> memref<42x128xi32, #tpu.memory_space<hbm>>
        tpu.enqueue_dma source(%dma_start3A_92 : memref<42x128xi32, #tpu.memory_space<hbm>>) target(%dma_start3A_88 : memref<42x128xi32, #tpu.memory_space<vmem>>) target_semaphore(%run_scoped3A : memref<!tpu.dma_semaphore, #tpu.memory_space<semaphore_mem>>)
        %dma_wait3A = arith.constant 0 : i32
        %dma_wait3A_93 = arith.constant 0 : i32
        %dma_wait3A_94 = tpu.memref_slice %arg9[%dma_wait3A, %dma_wait3A_93] : memref<84x128xi32, #tpu.memory_space<vmem>> -> memref<42x128xi32, #tpu.memory_space<vmem>>
        %dma_wait3A_95 = arith.constant 0 : i32
        %dma_wait3A_96 = arith.constant 0 : i32
        %dma_wait3A_97 = tpu.memref_slice %arg5[%mul3A_68, %dma_wait3A_95, %dma_wait3A_96] : memref<32x42x128xi32, #tpu.memory_space<hbm>> -> memref<1x42x128xi32, #tpu.memory_space<hbm>>
        %dma_wait3A_98 = tpu.memref_squeeze %dma_wait3A_97 : memref<1x42x128xi32, #tpu.memory_space<hbm>> -> memref<42x128xi32, #tpu.memory_space<hbm>>
        %dma_wait3A_99 = arith.constant 0 : i32
        %dma_wait3A_100 = arith.constant 0 : i32
        %dma_wait3A_101 = tpu.memref_slice %arg9[%dma_wait3A_99, %dma_wait3A_100] : memref<84x128xi32, #tpu.memory_space<vmem>> -> memref<42x128xi32, #tpu.memory_space<vmem>>
        %dma_wait3A_102 = arith.constant 0 : i32
        %dma_wait3A_103 = arith.constant 0 : i32
        %dma_wait3A_104 = tpu.memref_slice %arg5[%mul3A_68, %dma_wait3A_102, %dma_wait3A_103] : memref<32x42x128xi32, #tpu.memory_space<hbm>> -> memref<1x42x128xi32, #tpu.memory_space<hbm>>
        %dma_wait3A_105 = tpu.memref_squeeze %dma_wait3A_104 : memref<1x42x128xi32, #tpu.memory_space<hbm>> -> memref<42x128xi32, #tpu.memory_space<hbm>>
        tpu.wait_dma2 semaphore(%run_scoped3A : memref<!tpu.dma_semaphore, #tpu.memory_space<semaphore_mem>>) src(%dma_wait3A_105 : memref<42x128xi32, #tpu.memory_space<hbm>>) dst(%dma_wait3A_101 : memref<42x128xi32, #tpu.memory_space<vmem>>)
        tpu.yield
      }) : () -> ()
      %mul3A_69 = arith.constant 2 : i32
      %mul3A_70 = arith.muli %mul3A_69, %arg1 : i32
      %add3A_71 = arith.constant 1 : i32
      %add3A_72 = arith.addi %mul3A_70, %add3A_71 : i32
      "tpu.region"() ({
        %run_scoped3A = tpu.sem_alloc : memref<!tpu.dma_semaphore, #tpu.memory_space<semaphore_mem>>
        %dma_start3A_79 = arith.constant 42 : i32
        %dma_start3A_80 = arith.constant 0 : i32
        %dma_start3A_81 = tpu.memref_slice %arg9[%dma_start3A_79, %dma_start3A_80] : memref<84x128xi32, #tpu.memory_space<vmem>> -> memref<42x128xi32, #tpu.memory_space<vmem>>
        %dma_start3A_82 = arith.constant 0 : i32
        %dma_start3A_83 = arith.constant 0 : i32
        %dma_start3A_84 = tpu.memref_slice %arg5[%add3A_72, %dma_start3A_82, %dma_start3A_83] : memref<32x42x128xi32, #tpu.memory_space<hbm>> -> memref<1x42x128xi32, #tpu.memory_space<hbm>>
        %dma_start3A_85 = tpu.memref_squeeze %dma_start3A_84 : memref<1x42x128xi32, #tpu.memory_space<hbm>> -> memref<42x128xi32, #tpu.memory_space<hbm>>
        %dma_start3A_86 = arith.constant 42 : i32
        %dma_start3A_87 = arith.constant 0 : i32
        %dma_start3A_88 = tpu.memref_slice %arg9[%dma_start3A_86, %dma_start3A_87] : memref<84x128xi32, #tpu.memory_space<vmem>> -> memref<42x128xi32, #tpu.memory_space<vmem>>
        %dma_start3A_89 = arith.constant 0 : i32
        %dma_start3A_90 = arith.constant 0 : i32
        %dma_start3A_91 = tpu.memref_slice %arg5[%add3A_72, %dma_start3A_89, %dma_start3A_90] : memref<32x42x128xi32, #tpu.memory_space<hbm>> -> memref<1x42x128xi32, #tpu.memory_space<hbm>>
        %dma_start3A_92 = tpu.memref_squeeze %dma_start3A_91 : memref<1x42x128xi32, #tpu.memory_space<hbm>> -> memref<42x128xi32, #tpu.memory_space<hbm>>
        tpu.enqueue_dma source(%dma_start3A_92 : memref<42x128xi32, #tpu.memory_space<hbm>>) target(%dma_start3A_88 : memref<42x128xi32, #tpu.memory_space<vmem>>) target_semaphore(%run_scoped3A : memref<!tpu.dma_semaphore, #tpu.memory_space<semaphore_mem>>)
        %dma_wait3A = arith.constant 42 : i32
        %dma_wait3A_93 = arith.constant 0 : i32
        %dma_wait3A_94 = tpu.memref_slice %arg9[%dma_wait3A, %dma_wait3A_93] : memref<84x128xi32, #tpu.memory_space<vmem>> -> memref<42x128xi32, #tpu.memory_space<vmem>>
        %dma_wait3A_95 = arith.constant 0 : i32
        %dma_wait3A_96 = arith.constant 0 : i32
        %dma_wait3A_97 = tpu.memref_slice %arg5[%add3A_72, %dma_wait3A_95, %dma_wait3A_96] : memref<32x42x128xi32, #tpu.memory_space<hbm>> -> memref<1x42x128xi32, #tpu.memory_space<hbm>>
        %dma_wait3A_98 = tpu.memref_squeeze %dma_wait3A_97 : memref<1x42x128xi32, #tpu.memory_space<hbm>> -> memref<42x128xi32, #tpu.memory_space<hbm>>
        %dma_wait3A_99 = arith.constant 42 : i32
        %dma_wait3A_100 = arith.constant 0 : i32
        %dma_wait3A_101 = tpu.memref_slice %arg9[%dma_wait3A_99, %dma_wait3A_100] : memref<84x128xi32, #tpu.memory_space<vmem>> -> memref<42x128xi32, #tpu.memory_space<vmem>>
        %dma_wait3A_102 = arith.constant 0 : i32
        %dma_wait3A_103 = arith.constant 0 : i32
        %dma_wait3A_104 = tpu.memref_slice %arg5[%add3A_72, %dma_wait3A_102, %dma_wait3A_103] : memref<32x42x128xi32, #tpu.memory_space<hbm>> -> memref<1x42x128xi32, #tpu.memory_space<hbm>>
        %dma_wait3A_105 = tpu.memref_squeeze %dma_wait3A_104 : memref<1x42x128xi32, #tpu.memory_space<hbm>> -> memref<42x128xi32, #tpu.memory_space<hbm>>
        tpu.wait_dma2 semaphore(%run_scoped3A : memref<!tpu.dma_semaphore, #tpu.memory_space<semaphore_mem>>) src(%dma_wait3A_105 : memref<42x128xi32, #tpu.memory_space<hbm>>) dst(%dma_wait3A_101 : memref<42x128xi32, #tpu.memory_space<vmem>>)
        tpu.yield
      }) : () -> ()
      %mul3A_73 = arith.constant 2 : i32
      %mul3A_74 = arith.muli %mul3A_73, %arg1 : i32
      "tpu.region"() ({
        %run_scoped3A = tpu.sem_alloc : memref<!tpu.dma_semaphore, #tpu.memory_space<semaphore_mem>>
        %dma_start3A_79 = arith.constant 0 : i32
        %dma_start3A_80 = arith.constant 0 : i32
        %dma_start3A_81 = tpu.memref_slice %arg10[%dma_start3A_79, %dma_start3A_80] : memref<84x128xi32, #tpu.memory_space<vmem>> -> memref<42x128xi32, #tpu.memory_space<vmem>>
        %dma_start3A_82 = arith.constant 0 : i32
        %dma_start3A_83 = arith.constant 0 : i32
        %dma_start3A_84 = tpu.memref_slice %arg6[%mul3A_74, %dma_start3A_82, %dma_start3A_83] : memref<32x42x128xi32, #tpu.memory_space<hbm>> -> memref<1x42x128xi32, #tpu.memory_space<hbm>>
        %dma_start3A_85 = tpu.memref_squeeze %dma_start3A_84 : memref<1x42x128xi32, #tpu.memory_space<hbm>> -> memref<42x128xi32, #tpu.memory_space<hbm>>
        %dma_start3A_86 = arith.constant 0 : i32
        %dma_start3A_87 = arith.constant 0 : i32
        %dma_start3A_88 = tpu.memref_slice %arg10[%dma_start3A_86, %dma_start3A_87] : memref<84x128xi32, #tpu.memory_space<vmem>> -> memref<42x128xi32, #tpu.memory_space<vmem>>
        %dma_start3A_89 = arith.constant 0 : i32
        %dma_start3A_90 = arith.constant 0 : i32
        %dma_start3A_91 = tpu.memref_slice %arg6[%mul3A_74, %dma_start3A_89, %dma_start3A_90] : memref<32x42x128xi32, #tpu.memory_space<hbm>> -> memref<1x42x128xi32, #tpu.memory_space<hbm>>
        %dma_start3A_92 = tpu.memref_squeeze %dma_start3A_91 : memref<1x42x128xi32, #tpu.memory_space<hbm>> -> memref<42x128xi32, #tpu.memory_space<hbm>>
        tpu.enqueue_dma source(%dma_start3A_92 : memref<42x128xi32, #tpu.memory_space<hbm>>) target(%dma_start3A_88 : memref<42x128xi32, #tpu.memory_space<vmem>>) target_semaphore(%run_scoped3A : memref<!tpu.dma_semaphore, #tpu.memory_space<semaphore_mem>>)
        %dma_wait3A = arith.constant 0 : i32
        %dma_wait3A_93 = arith.constant 0 : i32
        %dma_wait3A_94 = tpu.memref_slice %arg10[%dma_wait3A, %dma_wait3A_93] : memref<84x128xi32, #tpu.memory_space<vmem>> -> memref<42x128xi32, #tpu.memory_space<vmem>>
        %dma_wait3A_95 = arith.constant 0 : i32
        %dma_wait3A_96 = arith.constant 0 : i32
        %dma_wait3A_97 = tpu.memref_slice %arg6[%mul3A_74, %dma_wait3A_95, %dma_wait3A_96] : memref<32x42x128xi32, #tpu.memory_space<hbm>> -> memref<1x42x128xi32, #tpu.memory_space<hbm>>
        %dma_wait3A_98 = tpu.memref_squeeze %dma_wait3A_97 : memref<1x42x128xi32, #tpu.memory_space<hbm>> -> memref<42x128xi32, #tpu.memory_space<hbm>>
        %dma_wait3A_99 = arith.constant 0 : i32
        %dma_wait3A_100 = arith.constant 0 : i32
        %dma_wait3A_101 = tpu.memref_slice %arg10[%dma_wait3A_99, %dma_wait3A_100] : memref<84x128xi32, #tpu.memory_space<vmem>> -> memref<42x128xi32, #tpu.memory_space<vmem>>
        %dma_wait3A_102 = arith.constant 0 : i32
        %dma_wait3A_103 = arith.constant 0 : i32
        %dma_wait3A_104 = tpu.memref_slice %arg6[%mul3A_74, %dma_wait3A_102, %dma_wait3A_103] : memref<32x42x128xi32, #tpu.memory_space<hbm>> -> memref<1x42x128xi32, #tpu.memory_space<hbm>>
        %dma_wait3A_105 = tpu.memref_squeeze %dma_wait3A_104 : memref<1x42x128xi32, #tpu.memory_space<hbm>> -> memref<42x128xi32, #tpu.memory_space<hbm>>
        tpu.wait_dma2 semaphore(%run_scoped3A : memref<!tpu.dma_semaphore, #tpu.memory_space<semaphore_mem>>) src(%dma_wait3A_105 : memref<42x128xi32, #tpu.memory_space<hbm>>) dst(%dma_wait3A_101 : memref<42x128xi32, #tpu.memory_space<vmem>>)
        tpu.yield
      }) : () -> ()
      %mul3A_75 = arith.constant 2 : i32
      %mul3A_76 = arith.muli %mul3A_75, %arg1 : i32
      %add3A_77 = arith.constant 1 : i32
      %add3A_78 = arith.addi %mul3A_76, %add3A_77 : i32
      "tpu.region"() ({
        %run_scoped3A = tpu.sem_alloc : memref<!tpu.dma_semaphore, #tpu.memory_space<semaphore_mem>>
        %dma_start3A_79 = arith.constant 42 : i32
        %dma_start3A_80 = arith.constant 0 : i32
        %dma_start3A_81 = tpu.memref_slice %arg10[%dma_start3A_79, %dma_start3A_80] : memref<84x128xi32, #tpu.memory_space<vmem>> -> memref<42x128xi32, #tpu.memory_space<vmem>>
        %dma_start3A_82 = arith.constant 0 : i32
        %dma_start3A_83 = arith.constant 0 : i32
        %dma_start3A_84 = tpu.memref_slice %arg6[%add3A_78, %dma_start3A_82, %dma_start3A_83] : memref<32x42x128xi32, #tpu.memory_space<hbm>> -> memref<1x42x128xi32, #tpu.memory_space<hbm>>
        %dma_start3A_85 = tpu.memref_squeeze %dma_start3A_84 : memref<1x42x128xi32, #tpu.memory_space<hbm>> -> memref<42x128xi32, #tpu.memory_space<hbm>>
        %dma_start3A_86 = arith.constant 42 : i32
        %dma_start3A_87 = arith.constant 0 : i32
        %dma_start3A_88 = tpu.memref_slice %arg10[%dma_start3A_86, %dma_start3A_87] : memref<84x128xi32, #tpu.memory_space<vmem>> -> memref<42x128xi32, #tpu.memory_space<vmem>>
        %dma_start3A_89 = arith.constant 0 : i32
        %dma_start3A_90 = arith.constant 0 : i32
        %dma_start3A_91 = tpu.memref_slice %arg6[%add3A_78, %dma_start3A_89, %dma_start3A_90] : memref<32x42x128xi32, #tpu.memory_space<hbm>> -> memref<1x42x128xi32, #tpu.memory_space<hbm>>
        %dma_start3A_92 = tpu.memref_squeeze %dma_start3A_91 : memref<1x42x128xi32, #tpu.memory_space<hbm>> -> memref<42x128xi32, #tpu.memory_space<hbm>>
        tpu.enqueue_dma source(%dma_start3A_92 : memref<42x128xi32, #tpu.memory_space<hbm>>) target(%dma_start3A_88 : memref<42x128xi32, #tpu.memory_space<vmem>>) target_semaphore(%run_scoped3A : memref<!tpu.dma_semaphore, #tpu.memory_space<semaphore_mem>>)
        %dma_wait3A = arith.constant 42 : i32
        %dma_wait3A_93 = arith.constant 0 : i32
        %dma_wait3A_94 = tpu.memref_slice %arg10[%dma_wait3A, %dma_wait3A_93] : memref<84x128xi32, #tpu.memory_space<vmem>> -> memref<42x128xi32, #tpu.memory_space<vmem>>
        %dma_wait3A_95 = arith.constant 0 : i32
        %dma_wait3A_96 = arith.constant 0 : i32
        %dma_wait3A_97 = tpu.memref_slice %arg6[%add3A_78, %dma_wait3A_95, %dma_wait3A_96] : memref<32x42x128xi32, #tpu.memory_space<hbm>> -> memref<1x42x128xi32, #tpu.memory_space<hbm>>
        %dma_wait3A_98 = tpu.memref_squeeze %dma_wait3A_97 : memref<1x42x128xi32, #tpu.memory_space<hbm>> -> memref<42x128xi32, #tpu.memory_space<hbm>>
        %dma_wait3A_99 = arith.constant 42 : i32
        %dma_wait3A_100 = arith.constant 0 : i32
        %dma_wait3A_101 = tpu.memref_slice %arg10[%dma_wait3A_99, %dma_wait3A_100] : memref<84x128xi32, #tpu.memory_space<vmem>> -> memref<42x128xi32, #tpu.memory_space<vmem>>
        %dma_wait3A_102 = arith.constant 0 : i32
        %dma_wait3A_103 = arith.constant 0 : i32
        %dma_wait3A_104 = tpu.memref_slice %arg6[%add3A_78, %dma_wait3A_102, %dma_wait3A_103] : memref<32x42x128xi32, #tpu.memory_space<hbm>> -> memref<1x42x128xi32, #tpu.memory_space<hbm>>
        %dma_wait3A_105 = tpu.memref_squeeze %dma_wait3A_104 : memref<1x42x128xi32, #tpu.memory_space<hbm>> -> memref<42x128xi32, #tpu.memory_space<hbm>>
        tpu.wait_dma2 semaphore(%run_scoped3A : memref<!tpu.dma_semaphore, #tpu.memory_space<semaphore_mem>>) src(%dma_wait3A_105 : memref<42x128xi32, #tpu.memory_space<hbm>>) dst(%dma_wait3A_101 : memref<42x128xi32, #tpu.memory_space<vmem>>)
        tpu.yield
      }) : () -> ()
    } else {
    }
    %mul3A = arith.constant 312 : i32
    %mul3A_7 = arith.muli %arg1, %mul3A : i32
    %add3A = arith.constant 0 : i32
    %add3A_8 = arith.addi %mul3A_7, %add3A : i32
    "tpu.region"() ({
      %run_scoped3A = tpu.sem_alloc : memref<!tpu.dma_semaphore, #tpu.memory_space<semaphore_mem>>
      %dma_start3A_67 = arith.constant 0 : i32
      %dma_start3A_68 = tpu.memref_slice %arg15[%add3A_8, %dma_start3A_67] : memref<5008x128xf32, #tpu.memory_space<vmem_shared>> -> memref<104x128xf32, #tpu.memory_space<vmem_shared>>
      tpu.enqueue_dma source(%arg7 : memref<104x128xf32, #tpu.memory_space<hbm>>) target(%dma_start3A_68 : memref<104x128xf32, #tpu.memory_space<vmem_shared>>) target_semaphore(%run_scoped3A : memref<!tpu.dma_semaphore, #tpu.memory_space<semaphore_mem>>)
      %dma_wait3A = arith.constant 0 : i32
      %dma_wait3A_69 = tpu.memref_slice %arg15[%add3A_8, %dma_wait3A] : memref<5008x128xf32, #tpu.memory_space<vmem_shared>> -> memref<104x128xf32, #tpu.memory_space<vmem_shared>>
      tpu.wait_dma2 semaphore(%run_scoped3A : memref<!tpu.dma_semaphore, #tpu.memory_space<semaphore_mem>>) src(%arg7 : memref<104x128xf32, #tpu.memory_space<hbm>>) dst(%dma_wait3A_69 : memref<104x128xf32, #tpu.memory_space<vmem_shared>>)
      tpu.yield
    }) : () -> ()
    %mul3A_9 = arith.constant 312 : i32
    %mul3A_10 = arith.muli %arg1, %mul3A_9 : i32
    %add3A_11 = arith.constant 104 : i32
    %add3A_12 = arith.addi %mul3A_10, %add3A_11 : i32
    "tpu.region"() ({
      %run_scoped3A = tpu.sem_alloc : memref<!tpu.dma_semaphore, #tpu.memory_space<semaphore_mem>>
      %dma_start3A_67 = arith.constant 0 : i32
      %dma_start3A_68 = tpu.memref_slice %arg15[%add3A_12, %dma_start3A_67] : memref<5008x128xf32, #tpu.memory_space<vmem_shared>> -> memref<104x128xf32, #tpu.memory_space<vmem_shared>>
      tpu.enqueue_dma source(%arg7 : memref<104x128xf32, #tpu.memory_space<hbm>>) target(%dma_start3A_68 : memref<104x128xf32, #tpu.memory_space<vmem_shared>>) target_semaphore(%run_scoped3A : memref<!tpu.dma_semaphore, #tpu.memory_space<semaphore_mem>>)
      %dma_wait3A = arith.constant 0 : i32
      %dma_wait3A_69 = tpu.memref_slice %arg15[%add3A_12, %dma_wait3A] : memref<5008x128xf32, #tpu.memory_space<vmem_shared>> -> memref<104x128xf32, #tpu.memory_space<vmem_shared>>
      tpu.wait_dma2 semaphore(%run_scoped3A : memref<!tpu.dma_semaphore, #tpu.memory_space<semaphore_mem>>) src(%arg7 : memref<104x128xf32, #tpu.memory_space<hbm>>) dst(%dma_wait3A_69 : memref<104x128xf32, #tpu.memory_space<vmem_shared>>)
      tpu.yield
    }) : () -> ()
    %mul3A_13 = arith.constant 312 : i32
    %mul3A_14 = arith.muli %arg1, %mul3A_13 : i32
    %add3A_15 = arith.constant 208 : i32
    %add3A_16 = arith.addi %mul3A_14, %add3A_15 : i32
    "tpu.region"() ({
      %run_scoped3A = tpu.sem_alloc : memref<!tpu.dma_semaphore, #tpu.memory_space<semaphore_mem>>
      %dma_start3A_67 = arith.constant 0 : i32
      %dma_start3A_68 = tpu.memref_slice %arg15[%add3A_16, %dma_start3A_67] : memref<5008x128xf32, #tpu.memory_space<vmem_shared>> -> memref<104x128xf32, #tpu.memory_space<vmem_shared>>
      tpu.enqueue_dma source(%arg7 : memref<104x128xf32, #tpu.memory_space<hbm>>) target(%dma_start3A_68 : memref<104x128xf32, #tpu.memory_space<vmem_shared>>) target_semaphore(%run_scoped3A : memref<!tpu.dma_semaphore, #tpu.memory_space<semaphore_mem>>)
      %dma_wait3A = arith.constant 0 : i32
      %dma_wait3A_69 = tpu.memref_slice %arg15[%add3A_16, %dma_wait3A] : memref<5008x128xf32, #tpu.memory_space<vmem_shared>> -> memref<104x128xf32, #tpu.memory_space<vmem_shared>>
      tpu.wait_dma2 semaphore(%run_scoped3A : memref<!tpu.dma_semaphore, #tpu.memory_space<semaphore_mem>>) src(%arg7 : memref<104x128xf32, #tpu.memory_space<hbm>>) dst(%dma_wait3A_69 : memref<104x128xf32, #tpu.memory_space<vmem_shared>>)
      tpu.yield
    }) : () -> ()
    %eq3A_17 = arith.constant 15 : i32
    %eq3A_18 = arith.cmpi eq, %arg1, %eq3A_17 : i32
    %convert_element_type3A_19 = arith.extui %eq3A_18 : i1 to i32
    %cond3A_20 = arith.constant 0 : i32
    %cond3A_21 = arith.cmpi ne, %convert_element_type3A_19, %cond3A_20 : i32
    scf.if %cond3A_21 {
      "tpu.region"() ({
        %run_scoped3A = tpu.sem_alloc : memref<!tpu.dma_semaphore, #tpu.memory_space<semaphore_mem>>
        %dma_start3A_67 = arith.constant 4992 : i32
        %dma_start3A_68 = arith.constant 0 : i32
        %dma_start3A_69 = tpu.memref_slice %arg15[%dma_start3A_67, %dma_start3A_68] : memref<5008x128xf32, #tpu.memory_space<vmem_shared>> -> memref<16x128xf32, #tpu.memory_space<vmem_shared>>
        %dma_start3A_70 = arith.constant 0 : i32
        %dma_start3A_71 = arith.constant 0 : i32
        %dma_start3A_72 = tpu.memref_slice %arg7[%dma_start3A_70, %dma_start3A_71] : memref<104x128xf32, #tpu.memory_space<hbm>> -> memref<16x128xf32, #tpu.memory_space<hbm>>
        tpu.enqueue_dma source(%dma_start3A_72 : memref<16x128xf32, #tpu.memory_space<hbm>>) target(%dma_start3A_69 : memref<16x128xf32, #tpu.memory_space<vmem_shared>>) target_semaphore(%run_scoped3A : memref<!tpu.dma_semaphore, #tpu.memory_space<semaphore_mem>>)
        %dma_wait3A = arith.constant 4992 : i32
        %dma_wait3A_73 = arith.constant 0 : i32
        %dma_wait3A_74 = tpu.memref_slice %arg15[%dma_wait3A, %dma_wait3A_73] : memref<5008x128xf32, #tpu.memory_space<vmem_shared>> -> memref<16x128xf32, #tpu.memory_space<vmem_shared>>
        %dma_wait3A_75 = arith.constant 0 : i32
        %dma_wait3A_76 = arith.constant 0 : i32
        %dma_wait3A_77 = tpu.memref_slice %arg7[%dma_wait3A_75, %dma_wait3A_76] : memref<104x128xf32, #tpu.memory_space<hbm>> -> memref<16x128xf32, #tpu.memory_space<hbm>>
        tpu.wait_dma2 semaphore(%run_scoped3A : memref<!tpu.dma_semaphore, #tpu.memory_space<semaphore_mem>>) src(%dma_wait3A_77 : memref<16x128xf32, #tpu.memory_space<hbm>>) dst(%dma_wait3A_74 : memref<16x128xf32, #tpu.memory_space<vmem_shared>>)
        tpu.yield
      }) : () -> ()
    } else {
    }
    %barrier3A = arith.constant 0 : index
    tpu.barrier barrier_id(%barrier3A)
    %dma_start3A = arith.constant 0 : i32
    %dma_start3A_22 = arith.constant 0 : i32
    %dma_start3A_23 = tpu.memref_slice %arg9[%dma_start3A, %dma_start3A_22] : memref<84x128xi32, #tpu.memory_space<vmem>> -> memref<1x128xi32, #tpu.memory_space<vmem>>
    %dma_start3A_24 = tpu.memref_squeeze %dma_start3A_23 : memref<1x128xi32, #tpu.memory_space<vmem>> -> memref<128xi32, #tpu.memory_space<vmem>>
    %dma_start3A_25 = arith.constant 0 : i32
    %dma_start3A_26 = arith.constant 0 : i32
    %dma_start3A_27 = tpu.memref_slice %arg2[%dma_start3A_25, %dma_start3A_26] : memref<10000x128xf32, #tpu.memory_space<hbm>> -> memref<10000x128xf32, #tpu.memory_space<hbm>>
    tpu.enqueue_indirect_dma source(%dma_start3A_27 : memref<10000x128xf32, #tpu.memory_space<hbm>>) target(%arg11 : memref<128x128xf32, #tpu.memory_space<vmem>>) offsets(%dma_start3A_24 : memref<128xi32, #tpu.memory_space<vmem>>) semaphore(%arg16 : memref<!tpu.dma_semaphore, #tpu.memory_space<semaphore_mem>>)
    %dma_start3A_28 = arith.constant 1 : i32
    %dma_start3A_29 = arith.constant 0 : i32
    %dma_start3A_30 = tpu.memref_slice %arg9[%dma_start3A_28, %dma_start3A_29] : memref<84x128xi32, #tpu.memory_space<vmem>> -> memref<1x128xi32, #tpu.memory_space<vmem>>
    %dma_start3A_31 = tpu.memref_squeeze %dma_start3A_30 : memref<1x128xi32, #tpu.memory_space<vmem>> -> memref<128xi32, #tpu.memory_space<vmem>>
    %dma_start3A_32 = arith.constant 0 : i32
    %dma_start3A_33 = arith.constant 0 : i32
    %dma_start3A_34 = tpu.memref_slice %arg2[%dma_start3A_32, %dma_start3A_33] : memref<10000x128xf32, #tpu.memory_space<hbm>> -> memref<10000x128xf32, #tpu.memory_space<hbm>>
    tpu.enqueue_indirect_dma source(%dma_start3A_34 : memref<10000x128xf32, #tpu.memory_space<hbm>>) target(%arg12 : memref<128x128xf32, #tpu.memory_space<vmem>>) offsets(%dma_start3A_31 : memref<128xi32, #tpu.memory_space<vmem>>) semaphore(%arg17 : memref<!tpu.dma_semaphore, #tpu.memory_space<semaphore_mem>>)
    %dma_start3A_35 = arith.constant 2 : i32
    %dma_start3A_36 = arith.constant 0 : i32
    %dma_start3A_37 = tpu.memref_slice %arg9[%dma_start3A_35, %dma_start3A_36] : memref<84x128xi32, #tpu.memory_space<vmem>> -> memref<1x128xi32, #tpu.memory_space<vmem>>
    %dma_start3A_38 = tpu.memref_squeeze %dma_start3A_37 : memref<1x128xi32, #tpu.memory_space<vmem>> -> memref<128xi32, #tpu.memory_space<vmem>>
    %dma_start3A_39 = arith.constant 0 : i32
    %dma_start3A_40 = arith.constant 0 : i32
    %dma_start3A_41 = tpu.memref_slice %arg2[%dma_start3A_39, %dma_start3A_40] : memref<10000x128xf32, #tpu.memory_space<hbm>> -> memref<10000x128xf32, #tpu.memory_space<hbm>>
    tpu.enqueue_indirect_dma source(%dma_start3A_41 : memref<10000x128xf32, #tpu.memory_space<hbm>>) target(%arg13 : memref<128x128xf32, #tpu.memory_space<vmem>>) offsets(%dma_start3A_38 : memref<128xi32, #tpu.memory_space<vmem>>) semaphore(%arg18 : memref<!tpu.dma_semaphore, #tpu.memory_space<semaphore_mem>>)
    %dma_start3A_42 = arith.constant 3 : i32
    %dma_start3A_43 = arith.constant 0 : i32
    %dma_start3A_44 = tpu.memref_slice %arg9[%dma_start3A_42, %dma_start3A_43] : memref<84x128xi32, #tpu.memory_space<vmem>> -> memref<1x128xi32, #tpu.memory_space<vmem>>
    %dma_start3A_45 = tpu.memref_squeeze %dma_start3A_44 : memref<1x128xi32, #tpu.memory_space<vmem>> -> memref<128xi32, #tpu.memory_space<vmem>>
    %dma_start3A_46 = arith.constant 0 : i32
    %dma_start3A_47 = arith.constant 0 : i32
    %dma_start3A_48 = tpu.memref_slice %arg2[%dma_start3A_46, %dma_start3A_47] : memref<10000x128xf32, #tpu.memory_space<hbm>> -> memref<10000x128xf32, #tpu.memory_space<hbm>>
    tpu.enqueue_indirect_dma source(%dma_start3A_48 : memref<10000x128xf32, #tpu.memory_space<hbm>>) target(%arg14 : memref<128x128xf32, #tpu.memory_space<vmem>>) offsets(%dma_start3A_45 : memref<128xi32, #tpu.memory_space<vmem>>) semaphore(%arg19 : memref<!tpu.dma_semaphore, #tpu.memory_space<semaphore_mem>>)
    %scan3A = arith.constant 0 : i32
    %scan3A_49 = arith.constant 0 : i32
    %scan3A_50 = arith.constant 21 : i32
    %scan3A_51 = arith.addi %scan3A_49, %scan3A_50 : i32
    %scan3A_52 = arith.constant 1 : i32
    scf.for %scan3A_67 = %scan3A_49 to %scan3A_51 step %scan3A_52  : i32 {
      %mul3A_68 = arith.constant 4 : i32
      %mul3A_69 = arith.muli %scan3A_67, %mul3A_68 : i32
      %add3A_70 = arith.constant 0 : i32
      %add3A_71 = arith.addi %mul3A_69, %add3A_70 : i32
      %dma_wait3A = arith.constant 0 : i32
      %dma_wait3A_72 = tpu.memref_slice %arg9[%add3A_71, %dma_wait3A] : memref<84x128xi32, #tpu.memory_space<vmem>> -> memref<1x128xi32, #tpu.memory_space<vmem>>
      %dma_wait3A_73 = tpu.memref_squeeze %dma_wait3A_72 : memref<1x128xi32, #tpu.memory_space<vmem>> -> memref<128xi32, #tpu.memory_space<vmem>>
      %dma_wait3A_74 = arith.constant 0 : i32
      %dma_wait3A_75 = arith.constant 0 : i32
      %dma_wait3A_76 = tpu.memref_slice %arg2[%dma_wait3A_74, %dma_wait3A_75] : memref<10000x128xf32, #tpu.memory_space<hbm>> -> memref<10000x128xf32, #tpu.memory_space<hbm>>
      tpu.wait_indirect_dma semaphore(%arg16 : memref<!tpu.dma_semaphore, #tpu.memory_space<semaphore_mem>>) src(%dma_wait3A_76 : memref<10000x128xf32, #tpu.memory_space<hbm>>) dst(%arg11 : memref<128x128xf32, #tpu.memory_space<vmem>>)
      %add3A_77 = arith.constant 0 : i32
      %add3A_78 = arith.addi %mul3A_69, %add3A_77 : i32
      %dma_start3A_79 = arith.constant 0 : i32
      %dma_start3A_80 = tpu.memref_slice %arg10[%add3A_78, %dma_start3A_79] : memref<84x128xi32, #tpu.memory_space<vmem>> -> memref<1x128xi32, #tpu.memory_space<vmem>>
      %dma_start3A_81 = tpu.memref_squeeze %dma_start3A_80 : memref<1x128xi32, #tpu.memory_space<vmem>> -> memref<128xi32, #tpu.memory_space<vmem>>
      %dma_start3A_82 = arith.constant 0 : i32
      %dma_start3A_83 = arith.constant 0 : i32
      %dma_start3A_84 = tpu.memref_slice %arg15[%dma_start3A_82, %dma_start3A_83] : memref<5008x128xf32, #tpu.memory_space<vmem_shared>> -> memref<5008x128xf32, #tpu.memory_space<vmem_shared>>
      tpu.enqueue_indirect_dma source(%arg11 : memref<128x128xf32, #tpu.memory_space<vmem>>) target(%dma_start3A_84 : memref<5008x128xf32, #tpu.memory_space<vmem_shared>>) offsets(%dma_start3A_81 : memref<128xi32, #tpu.memory_space<vmem>>) semaphore(%arg20 : memref<!tpu.dma_semaphore, #tpu.memory_space<semaphore_mem>>) {add = true}
      %add3A_85 = arith.constant 1 : i32
      %add3A_86 = arith.addi %mul3A_69, %add3A_85 : i32
      %dma_wait3A_87 = arith.constant 0 : i32
      %dma_wait3A_88 = tpu.memref_slice %arg9[%add3A_86, %dma_wait3A_87] : memref<84x128xi32, #tpu.memory_space<vmem>> -> memref<1x128xi32, #tpu.memory_space<vmem>>
      %dma_wait3A_89 = tpu.memref_squeeze %dma_wait3A_88 : memref<1x128xi32, #tpu.memory_space<vmem>> -> memref<128xi32, #tpu.memory_space<vmem>>
      %dma_wait3A_90 = arith.constant 0 : i32
      %dma_wait3A_91 = arith.constant 0 : i32
      %dma_wait3A_92 = tpu.memref_slice %arg2[%dma_wait3A_90, %dma_wait3A_91] : memref<10000x128xf32, #tpu.memory_space<hbm>> -> memref<10000x128xf32, #tpu.memory_space<hbm>>
      tpu.wait_indirect_dma semaphore(%arg17 : memref<!tpu.dma_semaphore, #tpu.memory_space<semaphore_mem>>) src(%dma_wait3A_92 : memref<10000x128xf32, #tpu.memory_space<hbm>>) dst(%arg12 : memref<128x128xf32, #tpu.memory_space<vmem>>)
      %add3A_93 = arith.constant 1 : i32
      %add3A_94 = arith.addi %mul3A_69, %add3A_93 : i32
      %dma_start3A_95 = arith.constant 0 : i32
      %dma_start3A_96 = tpu.memref_slice %arg10[%add3A_94, %dma_start3A_95] : memref<84x128xi32, #tpu.memory_space<vmem>> -> memref<1x128xi32, #tpu.memory_space<vmem>>
      %dma_start3A_97 = tpu.memref_squeeze %dma_start3A_96 : memref<1x128xi32, #tpu.memory_space<vmem>> -> memref<128xi32, #tpu.memory_space<vmem>>
      %dma_start3A_98 = arith.constant 0 : i32
      %dma_start3A_99 = arith.constant 0 : i32
      %dma_start3A_100 = tpu.memref_slice %arg15[%dma_start3A_98, %dma_start3A_99] : memref<5008x128xf32, #tpu.memory_space<vmem_shared>> -> memref<5008x128xf32, #tpu.memory_space<vmem_shared>>
      tpu.enqueue_indirect_dma source(%arg12 : memref<128x128xf32, #tpu.memory_space<vmem>>) target(%dma_start3A_100 : memref<5008x128xf32, #tpu.memory_space<vmem_shared>>) offsets(%dma_start3A_97 : memref<128xi32, #tpu.memory_space<vmem>>) semaphore(%arg21 : memref<!tpu.dma_semaphore, #tpu.memory_space<semaphore_mem>>) {add = true}
      %add3A_101 = arith.constant 2 : i32
      %add3A_102 = arith.addi %mul3A_69, %add3A_101 : i32
      %dma_wait3A_103 = arith.constant 0 : i32
      %dma_wait3A_104 = tpu.memref_slice %arg9[%add3A_102, %dma_wait3A_103] : memref<84x128xi32, #tpu.memory_space<vmem>> -> memref<1x128xi32, #tpu.memory_space<vmem>>
      %dma_wait3A_105 = tpu.memref_squeeze %dma_wait3A_104 : memref<1x128xi32, #tpu.memory_space<vmem>> -> memref<128xi32, #tpu.memory_space<vmem>>
      %dma_wait3A_106 = arith.constant 0 : i32
      %dma_wait3A_107 = arith.constant 0 : i32
      %dma_wait3A_108 = tpu.memref_slice %arg2[%dma_wait3A_106, %dma_wait3A_107] : memref<10000x128xf32, #tpu.memory_space<hbm>> -> memref<10000x128xf32, #tpu.memory_space<hbm>>
      tpu.wait_indirect_dma semaphore(%arg18 : memref<!tpu.dma_semaphore, #tpu.memory_space<semaphore_mem>>) src(%dma_wait3A_108 : memref<10000x128xf32, #tpu.memory_space<hbm>>) dst(%arg13 : memref<128x128xf32, #tpu.memory_space<vmem>>)
      %add3A_109 = arith.constant 2 : i32
      %add3A_110 = arith.addi %mul3A_69, %add3A_109 : i32
      %dma_start3A_111 = arith.constant 0 : i32
      %dma_start3A_112 = tpu.memref_slice %arg10[%add3A_110, %dma_start3A_111] : memref<84x128xi32, #tpu.memory_space<vmem>> -> memref<1x128xi32, #tpu.memory_space<vmem>>
      %dma_start3A_113 = tpu.memref_squeeze %dma_start3A_112 : memref<1x128xi32, #tpu.memory_space<vmem>> -> memref<128xi32, #tpu.memory_space<vmem>>
      %dma_start3A_114 = arith.constant 0 : i32
      %dma_start3A_115 = arith.constant 0 : i32
      %dma_start3A_116 = tpu.memref_slice %arg15[%dma_start3A_114, %dma_start3A_115] : memref<5008x128xf32, #tpu.memory_space<vmem_shared>> -> memref<5008x128xf32, #tpu.memory_space<vmem_shared>>
      tpu.enqueue_indirect_dma source(%arg13 : memref<128x128xf32, #tpu.memory_space<vmem>>) target(%dma_start3A_116 : memref<5008x128xf32, #tpu.memory_space<vmem_shared>>) offsets(%dma_start3A_113 : memref<128xi32, #tpu.memory_space<vmem>>) semaphore(%arg22 : memref<!tpu.dma_semaphore, #tpu.memory_space<semaphore_mem>>) {add = true}
      %add3A_117 = arith.constant 3 : i32
      %add3A_118 = arith.addi %mul3A_69, %add3A_117 : i32
      %dma_wait3A_119 = arith.constant 0 : i32
      %dma_wait3A_120 = tpu.memref_slice %arg9[%add3A_118, %dma_wait3A_119] : memref<84x128xi32, #tpu.memory_space<vmem>> -> memref<1x128xi32, #tpu.memory_space<vmem>>
      %dma_wait3A_121 = tpu.memref_squeeze %dma_wait3A_120 : memref<1x128xi32, #tpu.memory_space<vmem>> -> memref<128xi32, #tpu.memory_space<vmem>>
      %dma_wait3A_122 = arith.constant 0 : i32
      %dma_wait3A_123 = arith.constant 0 : i32
      %dma_wait3A_124 = tpu.memref_slice %arg2[%dma_wait3A_122, %dma_wait3A_123] : memref<10000x128xf32, #tpu.memory_space<hbm>> -> memref<10000x128xf32, #tpu.memory_space<hbm>>
      tpu.wait_indirect_dma semaphore(%arg19 : memref<!tpu.dma_semaphore, #tpu.memory_space<semaphore_mem>>) src(%dma_wait3A_124 : memref<10000x128xf32, #tpu.memory_space<hbm>>) dst(%arg14 : memref<128x128xf32, #tpu.memory_space<vmem>>)
      %add3A_125 = arith.constant 3 : i32
      %add3A_126 = arith.addi %mul3A_69, %add3A_125 : i32
      %dma_start3A_127 = arith.constant 0 : i32
      %dma_start3A_128 = tpu.memref_slice %arg10[%add3A_126, %dma_start3A_127] : memref<84x128xi32, #tpu.memory_space<vmem>> -> memref<1x128xi32, #tpu.memory_space<vmem>>
      %dma_start3A_129 = tpu.memref_squeeze %dma_start3A_128 : memref<1x128xi32, #tpu.memory_space<vmem>> -> memref<128xi32, #tpu.memory_space<vmem>>
      %dma_start3A_130 = arith.constant 0 : i32
      %dma_start3A_131 = arith.constant 0 : i32
      %dma_start3A_132 = tpu.memref_slice %arg15[%dma_start3A_130, %dma_start3A_131] : memref<5008x128xf32, #tpu.memory_space<vmem_shared>> -> memref<5008x128xf32, #tpu.memory_space<vmem_shared>>
      tpu.enqueue_indirect_dma source(%arg14 : memref<128x128xf32, #tpu.memory_space<vmem>>) target(%dma_start3A_132 : memref<5008x128xf32, #tpu.memory_space<vmem_shared>>) offsets(%dma_start3A_129 : memref<128xi32, #tpu.memory_space<vmem>>) semaphore(%arg23 : memref<!tpu.dma_semaphore, #tpu.memory_space<semaphore_mem>>) {add = true}
      %add3A_133 = arith.constant 0 : i32
      %add3A_134 = arith.addi %mul3A_69, %add3A_133 : i32
      %dma_wait3A_135 = arith.constant 0 : i32
      %dma_wait3A_136 = tpu.memref_slice %arg10[%add3A_134, %dma_wait3A_135] : memref<84x128xi32, #tpu.memory_space<vmem>> -> memref<1x128xi32, #tpu.memory_space<vmem>>
      %dma_wait3A_137 = tpu.memref_squeeze %dma_wait3A_136 : memref<1x128xi32, #tpu.memory_space<vmem>> -> memref<128xi32, #tpu.memory_space<vmem>>
      %dma_wait3A_138 = arith.constant 0 : i32
      %dma_wait3A_139 = arith.constant 0 : i32
      %dma_wait3A_140 = tpu.memref_slice %arg15[%dma_wait3A_138, %dma_wait3A_139] : memref<5008x128xf32, #tpu.memory_space<vmem_shared>> -> memref<5008x128xf32, #tpu.memory_space<vmem_shared>>
      tpu.wait_indirect_dma semaphore(%arg20 : memref<!tpu.dma_semaphore, #tpu.memory_space<semaphore_mem>>) src(%arg11 : memref<128x128xf32, #tpu.memory_space<vmem>>) dst(%dma_wait3A_140 : memref<5008x128xf32, #tpu.memory_space<vmem_shared>>)
      %add3A_141 = arith.constant 4 : i32
      %add3A_142 = arith.addi %mul3A_69, %add3A_141 : i32
      %add3A_143 = arith.constant 0 : i32
      %add3A_144 = arith.addi %add3A_142, %add3A_143 : i32
      %lt3A = arith.constant 84 : i32
      %lt3A_145 = arith.cmpi slt, %add3A_144, %lt3A : i32
      %convert_element_type3A_146 = arith.extui %lt3A_145 : i1 to i32
      %cond3A_147 = arith.constant 0 : i32
      %cond3A_148 = arith.cmpi ne, %convert_element_type3A_146, %cond3A_147 : i32
      scf.if %cond3A_148 {
        %add3A_200 = arith.constant 4 : i32
        %add3A_201 = arith.addi %mul3A_69, %add3A_200 : i32
        %add3A_202 = arith.constant 0 : i32
        %add3A_203 = arith.addi %add3A_201, %add3A_202 : i32
        %dma_start3A_204 = arith.constant 0 : i32
        %dma_start3A_205 = tpu.memref_slice %arg9[%add3A_203, %dma_start3A_204] : memref<84x128xi32, #tpu.memory_space<vmem>> -> memref<1x128xi32, #tpu.memory_space<vmem>>
        %dma_start3A_206 = tpu.memref_squeeze %dma_start3A_205 : memref<1x128xi32, #tpu.memory_space<vmem>> -> memref<128xi32, #tpu.memory_space<vmem>>
        %dma_start3A_207 = arith.constant 0 : i32
        %dma_start3A_208 = arith.constant 0 : i32
        %dma_start3A_209 = tpu.memref_slice %arg2[%dma_start3A_207, %dma_start3A_208] : memref<10000x128xf32, #tpu.memory_space<hbm>> -> memref<10000x128xf32, #tpu.memory_space<hbm>>
        tpu.enqueue_indirect_dma source(%dma_start3A_209 : memref<10000x128xf32, #tpu.memory_space<hbm>>) target(%arg11 : memref<128x128xf32, #tpu.memory_space<vmem>>) offsets(%dma_start3A_206 : memref<128xi32, #tpu.memory_space<vmem>>) semaphore(%arg16 : memref<!tpu.dma_semaphore, #tpu.memory_space<semaphore_mem>>)
      } else {
      }
      %add3A_149 = arith.constant 1 : i32
      %add3A_150 = arith.addi %mul3A_69, %add3A_149 : i32
      %dma_wait3A_151 = arith.constant 0 : i32
      %dma_wait3A_152 = tpu.memref_slice %arg10[%add3A_150, %dma_wait3A_151] : memref<84x128xi32, #tpu.memory_space<vmem>> -> memref<1x128xi32, #tpu.memory_space<vmem>>
      %dma_wait3A_153 = tpu.memref_squeeze %dma_wait3A_152 : memref<1x128xi32, #tpu.memory_space<vmem>> -> memref<128xi32, #tpu.memory_space<vmem>>
      %dma_wait3A_154 = arith.constant 0 : i32
      %dma_wait3A_155 = arith.constant 0 : i32
      %dma_wait3A_156 = tpu.memref_slice %arg15[%dma_wait3A_154, %dma_wait3A_155] : memref<5008x128xf32, #tpu.memory_space<vmem_shared>> -> memref<5008x128xf32, #tpu.memory_space<vmem_shared>>
      tpu.wait_indirect_dma semaphore(%arg21 : memref<!tpu.dma_semaphore, #tpu.memory_space<semaphore_mem>>) src(%arg12 : memref<128x128xf32, #tpu.memory_space<vmem>>) dst(%dma_wait3A_156 : memref<5008x128xf32, #tpu.memory_space<vmem_shared>>)
      %add3A_157 = arith.constant 4 : i32
      %add3A_158 = arith.addi %mul3A_69, %add3A_157 : i32
      %add3A_159 = arith.constant 1 : i32
      %add3A_160 = arith.addi %add3A_158, %add3A_159 : i32
      %lt3A_161 = arith.constant 84 : i32
      %lt3A_162 = arith.cmpi slt, %add3A_160, %lt3A_161 : i32
      %convert_element_type3A_163 = arith.extui %lt3A_162 : i1 to i32
      %cond3A_164 = arith.constant 0 : i32
      %cond3A_165 = arith.cmpi ne, %convert_element_type3A_163, %cond3A_164 : i32
      scf.if %cond3A_165 {
        %add3A_200 = arith.constant 4 : i32
        %add3A_201 = arith.addi %mul3A_69, %add3A_200 : i32
        %add3A_202 = arith.constant 1 : i32
        %add3A_203 = arith.addi %add3A_201, %add3A_202 : i32
        %dma_start3A_204 = arith.constant 0 : i32
        %dma_start3A_205 = tpu.memref_slice %arg9[%add3A_203, %dma_start3A_204] : memref<84x128xi32, #tpu.memory_space<vmem>> -> memref<1x128xi32, #tpu.memory_space<vmem>>
        %dma_start3A_206 = tpu.memref_squeeze %dma_start3A_205 : memref<1x128xi32, #tpu.memory_space<vmem>> -> memref<128xi32, #tpu.memory_space<vmem>>
        %dma_start3A_207 = arith.constant 0 : i32
        %dma_start3A_208 = arith.constant 0 : i32
        %dma_start3A_209 = tpu.memref_slice %arg2[%dma_start3A_207, %dma_start3A_208] : memref<10000x128xf32, #tpu.memory_space<hbm>> -> memref<10000x128xf32, #tpu.memory_space<hbm>>
        tpu.enqueue_indirect_dma source(%dma_start3A_209 : memref<10000x128xf32, #tpu.memory_space<hbm>>) target(%arg12 : memref<128x128xf32, #tpu.memory_space<vmem>>) offsets(%dma_start3A_206 : memref<128xi32, #tpu.memory_space<vmem>>) semaphore(%arg17 : memref<!tpu.dma_semaphore, #tpu.memory_space<semaphore_mem>>)
      } else {
      }
      %add3A_166 = arith.constant 2 : i32
      %add3A_167 = arith.addi %mul3A_69, %add3A_166 : i32
      %dma_wait3A_168 = arith.constant 0 : i32
      %dma_wait3A_169 = tpu.memref_slice %arg10[%add3A_167, %dma_wait3A_168] : memref<84x128xi32, #tpu.memory_space<vmem>> -> memref<1x128xi32, #tpu.memory_space<vmem>>
      %dma_wait3A_170 = tpu.memref_squeeze %dma_wait3A_169 : memref<1x128xi32, #tpu.memory_space<vmem>> -> memref<128xi32, #tpu.memory_space<vmem>>
      %dma_wait3A_171 = arith.constant 0 : i32
      %dma_wait3A_172 = arith.constant 0 : i32
      %dma_wait3A_173 = tpu.memref_slice %arg15[%dma_wait3A_171, %dma_wait3A_172] : memref<5008x128xf32, #tpu.memory_space<vmem_shared>> -> memref<5008x128xf32, #tpu.memory_space<vmem_shared>>
      tpu.wait_indirect_dma semaphore(%arg22 : memref<!tpu.dma_semaphore, #tpu.memory_space<semaphore_mem>>) src(%arg13 : memref<128x128xf32, #tpu.memory_space<vmem>>) dst(%dma_wait3A_173 : memref<5008x128xf32, #tpu.memory_space<vmem_shared>>)
      %add3A_174 = arith.constant 4 : i32
      %add3A_175 = arith.addi %mul3A_69, %add3A_174 : i32
      %add3A_176 = arith.constant 2 : i32
      %add3A_177 = arith.addi %add3A_175, %add3A_176 : i32
      %lt3A_178 = arith.constant 84 : i32
      %lt3A_179 = arith.cmpi slt, %add3A_177, %lt3A_178 : i32
      %convert_element_type3A_180 = arith.extui %lt3A_179 : i1 to i32
      %cond3A_181 = arith.constant 0 : i32
      %cond3A_182 = arith.cmpi ne, %convert_element_type3A_180, %cond3A_181 : i32
      scf.if %cond3A_182 {
        %add3A_200 = arith.constant 4 : i32
        %add3A_201 = arith.addi %mul3A_69, %add3A_200 : i32
        %add3A_202 = arith.constant 2 : i32
        %add3A_203 = arith.addi %add3A_201, %add3A_202 : i32
        %dma_start3A_204 = arith.constant 0 : i32
        %dma_start3A_205 = tpu.memref_slice %arg9[%add3A_203, %dma_start3A_204] : memref<84x128xi32, #tpu.memory_space<vmem>> -> memref<1x128xi32, #tpu.memory_space<vmem>>
        %dma_start3A_206 = tpu.memref_squeeze %dma_start3A_205 : memref<1x128xi32, #tpu.memory_space<vmem>> -> memref<128xi32, #tpu.memory_space<vmem>>
        %dma_start3A_207 = arith.constant 0 : i32
        %dma_start3A_208 = arith.constant 0 : i32
        %dma_start3A_209 = tpu.memref_slice %arg2[%dma_start3A_207, %dma_start3A_208] : memref<10000x128xf32, #tpu.memory_space<hbm>> -> memref<10000x128xf32, #tpu.memory_space<hbm>>
        tpu.enqueue_indirect_dma source(%dma_start3A_209 : memref<10000x128xf32, #tpu.memory_space<hbm>>) target(%arg13 : memref<128x128xf32, #tpu.memory_space<vmem>>) offsets(%dma_start3A_206 : memref<128xi32, #tpu.memory_space<vmem>>) semaphore(%arg18 : memref<!tpu.dma_semaphore, #tpu.memory_space<semaphore_mem>>)
      } else {
      }
      %add3A_183 = arith.constant 3 : i32
      %add3A_184 = arith.addi %mul3A_69, %add3A_183 : i32
      %dma_wait3A_185 = arith.constant 0 : i32
      %dma_wait3A_186 = tpu.memref_slice %arg10[%add3A_184, %dma_wait3A_185] : memref<84x128xi32, #tpu.memory_space<vmem>> -> memref<1x128xi32, #tpu.memory_space<vmem>>
      %dma_wait3A_187 = tpu.memref_squeeze %dma_wait3A_186 : memref<1x128xi32, #tpu.memory_space<vmem>> -> memref<128xi32, #tpu.memory_space<vmem>>
      %dma_wait3A_188 = arith.constant 0 : i32
      %dma_wait3A_189 = arith.constant 0 : i32
      %dma_wait3A_190 = tpu.memref_slice %arg15[%dma_wait3A_188, %dma_wait3A_189] : memref<5008x128xf32, #tpu.memory_space<vmem_shared>> -> memref<5008x128xf32, #tpu.memory_space<vmem_shared>>
      tpu.wait_indirect_dma semaphore(%arg23 : memref<!tpu.dma_semaphore, #tpu.memory_space<semaphore_mem>>) src(%arg14 : memref<128x128xf32, #tpu.memory_space<vmem>>) dst(%dma_wait3A_190 : memref<5008x128xf32, #tpu.memory_space<vmem_shared>>)
      %add3A_191 = arith.constant 4 : i32
      %add3A_192 = arith.addi %mul3A_69, %add3A_191 : i32
      %add3A_193 = arith.constant 3 : i32
      %add3A_194 = arith.addi %add3A_192, %add3A_193 : i32
      %lt3A_195 = arith.constant 84 : i32
      %lt3A_196 = arith.cmpi slt, %add3A_194, %lt3A_195 : i32
      %convert_element_type3A_197 = arith.extui %lt3A_196 : i1 to i32
      %cond3A_198 = arith.constant 0 : i32
      %cond3A_199 = arith.cmpi ne, %convert_element_type3A_197, %cond3A_198 : i32
      scf.if %cond3A_199 {
        %add3A_200 = arith.constant 4 : i32
        %add3A_201 = arith.addi %mul3A_69, %add3A_200 : i32
        %add3A_202 = arith.constant 3 : i32
        %add3A_203 = arith.addi %add3A_201, %add3A_202 : i32
        %dma_start3A_204 = arith.constant 0 : i32
        %dma_start3A_205 = tpu.memref_slice %arg9[%add3A_203, %dma_start3A_204] : memref<84x128xi32, #tpu.memory_space<vmem>> -> memref<1x128xi32, #tpu.memory_space<vmem>>
        %dma_start3A_206 = tpu.memref_squeeze %dma_start3A_205 : memref<1x128xi32, #tpu.memory_space<vmem>> -> memref<128xi32, #tpu.memory_space<vmem>>
        %dma_start3A_207 = arith.constant 0 : i32
        %dma_start3A_208 = arith.constant 0 : i32
        %dma_start3A_209 = tpu.memref_slice %arg2[%dma_start3A_207, %dma_start3A_208] : memref<10000x128xf32, #tpu.memory_space<hbm>> -> memref<10000x128xf32, #tpu.memory_space<hbm>>
        tpu.enqueue_indirect_dma source(%dma_start3A_209 : memref<10000x128xf32, #tpu.memory_space<hbm>>) target(%arg14 : memref<128x128xf32, #tpu.memory_space<vmem>>) offsets(%dma_start3A_206 : memref<128xi32, #tpu.memory_space<vmem>>) semaphore(%arg19 : memref<!tpu.dma_semaphore, #tpu.memory_space<semaphore_mem>>)
      } else {
      }
    }
    %scan3A_53 = arith.constant 21 : i32
    %barrier3A_54 = arith.constant 0 : index
    tpu.barrier barrier_id(%barrier3A_54)
    %mul3A_55 = arith.constant 312 : i32
    %mul3A_56 = arith.muli %arg1, %mul3A_55 : i32
    %eq3A_57 = arith.constant 0 : i32
    %eq3A_58 = arith.cmpi eq, %arg0, %eq3A_57 : i32
    %convert_element_type3A_59 = arith.extui %eq3A_58 : i1 to i32
    %cond3A_60 = arith.constant 0 : i32
    %cond3A_61 = arith.cmpi ne, %convert_element_type3A_59, %cond3A_60 : i32
    scf.if %cond3A_61 {
      %mul3A_67 = arith.constant 312 : i32
      %mul3A_68 = arith.muli %arg1, %mul3A_67 : i32
      "tpu.region"() ({
        %run_scoped3A = tpu.sem_alloc : memref<!tpu.dma_semaphore, #tpu.memory_space<semaphore_mem>>
        %dma_start3A_74 = arith.constant 0 : i32
        %dma_start3A_75 = tpu.memref_slice %arg8[%mul3A_68, %dma_start3A_74] : memref<10000x128xf32, #tpu.memory_space<hbm>> -> memref<312x128xf32, #tpu.memory_space<hbm>>
        %dma_start3A_76 = arith.constant 0 : i32
        %dma_start3A_77 = tpu.memref_slice %arg15[%mul3A_56, %dma_start3A_76] : memref<5008x128xf32, #tpu.memory_space<vmem_shared>> -> memref<312x128xf32, #tpu.memory_space<vmem_shared>>
        tpu.enqueue_dma source(%dma_start3A_77 : memref<312x128xf32, #tpu.memory_space<vmem_shared>>) target(%dma_start3A_75 : memref<312x128xf32, #tpu.memory_space<hbm>>) target_semaphore(%run_scoped3A : memref<!tpu.dma_semaphore, #tpu.memory_space<semaphore_mem>>)
        %dma_wait3A = arith.constant 0 : i32
        %dma_wait3A_78 = tpu.memref_slice %arg8[%mul3A_68, %dma_wait3A] : memref<10000x128xf32, #tpu.memory_space<hbm>> -> memref<312x128xf32, #tpu.memory_space<hbm>>
        %dma_wait3A_79 = arith.constant 0 : i32
        %dma_wait3A_80 = tpu.memref_slice %arg15[%mul3A_56, %dma_wait3A_79] : memref<5008x128xf32, #tpu.memory_space<vmem_shared>> -> memref<312x128xf32, #tpu.memory_space<vmem_shared>>
        tpu.wait_dma2 semaphore(%run_scoped3A : memref<!tpu.dma_semaphore, #tpu.memory_space<semaphore_mem>>) src(%dma_wait3A_80 : memref<312x128xf32, #tpu.memory_space<vmem_shared>>) dst(%dma_wait3A_78 : memref<312x128xf32, #tpu.memory_space<hbm>>)
        tpu.yield
      }) : () -> ()
      %eq3A_69 = arith.constant 15 : i32
      %eq3A_70 = arith.cmpi eq, %arg1, %eq3A_69 : i32
      %convert_element_type3A_71 = arith.extui %eq3A_70 : i1 to i32
      %cond3A_72 = arith.constant 0 : i32
      %cond3A_73 = arith.cmpi ne, %convert_element_type3A_71, %cond3A_72 : i32
      scf.if %cond3A_73 {
        "tpu.region"() ({
          %run_scoped3A = tpu.sem_alloc : memref<!tpu.dma_semaphore, #tpu.memory_space<semaphore_mem>>
          %dma_start3A_74 = arith.constant 4992 : i32
          %dma_start3A_75 = arith.constant 0 : i32
          %dma_start3A_76 = tpu.memref_slice %arg8[%dma_start3A_74, %dma_start3A_75] : memref<10000x128xf32, #tpu.memory_space<hbm>> -> memref<8x128xf32, #tpu.memory_space<hbm>>
          %dma_start3A_77 = arith.constant 4992 : i32
          %dma_start3A_78 = arith.constant 0 : i32
          %dma_start3A_79 = tpu.memref_slice %arg15[%dma_start3A_77, %dma_start3A_78] : memref<5008x128xf32, #tpu.memory_space<vmem_shared>> -> memref<8x128xf32, #tpu.memory_space<vmem_shared>>
          tpu.enqueue_dma source(%dma_start3A_79 : memref<8x128xf32, #tpu.memory_space<vmem_shared>>) target(%dma_start3A_76 : memref<8x128xf32, #tpu.memory_space<hbm>>) target_semaphore(%run_scoped3A : memref<!tpu.dma_semaphore, #tpu.memory_space<semaphore_mem>>)
          %dma_wait3A = arith.constant 4992 : i32
          %dma_wait3A_80 = arith.constant 0 : i32
          %dma_wait3A_81 = tpu.memref_slice %arg8[%dma_wait3A, %dma_wait3A_80] : memref<10000x128xf32, #tpu.memory_space<hbm>> -> memref<8x128xf32, #tpu.memory_space<hbm>>
          %dma_wait3A_82 = arith.constant 4992 : i32
          %dma_wait3A_83 = arith.constant 0 : i32
          %dma_wait3A_84 = tpu.memref_slice %arg15[%dma_wait3A_82, %dma_wait3A_83] : memref<5008x128xf32, #tpu.memory_space<vmem_shared>> -> memref<8x128xf32, #tpu.memory_space<vmem_shared>>
          tpu.wait_dma2 semaphore(%run_scoped3A : memref<!tpu.dma_semaphore, #tpu.memory_space<semaphore_mem>>) src(%dma_wait3A_84 : memref<8x128xf32, #tpu.memory_space<vmem_shared>>) dst(%dma_wait3A_81 : memref<8x128xf32, #tpu.memory_space<hbm>>)
          tpu.yield
        }) : () -> ()
      } else {
      }
    } else {
    }
    %eq3A_62 = arith.constant 1 : i32
    %eq3A_63 = arith.cmpi eq, %arg0, %eq3A_62 : i32
    %convert_element_type3A_64 = arith.extui %eq3A_63 : i1 to i32
    %cond3A_65 = arith.constant 0 : i32
    %cond3A_66 = arith.cmpi ne, %convert_element_type3A_64, %cond3A_65 : i32
    scf.if %cond3A_66 {
      %mul3A_67 = arith.constant 312 : i32
      %mul3A_68 = arith.muli %arg1, %mul3A_67 : i32
      %add3A_69 = arith.constant 5000 : i32
      %add3A_70 = arith.addi %add3A_69, %mul3A_68 : i32
      "tpu.region"() ({
        %run_scoped3A = tpu.sem_alloc : memref<!tpu.dma_semaphore, #tpu.memory_space<semaphore_mem>>
        %dma_start3A_76 = arith.constant 0 : i32
        %dma_start3A_77 = tpu.memref_slice %arg8[%add3A_70, %dma_start3A_76] : memref<10000x128xf32, #tpu.memory_space<hbm>> -> memref<312x128xf32, #tpu.memory_space<hbm>>
        %dma_start3A_78 = arith.constant 0 : i32
        %dma_start3A_79 = tpu.memref_slice %arg15[%mul3A_56, %dma_start3A_78] : memref<5008x128xf32, #tpu.memory_space<vmem_shared>> -> memref<312x128xf32, #tpu.memory_space<vmem_shared>>
        tpu.enqueue_dma source(%dma_start3A_79 : memref<312x128xf32, #tpu.memory_space<vmem_shared>>) target(%dma_start3A_77 : memref<312x128xf32, #tpu.memory_space<hbm>>) target_semaphore(%run_scoped3A : memref<!tpu.dma_semaphore, #tpu.memory_space<semaphore_mem>>)
        %dma_wait3A = arith.constant 0 : i32
        %dma_wait3A_80 = tpu.memref_slice %arg8[%add3A_70, %dma_wait3A] : memref<10000x128xf32, #tpu.memory_space<hbm>> -> memref<312x128xf32, #tpu.memory_space<hbm>>
        %dma_wait3A_81 = arith.constant 0 : i32
        %dma_wait3A_82 = tpu.memref_slice %arg15[%mul3A_56, %dma_wait3A_81] : memref<5008x128xf32, #tpu.memory_space<vmem_shared>> -> memref<312x128xf32, #tpu.memory_space<vmem_shared>>
        tpu.wait_dma2 semaphore(%run_scoped3A : memref<!tpu.dma_semaphore, #tpu.memory_space<semaphore_mem>>) src(%dma_wait3A_82 : memref<312x128xf32, #tpu.memory_space<vmem_shared>>) dst(%dma_wait3A_80 : memref<312x128xf32, #tpu.memory_space<hbm>>)
        tpu.yield
      }) : () -> ()
      %eq3A_71 = arith.constant 15 : i32
      %eq3A_72 = arith.cmpi eq, %arg1, %eq3A_71 : i32
      %convert_element_type3A_73 = arith.extui %eq3A_72 : i1 to i32
      %cond3A_74 = arith.constant 0 : i32
      %cond3A_75 = arith.cmpi ne, %convert_element_type3A_73, %cond3A_74 : i32
      scf.if %cond3A_75 {
        "tpu.region"() ({
          %run_scoped3A = tpu.sem_alloc : memref<!tpu.dma_semaphore, #tpu.memory_space<semaphore_mem>>
          %dma_start3A_76 = arith.constant 9992 : i32
          %dma_start3A_77 = arith.constant 0 : i32
          %dma_start3A_78 = tpu.memref_slice %arg8[%dma_start3A_76, %dma_start3A_77] : memref<10000x128xf32, #tpu.memory_space<hbm>> -> memref<8x128xf32, #tpu.memory_space<hbm>>
          %dma_start3A_79 = arith.constant 4992 : i32
          %dma_start3A_80 = arith.constant 0 : i32
          %dma_start3A_81 = tpu.memref_slice %arg15[%dma_start3A_79, %dma_start3A_80] : memref<5008x128xf32, #tpu.memory_space<vmem_shared>> -> memref<8x128xf32, #tpu.memory_space<vmem_shared>>
          tpu.enqueue_dma source(%dma_start3A_81 : memref<8x128xf32, #tpu.memory_space<vmem_shared>>) target(%dma_start3A_78 : memref<8x128xf32, #tpu.memory_space<hbm>>) target_semaphore(%run_scoped3A : memref<!tpu.dma_semaphore, #tpu.memory_space<semaphore_mem>>)
          %dma_wait3A = arith.constant 9992 : i32
          %dma_wait3A_82 = arith.constant 0 : i32
          %dma_wait3A_83 = tpu.memref_slice %arg8[%dma_wait3A, %dma_wait3A_82] : memref<10000x128xf32, #tpu.memory_space<hbm>> -> memref<8x128xf32, #tpu.memory_space<hbm>>
          %dma_wait3A_84 = arith.constant 4992 : i32
          %dma_wait3A_85 = arith.constant 0 : i32
          %dma_wait3A_86 = tpu.memref_slice %arg15[%dma_wait3A_84, %dma_wait3A_85] : memref<5008x128xf32, #tpu.memory_space<vmem_shared>> -> memref<8x128xf32, #tpu.memory_space<vmem_shared>>
          tpu.wait_dma2 semaphore(%run_scoped3A : memref<!tpu.dma_semaphore, #tpu.memory_space<semaphore_mem>>) src(%dma_wait3A_86 : memref<8x128xf32, #tpu.memory_space<vmem_shared>>) dst(%dma_wait3A_83 : memref<8x128xf32, #tpu.memory_space<hbm>>)
          tpu.yield
        }) : () -> ()
      } else {
      }
    } else {
    }
    return
  }
}

module attributes {stable_mosaic.version = 14 : i64} {
  func.func @_mid_body(%arg0: i32, %arg1: memref<2000x1xf32, #tpu.memory_space<vmem>>, %arg2: memref<2000x1xf32, #tpu.memory_space<vmem>>, %arg3: memref<2000x128xf32, #tpu.memory_space<vmem>>, %arg4: memref<1x128xf32, #tpu.memory_space<vmem>>, %arg5: memref<1x128xf32, #tpu.memory_space<vmem>>, %arg6: memref<128x128xf32, #tpu.memory_space<vmem>>, %arg7: memref<1x128xf32, #tpu.memory_space<vmem>>, %arg8: memref<2000x128xf32, #tpu.memory_space<vmem>>) attributes {dimension_semantics = [#tpu.dimension_semantics<arbitrary>], iteration_bounds = array<i64: 5>, scalar_prefetch = 0 : i64, scratch_operands = 0 : i64, tpu.core_type = #tpu.core_type<tc>, window_params = [{transform_indices = @transform_0, window_bounds = array<i64: 2000, 1>}, {transform_indices = @transform_1, window_bounds = array<i64: 2000, 1>}, {transform_indices = @transform_2, window_bounds = array<i64: 2000, 128>}, {pipeline_mode = #tpu.pipeline_mode<synchronous>, transform_indices = @transform_3, window_bounds = array<i64: 1, 128>}, {pipeline_mode = #tpu.pipeline_mode<synchronous>, transform_indices = @transform_4, window_bounds = array<i64: 1, 128>}, {pipeline_mode = #tpu.pipeline_mode<synchronous>, transform_indices = @transform_5, window_bounds = array<i64: 128, 128>}, {pipeline_mode = #tpu.pipeline_mode<synchronous>, transform_indices = @transform_6, window_bounds = array<i64: 1, 128>}, {transform_indices = @transform_7, window_bounds = array<i64: 2000, 128>}]} {
    %get3A = arith.constant 0 : index
    %get3A_0 = arith.constant 0 : index
    %get3A_1 = vector.load %arg1[%get3A, %get3A_0] : memref<2000x1xf32, #tpu.memory_space<vmem>>, vector<2000x1xf32>
    %get3A_2 = arith.constant 0 : index
    %get3A_3 = arith.constant 0 : index
    %get3A_4 = vector.load %arg2[%get3A_2, %get3A_3] : memref<2000x1xf32, #tpu.memory_space<vmem>>, vector<2000x1xf32>
    %add3A = arith.addf %get3A_1, %get3A_4 : vector<2000x1xf32>
    %gt3A = arith.constant 0.000000e+00 : f32
    %gt3A_5 = vector.broadcast %gt3A : f32 to vector<2000x1xf32>
    %gt3A_6 = arith.cmpf ogt, %add3A, %gt3A_5 : vector<2000x1xf32>
    %rsqrt3A = math.rsqrt %add3A : vector<2000x1xf32>
    %jit3A = arith.constant 0.000000e+00 : f32
    %broadcast_in_dim3A = vector.broadcast %jit3A : f32 to vector<2000x1xf32>
    %select_n3A = arith.select %gt3A_6, %rsqrt3A, %broadcast_in_dim3A : vector<2000x1xi1>, vector<2000x1xf32>
    %get3A_7 = arith.constant 0 : index
    %get3A_8 = arith.constant 0 : index
    %get3A_9 = vector.load %arg3[%get3A_7, %get3A_8] : memref<2000x128xf32, #tpu.memory_space<vmem>>, vector<2000x128xf32>
    %mul3A = vector.broadcast %select_n3A : vector<2000x1xf32> to vector<2000x128xf32>
    %mul3A_10 = arith.mulf %get3A_9, %mul3A : vector<2000x128xf32>
    %get3A_11 = arith.constant 0 : index
    %get3A_12 = arith.constant 0 : index
    %get3A_13 = vector.load %arg4[%get3A_11, %get3A_12] : memref<1x128xf32, #tpu.memory_space<vmem>>, vector<1x128xf32>
    %rsqrt3A_14 = arith.constant 1.000010e+00 : f32
    %rsqrt3A_15 = math.rsqrt %rsqrt3A_14 : f32
    %mul3A_16 = vector.broadcast %rsqrt3A_15 : f32 to vector<1x128xf32>
    %mul3A_17 = arith.mulf %get3A_13, %mul3A_16 : vector<1x128xf32>
    %mul3A_18 = vector.broadcast %mul3A_17 : vector<1x128xf32> to vector<2000x128xf32>
    %mul3A_19 = arith.mulf %mul3A_10, %mul3A_18 : vector<2000x128xf32>
    %get3A_20 = arith.constant 0 : index
    %get3A_21 = arith.constant 0 : index
    %get3A_22 = vector.load %arg5[%get3A_20, %get3A_21] : memref<1x128xf32, #tpu.memory_space<vmem>>, vector<1x128xf32>
    %add3A_23 = vector.broadcast %get3A_22 : vector<1x128xf32> to vector<2000x128xf32>
    %add3A_24 = arith.addf %mul3A_19, %add3A_23 : vector<2000x128xf32>
    %max3A = arith.constant 0.000000e+00 : f32
    %max3A_25 = vector.broadcast %max3A : f32 to vector<2000x128xf32>
    %max3A_26 = arith.maximumf %add3A_24, %max3A_25 : vector<2000x128xf32>
    %get3A_27 = arith.constant 0 : index
    %get3A_28 = arith.constant 0 : index
    %get3A_29 = vector.load %arg6[%get3A_27, %get3A_28] : memref<128x128xf32, #tpu.memory_space<vmem>>, vector<128x128xf32>
    %dot_general3A = arith.constant dense<0.000000e+00> : vector<2000x128xf32>
    %dot_general3A_30 = tpu.matmul %max3A_26, %get3A_29, %dot_general3A {dimension_numbers = #tpu.dot_dimension_numbers<[1], [0], [0], [1], [0, 0, 1, 1], [], []>, transpose_lhs_hint = false} : vector<2000x128xf32>, vector<128x128xf32>, vector<2000x128xf32> -> vector<2000x128xf32>
    %get3A_31 = arith.constant 0 : index
    %get3A_32 = arith.constant 0 : index
    %get3A_33 = vector.load %arg7[%get3A_31, %get3A_32] : memref<1x128xf32, #tpu.memory_space<vmem>>, vector<1x128xf32>
    %add3A_34 = vector.broadcast %get3A_33 : vector<1x128xf32> to vector<2000x128xf32>
    %add3A_35 = arith.addf %dot_general3A_30, %add3A_34 : vector<2000x128xf32>
    %mul3A_36 = vector.broadcast %select_n3A : vector<2000x1xf32> to vector<2000x128xf32>
    %mul3A_37 = arith.mulf %add3A_35, %mul3A_36 : vector<2000x128xf32>
    %swap3A = arith.constant 0 : index
    %swap3A_38 = arith.constant 0 : index
    %swap3A_39 = vector.load %arg8[%swap3A, %swap3A_38] : memref<2000x128xf32, #tpu.memory_space<vmem>>, vector<2000x128xf32>
    tpu.vector_store %arg8[%swap3A, %swap3A_38], %mul3A_37 {strides = array<i32>} : memref<2000x128xf32, #tpu.memory_space<vmem>>, vector<2000x128xf32>,
    return
  }
  func.func @transform_0(%arg0: i32) -> (i32, i32) {
    %c0_i32 = arith.constant 0 : i32
    %c0_i32_0 = arith.constant 0 : i32
    return %arg0, %c0_i32 : i32, i32
  }
  func.func @transform_1(%arg0: i32) -> (i32, i32) {
    %c0_i32 = arith.constant 0 : i32
    %c0_i32_0 = arith.constant 0 : i32
    return %arg0, %c0_i32 : i32, i32
  }
  func.func @transform_2(%arg0: i32) -> (i32, i32) {
    %c0_i32 = arith.constant 0 : i32
    %c0_i32_0 = arith.constant 0 : i32
    return %arg0, %c0_i32 : i32, i32
  }
  func.func @transform_3(%arg0: i32) -> (i32, i32) {
    %c0_i32 = arith.constant 0 : i32
    %c0_i32_0 = arith.constant 0 : i32
    %c0_i32_1 = arith.constant 0 : i32
    return %c0_i32, %c0_i32_0 : i32, i32
  }
  func.func @transform_4(%arg0: i32) -> (i32, i32) {
    %c0_i32 = arith.constant 0 : i32
    %c0_i32_0 = arith.constant 0 : i32
    %c0_i32_1 = arith.constant 0 : i32
    return %c0_i32, %c0_i32_0 : i32, i32
  }
  func.func @transform_5(%arg0: i32) -> (i32, i32) {
    %c0_i32 = arith.constant 0 : i32
    %c0_i32_0 = arith.constant 0 : i32
    %c0_i32_1 = arith.constant 0 : i32
    return %c0_i32, %c0_i32_0 : i32, i32
  }
  func.func @transform_6(%arg0: i32) -> (i32, i32) {
    %c0_i32 = arith.constant 0 : i32
    %c0_i32_0 = arith.constant 0 : i32
    %c0_i32_1 = arith.constant 0 : i32
    return %c0_i32, %c0_i32_0 : i32, i32
  }
  func.func @transform_7(%arg0: i32) -> (i32, i32) {
    %c0_i32 = arith.constant 0 : i32
    %c0_i32_0 = arith.constant 0 : i32
    return %arg0, %c0_i32 : i32, i32
  }
}

module attributes {stable_mosaic.version = 14 : i64} {
  func.func @_lin_body(%arg0: i32, %arg1: memref<2000x1xf32, #tpu.memory_space<vmem>>, %arg2: memref<2000x1xf32, #tpu.memory_space<vmem>>, %arg3: memref<2000x128xf32, #tpu.memory_space<vmem>>, %arg4: memref<128x128xf32, #tpu.memory_space<vmem>>, %arg5: memref<1x128xf32, #tpu.memory_space<vmem>>, %arg6: memref<2000x128xf32, #tpu.memory_space<vmem>>) attributes {dimension_semantics = [#tpu.dimension_semantics<arbitrary>], iteration_bounds = array<i64: 5>, scalar_prefetch = 0 : i64, scratch_operands = 0 : i64, tpu.core_type = #tpu.core_type<tc>, window_params = [{transform_indices = @transform_0, window_bounds = array<i64: 2000, 1>}, {transform_indices = @transform_1, window_bounds = array<i64: 2000, 1>}, {transform_indices = @transform_2, window_bounds = array<i64: 2000, 128>}, {pipeline_mode = #tpu.pipeline_mode<synchronous>, transform_indices = @transform_3, window_bounds = array<i64: 128, 128>}, {pipeline_mode = #tpu.pipeline_mode<synchronous>, transform_indices = @transform_4, window_bounds = array<i64: 1, 128>}, {transform_indices = @transform_5, window_bounds = array<i64: 2000, 128>}]} {
    %get3A = arith.constant 0 : index
    %get3A_0 = arith.constant 0 : index
    %get3A_1 = vector.load %arg1[%get3A, %get3A_0] : memref<2000x1xf32, #tpu.memory_space<vmem>>, vector<2000x1xf32>
    %get3A_2 = arith.constant 0 : index
    %get3A_3 = arith.constant 0 : index
    %get3A_4 = vector.load %arg2[%get3A_2, %get3A_3] : memref<2000x1xf32, #tpu.memory_space<vmem>>, vector<2000x1xf32>
    %add3A = arith.addf %get3A_1, %get3A_4 : vector<2000x1xf32>
    %gt3A = arith.constant 0.000000e+00 : f32
    %gt3A_5 = vector.broadcast %gt3A : f32 to vector<2000x1xf32>
    %gt3A_6 = arith.cmpf ogt, %add3A, %gt3A_5 : vector<2000x1xf32>
    %rsqrt3A = math.rsqrt %add3A : vector<2000x1xf32>
    %jit3A = arith.constant 0.000000e+00 : f32
    %broadcast_in_dim3A = vector.broadcast %jit3A : f32 to vector<2000x1xf32>
    %select_n3A = arith.select %gt3A_6, %rsqrt3A, %broadcast_in_dim3A : vector<2000x1xi1>, vector<2000x1xf32>
    %get3A_7 = arith.constant 0 : index
    %get3A_8 = arith.constant 0 : index
    %get3A_9 = vector.load %arg3[%get3A_7, %get3A_8] : memref<2000x128xf32, #tpu.memory_space<vmem>>, vector<2000x128xf32>
    %get3A_10 = arith.constant 0 : index
    %get3A_11 = arith.constant 0 : index
    %get3A_12 = vector.load %arg4[%get3A_10, %get3A_11] : memref<128x128xf32, #tpu.memory_space<vmem>>, vector<128x128xf32>
    %dot_general3A = arith.constant dense<0.000000e+00> : vector<2000x128xf32>
    %dot_general3A_13 = tpu.matmul %get3A_9, %get3A_12, %dot_general3A {dimension_numbers = #tpu.dot_dimension_numbers<[1], [0], [0], [1], [0, 0, 1, 1], [], []>, transpose_lhs_hint = false} : vector<2000x128xf32>, vector<128x128xf32>, vector<2000x128xf32> -> vector<2000x128xf32>
    %get3A_14 = arith.constant 0 : index
    %get3A_15 = arith.constant 0 : index
    %get3A_16 = vector.load %arg5[%get3A_14, %get3A_15] : memref<1x128xf32, #tpu.memory_space<vmem>>, vector<1x128xf32>
    %add3A_17 = vector.broadcast %get3A_16 : vector<1x128xf32> to vector<2000x128xf32>
    %add3A_18 = arith.addf %dot_general3A_13, %add3A_17 : vector<2000x128xf32>
    %mul3A = vector.broadcast %select_n3A : vector<2000x1xf32> to vector<2000x128xf32>
    %mul3A_19 = arith.mulf %add3A_18, %mul3A : vector<2000x128xf32>
    %swap3A = arith.constant 0 : index
    %swap3A_20 = arith.constant 0 : index
    %swap3A_21 = vector.load %arg6[%swap3A, %swap3A_20] : memref<2000x128xf32, #tpu.memory_space<vmem>>, vector<2000x128xf32>
    tpu.vector_store %arg6[%swap3A, %swap3A_20], %mul3A_19 {strides = array<i32>} : memref<2000x128xf32, #tpu.memory_space<vmem>>, vector<2000x128xf32>,
    return
  }
  func.func @transform_0(%arg0: i32) -> (i32, i32) {
    %c0_i32 = arith.constant 0 : i32
    %c0_i32_0 = arith.constant 0 : i32
    return %arg0, %c0_i32 : i32, i32
  }
  func.func @transform_1(%arg0: i32) -> (i32, i32) {
    %c0_i32 = arith.constant 0 : i32
    %c0_i32_0 = arith.constant 0 : i32
    return %arg0, %c0_i32 : i32, i32
  }
  func.func @transform_2(%arg0: i32) -> (i32, i32) {
    %c0_i32 = arith.constant 0 : i32
    %c0_i32_0 = arith.constant 0 : i32
    return %arg0, %c0_i32 : i32, i32
  }
  func.func @transform_3(%arg0: i32) -> (i32, i32) {
    %c0_i32 = arith.constant 0 : i32
    %c0_i32_0 = arith.constant 0 : i32
    %c0_i32_1 = arith.constant 0 : i32
    return %c0_i32, %c0_i32_0 : i32, i32
  }
  func.func @transform_4(%arg0: i32) -> (i32, i32) {
    %c0_i32 = arith.constant 0 : i32
    %c0_i32_0 = arith.constant 0 : i32
    %c0_i32_1 = arith.constant 0 : i32
    return %c0_i32, %c0_i32_0 : i32, i32
  }
  func.func @transform_5(%arg0: i32) -> (i32, i32) {
    %c0_i32 = arith.constant 0 : i32
    %c0_i32_0 = arith.constant 0 : i32
    return %arg0, %c0_i32 : i32, i32
  }
}

module attributes {stable_mosaic.version = 14 : i64} {
  func.func @_lsm_body(%arg0: i32, %arg1: memref<2000x1xf32, #tpu.memory_space<vmem>>, %arg2: memref<2000x1xf32, #tpu.memory_space<vmem>>, %arg3: memref<2000x128xf32, #tpu.memory_space<vmem>>, %arg4: memref<2000x128xf32, #tpu.memory_space<vmem>>) attributes {dimension_semantics = [#tpu.dimension_semantics<arbitrary>], iteration_bounds = array<i64: 5>, scalar_prefetch = 0 : i64, scratch_operands = 0 : i64, tpu.core_type = #tpu.core_type<tc>, window_params = [{transform_indices = @transform_0, window_bounds = array<i64: 2000, 1>}, {transform_indices = @transform_1, window_bounds = array<i64: 2000, 1>}, {transform_indices = @transform_2, window_bounds = array<i64: 2000, 128>}, {transform_indices = @transform_3, window_bounds = array<i64: 2000, 128>}]} {
    %get3A = arith.constant 0 : index
    %get3A_0 = arith.constant 0 : index
    %get3A_1 = vector.load %arg1[%get3A, %get3A_0] : memref<2000x1xf32, #tpu.memory_space<vmem>>, vector<2000x1xf32>
    %get3A_2 = arith.constant 0 : index
    %get3A_3 = arith.constant 0 : index
    %get3A_4 = vector.load %arg2[%get3A_2, %get3A_3] : memref<2000x1xf32, #tpu.memory_space<vmem>>, vector<2000x1xf32>
    %add3A = arith.addf %get3A_1, %get3A_4 : vector<2000x1xf32>
    %gt3A = arith.constant 0.000000e+00 : f32
    %gt3A_5 = vector.broadcast %gt3A : f32 to vector<2000x1xf32>
    %gt3A_6 = arith.cmpf ogt, %add3A, %gt3A_5 : vector<2000x1xf32>
    %rsqrt3A = math.rsqrt %add3A : vector<2000x1xf32>
    %jit3A = arith.constant 0.000000e+00 : f32
    %broadcast_in_dim3A = vector.broadcast %jit3A : f32 to vector<2000x1xf32>
    %select_n3A = arith.select %gt3A_6, %rsqrt3A, %broadcast_in_dim3A : vector<2000x1xi1>, vector<2000x1xf32>
    %get3A_7 = arith.constant 0 : index
    %get3A_8 = arith.constant 0 : index
    %get3A_9 = vector.load %arg3[%get3A_7, %get3A_8] : memref<2000x128xf32, #tpu.memory_space<vmem>>, vector<2000x128xf32>
    %mul3A = vector.broadcast %select_n3A : vector<2000x1xf32> to vector<2000x128xf32>
    %mul3A_10 = arith.mulf %get3A_9, %mul3A : vector<2000x128xf32>
    %reduce_max3A = arith.constant dense<0xFF800000> : vector<2000xf32>
    %reduce_max3A_11 = vector.multi_reduction <maximumf>, %mul3A_10, %reduce_max3A [1] : vector<2000x128xf32> to vector<2000xf32>
    %broadcast_in_dim3A_12 = vector.shape_cast %reduce_max3A_11 : vector<2000xf32> to vector<2000x1xf32>
    %sub3A = vector.broadcast %broadcast_in_dim3A_12 : vector<2000x1xf32> to vector<2000x128xf32>
    %sub3A_13 = arith.subf %mul3A_10, %sub3A : vector<2000x128xf32>
    %exp3A = math.exp %sub3A_13 : vector<2000x128xf32>
    %reduce_sum3A = arith.constant dense<0.000000e+00> : vector<2000xf32>
    %reduce_sum3A_14 = vector.multi_reduction <add>, %exp3A, %reduce_sum3A [1] : vector<2000x128xf32> to vector<2000xf32>
    %broadcast_in_dim3A_15 = vector.shape_cast %reduce_sum3A_14 : vector<2000xf32> to vector<2000x1xf32>
    %log3A = math.log %broadcast_in_dim3A_15 : vector<2000x1xf32>
    %sub3A_16 = vector.broadcast %log3A : vector<2000x1xf32> to vector<2000x128xf32>
    %sub3A_17 = arith.subf %sub3A_13, %sub3A_16 : vector<2000x128xf32>
    %swap3A = arith.constant 0 : index
    %swap3A_18 = arith.constant 0 : index
    %swap3A_19 = vector.load %arg4[%swap3A, %swap3A_18] : memref<2000x128xf32, #tpu.memory_space<vmem>>, vector<2000x128xf32>
    tpu.vector_store %arg4[%swap3A, %swap3A_18], %sub3A_17 {strides = array<i32>} : memref<2000x128xf32, #tpu.memory_space<vmem>>, vector<2000x128xf32>,
    return
  }
  func.func @transform_0(%arg0: i32) -> (i32, i32) {
    %c0_i32 = arith.constant 0 : i32
    %c0_i32_0 = arith.constant 0 : i32
    return %arg0, %c0_i32 : i32, i32
  }
  func.func @transform_1(%arg0: i32) -> (i32, i32) {
    %c0_i32 = arith.constant 0 : i32
    %c0_i32_0 = arith.constant 0 : i32
    return %arg0, %c0_i32 : i32, i32
  }
  func.func @transform_2(%arg0: i32) -> (i32, i32) {
    %c0_i32 = arith.constant 0 : i32
    %c0_i32_0 = arith.constant 0 : i32
    return %arg0, %c0_i32 : i32, i32
  }
  func.func @transform_3(%arg0: i32) -> (i32, i32) {
    %c0_i32 = arith.constant 0 : i32
    %c0_i32_0 = arith.constant 0 : i32
    return %arg0, %c0_i32 : i32, i32
  }
}

</mosaic_0001>

<sc_bundles>
// kernel: kernel.11.cloned.1.call-start
scs
__scs_entry_jumppad:
0x0: {  	(pc) =	sbr.rel $0x88, $3  }
0x1: {  	(tag) =	ssettag $0x0;
	lr =	simm.s32 $0x1  }
0x2: {  	[smem:$0x3F95] =	sst lr;
	_ =	strace $0xD0000000  }
0x3: {  	_ = 	snop  }
0x4: {  	_ = 	snop  }
0x5: {  	_ = 	snop  }
0x6: {  	_ = 	snop  }
0x7: {  	_ = 	snop  }
__scs_overlays_trampoline_lowered:
0x8: {  	[smem:$0x3FA4] =	sst s0  }
0x9: {  	[smem:$0x3FA5] =	sst s1  }
0xa: {  	[smem:$0x3FA6] =	sst s2  }
0xb: {  	[smem:$0x3FA7] =	sst s3  }
0xc: {  	[smem:$0x3FA8] =	sst s4  }
0xd: {  	[smem:$0x3FA9] =	sst s5  }
0xe: {  	[smem:$0x3FAA] =	sst s6  }
0xf: {  	[smem:$0x3FAB] =	sst s7  }
0x10: {  	[smem:$0x3FAC] =	sst s8  }
0x11: {  	[smem:$0x3FAD] =	sst s9;
	s0 =	simm.s32 @!p0 $0x0  }
0x12: {  	s1 =	sld [smem:$0x3F93];
	s0 =	simm.s32 @p0 $0x1  }
0x13: {  	[smem:$0x3FAE] =	sst s0;
	s0 =	simm.s32 @!p1 $0x0  }
0x14: {  	s2 =	sld [smem:$0x3F92];
	s0 =	simm.s32 @p1 $0x1  }
0x15: {  	[smem:$0x3FAF] =	sst s0;
	s0 =	simm.s32 @!p2 $0x0  }
0x16: {  	s3 =	sld [smem:$0x3FDB];
	s0 =	simm.s32 @p2 $0x1  }
0x17: {  	s4 =	simm.s32 $0x1BF5;
	[smem:$0x3FB1] =	sst s0  }
0x18: {  	s0 =	sld [smem:$0x3F94];
	_ =	swait.ge [sflag:s4], $0x0  }
0x19: {  	s7 =	sld [smem:$0x3F95]  }
0x1a: {  	s8 =	sadd.s32 $0xFFFFE003, lr  }
0x1b: {  	s9 =	sadd.s32 $0xFFFFFEF7, lr;
	s5 =	simm.s32 $0xFFFFFFFF;
	p2 =	slt.u32 s8, $0xFFFFF086  }
0x1c: {  	p1 =	slt.u32 s9, $0xF7A;
	s5 =	simm.s32 @!p2 $0x0  }
0x1d: {  	s5 =	simm.s32 @p1 $0x1;
	p0 =	seq.s32 s7, s2  }
0x1e: {  	s7 =	smul.u32 @!p0 $0xF7A, s2;
	p2 =	seq.s32 @!p0 s5, $0x0  }
0x1f: {  	s9 =	smul.u32 $0xF7A, s1;
	s8 =	simm.s32 @!p0 $0x1BF5;
	p2 =	por !p2, p0  }
0x20: {  	[sflag:s8] =	ssyncset.s32 @!p0 $0xFFFFF086;
	s6 =	sadd.s32 @!p0 s3, s7;
	s7 =	simm.s32 @!p0 $0x108  }
0x21: {  	s3 =	sadd.s32 s3, s9;
	s6 =	sadd.s32 @!p0 $0x88, s6;
	s7 =	simm.s32 @p2 $0x1082  }
0x22: {  	[simem:s7], [sflag:s8] =	dma.local @!p0 [hbm:s6], $0xF7A  }
0x23: {  	s9 =	sor.u32 $0xD0000000, s2;
	s6 =	simm.s32 $0x108;
	_ =	swait.ge @!p0 [sflag:s8], $0x0  }
0x24: {  	s3 =	sadd.s32 $0x88, s3;
	s6 =	simm.s32 @!p1 $0x1082;
	[sflag:s4] =	ssyncset.s32 $0xFFFFF086  }
0x25: {  	[simem:s6], [sflag:s4] =	dma.local [hbm:s3], $0xF7A  }
0x26: {  	[smem:$0x3F95] =	sst s1;
	(tag) =	ssettag s2;
	_ =	strace s9  }
0x27: {  	s1 =	sld [smem:$0x3FA5]  }
0x28: {  	s2 =	sld [smem:$0x3FA6]  }
0x29: {  	s4 =	sld [smem:$0x3FA8]  }
0x2a: {  	p0 =	seq.s32 s5, $0x0;
	s5 =	sld [smem:$0x3FA9]  }
0x2b: {  	s6 =	sld [smem:$0x3FAA]  }
0x2c: {  	s7 =	sld [smem:$0x3FAB]  }
0x2d: {  	s3 =	simm.s32 $0x108;
	s8 =	sld [smem:$0x3FAC]  }
0x2e: {  	s3 =	simm.s32 @!p0 $0x1082;
	s9 =	sld [smem:$0x3FAD]  }
0x2f: {  	lr =	sadd.s32 s0, s3;
	s0 =	sld [smem:$0x3FA4]  }
0x30: {  	s3 =	sld [smem:$0x3FA7]  }
0x31: {  	[smem:$0x3FB0] =	sst s10  }
0x32: {  	s10 =	sld [smem:$0x3FAE];
	_ =	sdelay $0x3  }
0x33: {  	p0 =	seq.s32 s10, $0x1;
	s10 =	sld [smem:$0x3FB0];
	_ =	sdelay $0x3  }
0x34: {  	[smem:$0x3FB0] =	sst s10  }
0x35: {  	s10 =	sld [smem:$0x3FAF];
	_ =	sdelay $0x3  }
0x36: {  	p1 =	seq.s32 s10, $0x1;
	s10 =	sld [smem:$0x3FB0];
	_ =	sdelay $0x3  }
0x37: {  	[smem:$0x3FB0] =	sst s10  }
0x38: {  	s10 =	sld [smem:$0x3FB1]  }
0x39: {  	_ = 	snop;
	(pc) =	sbr.ind lr, $3  }
0x3a: {  	_ = 	snop  }
0x3b: {  	_ = 	snop  }
0x3c: {  	p2 =	seq.s32 s10, $0x1;
	s10 =	sld [smem:$0x3FB0]  }
0x3d: {  	_ =	shalt  }
0x3e: {  	_ =	shalt  }
0x3f: {  	_ =	shalt  }
0x40: {  	_ =	shalt  }
0x41: {  	_ =	shalt  }
0x42: {  	_ =	shalt  }
0x43: {  	_ =	shalt  }
0x44: {  	_ =	shalt  }
0x45: {  	_ =	shalt  }
0x46: {  	_ =	shalt  }
0x47: {  	_ =	shalt  }
0x48: {  	_ =	shalt  }
0x49: {  	_ =	shalt  }
0x4a: {  	_ =	shalt  }
0x4b: {  	_ =	shalt  }
0x4c: {  	_ =	shalt  }
0x4d: {  	_ =	shalt  }
0x4e: {  	_ =	shalt  }
0x4f: {  	_ =	shalt  }
0x50: {  	_ =	shalt  }
0x51: {  	_ =	shalt  }
0x52: {  	_ =	shalt  }
0x53: {  	_ =	shalt  }
0x54: {  	_ =	shalt  }
0x55: {  	_ =	shalt  }
0x56: {  	_ =	shalt  }
0x57: {  	_ =	shalt  }
0x58: {  	_ =	shalt  }
0x59: {  	_ =	shalt  }
0x5a: {  	_ =	shalt  }
0x5b: {  	_ =	shalt  }
0x5c: {  	_ =	shalt  }
0x5d: {  	_ =	shalt  }
0x5e: {  	_ =	shalt  }
0x5f: {  	_ =	shalt  }
0x60: {  	_ =	shalt  }
0x61: {  	_ =	shalt  }
0x62: {  	_ =	shalt  }
0x63: {  	_ =	shalt  }
0x64: {  	_ =	shalt  }
0x65: {  	_ =	shalt  }
0x66: {  	_ =	shalt  }
0x67: {  	_ =	shalt  }
0x68: {  	_ =	shalt  }
0x69: {  	_ =	shalt  }
0x6a: {  	_ =	shalt  }
0x6b: {  	_ =	shalt  }
0x6c: {  	_ =	shalt  }
0x6d: {  	_ =	shalt  }
0x6e: {  	_ =	shalt  }
0x6f: {  	_ =	shalt  }
0x70: {  	_ =	shalt  }
0x71: {  	_ =	shalt  }
0x72: {  	_ =	shalt  }
0x73: {  	_ =	shalt  }
0x74: {  	_ =	shalt  }
0x75: {  	_ =	shalt  }
0x76: {  	_ =	shalt  }
0x77: {  	_ =	shalt  }
0x78: {  	_ =	shalt  }
0x79: {  	_ =	shalt  }
0x7a: {  	_ =	shalt  }
0x7b: {  	_ =	shalt  }
0x7c: {  	_ =	shalt  }
0x7d: {  	_ =	shalt  }
0x7e: {  	_ =	shalt  }
0x7f: {  	_ =	shalt  }
0x80: {  	_ =	shalt  }
0x81: {  	_ =	shalt  }
0x82: {  	_ =	shalt  }
0x83: {  	_ =	shalt  }
0x84: {  	_ =	shalt  }
0x85: {  	_ =	shalt  }
0x86: {  	_ =	shalt  }
0x87: {  	_ =	shalt  }
.Lfunc_end0:
.L_simem_size_0:
called_computation_lowered:
.L_overlay_start_0:
0x88: {  	s2 =	sld [smem:$0x3FD9]  }
0x89: {  	s3 =	sld [smem:$0x3FFE];
	_ =	sdelay $0x1  }
0x8a: {  	s1 =	srdreg.scid  }
0x8b: {  	s0 =	sand.u32 $0x1, s1  }
0x8c: {  	s17 =	sshll.u32 s0, $0xA;
	s2 =	sadd.s32 s3, s2  }
0x8d: {  	s2 =	sadd.s32 s2, s17  }
0x8e: {  	[smem:$0x3FBC] =	sst s2  }
0x8f: {  	_ = 	snop  }
0x90: {  	s18 =	sld [smem:$0x3FD0];
	(tm) =	ssettm $0x1  }
0x91: {  	s19 =	sld [smem:$0x3FFB];
	_ =	sdelay $0x3  }
0x92: {  	_ =	strace s19  }
0x93: {  	s2 =	sld [smem:$0x3FFC];
	_ =	sdelay $0x3  }
0x94: {  	_ =	strace s2  }
0x95: {  	s2 =	sld [smem:$0x3FFD];
	_ =	sdelay $0x3  }
0x96: {  	_ =	strace s2  }
0x97: {  	_ =	strace $0x8FFFFFFF  }
0x98: {  	s20 =	sld [smem:$0x3FDB];
	_ =	sdelay $0x1  }
0x99: {  	s4 =	simm.s32 $_scs_section_size  }
0x9a: {  	s5 =	simm.s32 $_size__tile_overlayer_lowered;
	s6 =	simm.s32 $_tile_overlayer_lowered  }
0x9b: {  	s7 =	simm.s32 $0x1BFF;
	s21 =	sshll.u32 s6, $0x1;
	s4 =	sadd.s32 s4, s20  }
0x9c: {  	s22 =	simm.s32 $0x0;
	s5 =	sshll.u32 s5, $0x1;
	s6 =	sadd.s32 s21, s4  }
0x9d: {  	[timem:s22], [sflag:s7] =	dma.local [hbm:s6], s5  }
0x9e: {  	_ =	swait.ge [sflag:s7], s5  }
0x9f: {  	s5 =	ssub.s32 $0x0, s5;
	[sflag:s7] =	ssyncset.done $0x0  }
0xa0: {  	[sflag:s7] =	ssyncadd.s32 s5;
	_ =	sdelay $0x1  }
0xa1: {  	s23 =	simm.s32 $0x1B8B  }
0xa2: {  	_ =	swait.ge [sflag:s23], $0x1  }
0xa3: {  	[sflag:s23] =	ssyncset.done $0x0  }
0xa4: {  	[sflag:s23] =	ssyncadd.s32 $0xFFFFFFFF  }
0xa5: {  	s5 =	sld [smem:$0x0]  }
0xa6: {  	s6 =	sand.u32 $0xFFFFFFFE, s1  }
0xa7: {  	p0 =	sne.s32 s1, s6  }
0xa8: {  	s6 =	sshll.u32 @p0 s6, $0xE  }
0xa9: {  	s6 =	sadd.s32 @p0 $0x11B8D, s6;
	s7 =	sshll.u32 @p0 s5, $0x11  }
0xaa: {  	s6 =	sor.u32 @p0 s7, s6  }
0xab: {  	[sflag:s6] =	ssyncadd.remote.s32 @p0 $0x1;
	_ =	sdelay $0x1  }
0xac: {  	s6 =	simm.s32 @p0 $0x1B8D  }
0xad: {  	_ =	swait.eq @p0 [sflag:s6], $0x1  }
0xae: {  	[sflag:s6] =	ssyncadd.s32 @p0 $0xFFFFFFFF  }
0xaf: {  	s7 =	sshll.u32 @!p0 s1, $0xE  }
0xb0: {  	s7 =	sor.u32 @!p0 $0x4000, s7;
	s6 =	simm.s32 @!p0 $0x1B8D  }
0xb1: {  	s5 =	sshll.u32 @!p0 s5, $0x11;
	s7 =	sadd.s32 @!p0 $0x11B8D, s7;
	_ =	swait.eq @!p0 [sflag:s6], $0x1  }
0xb2: {  	s5 =	sor.u32 @!p0 s5, s7;
	[sflag:s6] =	ssyncadd.s32 @!p0 $0xFFFFFFFF  }
0xb3: {  	s25 =	simm.s32 $0x1B8E;
	s24 =	sld [smem:$0x3FFE];
	[sflag:s5] =	ssyncadd.remote.s32 @!p0 $0x1  }
0xb4: {  	s26 =	simm.s32 $execute0_lowered;
	[smem:$0x3FD2] =	sst s25  }
0xb5: {  	s6 =	sshll.u32 s26, $0x1;
	_ =	strace $0x80000049;
	[dreg:$0x1] =	wrdreg $0xFFFFFFFF  }
0xb6: {  	s28 =	simm.s32 $_size_execute0_lowered;
	s4 =	sadd.s32 s4, s6;
	[dreg:$0x0] =	wrdreg $0x0  }
0xb7: {  	s6 =	sshll.u32 s28, $0x1;
	[dreg:$0x2] =	wrdreg s4  }
0xb8: {  	[dreg:$0x3] =	wrdreg s6  }
0xb9: {  	[dreg:$0x4] =	wrdreg $0xC0  }
0xba: {  	_ =	task [dreg:s22], $0x5FFFF  }
0xbb: {  	[dreg:$0x1] =	wrdreg $0xFFFFFFFF  }
0xbc: {  	[dreg:$0x0] =	wrdreg $0x60  }
0xbd: {  	[dreg:$0x2] =	wrdreg s24  }
0xbe: {  	[dreg:$0x3] =	wrdreg s18  }
0xbf: {  	[dreg:$0x4] =	wrdreg $0x68000  }
0xc0: {  	[dreg:$0x5] =	wrdreg $0x9  }
0xc1: {  	_ =	task.clear_ibuf [dreg:s22], $0x6FFFF;
	_ =	strace $0x90000049  }
0xc2: {  	s29 =	simm.s32 $0x9;
	_ =	strace $0x8000004B  }
0xc3: {  	_ =	swait.ge [sflag:s29], $0x1  }
0xc4: {  	[sflag:s29] =	ssyncadd.s32 $0xFFFFFFFF  }
0xc5: {  	_ =	strace $0x9000004B  }
0xc6: {  	_ =	sfence  }
0xc7: {  	s30 =	sld [smem:$0x0];
	_ =	sdelay $0x2  }
0xc8: {  	s31 =	sshll.u32 s1, $0xD;
	s1 =	sshrl.u32 s1, $0x2  }
0xc9: {  	s4 =	sand.u32 $0x4000, s31;
	s1 =	sadd.s32 s1, s30  }
0xca: {  	s0 =	sor.u32 s4, s0;
	s1 =	sshll.u32 s1, $0x11  }
0xcb: {  	s0 =	sor.u32 s1, s0  }
0xcc: {  	s0 =	sadd.s32 $0x8F2B, s0  }
0xcd: {  	[sflag:s0] =	ssyncadd.remote.s32 $0x1  }
0xce: {  	_ =	sfence.sel $0xFFFF  }
0xcf: {  	[dreg:$0x0] =	wrdreg $0xFFFFFFFF;
	(pc) =	sbr.abs _section_cstart, $3  }
0xd0: {  	[dreg:$0x1] =	wrdreg $0xFFFFFFFF  }
0xd1: {  	_ =	task.clear_ibuf [dreg:s22], $0x2FFFF;
	_ =	strace $0x9FFFFFFF  }
0xd2: {  	(tm) =	ssettm $0x7FFFFFFF  }
0xd3: {  	_ =	shalt  }
tec
execute0_lowered:
.L_overlay_start_1:
0x0: {  	(tag) =	ssettag $0x1  }
0x1: {  	s7 =	rddreg [dreg:$0x0]  }
0x2: {  	s2 =	rddreg [dreg:$0x1]  }
0x3: {  	s0 =	srdreg.scid;
	s3 =	rddreg [dreg:$0x2]  }
0x4: {  	s4 =	simm.s32 $0x0;
	s13 =	simm.s32 $0x2800;
	s17 =	simm.s32 $0x7D  }
0x5: {  	s18 =	simm.s32 $0x80;
	s19 =	simm.s32 $0x100;
	s20 =	simm.s32 $0x180  }
0x6: {  	s21 =	simm.s32 $0x1;
	s23 =	simm.s32 $0x0;
	s9 =	sand.u32 $0x1, s0  }
0x7: {  	s0 =	stileid.u32;
	[smem:$0x7FF] =	sst s4;
	s6 =	sadd.s32 $0x37600, s7  }
0x8: {  	s22 =	sadd.s32 $0x138000, s3;
	s1 =	sshll.u32 s9, $0x4;
	s12 =	smul.u32 $0x4E000, s0  }
0x9: {  	s10 =	ssub.s32 $0x2, s9;
	s31 =	smul.u32 $0x2700, s0;
	p0 =	seq.s32 s9, $0x1  }
0xa: {  	p1 =	sne.s32 s0, $0xF;
	s14 =	sshll.u32 s0, $0x6;
	p2 =	seq.s32 s0, $0xF  }
0xb: {  	s5 =	sor.u32 s0, s1;
	s1 =	rddreg [dreg:$0x3];
	_ =	strace $0x8000004A  }
0xc: {  	s11 =	sshrl.u32 s10, $0x1;
	s14 =	sor.u32 $0x1C02, s14;
	s5 =	smul.u32 $0x500, s5  }
.Ltmp0:
0xd: {  	s16 =	sshrl.u32 @!p1 s22, $0x3;
	s22 =	sshrl.u32 s22, $0x3;
	(pc) =	sbr.rel .LBB2_1-.Ltmp0, $4  }
0xe: {  	s11 =	ssub.s32 s10, s11;
	s30 =	sshrl.u32 s12, $0x2;
	s9 =	sadd.s32 s2, s31  }
0xf: {  	s12 =	simm.s32 $0x2;
	s15 =	sadd.s32 s30, s3;
	s11 =	smax.u32 s11, $0x1  }
0x10: {  	s8 =	sadd.s32 s5, s7;
	s5 =	sadd.s32 $0x36E00, s7;
	s7 =	sadd.s32 $0x39E00, s7  }
0x11: {  	s15 =	sshrl.u32 s15, $0x3;
	s8 =	sadd.s32 $0x2CE00, s8;
	s10 =	sadd.s32 s7, s31  }
.LBB2_6:
0x12: {  	s24 =	sadd.s32 $0x27000, s24  }
0x13: {  	[hbm:s24], [sflag:s14] =	dma.local [spmem:s22], $0x100  }
0x14: {  	_ =	swait.ge [sflag:s12], $0x100  }
0x15: {  	[sflag:s12] =	ssyncset.done $0x0  }
0x16: {  	[sflag:s12] =	ssyncadd.s32 $0xFFFFFF00  }
.LBB2_7:
0x17: {  	s23 =	sadd.s32 $0x1, s23  }
0x18: {  	p3 =	sne.s32 s23, s11  }
.Ltmp1:
0x19: {  	_ = 	snop;
	(pc) =	sbr.rel @!p3 .LBB2_8-.Ltmp1, $1  }
0x1a: {  	_ =	sdelay $0x3  }
.LBB2_1:
0x1b: {  	[tilespmem:s4], [sflag:$0x2] =	stream.linear.gather [hbm4b:s8+s4], $0x2800, $0x38;
	[tilespmem:$0x6A78] =	vst v63  }
0x1c: {  	_ =	swait.ge [sflag:s12], $0x2800  }
0x1d: {  	[sflag:s12] =	ssyncset.done $0x0  }
0x1e: {  	[sflag:s12] =	ssyncadd.s32 $0xFFFFD800  }
0x1f: {  	[tilespmem:s13], [sflag:$0x2] =	stream.linear.gather [hbm4b:s5+s4], $0x3E80, $0x38;
	[tilespmem:$0x6A78] =	vst v63  }
0x20: {  	_ =	swait.ge [sflag:s12], $0x3E80  }
0x21: {  	[sflag:s12] =	ssyncset.done $0x0  }
0x22: {  	[sflag:s12] =	ssyncadd.s32 $0xFFFFC180  }
0x23: {  	[spmem:s15], [sflag:s14] =	dma.local [hbm:s6], $0x2700  }
0x24: {  	_ =	swait.ge [sflag:s12], $0x2700  }
0x25: {  	[sflag:s12] =	ssyncset.done $0x0  }
0x26: {  	s24 =	simm.s32 @!p1 $0x2;
	[sflag:s12] =	ssyncadd.s32 $0xFFFFD900  }
0x27: {  	[spmem:s16], [sflag:s14] =	dma.local @!p1 [hbm:s6], $0x100  }
0x28: {  	_ =	swait.ge @!p1 [sflag:s24], $0x100  }
0x29: {  	[sflag:s24] =	ssyncset.done @!p1 $0x0  }
0x2a: {  	[sflag:s24] =	ssyncadd.s32 @!p1 $0xFFFFFF00  }
0x2b: {  	[bflag:$0x0] =	sbarrier.arrive $0xFFFF  }
0x2c: {  	[spmem:s3] =	stream.indirect.scatter.add.f32 [tilespmem:s13], [sflag:$0x1], $0x1, s4, s17, $0xb8;
	[tilespmem:$0x6A78] =	vst v63  }
0x2d: {  	_ = 	snop  }
0x2e: {  	[spmem:s3] =	stream.indirect.scatter.add.f32 [tilespmem:s13], [sflag:$0x1], $0x1, s18, s17, $0xb8;
	[tilespmem:$0x6A78] =	vst v63  }
0x2f: {  	_ = 	snop  }
0x30: {  	[spmem:s3] =	stream.indirect.scatter.add.f32 [tilespmem:s13], [sflag:$0x1], $0x1, s19, s17, $0xb8;
	[tilespmem:$0x6A78] =	vst v63  }
0x31: {  	_ = 	snop  }
0x32: {  	[spmem:s3] =	stream.indirect.scatter.add.f32 [tilespmem:s13], [sflag:$0x1], $0x1, s20, s17, $0xb8;
	[tilespmem:$0x6A78] =	vst v63  }
0x33: {  	_ =	swait.ge [sflag:s21], $0x7D  }
0x34: {  	[sflag:s21] =	ssyncset.done $0x0  }
0x35: {  	s25 =	simm.s32 $0x200;
	s24 =	simm.s32 $0xA00;
	[sflag:s21] =	ssyncadd.s32 $0xFFFFFF83  }
.LBB2_2:
0x36: {  	[spmem:s3] =	stream.indirect.scatter.add.f32 [tilespmem:s13], [sflag:$0x1], $0x1, s25, s17, $0xb8;
	[tilespmem:$0x6A78] =	vst v63  }
0x37: {  	s25 =	smov.u32 s24;
	p3 =	sne.s32 s24, $0x9E00  }
.Ltmp2:
0x38: {  	s24 =	sadd.s32 $0x200, s24;
	(pc) =	sbr.rel @p3 .LBB2_2-.Ltmp2, $4  }
0x39: {  	_ = 	snop  }
0x3a: {  	_ =	swait.ge [sflag:s21], $0x7D  }
0x3b: {  	[sflag:s21] =	ssyncset.done $0x0  }
0x3c: {  	s25 =	sshra.s32 s25, $0x2;
	[sflag:s21] =	ssyncadd.s32 $0xFFFFFF83  }
0x3d: {  	[spmem:s3] =	stream.indirect.scatter.add.f32 [tilespmem:s13], [sflag:$0x1], $0x1, s25, s17, $0xb8;
	[tilespmem:$0x6A78] =	vst v63  }
0x3e: {  	_ =	swait.ge [sflag:s21], $0x7D  }
0x3f: {  	[sflag:s21] =	ssyncset.done $0x0  }
0x40: {  	[sflag:s21] =	ssyncadd.s32 $0xFFFFFF83  }
0x41: {  	_ =	swait.ge [sflag:s21], $0x7D  }
0x42: {  	[sflag:s21] =	ssyncset.done $0x0  }
0x43: {  	[sflag:s21] =	ssyncadd.s32 $0xFFFFFF83  }
0x44: {  	_ =	swait.ge [sflag:s21], $0x7D  }
0x45: {  	[sflag:s21] =	ssyncset.done $0x0  }
0x46: {  	[sflag:s21] =	ssyncadd.s32 $0xFFFFFF83  }
.Ltmp3:
0x47: {  	_ =	swait.ge [sflag:s21], $0x7D;
	(pc) =	sbr.rel @!p0 .LBB2_4-.Ltmp3, $3  }
0x48: {  	[sflag:s21] =	ssyncset.done $0x0  }
0x49: {  	[sflag:s21] =	ssyncadd.s32 $0xFFFFFF83  }
0x4a: {  	[bflag:$0x0] =	sbarrier.arrive $0xFFFF;
	_ =	sdelay $0x1  }
0x4b: {  	[hbm:s10], [sflag:s14] =	dma.local [spmem:s15], $0x2700  }
.Ltmp4:
0x4c: {  	_ = 	snop;
	(pc) =	sbr.rel @p1 .LBB2_7-.Ltmp4, $4  }
.Ltmp5:
0x4d: {  	_ = 	snop;
	(pc) =	sbr.rel @!p1 .LBB2_6-.Ltmp5, $4  }
0x4e: {  	_ =	swait.ge [sflag:s12], $0x2700  }
0x4f: {  	[sflag:s12] =	ssyncset.done $0x0  }
0x50: {  	s24 =	smov.u32 s7;
	[sflag:s12] =	ssyncadd.s32 $0xFFFFD900  }
0x51: {  	_ = 	snop  }
.LBB2_4:
0x52: {  	[hbm:s9], [sflag:s14] =	dma.local [spmem:s15], $0x2700  }
.Ltmp6:
0x53: {  	_ = 	snop;
	(pc) =	sbr.rel @p2 .LBB2_6-.Ltmp6, $4  }
.Ltmp7:
0x54: {  	_ = 	snop;
	(pc) =	sbr.rel @!p2 .LBB2_7-.Ltmp7, $4  }
0x55: {  	_ =	swait.ge [sflag:s12], $0x2700  }
0x56: {  	[sflag:s12] =	ssyncset.done $0x0  }
0x57: {  	s24 =	smov.u32 s2;
	[sflag:s12] =	ssyncadd.s32 $0xFFFFD900  }
0x58: {  	_ = 	snop  }
.LBB2_8:
0x59: {  	_ =	sfence.sel $0x180000  }
0x5a: {  	[bflag:$0x0] =	sbarrier.arrive $0xFFFF  }
0x5b: {  	p0 =	sne.s32 s0, $0x0;
	_ =	strace $0x9000004A  }
0x5c: {  	s0 =	sadd.s32 @!p0 $0x100000, s1;
	[bflag:$0x2] =	sbarrier.arrive $0xFFFF  }
0x5d: {  	[sflag:s0] =	ssyncadd.tile.s32 @!p0 $0x1;
	_ =	shalt  }
.Lfunc_end2:
_tile_overlayer_lowered:
.L_overlay_start_2:
0x5e: {  	(tag) =	ssettag $0x2  }
0x5f: {  	s0 =	rddreg [dreg:$0x0];
	s2 =	stileid.u32  }
0x60: {  	s1 =	rddreg [dreg:$0x1];
	p0 =	sne.s32 s2, $0x0  }
0x61: {  	s3 =	rddreg [dreg:$0x2];
	[bflag:$0x3] =	sbarrier.arrive $0xFFFF;
	s2 =	simm.s32 @!p0 $0x1C02  }
0x62: {  	[timem:s3], [sflag:s2] =	dma.local @!p0 [hbm:s0], s1  }
0x63: {  	s0 =	simm.s32 @!p0 $0x2  }
0x64: {  	_ =	swait.ge @!p0 [sflag:s0], s1  }
0x65: {  	s1 =	ssub.s32 @!p0 $0x0, s1;
	[sflag:s0] =	ssyncset.done @!p0 $0x0  }
0x66: {  	[sflag:s0] =	ssyncadd.s32 @!p0 s1  }
0x67: {  	[bflag:$0x3] =	sbarrier.arrive $0xFFFF  }
0x68: {  	_ =	shalt  }

// kernel: kernel.14.cloned.1.call-start
scs
__scs_entry_jumppad:
0x0: {  	(pc) =	sbr.rel $0x88, $3  }
0x1: {  	(tag) =	ssettag $0x0;
	lr =	simm.s32 $0x1  }
0x2: {  	[smem:$0x3F95] =	sst lr;
	_ =	strace $0xD0000000  }
0x3: {  	_ = 	snop  }
0x4: {  	_ = 	snop  }
0x5: {  	_ = 	snop  }
0x6: {  	_ = 	snop  }
0x7: {  	_ = 	snop  }
__scs_overlays_trampoline_lowered:
0x8: {  	[smem:$0x3FA4] =	sst s0  }
0x9: {  	[smem:$0x3FA5] =	sst s1  }
0xa: {  	[smem:$0x3FA6] =	sst s2  }
0xb: {  	[smem:$0x3FA7] =	sst s3  }
0xc: {  	[smem:$0x3FA8] =	sst s4  }
0xd: {  	[smem:$0x3FA9] =	sst s5  }
0xe: {  	[smem:$0x3FAA] =	sst s6  }
0xf: {  	[smem:$0x3FAB] =	sst s7  }
0x10: {  	[smem:$0x3FAC] =	sst s8  }
0x11: {  	[smem:$0x3FAD] =	sst s9;
	s0 =	simm.s32 @!p0 $0x0  }
0x12: {  	s1 =	sld [smem:$0x3F93];
	s0 =	simm.s32 @p0 $0x1  }
0x13: {  	[smem:$0x3FAE] =	sst s0;
	s0 =	simm.s32 @!p1 $0x0  }
0x14: {  	s2 =	sld [smem:$0x3F92];
	s0 =	simm.s32 @p1 $0x1  }
0x15: {  	[smem:$0x3FAF] =	sst s0;
	s0 =	simm.s32 @!p2 $0x0  }
0x16: {  	s3 =	sld [smem:$0x3FDB];
	s0 =	simm.s32 @p2 $0x1  }
0x17: {  	s4 =	simm.s32 $0x1BF5;
	[smem:$0x3FB1] =	sst s0  }
0x18: {  	s0 =	sld [smem:$0x3F94];
	_ =	swait.ge [sflag:s4], $0x0  }
0x19: {  	s7 =	sld [smem:$0x3F95]  }
0x1a: {  	s8 =	sadd.s32 $0xFFFFE003, lr  }
0x1b: {  	s9 =	sadd.s32 $0xFFFFFEF7, lr;
	s5 =	simm.s32 $0xFFFFFFFF;
	p2 =	slt.u32 s8, $0xFFFFF086  }
0x1c: {  	p1 =	slt.u32 s9, $0xF7A;
	s5 =	simm.s32 @!p2 $0x0  }
0x1d: {  	s5 =	simm.s32 @p1 $0x1;
	p0 =	seq.s32 s7, s2  }
0x1e: {  	s7 =	smul.u32 @!p0 $0xF7A, s2;
	p2 =	seq.s32 @!p0 s5, $0x0  }
0x1f: {  	s9 =	smul.u32 $0xF7A, s1;
	s8 =	simm.s32 @!p0 $0x1BF5;
	p2 =	por !p2, p0  }
0x20: {  	[sflag:s8] =	ssyncset.s32 @!p0 $0xFFFFF086;
	s6 =	sadd.s32 @!p0 s3, s7;
	s7 =	simm.s32 @!p0 $0x108  }
0x21: {  	s3 =	sadd.s32 s3, s9;
	s6 =	sadd.s32 @!p0 $0x88, s6;
	s7 =	simm.s32 @p2 $0x1082  }
0x22: {  	[simem:s7], [sflag:s8] =	dma.local @!p0 [hbm:s6], $0xF7A  }
0x23: {  	s9 =	sor.u32 $0xD0000000, s2;
	s6 =	simm.s32 $0x108;
	_ =	swait.ge @!p0 [sflag:s8], $0x0  }
0x24: {  	s3 =	sadd.s32 $0x88, s3;
	s6 =	simm.s32 @!p1 $0x1082;
	[sflag:s4] =	ssyncset.s32 $0xFFFFF086  }
0x25: {  	[simem:s6], [sflag:s4] =	dma.local [hbm:s3], $0xF7A  }
0x26: {  	[smem:$0x3F95] =	sst s1;
	(tag) =	ssettag s2;
	_ =	strace s9  }
0x27: {  	s1 =	sld [smem:$0x3FA5]  }
0x28: {  	s2 =	sld [smem:$0x3FA6]  }
0x29: {  	s4 =	sld [smem:$0x3FA8]  }
0x2a: {  	p0 =	seq.s32 s5, $0x0;
	s5 =	sld [smem:$0x3FA9]  }
0x2b: {  	s6 =	sld [smem:$0x3FAA]  }
0x2c: {  	s7 =	sld [smem:$0x3FAB]  }
0x2d: {  	s3 =	simm.s32 $0x108;
	s8 =	sld [smem:$0x3FAC]  }
0x2e: {  	s3 =	simm.s32 @!p0 $0x1082;
	s9 =	sld [smem:$0x3FAD]  }
0x2f: {  	lr =	sadd.s32 s0, s3;
	s0 =	sld [smem:$0x3FA4]  }
0x30: {  	s3 =	sld [smem:$0x3FA7]  }
0x31: {  	[smem:$0x3FB0] =	sst s10  }
0x32: {  	s10 =	sld [smem:$0x3FAE];
	_ =	sdelay $0x3  }
0x33: {  	p0 =	seq.s32 s10, $0x1;
	s10 =	sld [smem:$0x3FB0];
	_ =	sdelay $0x3  }
0x34: {  	[smem:$0x3FB0] =	sst s10  }
0x35: {  	s10 =	sld [smem:$0x3FAF];
	_ =	sdelay $0x3  }
0x36: {  	p1 =	seq.s32 s10, $0x1;
	s10 =	sld [smem:$0x3FB0];
	_ =	sdelay $0x3  }
0x37: {  	[smem:$0x3FB0] =	sst s10  }
0x38: {  	s10 =	sld [smem:$0x3FB1]  }
0x39: {  	_ = 	snop;
	(pc) =	sbr.ind lr, $3  }
0x3a: {  	_ = 	snop  }
0x3b: {  	_ = 	snop  }
0x3c: {  	p2 =	seq.s32 s10, $0x1;
	s10 =	sld [smem:$0x3FB0]  }
0x3d: {  	_ =	shalt  }
0x3e: {  	_ =	shalt  }
0x3f: {  	_ =	shalt  }
0x40: {  	_ =	shalt  }
0x41: {  	_ =	shalt  }
0x42: {  	_ =	shalt  }
0x43: {  	_ =	shalt  }
0x44: {  	_ =	shalt  }
0x45: {  	_ =	shalt  }
0x46: {  	_ =	shalt  }
0x47: {  	_ =	shalt  }
0x48: {  	_ =	shalt  }
0x49: {  	_ =	shalt  }
0x4a: {  	_ =	shalt  }
0x4b: {  	_ =	shalt  }
0x4c: {  	_ =	shalt  }
0x4d: {  	_ =	shalt  }
0x4e: {  	_ =	shalt  }
0x4f: {  	_ =	shalt  }
0x50: {  	_ =	shalt  }
0x51: {  	_ =	shalt  }
0x52: {  	_ =	shalt  }
0x53: {  	_ =	shalt  }
0x54: {  	_ =	shalt  }
0x55: {  	_ =	shalt  }
0x56: {  	_ =	shalt  }
0x57: {  	_ =	shalt  }
0x58: {  	_ =	shalt  }
0x59: {  	_ =	shalt  }
0x5a: {  	_ =	shalt  }
0x5b: {  	_ =	shalt  }
0x5c: {  	_ =	shalt  }
0x5d: {  	_ =	shalt  }
0x5e: {  	_ =	shalt  }
0x5f: {  	_ =	shalt  }
0x60: {  	_ =	shalt  }
0x61: {  	_ =	shalt  }
0x62: {  	_ =	shalt  }
0x63: {  	_ =	shalt  }
0x64: {  	_ =	shalt  }
0x65: {  	_ =	shalt  }
0x66: {  	_ =	shalt  }
0x67: {  	_ =	shalt  }
0x68: {  	_ =	shalt  }
0x69: {  	_ =	shalt  }
0x6a: {  	_ =	shalt  }
0x6b: {  	_ =	shalt  }
0x6c: {  	_ =	shalt  }
0x6d: {  	_ =	shalt  }
0x6e: {  	_ =	shalt  }
0x6f: {  	_ =	shalt  }
0x70: {  	_ =	shalt  }
0x71: {  	_ =	shalt  }
0x72: {  	_ =	shalt  }
0x73: {  	_ =	shalt  }
0x74: {  	_ =	shalt  }
0x75: {  	_ =	shalt  }
0x76: {  	_ =	shalt  }
0x77: {  	_ =	shalt  }
0x78: {  	_ =	shalt  }
0x79: {  	_ =	shalt  }
0x7a: {  	_ =	shalt  }
0x7b: {  	_ =	shalt  }
0x7c: {  	_ =	shalt  }
0x7d: {  	_ =	shalt  }
0x7e: {  	_ =	shalt  }
0x7f: {  	_ =	shalt  }
0x80: {  	_ =	shalt  }
0x81: {  	_ =	shalt  }
0x82: {  	_ =	shalt  }
0x83: {  	_ =	shalt  }
0x84: {  	_ =	shalt  }
0x85: {  	_ =	shalt  }
0x86: {  	_ =	shalt  }
0x87: {  	_ =	shalt  }
.Lfunc_end0:
.L_simem_size_0:
called_computation.1_lowered:
.L_overlay_start_0:
0x88: {  	s2 =	sld [smem:$0x3FD9]  }
0x89: {  	s3 =	sld [smem:$0x3FFE];
	_ =	sdelay $0x1  }
0x8a: {  	s1 =	srdreg.scid  }
0x8b: {  	s0 =	sand.u32 $0x1, s1  }
0x8c: {  	s16 =	sshll.u32 s0, $0xA;
	s2 =	sadd.s32 s3, s2  }
0x8d: {  	s2 =	sadd.s32 s2, s16  }
0x8e: {  	[smem:$0x3FBC] =	sst s2  }
0x8f: {  	_ = 	snop  }
0x90: {  	(tm) =	ssettm $0x1  }
0x91: {  	s17 =	sld [smem:$0x3FFB];
	_ =	sdelay $0x3  }
0x92: {  	_ =	strace s17  }
0x93: {  	s2 =	sld [smem:$0x3FFC];
	_ =	sdelay $0x3  }
0x94: {  	_ =	strace s2  }
0x95: {  	s2 =	sld [smem:$0x3FFD];
	_ =	sdelay $0x3  }
0x96: {  	_ =	strace s2  }
0x97: {  	_ =	strace $0x8FFFFFFF  }
0x98: {  	s18 =	sld [smem:$0x3FDB];
	_ =	sdelay $0x1  }
0x99: {  	s19 =	simm.s32 $_scs_section_size  }
0x9a: {  	s4 =	simm.s32 $_size__tile_overlayer_lowered;
	s5 =	simm.s32 $_tile_overlayer_lowered  }
0x9b: {  	s22 =	simm.s32 $0x1BFF;
	s21 =	sshll.u32 s5, $0x1;
	s2 =	sadd.s32 s19, s18  }
0x9c: {  	s6 =	simm.s32 $0x0;
	s20 =	sshll.u32 s4, $0x1;
	s4 =	sadd.s32 s21, s2  }
0x9d: {  	[timem:s6], [sflag:s22] =	dma.local [hbm:s4], s20  }
0x9e: {  	_ =	swait.ge [sflag:s22], s20  }
0x9f: {  	s3 =	ssub.s32 $0x0, s20;
	[sflag:s22] =	ssyncset.done $0x0  }
0xa0: {  	[sflag:s22] =	ssyncadd.s32 s3;
	_ =	sdelay $0x1  }
0xa1: {  	s23 =	simm.s32 $0x1B8B  }
0xa2: {  	_ =	swait.ge [sflag:s23], $0x1  }
0xa3: {  	[sflag:s23] =	ssyncset.done $0x0  }
0xa4: {  	s25 =	simm.s32 $0x1B8E;
	s24 =	sld [smem:$0x3FFE];
	[sflag:s23] =	ssyncadd.s32 $0xFFFFFFFF  }
0xa5: {  	s26 =	simm.s32 $execute0_lowered;
	[smem:$0x3FD2] =	sst s25  }
0xa6: {  	s4 =	sshll.u32 s26, $0x1;
	_ =	strace $0x80000046;
	[dreg:$0x1] =	wrdreg $0xFFFFFFFF  }
0xa7: {  	s28 =	simm.s32 $_size_execute0_lowered;
	s2 =	sadd.s32 s2, s4;
	[dreg:$0x0] =	wrdreg $0x0  }
0xa8: {  	s4 =	sshll.u32 s28, $0x1;
	[dreg:$0x2] =	wrdreg s2  }
0xa9: {  	[dreg:$0x3] =	wrdreg s4  }
0xaa: {  	[dreg:$0x4] =	wrdreg $0xC0  }
0xab: {  	_ =	task [dreg:s6], $0x5FFFF  }
0xac: {  	[dreg:$0x1] =	wrdreg $0xFFFFFFFF  }
0xad: {  	[dreg:$0x0] =	wrdreg $0x60  }
0xae: {  	[dreg:$0x2] =	wrdreg s24  }
0xaf: {  	[dreg:$0x3] =	wrdreg $0xA  }
0xb0: {  	_ =	task.clear_ibuf [dreg:s6], $0x4FFFF;
	_ =	strace $0x90000046  }
0xb1: {  	s29 =	simm.s32 $0xA;
	_ =	strace $0x80000048  }
0xb2: {  	_ =	swait.ge [sflag:s29], $0x1  }
0xb3: {  	[sflag:s29] =	ssyncadd.s32 $0xFFFFFFFF  }
0xb4: {  	_ =	strace $0x90000048  }
0xb5: {  	_ =	sfence  }
0xb6: {  	s30 =	sld [smem:$0x0];
	_ =	sdelay $0x2  }
0xb7: {  	s31 =	sshll.u32 s1, $0xD;
	s1 =	sshrl.u32 s1, $0x2  }
0xb8: {  	s3 =	sand.u32 $0x4000, s31;
	s1 =	sadd.s32 s1, s30  }
0xb9: {  	s0 =	sor.u32 s3, s0;
	s1 =	sshll.u32 s1, $0x11  }
0xba: {  	s0 =	sor.u32 s1, s0  }
0xbb: {  	s0 =	sadd.s32 $0x8F2B, s0  }
0xbc: {  	[sflag:s0] =	ssyncadd.remote.s32 $0x1  }
0xbd: {  	_ =	sfence.sel $0xFFFF  }
0xbe: {  	[dreg:$0x0] =	wrdreg $0xFFFFFFFF;
	(pc) =	sbr.abs _section_cstart, $3  }
0xbf: {  	[dreg:$0x1] =	wrdreg $0xFFFFFFFF  }
0xc0: {  	_ =	task.clear_ibuf [dreg:s6], $0x2FFFF;
	_ =	strace $0x9FFFFFFF  }
0xc1: {  	(tm) =	ssettm $0x7FFFFFFF  }
tec
execute0_lowered:
.L_overlay_start_1:
0x0: {  	(tag) =	ssettag $0x1  }
0x1: {  	s0 =	srdreg.scid;
	s4 =	rddreg [dreg:$0x0]  }
0x2: {  	s2 =	simm.s32 $0x0;
	s11 =	simm.s32 $0x2780;
	s12 =	simm.s32 $0x4F00  }
0x3: {  	s13 =	simm.s32 $0x6400;
	s15 =	simm.s32 $0x8E00;
	s3 =	sand.u32 $0x1, s0  }
0x4: {  	s16 =	simm.s32 $0x0;
	s0 =	stileid.u32;
	s1 =	sshll.u32 s3, $0x4  }
0x5: {  	v1 =	vlaneseq.u32;
	[smem:$0x7FF] =	sst s2;
	s3 =	ssub.s32 $0x2, s3;
	s5 =	sor.u32 s0, s1  }
0x6: {  	v0 =	vmul.u32 $0x10, v1;
	s1 =	rddreg [dreg:$0x1];
	_ =	strace $0x80000047;
	s6 =	smul.u32 $0x4E2, s5  }
0x7: {  	s8 =	sshrl.u32 s3, $0x1;
	s7 =	smul.u32 $0x2A0, s5;
	s14 =	sshll.u32 s5, $0x8  }
0x8: {  	s10 =	ssub.s32 s3, s8;
	v0 =	vor.u32 s14, v0;
	s14 =	simm.s32 $0x7900;
	s6 =	sadd.s32 s6, s4  }
0x9: {  	s9 =	sadd.s32 s7, s4;
	s3 =	sadd.s32 $0x4200, s6;
	s4 =	sadd.s32 $0xE000, s6  }
0xa: {  	s5 =	sadd.s32 $0x17E00, s9;
	s6 =	sadd.s32 $0x1D200, s9;
	s7 =	sadd.s32 $0x22600, s9  }
0xb: {  	v2 =	vimm.s32 $0x0;
	v1 =	vor.u32 $0x1388, v1;
	s8 =	sadd.s32 $0x27A00, s9;
	s9 =	smax.u32 s10, $0x1;
	s10 =	simm.s32 $0x1  }
.LBB2_1:
0xc: {  	[tilespmem:s2], [sflag:$0x1] =	stream.linear.gather [hbm4b:s3+s2], $0x2710, $0x38;
	[tilespmem:$0xA300] =	vst v63  }
0xd: {  	_ =	swait.ge [sflag:s10], $0x2710  }
0xe: {  	[sflag:s10] =	ssyncset.done $0x0  }
0xf: {  	[sflag:s10] =	ssyncadd.s32 $0xFFFFD8F0  }
0x10: {  	[tilespmem:s11], [sflag:$0x1] =	stream.linear.gather [hbm4b:s4+s2], $0x2710, $0x38;
	[tilespmem:$0xA300] =	vst v63  }
0x11: {  	_ =	swait.ge [sflag:s10], $0x2710  }
0x12: {  	[sflag:s10] =	ssyncset.done $0x0  }
0x13: {  	s17 =	simm.s32 $0x0;
	[sflag:s10] =	ssyncadd.s32 $0xFFFFD8F0  }
.LBB2_2:
0x14: {  	p0 =	sne.s32 s17, $0x53C0  }
.Ltmp0:
0x15: {  	s18 =	sshra.s32 s17, $0x2;
	(pc) =	sbr.rel @p0 .LBB2_2-.Ltmp0, $4  }
0x16: {  	[tilespmem:s18+$0x4F00] =	vst v0  }
0x17: {  	[tilespmem:s18+$0x6400] =	vst v1  }
0x18: {  	[tilespmem:s18+$0x7900] =	vst v0  }
0x19: {  	s17 =	sadd.s32 $0x40, s17;
	[tilespmem:s18+$0x8E00] =	vst v1  }
0x1a: {  	s17 =	simm.s32 $0x0  }
0x1b: {  	v3 =	vld [tilespmem:s17+$0x2780]  }
0x1c: {  	v7 =	vimm.s32 $0x0  }
0x1d: {  	v8 =	vimm.s32 $0x0;
	v6 =	vimm.s32 $0x0;
	v5 =	vimm.s32 $0x0;
	v4 =	vld [tilespmem:s17+$0x0];
	s17 =	simm.s32 $0x40  }
.LBB2_4:
0x1e: {  	p0 =	sne.s32 s17, $0x9C00;
	_ =	sdelay $0x1  }
0x1f: {  	vm1 =	vlt.s32 v3, $0x1388  }
0x20: {  	v9 =	vmpcnt.ones.xlane vm1;
	v10 =	vsel vm1, $0x1, v2  }
0x21: {  	vm0 =	vge.s32 v3, $0x1388;
	(xrf0) =	vadd.scan.msk.s32 $0xffff, v10  }
0x22: {  	v10 =	vsel vm0, $0x1, v2;
	v7 =	vadd.s32 v7, v9;
	v8 =	vsub.s32 v8, v9  }
0x23: {  	v8 =	vadd.s32 $0x10, v8;
	(xrf0) =	vadd.scan.msk.s32 $0xffff, v10;
	_ =	sdelay $0x3  }
0x24: {  	v9, _, _ =	vpop (xrf0)  }
0x25: {  	v9 =	vadd.s32 v9, v6;
	v6 =	vmov v7  }
0x26: {  	v9 =	vadd.s32 $0xFFFFFFFF, v9;
	v10, _, _ =	vpop (xrf0)  }
0x27: {  	v10 =	vadd.s32 v10, v5;
	v5 =	vmov v8  }
0x28: {  	v10 =	vadd.s32 $0xFFFFFFFF, v10;
	_ =	sdelay $0x2  }
0x29: {  	[tilespmem:v9+s12+$0x0] =	vst.idx.msk vm1, v4  }
0x2a: {  	[tilespmem:v9+s13+$0x0] =	vst.idx.msk vm1, v3  }
.Ltmp1:
0x2b: {  	v3 =	vadd.s32 $0xFFFFEC78, v3;
	[tilespmem:v10+s14+$0x0] =	vst.idx.msk vm0, v4;
	(pc) =	sbr.rel @p0 .LBB2_4-.Ltmp1, $4  }
0x2c: {  	s18 =	sshra.s32 s17, $0x2;
	[tilespmem:v10+s15+$0x0] =	vst.idx.msk vm0, v3  }
0x2d: {  	v3 =	vld [tilespmem:s18+$0x2780]  }
0x2e: {  	v4 =	vld [tilespmem:s18+$0x0]  }
0x2f: {  	s17 =	sadd.s32 $0x40, s17  }
0x30: {  	_ =	sdelay $0x1  }
0x31: {  	vm0 =	vlt.s32 v3, $0x1388  }
0x32: {  	v7 =	vsel vm0, $0x1, v2  }
0x33: {  	vm1 =	vge.s32 v3, $0x1388;
	(xrf0) =	vadd.scan.msk.s32 $0xffff, v7  }
0x34: {  	v61 =	vsel vm1, $0x1, v2  }
0x35: {  	(xrf0) =	vadd.scan.msk.s32 $0xffff, v61;
	_ =	sdelay $0x3  }
0x36: {  	v62, _, _ =	vpop (xrf0)  }
0x37: {  	v6 =	vadd.s32 v62, v6  }
0x38: {  	v63, _, _ =	vpop (xrf0);
	v6 =	vadd.s32 $0xFFFFFFFF, v6  }
0x39: {  	v5 =	vadd.s32 v63, v5  }
0x3a: {  	v5 =	vadd.s32 $0xFFFFFFFF, v5;
	_ =	sdelay $0x2  }
0x3b: {  	[tilespmem:v6+s12+$0x0] =	vst.idx.msk vm0, v4  }
0x3c: {  	[tilespmem:v6+s13+$0x0] =	vst.idx.msk vm0, v3  }
0x3d: {  	v3 =	vadd.s32 $0xFFFFEC78, v3;
	[tilespmem:v5+s14+$0x0] =	vst.idx.msk vm1, v4  }
0x3e: {  	[tilespmem:v5+s15+$0x0] =	vst.idx.msk vm1, v3  }
0x3f: {  	[hbm4b:s5+s2] =	stream.linear.scatter [tilespmem:s12], [sflag:$0x1], $0x1500, $0x38;
	[tilespmem:$0xA300] =	vst v63  }
0x40: {  	_ =	swait.ge [sflag:s10], $0x1500  }
0x41: {  	[sflag:s10] =	ssyncset.done $0x0  }
0x42: {  	[sflag:s10] =	ssyncadd.s32 $0xFFFFEB00  }
0x43: {  	[hbm4b:s6+s2] =	stream.linear.scatter [tilespmem:s13], [sflag:$0x1], $0x1500, $0x38;
	[tilespmem:$0xA300] =	vst v63  }
0x44: {  	_ =	swait.ge [sflag:s10], $0x1500  }
0x45: {  	[sflag:s10] =	ssyncset.done $0x0  }
0x46: {  	[sflag:s10] =	ssyncadd.s32 $0xFFFFEB00  }
0x47: {  	[hbm4b:s7+s2] =	stream.linear.scatter [tilespmem:s14], [sflag:$0x1], $0x1500, $0x38;
	[tilespmem:$0xA300] =	vst v63  }
0x48: {  	s16 =	sadd.s32 $0x1, s16;
	_ =	swait.ge [sflag:s10], $0x1500  }
0x49: {  	p0 =	sne.s32 s16, s9;
	[sflag:s10] =	ssyncset.done $0x0  }
.Ltmp2:
0x4a: {  	[sflag:s10] =	ssyncadd.s32 $0xFFFFEB00;
	(pc) =	sbr.rel @p0 .LBB2_1-.Ltmp2, $4  }
0x4b: {  	[hbm4b:s8+s2] =	stream.linear.scatter [tilespmem:s15], [sflag:$0x1], $0x1500, $0x38;
	[tilespmem:$0xA300] =	vst v63  }
0x4c: {  	_ =	swait.ge [sflag:s10], $0x1500  }
0x4d: {  	[sflag:s10] =	ssyncset.done $0x0  }
0x4e: {  	[sflag:s10] =	ssyncadd.s32 $0xFFFFEB00  }
0x4f: {  	_ =	sfence.sel $0x180000  }
0x50: {  	[bflag:$0x0] =	sbarrier.arrive $0xFFFF  }
0x51: {  	p0 =	sne.s32 s0, $0x0;
	_ =	strace $0x90000047  }
0x52: {  	s0 =	sadd.s32 @!p0 $0x100000, s1;
	[bflag:$0x2] =	sbarrier.arrive $0xFFFF  }
0x53: {  	[sflag:s0] =	ssyncadd.tile.s32 @!p0 $0x1;
	_ =	shalt  }
.Lfunc_end2:
_tile_overlayer_lowered:
.L_overlay_start_2:
0x54: {  	(tag) =	ssettag $0x2  }
0x55: {  	s0 =	rddreg [dreg:$0x0];
	s2 =	stileid.u32  }
0x56: {  	s1 =	rddreg [dreg:$0x1];
	p0 =	sne.s32 s2, $0x0  }
0x57: {  	s3 =	rddreg [dreg:$0x2];
	[bflag:$0x3] =	sbarrier.arrive $0xFFFF;
	s2 =	simm.s32 @!p0 $0x1C01  }
0x58: {  	[timem:s3], [sflag:s2] =	dma.local @!p0 [hbm:s0], s1  }
0x59: {  	s0 =	simm.s32 @!p0 $0x1  }
0x5a: {  	_ =	swait.ge @!p0 [sflag:s0], s1  }
0x5b: {  	s1 =	ssub.s32 @!p0 $0x0, s1;
	[sflag:s0] =	ssyncset.done @!p0 $0x0  }
0x5c: {  	[sflag:s0] =	ssyncadd.s32 @!p0 s1  }
0x5d: {  	[bflag:$0x3] =	sbarrier.arrive $0xFFFF  }
0x5e: {  	_ =	shalt  }

// kernel: kernel.17.cloned.1.call-start
scs
__scs_entry_jumppad:
0x0: {  	(pc) =	sbr.rel $0x88, $3  }
0x1: {  	(tag) =	ssettag $0x0;
	lr =	simm.s32 $0x1  }
0x2: {  	[smem:$0x3F95] =	sst lr;
	_ =	strace $0xD0000000  }
0x3: {  	_ = 	snop  }
0x4: {  	_ = 	snop  }
0x5: {  	_ = 	snop  }
0x6: {  	_ = 	snop  }
0x7: {  	_ = 	snop  }
__scs_overlays_trampoline_lowered:
0x8: {  	[smem:$0x3FA4] =	sst s0  }
0x9: {  	[smem:$0x3FA5] =	sst s1  }
0xa: {  	[smem:$0x3FA6] =	sst s2  }
0xb: {  	[smem:$0x3FA7] =	sst s3  }
0xc: {  	[smem:$0x3FA8] =	sst s4  }
0xd: {  	[smem:$0x3FA9] =	sst s5  }
0xe: {  	[smem:$0x3FAA] =	sst s6  }
0xf: {  	[smem:$0x3FAB] =	sst s7  }
0x10: {  	[smem:$0x3FAC] =	sst s8  }
0x11: {  	[smem:$0x3FAD] =	sst s9;
	s0 =	simm.s32 @!p0 $0x0  }
0x12: {  	s1 =	sld [smem:$0x3F93];
	s0 =	simm.s32 @p0 $0x1  }
0x13: {  	[smem:$0x3FAE] =	sst s0;
	s0 =	simm.s32 @!p1 $0x0  }
0x14: {  	s2 =	sld [smem:$0x3F92];
	s0 =	simm.s32 @p1 $0x1  }
0x15: {  	[smem:$0x3FAF] =	sst s0;
	s0 =	simm.s32 @!p2 $0x0  }
0x16: {  	s3 =	sld [smem:$0x3FDB];
	s0 =	simm.s32 @p2 $0x1  }
0x17: {  	s4 =	simm.s32 $0x1BF5;
	[smem:$0x3FB1] =	sst s0  }
0x18: {  	s0 =	sld [smem:$0x3F94];
	_ =	swait.ge [sflag:s4], $0x0  }
0x19: {  	s7 =	sld [smem:$0x3F95]  }
0x1a: {  	s8 =	sadd.s32 $0xFFFFE003, lr  }
0x1b: {  	s9 =	sadd.s32 $0xFFFFFEF7, lr;
	s5 =	simm.s32 $0xFFFFFFFF;
	p2 =	slt.u32 s8, $0xFFFFF086  }
0x1c: {  	p1 =	slt.u32 s9, $0xF7A;
	s5 =	simm.s32 @!p2 $0x0  }
0x1d: {  	s5 =	simm.s32 @p1 $0x1;
	p0 =	seq.s32 s7, s2  }
0x1e: {  	s7 =	smul.u32 @!p0 $0xF7A, s2;
	p2 =	seq.s32 @!p0 s5, $0x0  }
0x1f: {  	s9 =	smul.u32 $0xF7A, s1;
	s8 =	simm.s32 @!p0 $0x1BF5;
	p2 =	por !p2, p0  }
0x20: {  	[sflag:s8] =	ssyncset.s32 @!p0 $0xFFFFF086;
	s6 =	sadd.s32 @!p0 s3, s7;
	s7 =	simm.s32 @!p0 $0x108  }
0x21: {  	s3 =	sadd.s32 s3, s9;
	s6 =	sadd.s32 @!p0 $0x88, s6;
	s7 =	simm.s32 @p2 $0x1082  }
0x22: {  	[simem:s7], [sflag:s8] =	dma.local @!p0 [hbm:s6], $0xF7A  }
0x23: {  	s9 =	sor.u32 $0xD0000000, s2;
	s6 =	simm.s32 $0x108;
	_ =	swait.ge @!p0 [sflag:s8], $0x0  }
0x24: {  	s3 =	sadd.s32 $0x88, s3;
	s6 =	simm.s32 @!p1 $0x1082;
	[sflag:s4] =	ssyncset.s32 $0xFFFFF086  }
0x25: {  	[simem:s6], [sflag:s4] =	dma.local [hbm:s3], $0xF7A  }
0x26: {  	[smem:$0x3F95] =	sst s1;
	(tag) =	ssettag s2;
	_ =	strace s9  }
0x27: {  	s1 =	sld [smem:$0x3FA5]  }
0x28: {  	s2 =	sld [smem:$0x3FA6]  }
0x29: {  	s4 =	sld [smem:$0x3FA8]  }
0x2a: {  	p0 =	seq.s32 s5, $0x0;
	s5 =	sld [smem:$0x3FA9]  }
0x2b: {  	s6 =	sld [smem:$0x3FAA]  }
0x2c: {  	s7 =	sld [smem:$0x3FAB]  }
0x2d: {  	s3 =	simm.s32 $0x108;
	s8 =	sld [smem:$0x3FAC]  }
0x2e: {  	s3 =	simm.s32 @!p0 $0x1082;
	s9 =	sld [smem:$0x3FAD]  }
0x2f: {  	lr =	sadd.s32 s0, s3;
	s0 =	sld [smem:$0x3FA4]  }
0x30: {  	s3 =	sld [smem:$0x3FA7]  }
0x31: {  	[smem:$0x3FB0] =	sst s10  }
0x32: {  	s10 =	sld [smem:$0x3FAE];
	_ =	sdelay $0x3  }
0x33: {  	p0 =	seq.s32 s10, $0x1;
	s10 =	sld [smem:$0x3FB0];
	_ =	sdelay $0x3  }
0x34: {  	[smem:$0x3FB0] =	sst s10  }
0x35: {  	s10 =	sld [smem:$0x3FAF];
	_ =	sdelay $0x3  }
0x36: {  	p1 =	seq.s32 s10, $0x1;
	s10 =	sld [smem:$0x3FB0];
	_ =	sdelay $0x3  }
0x37: {  	[smem:$0x3FB0] =	sst s10  }
0x38: {  	s10 =	sld [smem:$0x3FB1]  }
0x39: {  	_ = 	snop;
	(pc) =	sbr.ind lr, $3  }
0x3a: {  	_ = 	snop  }
0x3b: {  	_ = 	snop  }
0x3c: {  	p2 =	seq.s32 s10, $0x1;
	s10 =	sld [smem:$0x3FB0]  }
0x3d: {  	_ =	shalt  }
0x3e: {  	_ =	shalt  }
0x3f: {  	_ =	shalt  }
0x40: {  	_ =	shalt  }
0x41: {  	_ =	shalt  }
0x42: {  	_ =	shalt  }
0x43: {  	_ =	shalt  }
0x44: {  	_ =	shalt  }
0x45: {  	_ =	shalt  }
0x46: {  	_ =	shalt  }
0x47: {  	_ =	shalt  }
0x48: {  	_ =	shalt  }
0x49: {  	_ =	shalt  }
0x4a: {  	_ =	shalt  }
0x4b: {  	_ =	shalt  }
0x4c: {  	_ =	shalt  }
0x4d: {  	_ =	shalt  }
0x4e: {  	_ =	shalt  }
0x4f: {  	_ =	shalt  }
0x50: {  	_ =	shalt  }
0x51: {  	_ =	shalt  }
0x52: {  	_ =	shalt  }
0x53: {  	_ =	shalt  }
0x54: {  	_ =	shalt  }
0x55: {  	_ =	shalt  }
0x56: {  	_ =	shalt  }
0x57: {  	_ =	shalt  }
0x58: {  	_ =	shalt  }
0x59: {  	_ =	shalt  }
0x5a: {  	_ =	shalt  }
0x5b: {  	_ =	shalt  }
0x5c: {  	_ =	shalt  }
0x5d: {  	_ =	shalt  }
0x5e: {  	_ =	shalt  }
0x5f: {  	_ =	shalt  }
0x60: {  	_ =	shalt  }
0x61: {  	_ =	shalt  }
0x62: {  	_ =	shalt  }
0x63: {  	_ =	shalt  }
0x64: {  	_ =	shalt  }
0x65: {  	_ =	shalt  }
0x66: {  	_ =	shalt  }
0x67: {  	_ =	shalt  }
0x68: {  	_ =	shalt  }
0x69: {  	_ =	shalt  }
0x6a: {  	_ =	shalt  }
0x6b: {  	_ =	shalt  }
0x6c: {  	_ =	shalt  }
0x6d: {  	_ =	shalt  }
0x6e: {  	_ =	shalt  }
0x6f: {  	_ =	shalt  }
0x70: {  	_ =	shalt  }
0x71: {  	_ =	shalt  }
0x72: {  	_ =	shalt  }
0x73: {  	_ =	shalt  }
0x74: {  	_ =	shalt  }
0x75: {  	_ =	shalt  }
0x76: {  	_ =	shalt  }
0x77: {  	_ =	shalt  }
0x78: {  	_ =	shalt  }
0x79: {  	_ =	shalt  }
0x7a: {  	_ =	shalt  }
0x7b: {  	_ =	shalt  }
0x7c: {  	_ =	shalt  }
0x7d: {  	_ =	shalt  }
0x7e: {  	_ =	shalt  }
0x7f: {  	_ =	shalt  }
0x80: {  	_ =	shalt  }
0x81: {  	_ =	shalt  }
0x82: {  	_ =	shalt  }
0x83: {  	_ =	shalt  }
0x84: {  	_ =	shalt  }
0x85: {  	_ =	shalt  }
0x86: {  	_ =	shalt  }
0x87: {  	_ =	shalt  }
.Lfunc_end0:
.L_simem_size_0:
called_computation.2_lowered:
.L_overlay_start_0:
0x88: {  	s2 =	sld [smem:$0x3FD9]  }
0x89: {  	s3 =	sld [smem:$0x3FFE];
	_ =	sdelay $0x1  }
0x8a: {  	s1 =	srdreg.scid  }
0x8b: {  	s0 =	sand.u32 $0x1, s1  }
0x8c: {  	s17 =	sshll.u32 s0, $0xA;
	s2 =	sadd.s32 s3, s2  }
0x8d: {  	s2 =	sadd.s32 s2, s17  }
0x8e: {  	[smem:$0x3FBC] =	sst s2  }
0x8f: {  	_ = 	snop  }
0x90: {  	s2 =	sld [smem:$0x3FD0];
	(tm) =	ssettm $0x1  }
0x91: {  	s18 =	sld [smem:$0x3FFB];
	_ =	sdelay $0x3  }
0x92: {  	_ =	strace s18  }
0x93: {  	s3 =	sld [smem:$0x3FFC];
	_ =	sdelay $0x3  }
0x94: {  	_ =	strace s3  }
0x95: {  	s3 =	sld [smem:$0x3FFD];
	_ =	sdelay $0x3  }
0x96: {  	_ =	strace s3  }
0x97: {  	_ =	strace $0x8FFFFFFF  }
0x98: {  	s19 =	sld [smem:$0x3FDB];
	_ =	sdelay $0x1  }
0x99: {  	s4 =	simm.s32 $_scs_section_size  }
0x9a: {  	s5 =	simm.s32 $_size__tile_overlayer_lowered;
	s6 =	simm.s32 $_tile_overlayer_lowered  }
0x9b: {  	s22 =	simm.s32 $0x1BFF;
	s21 =	sshll.u32 s6, $0x1;
	s3 =	sadd.s32 s4, s19  }
0x9c: {  	s7 =	simm.s32 $0x0;
	s20 =	sshll.u32 s5, $0x1;
	s5 =	sadd.s32 s21, s3  }
0x9d: {  	[timem:s7], [sflag:s22] =	dma.local [hbm:s5], s20  }
0x9e: {  	_ =	swait.ge [sflag:s22], s20  }
0x9f: {  	s4 =	ssub.s32 $0x0, s20;
	[sflag:s22] =	ssyncset.done $0x0  }
0xa0: {  	[sflag:s22] =	ssyncadd.s32 s4;
	_ =	sdelay $0x1  }
0xa1: {  	s23 =	simm.s32 $0x1B8B  }
0xa2: {  	_ =	swait.ge [sflag:s23], $0x1  }
0xa3: {  	[sflag:s23] =	ssyncset.done $0x0  }
0xa4: {  	s25 =	simm.s32 $0x1B8E;
	s24 =	sld [smem:$0x3FFE];
	[sflag:s23] =	ssyncadd.s32 $0xFFFFFFFF  }
0xa5: {  	s26 =	simm.s32 $execute0_lowered;
	[smem:$0x3FD2] =	sst s25  }
0xa6: {  	s5 =	sshll.u32 s26, $0x1;
	_ =	strace $0x8000004C;
	[dreg:$0x1] =	wrdreg $0xFFFFFFFF  }
0xa7: {  	s28 =	simm.s32 $_size_execute0_lowered;
	s3 =	sadd.s32 s3, s5;
	[dreg:$0x0] =	wrdreg $0x0  }
0xa8: {  	s5 =	sshll.u32 s28, $0x1;
	[dreg:$0x2] =	wrdreg s3  }
0xa9: {  	[dreg:$0x3] =	wrdreg s5  }
0xaa: {  	[dreg:$0x4] =	wrdreg $0xC0  }
0xab: {  	_ =	task [dreg:s7], $0x5FFFF  }
0xac: {  	[dreg:$0x1] =	wrdreg $0xFFFFFFFF  }
0xad: {  	[dreg:$0x0] =	wrdreg $0x60  }
0xae: {  	[dreg:$0x2] =	wrdreg s2  }
0xaf: {  	[dreg:$0x3] =	wrdreg s24  }
0xb0: {  	[dreg:$0x4] =	wrdreg $0x158000  }
0xb1: {  	[dreg:$0x5] =	wrdreg $0x9  }
0xb2: {  	_ =	task.clear_ibuf [dreg:s7], $0x6FFFF;
	_ =	strace $0x9000004C  }
0xb3: {  	s29 =	simm.s32 $0x9;
	_ =	strace $0x8000004E  }
0xb4: {  	_ =	swait.ge [sflag:s29], $0x1  }
0xb5: {  	[sflag:s29] =	ssyncadd.s32 $0xFFFFFFFF  }
0xb6: {  	_ =	strace $0x9000004E  }
0xb7: {  	_ =	sfence  }
0xb8: {  	s30 =	sld [smem:$0x0];
	_ =	sdelay $0x2  }
0xb9: {  	s31 =	sshll.u32 s1, $0xD;
	s1 =	sshrl.u32 s1, $0x2  }
0xba: {  	s3 =	sand.u32 $0x4000, s31;
	s1 =	sadd.s32 s1, s30  }
0xbb: {  	s0 =	sor.u32 s3, s0;
	s1 =	sshll.u32 s1, $0x11  }
0xbc: {  	s0 =	sor.u32 s1, s0  }
0xbd: {  	s0 =	sadd.s32 $0x8F2B, s0  }
0xbe: {  	[sflag:s0] =	ssyncadd.remote.s32 $0x1  }
0xbf: {  	_ =	sfence.sel $0xFFFF  }
0xc0: {  	[dreg:$0x0] =	wrdreg $0xFFFFFFFF;
	(pc) =	sbr.abs _section_cstart, $3  }
0xc1: {  	[dreg:$0x1] =	wrdreg $0xFFFFFFFF  }
0xc2: {  	_ =	task.clear_ibuf [dreg:s7], $0x2FFFF;
	_ =	strace $0x9FFFFFFF  }
0xc3: {  	(tm) =	ssettm $0x7FFFFFFF  }
tec
execute0_lowered:
.L_overlay_start_1:
0x0: {  	(tag) =	ssettag $0x1  }
0x1: {  	s1 =	rddreg [dreg:$0x0]  }
0x2: {  	s0 =	rddreg [dreg:$0x1]  }
0x3: {  	s2 =	rddreg [dreg:$0x2];
	s3 =	simm.s32 $0x0;
	s5 =	srdreg.scid  }
0x4: {  	s20 =	stileid.u32;
	s28 =	simm.s32 $0xD800;
	s30 =	simm.s32 $0x11800  }
0x5: {  	s31 =	simm.s32 $0x1;
	[smem:$0x7FF] =	sst s3;
	s7 =	smul.u32 $0x3000, s20  }
0x6: {  	s4 =	sadd.s32 $0x4200, s0;
	s8 =	sadd.s32 $0xA200, s0;
	s14 =	smul.u32 $0x27000, s20  }
0x7: {  	s9 =	sadd.s32 $0x10200, s0;
	s10 =	sadd.s32 $0x16200, s0;
	s15 =	smul.u32 $0x9C00, s20  }
0x8: {  	s11 =	sand.u32 $0x1, s5;
	s5 =	sadd.s32 $0x1C200, s0;
	s16 =	smul.u32 $0x600, s20  }
0x9: {  	s12 =	sadd.s32 $0x1CA00, s0;
	s24 =	smul.u32 $0x1380, s20;
	s25 =	sadd.s32 $0x43A80, s0  }
0xa: {  	s0 =	sadd.s32 $0x30200, s0;
	p2 =	seq.s32 s20, $0xF;
	_ =	strace $0x8000004D  }
0xb: {  	s6 =	ssub.s32 $0x2, s11;
	p0 =	seq.s32 s11, $0x0;
	[dreg:$0x5] =	wrdreg s25  }
0xc: {  	[dreg:$0x7] =	wrdreg s0;
	p1 =	sne.s32 s11, $0x0;
	s25 =	simm.s32 $0x9800  }
0xd: {  	s0 =	simm.s32 $0x2;
	s11 =	simm.s32 $0x8;
	s13 =	sshrl.u32 s6, $0x1  }
0xe: {  	s19 =	sshrl.u32 s7, $0x3;
	s21 =	sshrl.u32 s14, $0x2;
	s22 =	sshrl.u32 s15, $0x3  }
0xf: {  	s7 =	sadd.s32 $0x9C000, s2;
	s9 =	smov.u32 @p0 s4;
	s10 =	smov.u32 @p0 s8  }
0x10: {  	p0 =	sne.s32 s20, $0xF;
	s8 =	simm.s32 $0x3;
	s20 =	simm.s32 $0x0  }
0x11: {  	s13 =	ssub.s32 s6, s13;
	s17 =	sadd.s32 $0x300, s19;
	s6 =	sadd.s32 s21, s2  }
0x12: {  	s23 =	sadd.s32 s12, s22;
	s12 =	sadd.s32 s12, s24;
	s29 =	sadd.s32 s9, s16  }
0x13: {  	s15 =	sadd.s32 s10, s16;
	s24 =	simm.s32 $0x5800;
	s18 =	sadd.s32 $0x3400, s6  }
0x14: {  	s19 =	sadd.s32 $0x6800, s6;
	s14 =	sadd.s32 $0x13880, s23;
	[dreg:$0x6] =	wrdreg s12  }
.Ltmp0:
0x15: {  	s26 =	smax.u32 s13, $0x1;
	[dreg:$0x9] =	wrdreg s29;
	(pc) =	sbr.rel .LBB2_1-.Ltmp0, $4  }
0x16: {  	s16 =	sadd.s32 s10, s17;
	s23 =	simm.s32 $0x80;
	[dreg:$0x4] =	wrdreg s14  }
0x17: {  	s10 =	simm.s32 $0x4;
	[dreg:$0x8] =	wrdreg s26;
	s14 =	sadd.s32 s9, s17  }
0x18: {  	s17 =	simm.s32 $0x9;
	s21 =	sshrl.u32 s18, $0x3;
	s22 =	sshrl.u32 s19, $0x3  }
0x19: {  	s9 =	simm.s32 $0x5;
	s18 =	simm.s32 $0x6;
	s19 =	simm.s32 $0x7  }
.LBB2_6:
0x1a: {  	s12 =	sshrl.u32 s7, $0x3  }
0x1b: {  	[hbm:s4], [sflag:s26] =	dma.local [spmem:s12], $0x80  }
0x1c: {  	_ =	swait.ge [sflag:s17], $0x80  }
0x1d: {  	[sflag:s17] =	ssyncset.done $0x0  }
0x1e: {  	[sflag:s17] =	ssyncadd.s32 $0xFFFFFF80  }
.LBB2_7:
0x1f: {  	s20 =	sadd.s32 $0x1, s20;
	s4 =	rddreg [dreg:$0x8]  }
0x20: {  	p3 =	sne.s32 s20, s4  }
.Ltmp1:
0x21: {  	_ = 	snop;
	(pc) =	sbr.rel @!p3 .LBB2_8-.Ltmp1, $1  }
0x22: {  	_ =	sdelay $0x3  }
.LBB2_1:
0x23: {  	s4 =	rddreg [dreg:$0x9]  }
0x24: {  	[tilespmem:s3], [sflag:$0x9] =	stream.linear.gather [hbm4b:s4+s3], $0x1500, $0x38;
	[tilespmem:$0x1F480] =	vst v63  }
0x25: {  	_ =	swait.ge [sflag:s17], $0x1500  }
0x26: {  	[sflag:s17] =	ssyncset.done $0x0  }
0x27: {  	s12 =	simm.s32 $0x1500;
	[sflag:s17] =	ssyncadd.s32 $0xFFFFEB00  }
0x28: {  	[tilespmem:s12], [sflag:$0x9] =	stream.linear.gather [hbm4b:s14+s3], $0x1500, $0x38;
	[tilespmem:$0x1F480] =	vst v63  }
0x29: {  	_ =	swait.ge [sflag:s17], $0x1500  }
0x2a: {  	[sflag:s17] =	ssyncset.done $0x0  }
0x2b: {  	s13 =	simm.s32 $0x2C00;
	[sflag:s17] =	ssyncadd.s32 $0xFFFFEB00  }
0x2c: {  	[tilespmem:s13], [sflag:$0x9] =	stream.linear.gather [hbm4b:s15+s3], $0x1500, $0x38;
	[tilespmem:$0x1F480] =	vst v63  }
0x2d: {  	_ =	swait.ge [sflag:s17], $0x1500  }
0x2e: {  	[sflag:s17] =	ssyncset.done $0x0  }
0x2f: {  	s26 =	simm.s32 $0x4100;
	[sflag:s17] =	ssyncadd.s32 $0xFFFFEB00  }
0x30: {  	[tilespmem:s26], [sflag:$0x9] =	stream.linear.gather [hbm4b:s16+s3], $0x1500, $0x38;
	[tilespmem:$0x1F480] =	vst v63  }
0x31: {  	s12 =	stileid.u32;
	_ =	swait.ge [sflag:s17], $0x1500  }
0x32: {  	s4 =	sshll.u32 s12, $0x6;
	[sflag:s17] =	ssyncset.done $0x0  }
0x33: {  	s29 =	sshrl.u32 s6, $0x3;
	s26 =	sor.u32 $0x1C09, s4;
	[sflag:s17] =	ssyncadd.s32 $0xFFFFEB00  }
0x34: {  	[spmem:s29], [sflag:s26] =	dma.local [hbm:s5], $0x680  }
0x35: {  	_ =	swait.ge [sflag:s17], $0x680  }
0x36: {  	[sflag:s17] =	ssyncset.done $0x0  }
0x37: {  	[sflag:s17] =	ssyncadd.s32 $0xFFFFF980  }
0x38: {  	[spmem:s21], [sflag:s26] =	dma.local [hbm:s5], $0x680  }
0x39: {  	_ =	swait.ge [sflag:s17], $0x680  }
0x3a: {  	[sflag:s17] =	ssyncset.done $0x0  }
0x3b: {  	[sflag:s17] =	ssyncadd.s32 $0xFFFFF980  }
0x3c: {  	[spmem:s22], [sflag:s26] =	dma.local [hbm:s5], $0x680  }
0x3d: {  	_ =	swait.ge [sflag:s17], $0x680  }
0x3e: {  	[sflag:s17] =	ssyncset.done $0x0  }
0x3f: {  	s4 =	sshrl.u32 @!p0 s7, $0x3;
	[sflag:s17] =	ssyncadd.s32 $0xFFFFF980  }
0x40: {  	[spmem:s4], [sflag:s26] =	dma.local @!p0 [hbm:s5], $0x100  }
0x41: {  	s4 =	simm.s32 @!p0 $0x9  }
0x42: {  	_ =	swait.ge @!p0 [sflag:s4], $0x100  }
0x43: {  	[sflag:s4] =	ssyncset.done @!p0 $0x0  }
0x44: {  	[sflag:s4] =	ssyncadd.s32 @!p0 $0xFFFFFF00  }
0x45: {  	[bflag:$0x0] =	sbarrier.arrive $0xFFFF  }
0x46: {  	[tilespmem:s24], [sflag:$0x1] =	stream.indirect.gather [hbm4b:s1+s23], $0x80, s3, s23, $0xb8;
	[tilespmem:$0x1F480] =	vst v63  }
0x47: {  	_ = 	snop  }
0x48: {  	[tilespmem:s25], [sflag:$0x2] =	stream.indirect.gather [hbm4b:s1+s23], $0x80, s23, s23, $0xb8;
	[tilespmem:$0x1F480] =	vst v63  }
0x49: {  	s13 =	simm.s32 $0x100  }
0x4a: {  	[tilespmem:s28], [sflag:$0x3] =	stream.indirect.gather [hbm4b:s1+s23], $0x80, s13, s23, $0xb8;
	[tilespmem:$0x1F480] =	vst v63  }
0x4b: {  	s12 =	simm.s32 $0x180  }
0x4c: {  	[tilespmem:s30], [sflag:$0x4] =	stream.indirect.gather [hbm4b:s1+s23], $0x80, s12, s23, $0xb8;
	[tilespmem:$0x1F480] =	vst v63  }
0x4d: {  	_ =	swait.ge [sflag:s31], $0x4000  }
0x4e: {  	[sflag:s31] =	ssyncset.done $0x0  }
0x4f: {  	s13 =	simm.s32 $0x2C00;
	[sflag:s31] =	ssyncadd.s32 $0xFFFFC000  }
0x50: {  	[spmem:s2] =	stream.indirect.scatter.add.f32 [tilespmem:s24], [sflag:$0x5], $0x80, s13, s23, $0xb8;
	[tilespmem:$0x1F480] =	vst v63  }
0x51: {  	_ =	swait.ge [sflag:s0], $0x4000  }
0x52: {  	[sflag:s0] =	ssyncset.done $0x0  }
0x53: {  	s12 =	simm.s32 $0x2C80;
	[sflag:s0] =	ssyncadd.s32 $0xFFFFC000  }
0x54: {  	[spmem:s2] =	stream.indirect.scatter.add.f32 [tilespmem:s25], [sflag:$0x6], $0x80, s12, s23, $0xb8;
	[tilespmem:$0x1F480] =	vst v63  }
0x55: {  	_ =	swait.ge [sflag:s8], $0x4000  }
0x56: {  	[sflag:s8] =	ssyncset.done $0x0  }
0x57: {  	s13 =	simm.s32 $0x2D00;
	[sflag:s8] =	ssyncadd.s32 $0xFFFFC000  }
0x58: {  	[spmem:s2] =	stream.indirect.scatter.add.f32 [tilespmem:s28], [sflag:$0x7], $0x80, s13, s23, $0xb8;
	[tilespmem:$0x1F480] =	vst v63  }
0x59: {  	_ =	swait.ge [sflag:s10], $0x4000  }
0x5a: {  	[sflag:s10] =	ssyncset.done $0x0  }
0x5b: {  	s12 =	simm.s32 $0x2D80;
	[sflag:s10] =	ssyncadd.s32 $0xFFFFC000  }
0x5c: {  	[spmem:s2] =	stream.indirect.scatter.add.f32 [tilespmem:s30], [sflag:$0x8], $0x80, s12, s23, $0xb8;
	[tilespmem:$0x1F480] =	vst v63  }
0x5d: {  	_ =	swait.ge [sflag:s9], $0x4000  }
0x5e: {  	[sflag:s9] =	ssyncset.done $0x0  }
0x5f: {  	s13 =	simm.s32 $0x200;
	[sflag:s9] =	ssyncadd.s32 $0xFFFFC000  }
0x60: {  	[tilespmem:s24], [sflag:$0x1] =	stream.indirect.gather [hbm4b:s1+s23], $0x80, s13, s23, $0xb8;
	[tilespmem:$0x1F480] =	vst v63  }
0x61: {  	_ =	swait.ge [sflag:s18], $0x4000  }
0x62: {  	[sflag:s18] =	ssyncset.done $0x0  }
0x63: {  	s12 =	simm.s32 $0x280;
	[sflag:s18] =	ssyncadd.s32 $0xFFFFC000  }
0x64: {  	[tilespmem:s25], [sflag:$0x2] =	stream.indirect.gather [hbm4b:s1+s23], $0x80, s12, s23, $0xb8;
	[tilespmem:$0x1F480] =	vst v63  }
0x65: {  	_ =	swait.ge [sflag:s19], $0x4000  }
0x66: {  	[sflag:s19] =	ssyncset.done $0x0  }
0x67: {  	s13 =	simm.s32 $0x300;
	[sflag:s19] =	ssyncadd.s32 $0xFFFFC000  }
0x68: {  	[tilespmem:s28], [sflag:$0x3] =	stream.indirect.gather [hbm4b:s1+s23], $0x80, s13, s23, $0xb8;
	[tilespmem:$0x1F480] =	vst v63  }
0x69: {  	_ =	swait.ge [sflag:s11], $0x4000  }
0x6a: {  	[sflag:s11] =	ssyncset.done $0x0  }
0x6b: {  	s4 =	simm.s32 $0x800;
	s12 =	simm.s32 $0x380;
	[sflag:s11] =	ssyncadd.s32 $0xFFFFC000  }
.LBB2_2:
0x6c: {  	[tilespmem:s30], [sflag:$0x4] =	stream.indirect.gather [hbm4b:s1+s23], $0x80, s12, s23, $0xb8;
	[tilespmem:$0x1F480] =	vst v63  }
0x6d: {  	s12 =	smov.u32 s4  }
0x6e: {  	p3 =	sne.s32 s4, $0x9800;
	s4 =	sadd.s32 $0x800, s4;
	_ =	swait.ge [sflag:s31], $0x4000  }
0x6f: {  	s12 =	sshra.s32 s12, $0x2;
	[sflag:s31] =	ssyncset.done $0x0  }
0x70: {  	s13 =	sadd.s32 $0x2C00, s12;
	[sflag:s31] =	ssyncadd.s32 $0xFFFFC000  }
0x71: {  	[spmem:s2] =	stream.indirect.scatter.add.f32 [tilespmem:s24], [sflag:$0x5], $0x80, s13, s23, $0xb8;
	[tilespmem:$0x1F480] =	vst v63  }
0x72: {  	_ =	swait.ge [sflag:s0], $0x4000  }
0x73: {  	[sflag:s0] =	ssyncset.done $0x0  }
0x74: {  	s13 =	sadd.s32 $0x2C80, s12;
	[sflag:s0] =	ssyncadd.s32 $0xFFFFC000  }
0x75: {  	[spmem:s2] =	stream.indirect.scatter.add.f32 [tilespmem:s25], [sflag:$0x6], $0x80, s13, s23, $0xb8;
	[tilespmem:$0x1F480] =	vst v63  }
0x76: {  	_ =	swait.ge [sflag:s8], $0x4000  }
0x77: {  	[sflag:s8] =	ssyncset.done $0x0  }
0x78: {  	s13 =	sadd.s32 $0x2D00, s12;
	[sflag:s8] =	ssyncadd.s32 $0xFFFFC000  }
0x79: {  	[spmem:s2] =	stream.indirect.scatter.add.f32 [tilespmem:s28], [sflag:$0x7], $0x80, s13, s23, $0xb8;
	[tilespmem:$0x1F480] =	vst v63  }
0x7a: {  	_ =	swait.ge [sflag:s10], $0x4000  }
0x7b: {  	[sflag:s10] =	ssyncset.done $0x0  }
0x7c: {  	s13 =	sadd.s32 $0x2D80, s12;
	[sflag:s10] =	ssyncadd.s32 $0xFFFFC000  }
0x7d: {  	[spmem:s2] =	stream.indirect.scatter.add.f32 [tilespmem:s30], [sflag:$0x8], $0x80, s13, s23, $0xb8;
	[tilespmem:$0x1F480] =	vst v63  }
0x7e: {  	_ =	swait.ge [sflag:s9], $0x4000  }
0x7f: {  	[sflag:s9] =	ssyncset.done $0x0  }
0x80: {  	s13 =	sadd.s32 $0x200, s12;
	[sflag:s9] =	ssyncadd.s32 $0xFFFFC000  }
0x81: {  	[tilespmem:s24], [sflag:$0x1] =	stream.indirect.gather [hbm4b:s1+s23], $0x80, s13, s23, $0xb8;
	[tilespmem:$0x1F480] =	vst v63  }
0x82: {  	_ =	swait.ge [sflag:s18], $0x4000  }
0x83: {  	[sflag:s18] =	ssyncset.done $0x0  }
0x84: {  	s13 =	sadd.s32 $0x280, s12;
	[sflag:s18] =	ssyncadd.s32 $0xFFFFC000  }
0x85: {  	[tilespmem:s25], [sflag:$0x2] =	stream.indirect.gather [hbm4b:s1+s23], $0x80, s13, s23, $0xb8;
	[tilespmem:$0x1F480] =	vst v63  }
0x86: {  	_ =	swait.ge [sflag:s19], $0x4000  }
0x87: {  	[sflag:s19] =	ssyncset.done $0x0  }
.Ltmp2:
0x88: {  	s13 =	sadd.s32 $0x300, s12;
	[sflag:s19] =	ssyncadd.s32 $0xFFFFC000;
	(pc) =	sbr.rel @p3 .LBB2_2-.Ltmp2, $4  }
0x89: {  	[tilespmem:s28], [sflag:$0x3] =	stream.indirect.gather [hbm4b:s1+s23], $0x80, s13, s23, $0xb8;
	[tilespmem:$0x1F480] =	vst v63  }
0x8a: {  	_ =	swait.ge [sflag:s11], $0x4000  }
0x8b: {  	[sflag:s11] =	ssyncset.done $0x0  }
0x8c: {  	s12 =	sadd.s32 $0x380, s12;
	[sflag:s11] =	ssyncadd.s32 $0xFFFFC000  }
0x8d: {  	[tilespmem:s30], [sflag:$0x4] =	stream.indirect.gather [hbm4b:s1+s23], $0x80, s12, s23, $0xb8;
	[tilespmem:$0x1F480] =	vst v63  }
0x8e: {  	_ =	swait.ge [sflag:s31], $0x4000  }
0x8f: {  	[sflag:s31] =	ssyncset.done $0x0  }
0x90: {  	s4 =	simm.s32 $0x5400;
	[sflag:s31] =	ssyncadd.s32 $0xFFFFC000  }
0x91: {  	[spmem:s2] =	stream.indirect.scatter.add.f32 [tilespmem:s24], [sflag:$0x5], $0x80, s4, s23, $0xb8;
	[tilespmem:$0x1F480] =	vst v63  }
0x92: {  	_ =	swait.ge [sflag:s0], $0x4000  }
0x93: {  	[sflag:s0] =	ssyncset.done $0x0  }
0x94: {  	s13 =	simm.s32 $0x5480;
	[sflag:s0] =	ssyncadd.s32 $0xFFFFC000  }
0x95: {  	[spmem:s2] =	stream.indirect.scatter.add.f32 [tilespmem:s25], [sflag:$0x6], $0x80, s13, s23, $0xb8;
	[tilespmem:$0x1F480] =	vst v63  }
0x96: {  	_ =	swait.ge [sflag:s8], $0x4000  }
0x97: {  	[sflag:s8] =	ssyncset.done $0x0  }
0x98: {  	s12 =	simm.s32 $0x5500;
	[sflag:s8] =	ssyncadd.s32 $0xFFFFC000  }
0x99: {  	[spmem:s2] =	stream.indirect.scatter.add.f32 [tilespmem:s28], [sflag:$0x7], $0x80, s12, s23, $0xb8;
	[tilespmem:$0x1F480] =	vst v63  }
0x9a: {  	_ =	swait.ge [sflag:s10], $0x4000  }
0x9b: {  	[sflag:s10] =	ssyncset.done $0x0  }
0x9c: {  	s13 =	simm.s32 $0x5580;
	[sflag:s10] =	ssyncadd.s32 $0xFFFFC000  }
0x9d: {  	[spmem:s2] =	stream.indirect.scatter.add.f32 [tilespmem:s30], [sflag:$0x8], $0x80, s13, s23, $0xb8;
	[tilespmem:$0x1F480] =	vst v63  }
0x9e: {  	_ =	swait.ge [sflag:s9], $0x4000  }
0x9f: {  	[sflag:s9] =	ssyncset.done $0x0  }
0xa0: {  	[sflag:s9] =	ssyncadd.s32 $0xFFFFC000  }
0xa1: {  	_ =	swait.ge [sflag:s18], $0x4000  }
0xa2: {  	[sflag:s18] =	ssyncset.done $0x0  }
0xa3: {  	[sflag:s18] =	ssyncadd.s32 $0xFFFFC000  }
0xa4: {  	_ =	swait.ge [sflag:s19], $0x4000  }
0xa5: {  	[sflag:s19] =	ssyncset.done $0x0  }
0xa6: {  	[sflag:s19] =	ssyncadd.s32 $0xFFFFC000  }
.Ltmp3:
0xa7: {  	_ =	swait.ge [sflag:s11], $0x4000;
	(pc) =	sbr.rel @p1 .LBB2_5-.Ltmp3, $3  }
0xa8: {  	[sflag:s11] =	ssyncset.done $0x0  }
0xa9: {  	[sflag:s11] =	ssyncadd.s32 $0xFFFFC000  }
0xaa: {  	[bflag:$0x0] =	sbarrier.arrive $0xFFFF;
	_ =	sdelay $0x1  }
0xab: {  	s4 =	rddreg [dreg:$0x6]  }
0xac: {  	[hbm:s4], [sflag:s26] =	dma.local [spmem:s29], $0x1380  }
.Ltmp4:
0xad: {  	_ = 	snop;
	(pc) =	sbr.rel @p2 .LBB2_6-.Ltmp4, $4  }
.Ltmp5:
0xae: {  	_ = 	snop;
	(pc) =	sbr.rel @!p2 .LBB2_7-.Ltmp5, $4  }
0xaf: {  	_ =	swait.ge [sflag:s17], $0x1380  }
0xb0: {  	[sflag:s17] =	ssyncset.done $0x0  }
0xb1: {  	s4 =	rddreg [dreg:$0x7];
	[sflag:s17] =	ssyncadd.s32 $0xFFFFEC80  }
0xb2: {  	_ = 	snop  }
.LBB2_5:
0xb3: {  	s4 =	rddreg [dreg:$0x4]  }
0xb4: {  	[hbm:s4], [sflag:s26] =	dma.local [spmem:s29], $0x1380  }
.Ltmp6:
0xb5: {  	_ = 	snop;
	(pc) =	sbr.rel @p0 .LBB2_7-.Ltmp6, $4  }
.Ltmp7:
0xb6: {  	_ = 	snop;
	(pc) =	sbr.rel @!p0 .LBB2_6-.Ltmp7, $4  }
0xb7: {  	_ =	swait.ge [sflag:s17], $0x1380  }
0xb8: {  	[sflag:s17] =	ssyncset.done $0x0  }
0xb9: {  	s4 =	rddreg [dreg:$0x5];
	[sflag:s17] =	ssyncadd.s32 $0xFFFFEC80  }
0xba: {  	_ = 	snop  }
.LBB2_8:
0xbb: {  	_ =	sfence.sel $0x180000  }
0xbc: {  	[bflag:$0x0] =	sbarrier.arrive $0xFFFF  }
0xbd: {  	_ =	strace $0x9000004D  }
0xbe: {  	s0 =	stileid.u32;
	[bflag:$0x2] =	sbarrier.arrive $0xFFFF  }
0xbf: {  	p0 =	sne.s32 s0, $0x0;
	s0 =	rddreg [dreg:$0x3]  }
0xc0: {  	s0 =	sadd.s32 @!p0 $0x100000, s0  }
0xc1: {  	[sflag:s0] =	ssyncadd.tile.s32 @!p0 $0x1;
	_ =	shalt  }
.Lfunc_end2:
_tile_overlayer_lowered:
.L_overlay_start_2:
0xc2: {  	(tag) =	ssettag $0x2  }
0xc3: {  	s0 =	rddreg [dreg:$0x0];
	s2 =	stileid.u32  }
0xc4: {  	s1 =	rddreg [dreg:$0x1];
	p0 =	sne.s32 s2, $0x0  }
0xc5: {  	s3 =	rddreg [dreg:$0x2];
	[bflag:$0x3] =	sbarrier.arrive $0xFFFF;
	s2 =	simm.s32 @!p0 $0x1C09  }
0xc6: {  	[timem:s3], [sflag:s2] =	dma.local @!p0 [hbm:s0], s1  }
0xc7: {  	s0 =	simm.s32 @!p0 $0x9  }
0xc8: {  	_ =	swait.ge @!p0 [sflag:s0], s1  }
0xc9: {  	s1 =	ssub.s32 @!p0 $0x0, s1;
	[sflag:s0] =	ssyncset.done @!p0 $0x0  }
0xca: {  	[sflag:s0] =	ssyncadd.s32 @!p0 s1  }
0xcb: {  	[bflag:$0x3] =	sbarrier.arrive $0xFFFF  }
0xcc: {  	_ =	shalt  }

// kernel: kernel.20.cloned.1.call-start
scs
__scs_entry_jumppad:
0x0: {  	(pc) =	sbr.rel $0x88, $3  }
0x1: {  	(tag) =	ssettag $0x0;
	lr =	simm.s32 $0x1  }
0x2: {  	[smem:$0x3F95] =	sst lr;
	_ =	strace $0xD0000000  }
0x3: {  	_ = 	snop  }
0x4: {  	_ = 	snop  }
0x5: {  	_ = 	snop  }
0x6: {  	_ = 	snop  }
0x7: {  	_ = 	snop  }
__scs_overlays_trampoline_lowered:
0x8: {  	[smem:$0x3FA4] =	sst s0  }
0x9: {  	[smem:$0x3FA5] =	sst s1  }
0xa: {  	[smem:$0x3FA6] =	sst s2  }
0xb: {  	[smem:$0x3FA7] =	sst s3  }
0xc: {  	[smem:$0x3FA8] =	sst s4  }
0xd: {  	[smem:$0x3FA9] =	sst s5  }
0xe: {  	[smem:$0x3FAA] =	sst s6  }
0xf: {  	[smem:$0x3FAB] =	sst s7  }
0x10: {  	[smem:$0x3FAC] =	sst s8  }
0x11: {  	[smem:$0x3FAD] =	sst s9;
	s0 =	simm.s32 @!p0 $0x0  }
0x12: {  	s1 =	sld [smem:$0x3F93];
	s0 =	simm.s32 @p0 $0x1  }
0x13: {  	[smem:$0x3FAE] =	sst s0;
	s0 =	simm.s32 @!p1 $0x0  }
0x14: {  	s2 =	sld [smem:$0x3F92];
	s0 =	simm.s32 @p1 $0x1  }
0x15: {  	[smem:$0x3FAF] =	sst s0;
	s0 =	simm.s32 @!p2 $0x0  }
0x16: {  	s3 =	sld [smem:$0x3FDB];
	s0 =	simm.s32 @p2 $0x1  }
0x17: {  	s4 =	simm.s32 $0x1BF5;
	[smem:$0x3FB1] =	sst s0  }
0x18: {  	s0 =	sld [smem:$0x3F94];
	_ =	swait.ge [sflag:s4], $0x0  }
0x19: {  	s7 =	sld [smem:$0x3F95]  }
0x1a: {  	s8 =	sadd.s32 $0xFFFFE003, lr  }
0x1b: {  	s9 =	sadd.s32 $0xFFFFFEF7, lr;
	s5 =	simm.s32 $0xFFFFFFFF;
	p2 =	slt.u32 s8, $0xFFFFF086  }
0x1c: {  	p1 =	slt.u32 s9, $0xF7A;
	s5 =	simm.s32 @!p2 $0x0  }
0x1d: {  	s5 =	simm.s32 @p1 $0x1;
	p0 =	seq.s32 s7, s2  }
0x1e: {  	s7 =	smul.u32 @!p0 $0xF7A, s2;
	p2 =	seq.s32 @!p0 s5, $0x0  }
0x1f: {  	s9 =	smul.u32 $0xF7A, s1;
	s8 =	simm.s32 @!p0 $0x1BF5;
	p2 =	por !p2, p0  }
0x20: {  	[sflag:s8] =	ssyncset.s32 @!p0 $0xFFFFF086;
	s6 =	sadd.s32 @!p0 s3, s7;
	s7 =	simm.s32 @!p0 $0x108  }
0x21: {  	s3 =	sadd.s32 s3, s9;
	s6 =	sadd.s32 @!p0 $0x88, s6;
	s7 =	simm.s32 @p2 $0x1082  }
0x22: {  	[simem:s7], [sflag:s8] =	dma.local @!p0 [hbm:s6], $0xF7A  }
0x23: {  	s9 =	sor.u32 $0xD0000000, s2;
	s6 =	simm.s32 $0x108;
	_ =	swait.ge @!p0 [sflag:s8], $0x0  }
0x24: {  	s3 =	sadd.s32 $0x88, s3;
	s6 =	simm.s32 @!p1 $0x1082;
	[sflag:s4] =	ssyncset.s32 $0xFFFFF086  }
0x25: {  	[simem:s6], [sflag:s4] =	dma.local [hbm:s3], $0xF7A  }
0x26: {  	[smem:$0x3F95] =	sst s1;
	(tag) =	ssettag s2;
	_ =	strace s9  }
0x27: {  	s1 =	sld [smem:$0x3FA5]  }
0x28: {  	s2 =	sld [smem:$0x3FA6]  }
0x29: {  	s4 =	sld [smem:$0x3FA8]  }
0x2a: {  	p0 =	seq.s32 s5, $0x0;
	s5 =	sld [smem:$0x3FA9]  }
0x2b: {  	s6 =	sld [smem:$0x3FAA]  }
0x2c: {  	s7 =	sld [smem:$0x3FAB]  }
0x2d: {  	s3 =	simm.s32 $0x108;
	s8 =	sld [smem:$0x3FAC]  }
0x2e: {  	s3 =	simm.s32 @!p0 $0x1082;
	s9 =	sld [smem:$0x3FAD]  }
0x2f: {  	lr =	sadd.s32 s0, s3;
	s0 =	sld [smem:$0x3FA4]  }
0x30: {  	s3 =	sld [smem:$0x3FA7]  }
0x31: {  	[smem:$0x3FB0] =	sst s10  }
0x32: {  	s10 =	sld [smem:$0x3FAE];
	_ =	sdelay $0x3  }
0x33: {  	p0 =	seq.s32 s10, $0x1;
	s10 =	sld [smem:$0x3FB0];
	_ =	sdelay $0x3  }
0x34: {  	[smem:$0x3FB0] =	sst s10  }
0x35: {  	s10 =	sld [smem:$0x3FAF];
	_ =	sdelay $0x3  }
0x36: {  	p1 =	seq.s32 s10, $0x1;
	s10 =	sld [smem:$0x3FB0];
	_ =	sdelay $0x3  }
0x37: {  	[smem:$0x3FB0] =	sst s10  }
0x38: {  	s10 =	sld [smem:$0x3FB1]  }
0x39: {  	_ = 	snop;
	(pc) =	sbr.ind lr, $3  }
0x3a: {  	_ = 	snop  }
0x3b: {  	_ = 	snop  }
0x3c: {  	p2 =	seq.s32 s10, $0x1;
	s10 =	sld [smem:$0x3FB0]  }
0x3d: {  	_ =	shalt  }
0x3e: {  	_ =	shalt  }
0x3f: {  	_ =	shalt  }
0x40: {  	_ =	shalt  }
0x41: {  	_ =	shalt  }
0x42: {  	_ =	shalt  }
0x43: {  	_ =	shalt  }
0x44: {  	_ =	shalt  }
0x45: {  	_ =	shalt  }
0x46: {  	_ =	shalt  }
0x47: {  	_ =	shalt  }
0x48: {  	_ =	shalt  }
0x49: {  	_ =	shalt  }
0x4a: {  	_ =	shalt  }
0x4b: {  	_ =	shalt  }
0x4c: {  	_ =	shalt  }
0x4d: {  	_ =	shalt  }
0x4e: {  	_ =	shalt  }
0x4f: {  	_ =	shalt  }
0x50: {  	_ =	shalt  }
0x51: {  	_ =	shalt  }
0x52: {  	_ =	shalt  }
0x53: {  	_ =	shalt  }
0x54: {  	_ =	shalt  }
0x55: {  	_ =	shalt  }
0x56: {  	_ =	shalt  }
0x57: {  	_ =	shalt  }
0x58: {  	_ =	shalt  }
0x59: {  	_ =	shalt  }
0x5a: {  	_ =	shalt  }
0x5b: {  	_ =	shalt  }
0x5c: {  	_ =	shalt  }
0x5d: {  	_ =	shalt  }
0x5e: {  	_ =	shalt  }
0x5f: {  	_ =	shalt  }
0x60: {  	_ =	shalt  }
0x61: {  	_ =	shalt  }
0x62: {  	_ =	shalt  }
0x63: {  	_ =	shalt  }
0x64: {  	_ =	shalt  }
0x65: {  	_ =	shalt  }
0x66: {  	_ =	shalt  }
0x67: {  	_ =	shalt  }
0x68: {  	_ =	shalt  }
0x69: {  	_ =	shalt  }
0x6a: {  	_ =	shalt  }
0x6b: {  	_ =	shalt  }
0x6c: {  	_ =	shalt  }
0x6d: {  	_ =	shalt  }
0x6e: {  	_ =	shalt  }
0x6f: {  	_ =	shalt  }
0x70: {  	_ =	shalt  }
0x71: {  	_ =	shalt  }
0x72: {  	_ =	shalt  }
0x73: {  	_ =	shalt  }
0x74: {  	_ =	shalt  }
0x75: {  	_ =	shalt  }
0x76: {  	_ =	shalt  }
0x77: {  	_ =	shalt  }
0x78: {  	_ =	shalt  }
0x79: {  	_ =	shalt  }
0x7a: {  	_ =	shalt  }
0x7b: {  	_ =	shalt  }
0x7c: {  	_ =	shalt  }
0x7d: {  	_ =	shalt  }
0x7e: {  	_ =	shalt  }
0x7f: {  	_ =	shalt  }
0x80: {  	_ =	shalt  }
0x81: {  	_ =	shalt  }
0x82: {  	_ =	shalt  }
0x83: {  	_ =	shalt  }
0x84: {  	_ =	shalt  }
0x85: {  	_ =	shalt  }
0x86: {  	_ =	shalt  }
0x87: {  	_ =	shalt  }
.Lfunc_end0:
.L_simem_size_0:
called_computation.3_lowered:
.L_overlay_start_0:
0x88: {  	s2 =	sld [smem:$0x3FD9]  }
0x89: {  	s3 =	sld [smem:$0x3FFE];
	_ =	sdelay $0x1  }
0x8a: {  	s1 =	srdreg.scid  }
0x8b: {  	s0 =	sand.u32 $0x1, s1  }
0x8c: {  	s17 =	sshll.u32 s0, $0xA;
	s2 =	sadd.s32 s3, s2  }
0x8d: {  	s2 =	sadd.s32 s2, s17  }
0x8e: {  	[smem:$0x3FBC] =	sst s2  }
0x8f: {  	_ = 	snop  }
0x90: {  	s2 =	sld [smem:$0x3FD0];
	(tm) =	ssettm $0x1  }
0x91: {  	s18 =	sld [smem:$0x3FFB];
	_ =	sdelay $0x3  }
0x92: {  	_ =	strace s18  }
0x93: {  	s3 =	sld [smem:$0x3FFC];
	_ =	sdelay $0x3  }
0x94: {  	_ =	strace s3  }
0x95: {  	s3 =	sld [smem:$0x3FFD];
	_ =	sdelay $0x3  }
0x96: {  	_ =	strace s3  }
0x97: {  	_ =	strace $0x8FFFFFFF  }
0x98: {  	s19 =	sld [smem:$0x3FDB];
	_ =	sdelay $0x1  }
0x99: {  	s4 =	simm.s32 $_scs_section_size  }
0x9a: {  	s5 =	simm.s32 $_size__tile_overlayer_lowered;
	s6 =	simm.s32 $_tile_overlayer_lowered  }
0x9b: {  	s22 =	simm.s32 $0x1BFF;
	s21 =	sshll.u32 s6, $0x1;
	s3 =	sadd.s32 s4, s19  }
0x9c: {  	s7 =	simm.s32 $0x0;
	s20 =	sshll.u32 s5, $0x1;
	s5 =	sadd.s32 s21, s3  }
0x9d: {  	[timem:s7], [sflag:s22] =	dma.local [hbm:s5], s20  }
0x9e: {  	_ =	swait.ge [sflag:s22], s20  }
0x9f: {  	s4 =	ssub.s32 $0x0, s20;
	[sflag:s22] =	ssyncset.done $0x0  }
0xa0: {  	[sflag:s22] =	ssyncadd.s32 s4;
	_ =	sdelay $0x1  }
0xa1: {  	s23 =	simm.s32 $0x1B8B  }
0xa2: {  	_ =	swait.ge [sflag:s23], $0x1  }
0xa3: {  	[sflag:s23] =	ssyncset.done $0x0  }
0xa4: {  	s25 =	simm.s32 $0x1B8E;
	s24 =	sld [smem:$0x3FFE];
	[sflag:s23] =	ssyncadd.s32 $0xFFFFFFFF  }
0xa5: {  	s26 =	simm.s32 $execute0_lowered;
	[smem:$0x3FD2] =	sst s25  }
0xa6: {  	s5 =	sshll.u32 s26, $0x1;
	_ =	strace $0x8000004F;
	[dreg:$0x1] =	wrdreg $0xFFFFFFFF  }
0xa7: {  	s28 =	simm.s32 $_size_execute0_lowered;
	s3 =	sadd.s32 s3, s5;
	[dreg:$0x0] =	wrdreg $0x0  }
0xa8: {  	s5 =	sshll.u32 s28, $0x1;
	[dreg:$0x2] =	wrdreg s3  }
0xa9: {  	[dreg:$0x3] =	wrdreg s5  }
0xaa: {  	[dreg:$0x4] =	wrdreg $0xC0  }
0xab: {  	_ =	task [dreg:s7], $0x5FFFF  }
0xac: {  	[dreg:$0x1] =	wrdreg $0xFFFFFFFF  }
0xad: {  	[dreg:$0x0] =	wrdreg $0x60  }
0xae: {  	[dreg:$0x2] =	wrdreg s2  }
0xaf: {  	[dreg:$0x3] =	wrdreg s24  }
0xb0: {  	[dreg:$0x4] =	wrdreg $0x158000  }
0xb1: {  	[dreg:$0x5] =	wrdreg $0x9  }
0xb2: {  	_ =	task.clear_ibuf [dreg:s7], $0x6FFFF;
	_ =	strace $0x9000004F  }
0xb3: {  	s29 =	simm.s32 $0x9;
	_ =	strace $0x80000051  }
0xb4: {  	_ =	swait.ge [sflag:s29], $0x1  }
0xb5: {  	[sflag:s29] =	ssyncadd.s32 $0xFFFFFFFF  }
0xb6: {  	_ =	strace $0x90000051  }
0xb7: {  	_ =	sfence  }
0xb8: {  	s30 =	sld [smem:$0x0];
	_ =	sdelay $0x2  }
0xb9: {  	s31 =	sshll.u32 s1, $0xD;
	s1 =	sshrl.u32 s1, $0x2  }
0xba: {  	s3 =	sand.u32 $0x4000, s31;
	s1 =	sadd.s32 s1, s30  }
0xbb: {  	s0 =	sor.u32 s3, s0;
	s1 =	sshll.u32 s1, $0x11  }
0xbc: {  	s0 =	sor.u32 s1, s0  }
0xbd: {  	s0 =	sadd.s32 $0x8F2B, s0  }
0xbe: {  	[sflag:s0] =	ssyncadd.remote.s32 $0x1  }
0xbf: {  	_ =	sfence.sel $0xFFFF  }
0xc0: {  	[dreg:$0x0] =	wrdreg $0xFFFFFFFF;
	(pc) =	sbr.abs _section_cstart, $3  }
0xc1: {  	[dreg:$0x1] =	wrdreg $0xFFFFFFFF  }
0xc2: {  	_ =	task.clear_ibuf [dreg:s7], $0x2FFFF;
	_ =	strace $0x9FFFFFFF  }
0xc3: {  	(tm) =	ssettm $0x7FFFFFFF  }
tec
execute0_lowered:
.L_overlay_start_1:
0x0: {  	(tag) =	ssettag $0x1  }
0x1: {  	s1 =	rddreg [dreg:$0x0]  }
0x2: {  	s0 =	rddreg [dreg:$0x1]  }
0x3: {  	s2 =	rddreg [dreg:$0x2];
	s3 =	simm.s32 $0x0;
	s5 =	srdreg.scid  }
0x4: {  	s20 =	stileid.u32;
	s28 =	simm.s32 $0xD800;
	s30 =	simm.s32 $0x11800  }
0x5: {  	s31 =	simm.s32 $0x1;
	[smem:$0x7FF] =	sst s3;
	s7 =	smul.u32 $0x3000, s20  }
0x6: {  	s4 =	sadd.s32 $0x4200, s0;
	s8 =	sadd.s32 $0xA200, s0;
	s14 =	smul.u32 $0x27000, s20  }
0x7: {  	s9 =	sadd.s32 $0x10200, s0;
	s10 =	sadd.s32 $0x16200, s0;
	s15 =	smul.u32 $0x9C00, s20  }
0x8: {  	s11 =	sand.u32 $0x1, s5;
	s5 =	sadd.s32 $0x1C200, s0;
	s16 =	smul.u32 $0x600, s20  }
0x9: {  	s12 =	sadd.s32 $0x1CA00, s0;
	s24 =	smul.u32 $0x1380, s20;
	s25 =	sadd.s32 $0x43A80, s0  }
0xa: {  	s0 =	sadd.s32 $0x30200, s0;
	p2 =	seq.s32 s20, $0xF;
	_ =	strace $0x80000050  }
0xb: {  	s6 =	ssub.s32 $0x2, s11;
	p0 =	seq.s32 s11, $0x0;
	[dreg:$0x5] =	wrdreg s25  }
0xc: {  	[dreg:$0x7] =	wrdreg s0;
	p1 =	sne.s32 s11, $0x0;
	s25 =	simm.s32 $0x9800  }
0xd: {  	s0 =	simm.s32 $0x2;
	s11 =	simm.s32 $0x8;
	s13 =	sshrl.u32 s6, $0x1  }
0xe: {  	s19 =	sshrl.u32 s7, $0x3;
	s21 =	sshrl.u32 s14, $0x2;
	s22 =	sshrl.u32 s15, $0x3  }
0xf: {  	s7 =	sadd.s32 $0x9C000, s2;
	s9 =	smov.u32 @p0 s4;
	s10 =	smov.u32 @p0 s8  }
0x10: {  	p0 =	sne.s32 s20, $0xF;
	s8 =	simm.s32 $0x3;
	s20 =	simm.s32 $0x0  }
0x11: {  	s13 =	ssub.s32 s6, s13;
	s17 =	sadd.s32 $0x300, s19;
	s6 =	sadd.s32 s21, s2  }
0x12: {  	s23 =	sadd.s32 s12, s22;
	s12 =	sadd.s32 s12, s24;
	s29 =	sadd.s32 s9, s16  }
0x13: {  	s15 =	sadd.s32 s10, s16;
	s24 =	simm.s32 $0x5800;
	s18 =	sadd.s32 $0x3400, s6  }
0x14: {  	s19 =	sadd.s32 $0x6800, s6;
	s14 =	sadd.s32 $0x13880, s23;
	[dreg:$0x6] =	wrdreg s12  }
.Ltmp0:
0x15: {  	s26 =	smax.u32 s13, $0x1;
	[dreg:$0x9] =	wrdreg s29;
	(pc) =	sbr.rel .LBB2_1-.Ltmp0, $4  }
0x16: {  	s16 =	sadd.s32 s10, s17;
	s23 =	simm.s32 $0x80;
	[dreg:$0x4] =	wrdreg s14  }
0x17: {  	s10 =	simm.s32 $0x4;
	[dreg:$0x8] =	wrdreg s26;
	s14 =	sadd.s32 s9, s17  }
0x18: {  	s17 =	simm.s32 $0x9;
	s21 =	sshrl.u32 s18, $0x3;
	s22 =	sshrl.u32 s19, $0x3  }
0x19: {  	s9 =	simm.s32 $0x5;
	s18 =	simm.s32 $0x6;
	s19 =	simm.s32 $0x7  }
.LBB2_6:
0x1a: {  	s12 =	sshrl.u32 s7, $0x3  }
0x1b: {  	[hbm:s4], [sflag:s26] =	dma.local [spmem:s12], $0x80  }
0x1c: {  	_ =	swait.ge [sflag:s17], $0x80  }
0x1d: {  	[sflag:s17] =	ssyncset.done $0x0  }
0x1e: {  	[sflag:s17] =	ssyncadd.s32 $0xFFFFFF80  }
.LBB2_7:
0x1f: {  	s20 =	sadd.s32 $0x1, s20;
	s4 =	rddreg [dreg:$0x8]  }
0x20: {  	p3 =	sne.s32 s20, s4  }
.Ltmp1:
0x21: {  	_ = 	snop;
	(pc) =	sbr.rel @!p3 .LBB2_8-.Ltmp1, $1  }
0x22: {  	_ =	sdelay $0x3  }
.LBB2_1:
0x23: {  	s4 =	rddreg [dreg:$0x9]  }
0x24: {  	[tilespmem:s3], [sflag:$0x9] =	stream.linear.gather [hbm4b:s4+s3], $0x1500, $0x38;
	[tilespmem:$0x1F480] =	vst v63  }
0x25: {  	_ =	swait.ge [sflag:s17], $0x1500  }
0x26: {  	[sflag:s17] =	ssyncset.done $0x0  }
0x27: {  	s12 =	simm.s32 $0x1500;
	[sflag:s17] =	ssyncadd.s32 $0xFFFFEB00  }
0x28: {  	[tilespmem:s12], [sflag:$0x9] =	stream.linear.gather [hbm4b:s14+s3], $0x1500, $0x38;
	[tilespmem:$0x1F480] =	vst v63  }
0x29: {  	_ =	swait.ge [sflag:s17], $0x1500  }
0x2a: {  	[sflag:s17] =	ssyncset.done $0x0  }
0x2b: {  	s13 =	simm.s32 $0x2C00;
	[sflag:s17] =	ssyncadd.s32 $0xFFFFEB00  }
0x2c: {  	[tilespmem:s13], [sflag:$0x9] =	stream.linear.gather [hbm4b:s15+s3], $0x1500, $0x38;
	[tilespmem:$0x1F480] =	vst v63  }
0x2d: {  	_ =	swait.ge [sflag:s17], $0x1500  }
0x2e: {  	[sflag:s17] =	ssyncset.done $0x0  }
0x2f: {  	s26 =	simm.s32 $0x4100;
	[sflag:s17] =	ssyncadd.s32 $0xFFFFEB00  }
0x30: {  	[tilespmem:s26], [sflag:$0x9] =	stream.linear.gather [hbm4b:s16+s3], $0x1500, $0x38;
	[tilespmem:$0x1F480] =	vst v63  }
0x31: {  	s12 =	stileid.u32;
	_ =	swait.ge [sflag:s17], $0x1500  }
0x32: {  	s4 =	sshll.u32 s12, $0x6;
	[sflag:s17] =	ssyncset.done $0x0  }
0x33: {  	s29 =	sshrl.u32 s6, $0x3;
	s26 =	sor.u32 $0x1C09, s4;
	[sflag:s17] =	ssyncadd.s32 $0xFFFFEB00  }
0x34: {  	[spmem:s29], [sflag:s26] =	dma.local [hbm:s5], $0x680  }
0x35: {  	_ =	swait.ge [sflag:s17], $0x680  }
0x36: {  	[sflag:s17] =	ssyncset.done $0x0  }
0x37: {  	[sflag:s17] =	ssyncadd.s32 $0xFFFFF980  }
0x38: {  	[spmem:s21], [sflag:s26] =	dma.local [hbm:s5], $0x680  }
0x39: {  	_ =	swait.ge [sflag:s17], $0x680  }
0x3a: {  	[sflag:s17] =	ssyncset.done $0x0  }
0x3b: {  	[sflag:s17] =	ssyncadd.s32 $0xFFFFF980  }
0x3c: {  	[spmem:s22], [sflag:s26] =	dma.local [hbm:s5], $0x680  }
0x3d: {  	_ =	swait.ge [sflag:s17], $0x680  }
0x3e: {  	[sflag:s17] =	ssyncset.done $0x0  }
0x3f: {  	s4 =	sshrl.u32 @!p0 s7, $0x3;
	[sflag:s17] =	ssyncadd.s32 $0xFFFFF980  }
0x40: {  	[spmem:s4], [sflag:s26] =	dma.local @!p0 [hbm:s5], $0x100  }
0x41: {  	s4 =	simm.s32 @!p0 $0x9  }
0x42: {  	_ =	swait.ge @!p0 [sflag:s4], $0x100  }
0x43: {  	[sflag:s4] =	ssyncset.done @!p0 $0x0  }
0x44: {  	[sflag:s4] =	ssyncadd.s32 @!p0 $0xFFFFFF00  }
0x45: {  	[bflag:$0x0] =	sbarrier.arrive $0xFFFF  }
0x46: {  	[tilespmem:s24], [sflag:$0x1] =	stream.indirect.gather [hbm4b:s1+s23], $0x80, s3, s23, $0xb8;
	[tilespmem:$0x1F480] =	vst v63  }
0x47: {  	_ = 	snop  }
0x48: {  	[tilespmem:s25], [sflag:$0x2] =	stream.indirect.gather [hbm4b:s1+s23], $0x80, s23, s23, $0xb8;
	[tilespmem:$0x1F480] =	vst v63  }
0x49: {  	s13 =	simm.s32 $0x100  }
0x4a: {  	[tilespmem:s28], [sflag:$0x3] =	stream.indirect.gather [hbm4b:s1+s23], $0x80, s13, s23, $0xb8;
	[tilespmem:$0x1F480] =	vst v63  }
0x4b: {  	s12 =	simm.s32 $0x180  }
0x4c: {  	[tilespmem:s30], [sflag:$0x4] =	stream.indirect.gather [hbm4b:s1+s23], $0x80, s12, s23, $0xb8;
	[tilespmem:$0x1F480] =	vst v63  }
0x4d: {  	_ =	swait.ge [sflag:s31], $0x4000  }
0x4e: {  	[sflag:s31] =	ssyncset.done $0x0  }
0x4f: {  	s13 =	simm.s32 $0x2C00;
	[sflag:s31] =	ssyncadd.s32 $0xFFFFC000  }
0x50: {  	[spmem:s2] =	stream.indirect.scatter.add.f32 [tilespmem:s24], [sflag:$0x5], $0x80, s13, s23, $0xb8;
	[tilespmem:$0x1F480] =	vst v63  }
0x51: {  	_ =	swait.ge [sflag:s0], $0x4000  }
0x52: {  	[sflag:s0] =	ssyncset.done $0x0  }
0x53: {  	s12 =	simm.s32 $0x2C80;
	[sflag:s0] =	ssyncadd.s32 $0xFFFFC000  }
0x54: {  	[spmem:s2] =	stream.indirect.scatter.add.f32 [tilespmem:s25], [sflag:$0x6], $0x80, s12, s23, $0xb8;
	[tilespmem:$0x1F480] =	vst v63  }
0x55: {  	_ =	swait.ge [sflag:s8], $0x4000  }
0x56: {  	[sflag:s8] =	ssyncset.done $0x0  }
0x57: {  	s13 =	simm.s32 $0x2D00;
	[sflag:s8] =	ssyncadd.s32 $0xFFFFC000  }
0x58: {  	[spmem:s2] =	stream.indirect.scatter.add.f32 [tilespmem:s28], [sflag:$0x7], $0x80, s13, s23, $0xb8;
	[tilespmem:$0x1F480] =	vst v63  }
0x59: {  	_ =	swait.ge [sflag:s10], $0x4000  }
0x5a: {  	[sflag:s10] =	ssyncset.done $0x0  }
0x5b: {  	s12 =	simm.s32 $0x2D80;
	[sflag:s10] =	ssyncadd.s32 $0xFFFFC000  }
0x5c: {  	[spmem:s2] =	stream.indirect.scatter.add.f32 [tilespmem:s30], [sflag:$0x8], $0x80, s12, s23, $0xb8;
	[tilespmem:$0x1F480] =	vst v63  }
0x5d: {  	_ =	swait.ge [sflag:s9], $0x4000  }
0x5e: {  	[sflag:s9] =	ssyncset.done $0x0  }
0x5f: {  	s13 =	simm.s32 $0x200;
	[sflag:s9] =	ssyncadd.s32 $0xFFFFC000  }
0x60: {  	[tilespmem:s24], [sflag:$0x1] =	stream.indirect.gather [hbm4b:s1+s23], $0x80, s13, s23, $0xb8;
	[tilespmem:$0x1F480] =	vst v63  }
0x61: {  	_ =	swait.ge [sflag:s18], $0x4000  }
0x62: {  	[sflag:s18] =	ssyncset.done $0x0  }
0x63: {  	s12 =	simm.s32 $0x280;
	[sflag:s18] =	ssyncadd.s32 $0xFFFFC000  }
0x64: {  	[tilespmem:s25], [sflag:$0x2] =	stream.indirect.gather [hbm4b:s1+s23], $0x80, s12, s23, $0xb8;
	[tilespmem:$0x1F480] =	vst v63  }
0x65: {  	_ =	swait.ge [sflag:s19], $0x4000  }
0x66: {  	[sflag:s19] =	ssyncset.done $0x0  }
0x67: {  	s13 =	simm.s32 $0x300;
	[sflag:s19] =	ssyncadd.s32 $0xFFFFC000  }
0x68: {  	[tilespmem:s28], [sflag:$0x3] =	stream.indirect.gather [hbm4b:s1+s23], $0x80, s13, s23, $0xb8;
	[tilespmem:$0x1F480] =	vst v63  }
0x69: {  	_ =	swait.ge [sflag:s11], $0x4000  }
0x6a: {  	[sflag:s11] =	ssyncset.done $0x0  }
0x6b: {  	s4 =	simm.s32 $0x800;
	s12 =	simm.s32 $0x380;
	[sflag:s11] =	ssyncadd.s32 $0xFFFFC000  }
.LBB2_2:
0x6c: {  	[tilespmem:s30], [sflag:$0x4] =	stream.indirect.gather [hbm4b:s1+s23], $0x80, s12, s23, $0xb8;
	[tilespmem:$0x1F480] =	vst v63  }
0x6d: {  	s12 =	smov.u32 s4  }
0x6e: {  	p3 =	sne.s32 s4, $0x9800;
	s4 =	sadd.s32 $0x800, s4;
	_ =	swait.ge [sflag:s31], $0x4000  }
0x6f: {  	s12 =	sshra.s32 s12, $0x2;
	[sflag:s31] =	ssyncset.done $0x0  }
0x70: {  	s13 =	sadd.s32 $0x2C00, s12;
	[sflag:s31] =	ssyncadd.s32 $0xFFFFC000  }
0x71: {  	[spmem:s2] =	stream.indirect.scatter.add.f32 [tilespmem:s24], [sflag:$0x5], $0x80, s13, s23, $0xb8;
	[tilespmem:$0x1F480] =	vst v63  }
0x72: {  	_ =	swait.ge [sflag:s0], $0x4000  }
0x73: {  	[sflag:s0] =	ssyncset.done $0x0  }
0x74: {  	s13 =	sadd.s32 $0x2C80, s12;
	[sflag:s0] =	ssyncadd.s32 $0xFFFFC000  }
0x75: {  	[spmem:s2] =	stream.indirect.scatter.add.f32 [tilespmem:s25], [sflag:$0x6], $0x80, s13, s23, $0xb8;
	[tilespmem:$0x1F480] =	vst v63  }
0x76: {  	_ =	swait.ge [sflag:s8], $0x4000  }
0x77: {  	[sflag:s8] =	ssyncset.done $0x0  }
0x78: {  	s13 =	sadd.s32 $0x2D00, s12;
	[sflag:s8] =	ssyncadd.s32 $0xFFFFC000  }
0x79: {  	[spmem:s2] =	stream.indirect.scatter.add.f32 [tilespmem:s28], [sflag:$0x7], $0x80, s13, s23, $0xb8;
	[tilespmem:$0x1F480] =	vst v63  }
0x7a: {  	_ =	swait.ge [sflag:s10], $0x4000  }
0x7b: {  	[sflag:s10] =	ssyncset.done $0x0  }
0x7c: {  	s13 =	sadd.s32 $0x2D80, s12;
	[sflag:s10] =	ssyncadd.s32 $0xFFFFC000  }
0x7d: {  	[spmem:s2] =	stream.indirect.scatter.add.f32 [tilespmem:s30], [sflag:$0x8], $0x80, s13, s23, $0xb8;
	[tilespmem:$0x1F480] =	vst v63  }
0x7e: {  	_ =	swait.ge [sflag:s9], $0x4000  }
0x7f: {  	[sflag:s9] =	ssyncset.done $0x0  }
0x80: {  	s13 =	sadd.s32 $0x200, s12;
	[sflag:s9] =	ssyncadd.s32 $0xFFFFC000  }
0x81: {  	[tilespmem:s24], [sflag:$0x1] =	stream.indirect.gather [hbm4b:s1+s23], $0x80, s13, s23, $0xb8;
	[tilespmem:$0x1F480] =	vst v63  }
0x82: {  	_ =	swait.ge [sflag:s18], $0x4000  }
0x83: {  	[sflag:s18] =	ssyncset.done $0x0  }
0x84: {  	s13 =	sadd.s32 $0x280, s12;
	[sflag:s18] =	ssyncadd.s32 $0xFFFFC000  }
0x85: {  	[tilespmem:s25], [sflag:$0x2] =	stream.indirect.gather [hbm4b:s1+s23], $0x80, s13, s23, $0xb8;
	[tilespmem:$0x1F480] =	vst v63  }
0x86: {  	_ =	swait.ge [sflag:s19], $0x4000  }
0x87: {  	[sflag:s19] =	ssyncset.done $0x0  }
.Ltmp2:
0x88: {  	s13 =	sadd.s32 $0x300, s12;
	[sflag:s19] =	ssyncadd.s32 $0xFFFFC000;
	(pc) =	sbr.rel @p3 .LBB2_2-.Ltmp2, $4  }
0x89: {  	[tilespmem:s28], [sflag:$0x3] =	stream.indirect.gather [hbm4b:s1+s23], $0x80, s13, s23, $0xb8;
	[tilespmem:$0x1F480] =	vst v63  }
0x8a: {  	_ =	swait.ge [sflag:s11], $0x4000  }
0x8b: {  	[sflag:s11] =	ssyncset.done $0x0  }
0x8c: {  	s12 =	sadd.s32 $0x380, s12;
	[sflag:s11] =	ssyncadd.s32 $0xFFFFC000  }
0x8d: {  	[tilespmem:s30], [sflag:$0x4] =	stream.indirect.gather [hbm4b:s1+s23], $0x80, s12, s23, $0xb8;
	[tilespmem:$0x1F480] =	vst v63  }
0x8e: {  	_ =	swait.ge [sflag:s31], $0x4000  }
0x8f: {  	[sflag:s31] =	ssyncset.done $0x0  }
0x90: {  	s4 =	simm.s32 $0x5400;
	[sflag:s31] =	ssyncadd.s32 $0xFFFFC000  }
0x91: {  	[spmem:s2] =	stream.indirect.scatter.add.f32 [tilespmem:s24], [sflag:$0x5], $0x80, s4, s23, $0xb8;
	[tilespmem:$0x1F480] =	vst v63  }
0x92: {  	_ =	swait.ge [sflag:s0], $0x4000  }
0x93: {  	[sflag:s0] =	ssyncset.done $0x0  }
0x94: {  	s13 =	simm.s32 $0x5480;
	[sflag:s0] =	ssyncadd.s32 $0xFFFFC000  }
0x95: {  	[spmem:s2] =	stream.indirect.scatter.add.f32 [tilespmem:s25], [sflag:$0x6], $0x80, s13, s23, $0xb8;
	[tilespmem:$0x1F480] =	vst v63  }
0x96: {  	_ =	swait.ge [sflag:s8], $0x4000  }
0x97: {  	[sflag:s8] =	ssyncset.done $0x0  }
0x98: {  	s12 =	simm.s32 $0x5500;
	[sflag:s8] =	ssyncadd.s32 $0xFFFFC000  }
0x99: {  	[spmem:s2] =	stream.indirect.scatter.add.f32 [tilespmem:s28], [sflag:$0x7], $0x80, s12, s23, $0xb8;
	[tilespmem:$0x1F480] =	vst v63  }
0x9a: {  	_ =	swait.ge [sflag:s10], $0x4000  }
0x9b: {  	[sflag:s10] =	ssyncset.done $0x0  }
0x9c: {  	s13 =	simm.s32 $0x5580;
	[sflag:s10] =	ssyncadd.s32 $0xFFFFC000  }
0x9d: {  	[spmem:s2] =	stream.indirect.scatter.add.f32 [tilespmem:s30], [sflag:$0x8], $0x80, s13, s23, $0xb8;
	[tilespmem:$0x1F480] =	vst v63  }
0x9e: {  	_ =	swait.ge [sflag:s9], $0x4000  }
0x9f: {  	[sflag:s9] =	ssyncset.done $0x0  }
0xa0: {  	[sflag:s9] =	ssyncadd.s32 $0xFFFFC000  }
0xa1: {  	_ =	swait.ge [sflag:s18], $0x4000  }
0xa2: {  	[sflag:s18] =	ssyncset.done $0x0  }
0xa3: {  	[sflag:s18] =	ssyncadd.s32 $0xFFFFC000  }
0xa4: {  	_ =	swait.ge [sflag:s19], $0x4000  }
0xa5: {  	[sflag:s19] =	ssyncset.done $0x0  }
0xa6: {  	[sflag:s19] =	ssyncadd.s32 $0xFFFFC000  }
.Ltmp3:
0xa7: {  	_ =	swait.ge [sflag:s11], $0x4000;
	(pc) =	sbr.rel @p1 .LBB2_5-.Ltmp3, $3  }
0xa8: {  	[sflag:s11] =	ssyncset.done $0x0  }
0xa9: {  	[sflag:s11] =	ssyncadd.s32 $0xFFFFC000  }
0xaa: {  	[bflag:$0x0] =	sbarrier.arrive $0xFFFF;
	_ =	sdelay $0x1  }
0xab: {  	s4 =	rddreg [dreg:$0x6]  }
0xac: {  	[hbm:s4], [sflag:s26] =	dma.local [spmem:s29], $0x1380  }
.Ltmp4:
0xad: {  	_ = 	snop;
	(pc) =	sbr.rel @p2 .LBB2_6-.Ltmp4, $4  }
.Ltmp5:
0xae: {  	_ = 	snop;
	(pc) =	sbr.rel @!p2 .LBB2_7-.Ltmp5, $4  }
0xaf: {  	_ =	swait.ge [sflag:s17], $0x1380  }
0xb0: {  	[sflag:s17] =	ssyncset.done $0x0  }
0xb1: {  	s4 =	rddreg [dreg:$0x7];
	[sflag:s17] =	ssyncadd.s32 $0xFFFFEC80  }
0xb2: {  	_ = 	snop  }
.LBB2_5:
0xb3: {  	s4 =	rddreg [dreg:$0x4]  }
0xb4: {  	[hbm:s4], [sflag:s26] =	dma.local [spmem:s29], $0x1380  }
.Ltmp6:
0xb5: {  	_ = 	snop;
	(pc) =	sbr.rel @p0 .LBB2_7-.Ltmp6, $4  }
.Ltmp7:
0xb6: {  	_ = 	snop;
	(pc) =	sbr.rel @!p0 .LBB2_6-.Ltmp7, $4  }
0xb7: {  	_ =	swait.ge [sflag:s17], $0x1380  }
0xb8: {  	[sflag:s17] =	ssyncset.done $0x0  }
0xb9: {  	s4 =	rddreg [dreg:$0x5];
	[sflag:s17] =	ssyncadd.s32 $0xFFFFEC80  }
0xba: {  	_ = 	snop  }
.LBB2_8:
0xbb: {  	_ =	sfence.sel $0x180000  }
0xbc: {  	[bflag:$0x0] =	sbarrier.arrive $0xFFFF  }
0xbd: {  	_ =	strace $0x90000050  }
0xbe: {  	s0 =	stileid.u32;
	[bflag:$0x2] =	sbarrier.arrive $0xFFFF  }
0xbf: {  	p0 =	sne.s32 s0, $0x0;
	s0 =	rddreg [dreg:$0x3]  }
0xc0: {  	s0 =	sadd.s32 @!p0 $0x100000, s0  }
0xc1: {  	[sflag:s0] =	ssyncadd.tile.s32 @!p0 $0x1;
	_ =	shalt  }
.Lfunc_end2:
_tile_overlayer_lowered:
.L_overlay_start_2:
0xc2: {  	(tag) =	ssettag $0x2  }
0xc3: {  	s0 =	rddreg [dreg:$0x0];
	s2 =	stileid.u32  }
0xc4: {  	s1 =	rddreg [dreg:$0x1];
	p0 =	sne.s32 s2, $0x0  }
0xc5: {  	s3 =	rddreg [dreg:$0x2];
	[bflag:$0x3] =	sbarrier.arrive $0xFFFF;
	s2 =	simm.s32 @!p0 $0x1C09  }
0xc6: {  	[timem:s3], [sflag:s2] =	dma.local @!p0 [hbm:s0], s1  }
0xc7: {  	s0 =	simm.s32 @!p0 $0x9  }
0xc8: {  	_ =	swait.ge @!p0 [sflag:s0], s1  }
0xc9: {  	s1 =	ssub.s32 @!p0 $0x0, s1;
	[sflag:s0] =	ssyncset.done @!p0 $0x0  }
0xca: {  	[sflag:s0] =	ssyncadd.s32 @!p0 s1  }
0xcb: {  	[bflag:$0x3] =	sbarrier.arrive $0xFFFF  }
0xcc: {  	_ =	shalt  }

// kernel: kernel.23.cloned.1.call-start
scs
__scs_entry_jumppad:
0x0: {  	(pc) =	sbr.rel $0x88, $3  }
0x1: {  	(tag) =	ssettag $0x0;
	lr =	simm.s32 $0x1  }
0x2: {  	[smem:$0x3F95] =	sst lr;
	_ =	strace $0xD0000000  }
0x3: {  	_ = 	snop  }
0x4: {  	_ = 	snop  }
0x5: {  	_ = 	snop  }
0x6: {  	_ = 	snop  }
0x7: {  	_ = 	snop  }
__scs_overlays_trampoline_lowered:
0x8: {  	[smem:$0x3FA4] =	sst s0  }
0x9: {  	[smem:$0x3FA5] =	sst s1  }
0xa: {  	[smem:$0x3FA6] =	sst s2  }
0xb: {  	[smem:$0x3FA7] =	sst s3  }
0xc: {  	[smem:$0x3FA8] =	sst s4  }
0xd: {  	[smem:$0x3FA9] =	sst s5  }
0xe: {  	[smem:$0x3FAA] =	sst s6  }
0xf: {  	[smem:$0x3FAB] =	sst s7  }
0x10: {  	[smem:$0x3FAC] =	sst s8  }
0x11: {  	[smem:$0x3FAD] =	sst s9;
	s0 =	simm.s32 @!p0 $0x0  }
0x12: {  	s1 =	sld [smem:$0x3F93];
	s0 =	simm.s32 @p0 $0x1  }
0x13: {  	[smem:$0x3FAE] =	sst s0;
	s0 =	simm.s32 @!p1 $0x0  }
0x14: {  	s2 =	sld [smem:$0x3F92];
	s0 =	simm.s32 @p1 $0x1  }
0x15: {  	[smem:$0x3FAF] =	sst s0;
	s0 =	simm.s32 @!p2 $0x0  }
0x16: {  	s3 =	sld [smem:$0x3FDB];
	s0 =	simm.s32 @p2 $0x1  }
0x17: {  	s4 =	simm.s32 $0x1BF5;
	[smem:$0x3FB1] =	sst s0  }
0x18: {  	s0 =	sld [smem:$0x3F94];
	_ =	swait.ge [sflag:s4], $0x0  }
0x19: {  	s7 =	sld [smem:$0x3F95]  }
0x1a: {  	s8 =	sadd.s32 $0xFFFFE003, lr  }
0x1b: {  	s9 =	sadd.s32 $0xFFFFFEF7, lr;
	s5 =	simm.s32 $0xFFFFFFFF;
	p2 =	slt.u32 s8, $0xFFFFF086  }
0x1c: {  	p1 =	slt.u32 s9, $0xF7A;
	s5 =	simm.s32 @!p2 $0x0  }
0x1d: {  	s5 =	simm.s32 @p1 $0x1;
	p0 =	seq.s32 s7, s2  }
0x1e: {  	s7 =	smul.u32 @!p0 $0xF7A, s2;
	p2 =	seq.s32 @!p0 s5, $0x0  }
0x1f: {  	s9 =	smul.u32 $0xF7A, s1;
	s8 =	simm.s32 @!p0 $0x1BF5;
	p2 =	por !p2, p0  }
0x20: {  	[sflag:s8] =	ssyncset.s32 @!p0 $0xFFFFF086;
	s6 =	sadd.s32 @!p0 s3, s7;
	s7 =	simm.s32 @!p0 $0x108  }
0x21: {  	s3 =	sadd.s32 s3, s9;
	s6 =	sadd.s32 @!p0 $0x88, s6;
	s7 =	simm.s32 @p2 $0x1082  }
0x22: {  	[simem:s7], [sflag:s8] =	dma.local @!p0 [hbm:s6], $0xF7A  }
0x23: {  	s9 =	sor.u32 $0xD0000000, s2;
	s6 =	simm.s32 $0x108;
	_ =	swait.ge @!p0 [sflag:s8], $0x0  }
0x24: {  	s3 =	sadd.s32 $0x88, s3;
	s6 =	simm.s32 @!p1 $0x1082;
	[sflag:s4] =	ssyncset.s32 $0xFFFFF086  }
0x25: {  	[simem:s6], [sflag:s4] =	dma.local [hbm:s3], $0xF7A  }
0x26: {  	[smem:$0x3F95] =	sst s1;
	(tag) =	ssettag s2;
	_ =	strace s9  }
0x27: {  	s1 =	sld [smem:$0x3FA5]  }
0x28: {  	s2 =	sld [smem:$0x3FA6]  }
0x29: {  	s4 =	sld [smem:$0x3FA8]  }
0x2a: {  	p0 =	seq.s32 s5, $0x0;
	s5 =	sld [smem:$0x3FA9]  }
0x2b: {  	s6 =	sld [smem:$0x3FAA]  }
0x2c: {  	s7 =	sld [smem:$0x3FAB]  }
0x2d: {  	s3 =	simm.s32 $0x108;
	s8 =	sld [smem:$0x3FAC]  }
0x2e: {  	s3 =	simm.s32 @!p0 $0x1082;
	s9 =	sld [smem:$0x3FAD]  }
0x2f: {  	lr =	sadd.s32 s0, s3;
	s0 =	sld [smem:$0x3FA4]  }
0x30: {  	s3 =	sld [smem:$0x3FA7]  }
0x31: {  	[smem:$0x3FB0] =	sst s10  }
0x32: {  	s10 =	sld [smem:$0x3FAE];
	_ =	sdelay $0x3  }
0x33: {  	p0 =	seq.s32 s10, $0x1;
	s10 =	sld [smem:$0x3FB0];
	_ =	sdelay $0x3  }
0x34: {  	[smem:$0x3FB0] =	sst s10  }
0x35: {  	s10 =	sld [smem:$0x3FAF];
	_ =	sdelay $0x3  }
0x36: {  	p1 =	seq.s32 s10, $0x1;
	s10 =	sld [smem:$0x3FB0];
	_ =	sdelay $0x3  }
0x37: {  	[smem:$0x3FB0] =	sst s10  }
0x38: {  	s10 =	sld [smem:$0x3FB1]  }
0x39: {  	_ = 	snop;
	(pc) =	sbr.ind lr, $3  }
0x3a: {  	_ = 	snop  }
0x3b: {  	_ = 	snop  }
0x3c: {  	p2 =	seq.s32 s10, $0x1;
	s10 =	sld [smem:$0x3FB0]  }
0x3d: {  	_ =	shalt  }
0x3e: {  	_ =	shalt  }
0x3f: {  	_ =	shalt  }
0x40: {  	_ =	shalt  }
0x41: {  	_ =	shalt  }
0x42: {  	_ =	shalt  }
0x43: {  	_ =	shalt  }
0x44: {  	_ =	shalt  }
0x45: {  	_ =	shalt  }
0x46: {  	_ =	shalt  }
0x47: {  	_ =	shalt  }
0x48: {  	_ =	shalt  }
0x49: {  	_ =	shalt  }
0x4a: {  	_ =	shalt  }
0x4b: {  	_ =	shalt  }
0x4c: {  	_ =	shalt  }
0x4d: {  	_ =	shalt  }
0x4e: {  	_ =	shalt  }
0x4f: {  	_ =	shalt  }
0x50: {  	_ =	shalt  }
0x51: {  	_ =	shalt  }
0x52: {  	_ =	shalt  }
0x53: {  	_ =	shalt  }
0x54: {  	_ =	shalt  }
0x55: {  	_ =	shalt  }
0x56: {  	_ =	shalt  }
0x57: {  	_ =	shalt  }
0x58: {  	_ =	shalt  }
0x59: {  	_ =	shalt  }
0x5a: {  	_ =	shalt  }
0x5b: {  	_ =	shalt  }
0x5c: {  	_ =	shalt  }
0x5d: {  	_ =	shalt  }
0x5e: {  	_ =	shalt  }
0x5f: {  	_ =	shalt  }
0x60: {  	_ =	shalt  }
0x61: {  	_ =	shalt  }
0x62: {  	_ =	shalt  }
0x63: {  	_ =	shalt  }
0x64: {  	_ =	shalt  }
0x65: {  	_ =	shalt  }
0x66: {  	_ =	shalt  }
0x67: {  	_ =	shalt  }
0x68: {  	_ =	shalt  }
0x69: {  	_ =	shalt  }
0x6a: {  	_ =	shalt  }
0x6b: {  	_ =	shalt  }
0x6c: {  	_ =	shalt  }
0x6d: {  	_ =	shalt  }
0x6e: {  	_ =	shalt  }
0x6f: {  	_ =	shalt  }
0x70: {  	_ =	shalt  }
0x71: {  	_ =	shalt  }
0x72: {  	_ =	shalt  }
0x73: {  	_ =	shalt  }
0x74: {  	_ =	shalt  }
0x75: {  	_ =	shalt  }
0x76: {  	_ =	shalt  }
0x77: {  	_ =	shalt  }
0x78: {  	_ =	shalt  }
0x79: {  	_ =	shalt  }
0x7a: {  	_ =	shalt  }
0x7b: {  	_ =	shalt  }
0x7c: {  	_ =	shalt  }
0x7d: {  	_ =	shalt  }
0x7e: {  	_ =	shalt  }
0x7f: {  	_ =	shalt  }
0x80: {  	_ =	shalt  }
0x81: {  	_ =	shalt  }
0x82: {  	_ =	shalt  }
0x83: {  	_ =	shalt  }
0x84: {  	_ =	shalt  }
0x85: {  	_ =	shalt  }
0x86: {  	_ =	shalt  }
0x87: {  	_ =	shalt  }
.Lfunc_end0:
.L_simem_size_0:
called_computation.4_lowered:
.L_overlay_start_0:
0x88: {  	s2 =	sld [smem:$0x3FD9]  }
0x89: {  	s3 =	sld [smem:$0x3FFE];
	_ =	sdelay $0x1  }
0x8a: {  	s1 =	srdreg.scid  }
0x8b: {  	s0 =	sand.u32 $0x1, s1  }
0x8c: {  	s17 =	sshll.u32 s0, $0xA;
	s2 =	sadd.s32 s3, s2  }
0x8d: {  	s2 =	sadd.s32 s2, s17  }
0x8e: {  	[smem:$0x3FBC] =	sst s2  }
0x8f: {  	_ = 	snop  }
0x90: {  	s2 =	sld [smem:$0x3FD0];
	(tm) =	ssettm $0x1  }
0x91: {  	s18 =	sld [smem:$0x3FFB];
	_ =	sdelay $0x3  }
0x92: {  	_ =	strace s18  }
0x93: {  	s3 =	sld [smem:$0x3FFC];
	_ =	sdelay $0x3  }
0x94: {  	_ =	strace s3  }
0x95: {  	s3 =	sld [smem:$0x3FFD];
	_ =	sdelay $0x3  }
0x96: {  	_ =	strace s3  }
0x97: {  	_ =	strace $0x8FFFFFFF  }
0x98: {  	s19 =	sld [smem:$0x3FDB];
	_ =	sdelay $0x1  }
0x99: {  	s4 =	simm.s32 $_scs_section_size  }
0x9a: {  	s5 =	simm.s32 $_size__tile_overlayer_lowered;
	s6 =	simm.s32 $_tile_overlayer_lowered  }
0x9b: {  	s22 =	simm.s32 $0x1BFF;
	s21 =	sshll.u32 s6, $0x1;
	s3 =	sadd.s32 s4, s19  }
0x9c: {  	s7 =	simm.s32 $0x0;
	s20 =	sshll.u32 s5, $0x1;
	s5 =	sadd.s32 s21, s3  }
0x9d: {  	[timem:s7], [sflag:s22] =	dma.local [hbm:s5], s20  }
0x9e: {  	_ =	swait.ge [sflag:s22], s20  }
0x9f: {  	s4 =	ssub.s32 $0x0, s20;
	[sflag:s22] =	ssyncset.done $0x0  }
0xa0: {  	[sflag:s22] =	ssyncadd.s32 s4;
	_ =	sdelay $0x1  }
0xa1: {  	s23 =	simm.s32 $0x1B8B  }
0xa2: {  	_ =	swait.ge [sflag:s23], $0x1  }
0xa3: {  	[sflag:s23] =	ssyncset.done $0x0  }
0xa4: {  	s25 =	simm.s32 $0x1B8E;
	s24 =	sld [smem:$0x3FFE];
	[sflag:s23] =	ssyncadd.s32 $0xFFFFFFFF  }
0xa5: {  	s26 =	simm.s32 $execute0_lowered;
	[smem:$0x3FD2] =	sst s25  }
0xa6: {  	s5 =	sshll.u32 s26, $0x1;
	_ =	strace $0x80000052;
	[dreg:$0x1] =	wrdreg $0xFFFFFFFF  }
0xa7: {  	s28 =	simm.s32 $_size_execute0_lowered;
	s3 =	sadd.s32 s3, s5;
	[dreg:$0x0] =	wrdreg $0x0  }
0xa8: {  	s5 =	sshll.u32 s28, $0x1;
	[dreg:$0x2] =	wrdreg s3  }
0xa9: {  	[dreg:$0x3] =	wrdreg s5  }
0xaa: {  	[dreg:$0x4] =	wrdreg $0xC0  }
0xab: {  	_ =	task [dreg:s7], $0x5FFFF  }
0xac: {  	[dreg:$0x1] =	wrdreg $0xFFFFFFFF  }
0xad: {  	[dreg:$0x0] =	wrdreg $0x60  }
0xae: {  	[dreg:$0x2] =	wrdreg s2  }
0xaf: {  	[dreg:$0x3] =	wrdreg s24  }
0xb0: {  	[dreg:$0x4] =	wrdreg $0x158000  }
0xb1: {  	[dreg:$0x5] =	wrdreg $0x9  }
0xb2: {  	_ =	task.clear_ibuf [dreg:s7], $0x6FFFF;
	_ =	strace $0x90000052  }
0xb3: {  	s29 =	simm.s32 $0x9;
	_ =	strace $0x80000054  }
0xb4: {  	_ =	swait.ge [sflag:s29], $0x1  }
0xb5: {  	[sflag:s29] =	ssyncadd.s32 $0xFFFFFFFF  }
0xb6: {  	_ =	strace $0x90000054  }
0xb7: {  	_ =	sfence  }
0xb8: {  	s30 =	sld [smem:$0x0];
	_ =	sdelay $0x2  }
0xb9: {  	s31 =	sshll.u32 s1, $0xD;
	s1 =	sshrl.u32 s1, $0x2  }
0xba: {  	s3 =	sand.u32 $0x4000, s31;
	s1 =	sadd.s32 s1, s30  }
0xbb: {  	s0 =	sor.u32 s3, s0;
	s1 =	sshll.u32 s1, $0x11  }
0xbc: {  	s0 =	sor.u32 s1, s0  }
0xbd: {  	s0 =	sadd.s32 $0x8F2B, s0  }
0xbe: {  	[sflag:s0] =	ssyncadd.remote.s32 $0x1  }
0xbf: {  	_ =	sfence.sel $0xFFFF  }
0xc0: {  	[dreg:$0x0] =	wrdreg $0xFFFFFFFF;
	(pc) =	sbr.abs _section_cstart, $3  }
0xc1: {  	[dreg:$0x1] =	wrdreg $0xFFFFFFFF  }
0xc2: {  	_ =	task.clear_ibuf [dreg:s7], $0x2FFFF;
	_ =	strace $0x9FFFFFFF  }
0xc3: {  	(tm) =	ssettm $0x7FFFFFFF  }
tec
execute0_lowered:
.L_overlay_start_1:
0x0: {  	(tag) =	ssettag $0x1  }
0x1: {  	s1 =	rddreg [dreg:$0x0]  }
0x2: {  	s0 =	rddreg [dreg:$0x1]  }
0x3: {  	s2 =	rddreg [dreg:$0x2];
	s3 =	simm.s32 $0x0;
	s5 =	srdreg.scid  }
0x4: {  	s20 =	stileid.u32;
	s28 =	simm.s32 $0xD800;
	s30 =	simm.s32 $0x11800  }
0x5: {  	s31 =	simm.s32 $0x1;
	[smem:$0x7FF] =	sst s3;
	s7 =	smul.u32 $0x3000, s20  }
0x6: {  	s4 =	sadd.s32 $0x4200, s0;
	s8 =	sadd.s32 $0xA200, s0;
	s14 =	smul.u32 $0x27000, s20  }
0x7: {  	s9 =	sadd.s32 $0x10200, s0;
	s10 =	sadd.s32 $0x16200, s0;
	s15 =	smul.u32 $0x9C00, s20  }
0x8: {  	s11 =	sand.u32 $0x1, s5;
	s5 =	sadd.s32 $0x1C200, s0;
	s16 =	smul.u32 $0x600, s20  }
0x9: {  	s12 =	sadd.s32 $0x1CA00, s0;
	s24 =	smul.u32 $0x1380, s20;
	s25 =	sadd.s32 $0x43A80, s0  }
0xa: {  	s0 =	sadd.s32 $0x30200, s0;
	p2 =	seq.s32 s20, $0xF;
	_ =	strace $0x80000053  }
0xb: {  	s6 =	ssub.s32 $0x2, s11;
	p0 =	seq.s32 s11, $0x0;
	[dreg:$0x5] =	wrdreg s25  }
0xc: {  	[dreg:$0x7] =	wrdreg s0;
	p1 =	sne.s32 s11, $0x0;
	s25 =	simm.s32 $0x9800  }
0xd: {  	s0 =	simm.s32 $0x2;
	s11 =	simm.s32 $0x8;
	s13 =	sshrl.u32 s6, $0x1  }
0xe: {  	s19 =	sshrl.u32 s7, $0x3;
	s21 =	sshrl.u32 s14, $0x2;
	s22 =	sshrl.u32 s15, $0x3  }
0xf: {  	s7 =	sadd.s32 $0x9C000, s2;
	s9 =	smov.u32 @p0 s4;
	s10 =	smov.u32 @p0 s8  }
0x10: {  	p0 =	sne.s32 s20, $0xF;
	s8 =	simm.s32 $0x3;
	s20 =	simm.s32 $0x0  }
0x11: {  	s13 =	ssub.s32 s6, s13;
	s17 =	sadd.s32 $0x300, s19;
	s6 =	sadd.s32 s21, s2  }
0x12: {  	s23 =	sadd.s32 s12, s22;
	s12 =	sadd.s32 s12, s24;
	s29 =	sadd.s32 s9, s16  }
0x13: {  	s15 =	sadd.s32 s10, s16;
	s24 =	simm.s32 $0x5800;
	s18 =	sadd.s32 $0x3400, s6  }
0x14: {  	s19 =	sadd.s32 $0x6800, s6;
	s14 =	sadd.s32 $0x13880, s23;
	[dreg:$0x6] =	wrdreg s12  }
.Ltmp0:
0x15: {  	s26 =	smax.u32 s13, $0x1;
	[dreg:$0x9] =	wrdreg s29;
	(pc) =	sbr.rel .LBB2_1-.Ltmp0, $4  }
0x16: {  	s16 =	sadd.s32 s10, s17;
	s23 =	simm.s32 $0x80;
	[dreg:$0x4] =	wrdreg s14  }
0x17: {  	s10 =	simm.s32 $0x4;
	[dreg:$0x8] =	wrdreg s26;
	s14 =	sadd.s32 s9, s17  }
0x18: {  	s17 =	simm.s32 $0x9;
	s21 =	sshrl.u32 s18, $0x3;
	s22 =	sshrl.u32 s19, $0x3  }
0x19: {  	s9 =	simm.s32 $0x5;
	s18 =	simm.s32 $0x6;
	s19 =	simm.s32 $0x7  }
.LBB2_6:
0x1a: {  	s12 =	sshrl.u32 s7, $0x3  }
0x1b: {  	[hbm:s4], [sflag:s26] =	dma.local [spmem:s12], $0x80  }
0x1c: {  	_ =	swait.ge [sflag:s17], $0x80  }
0x1d: {  	[sflag:s17] =	ssyncset.done $0x0  }
0x1e: {  	[sflag:s17] =	ssyncadd.s32 $0xFFFFFF80  }
.LBB2_7:
0x1f: {  	s20 =	sadd.s32 $0x1, s20;
	s4 =	rddreg [dreg:$0x8]  }
0x20: {  	p3 =	sne.s32 s20, s4  }
.Ltmp1:
0x21: {  	_ = 	snop;
	(pc) =	sbr.rel @!p3 .LBB2_8-.Ltmp1, $1  }
0x22: {  	_ =	sdelay $0x3  }
.LBB2_1:
0x23: {  	s4 =	rddreg [dreg:$0x9]  }
0x24: {  	[tilespmem:s3], [sflag:$0x9] =	stream.linear.gather [hbm4b:s4+s3], $0x1500, $0x38;
	[tilespmem:$0x1F480] =	vst v63  }
0x25: {  	_ =	swait.ge [sflag:s17], $0x1500  }
0x26: {  	[sflag:s17] =	ssyncset.done $0x0  }
0x27: {  	s12 =	simm.s32 $0x1500;
	[sflag:s17] =	ssyncadd.s32 $0xFFFFEB00  }
0x28: {  	[tilespmem:s12], [sflag:$0x9] =	stream.linear.gather [hbm4b:s14+s3], $0x1500, $0x38;
	[tilespmem:$0x1F480] =	vst v63  }
0x29: {  	_ =	swait.ge [sflag:s17], $0x1500  }
0x2a: {  	[sflag:s17] =	ssyncset.done $0x0  }
0x2b: {  	s13 =	simm.s32 $0x2C00;
	[sflag:s17] =	ssyncadd.s32 $0xFFFFEB00  }
0x2c: {  	[tilespmem:s13], [sflag:$0x9] =	stream.linear.gather [hbm4b:s15+s3], $0x1500, $0x38;
	[tilespmem:$0x1F480] =	vst v63  }
0x2d: {  	_ =	swait.ge [sflag:s17], $0x1500  }
0x2e: {  	[sflag:s17] =	ssyncset.done $0x0  }
0x2f: {  	s26 =	simm.s32 $0x4100;
	[sflag:s17] =	ssyncadd.s32 $0xFFFFEB00  }
0x30: {  	[tilespmem:s26], [sflag:$0x9] =	stream.linear.gather [hbm4b:s16+s3], $0x1500, $0x38;
	[tilespmem:$0x1F480] =	vst v63  }
0x31: {  	s12 =	stileid.u32;
	_ =	swait.ge [sflag:s17], $0x1500  }
0x32: {  	s4 =	sshll.u32 s12, $0x6;
	[sflag:s17] =	ssyncset.done $0x0  }
0x33: {  	s29 =	sshrl.u32 s6, $0x3;
	s26 =	sor.u32 $0x1C09, s4;
	[sflag:s17] =	ssyncadd.s32 $0xFFFFEB00  }
0x34: {  	[spmem:s29], [sflag:s26] =	dma.local [hbm:s5], $0x680  }
0x35: {  	_ =	swait.ge [sflag:s17], $0x680  }
0x36: {  	[sflag:s17] =	ssyncset.done $0x0  }
0x37: {  	[sflag:s17] =	ssyncadd.s32 $0xFFFFF980  }
0x38: {  	[spmem:s21], [sflag:s26] =	dma.local [hbm:s5], $0x680  }
0x39: {  	_ =	swait.ge [sflag:s17], $0x680  }
0x3a: {  	[sflag:s17] =	ssyncset.done $0x0  }
0x3b: {  	[sflag:s17] =	ssyncadd.s32 $0xFFFFF980  }
0x3c: {  	[spmem:s22], [sflag:s26] =	dma.local [hbm:s5], $0x680  }
0x3d: {  	_ =	swait.ge [sflag:s17], $0x680  }
0x3e: {  	[sflag:s17] =	ssyncset.done $0x0  }
0x3f: {  	s4 =	sshrl.u32 @!p0 s7, $0x3;
	[sflag:s17] =	ssyncadd.s32 $0xFFFFF980  }
0x40: {  	[spmem:s4], [sflag:s26] =	dma.local @!p0 [hbm:s5], $0x100  }
0x41: {  	s4 =	simm.s32 @!p0 $0x9  }
0x42: {  	_ =	swait.ge @!p0 [sflag:s4], $0x100  }
0x43: {  	[sflag:s4] =	ssyncset.done @!p0 $0x0  }
0x44: {  	[sflag:s4] =	ssyncadd.s32 @!p0 $0xFFFFFF00  }
0x45: {  	[bflag:$0x0] =	sbarrier.arrive $0xFFFF  }
0x46: {  	[tilespmem:s24], [sflag:$0x1] =	stream.indirect.gather [hbm4b:s1+s23], $0x80, s3, s23, $0xb8;
	[tilespmem:$0x1F480] =	vst v63  }
0x47: {  	_ = 	snop  }
0x48: {  	[tilespmem:s25], [sflag:$0x2] =	stream.indirect.gather [hbm4b:s1+s23], $0x80, s23, s23, $0xb8;
	[tilespmem:$0x1F480] =	vst v63  }
0x49: {  	s13 =	simm.s32 $0x100  }
0x4a: {  	[tilespmem:s28], [sflag:$0x3] =	stream.indirect.gather [hbm4b:s1+s23], $0x80, s13, s23, $0xb8;
	[tilespmem:$0x1F480] =	vst v63  }
0x4b: {  	s12 =	simm.s32 $0x180  }
0x4c: {  	[tilespmem:s30], [sflag:$0x4] =	stream.indirect.gather [hbm4b:s1+s23], $0x80, s12, s23, $0xb8;
	[tilespmem:$0x1F480] =	vst v63  }
0x4d: {  	_ =	swait.ge [sflag:s31], $0x4000  }
0x4e: {  	[sflag:s31] =	ssyncset.done $0x0  }
0x4f: {  	s13 =	simm.s32 $0x2C00;
	[sflag:s31] =	ssyncadd.s32 $0xFFFFC000  }
0x50: {  	[spmem:s2] =	stream.indirect.scatter.add.f32 [tilespmem:s24], [sflag:$0x5], $0x80, s13, s23, $0xb8;
	[tilespmem:$0x1F480] =	vst v63  }
0x51: {  	_ =	swait.ge [sflag:s0], $0x4000  }
0x52: {  	[sflag:s0] =	ssyncset.done $0x0  }
0x53: {  	s12 =	simm.s32 $0x2C80;
	[sflag:s0] =	ssyncadd.s32 $0xFFFFC000  }
0x54: {  	[spmem:s2] =	stream.indirect.scatter.add.f32 [tilespmem:s25], [sflag:$0x6], $0x80, s12, s23, $0xb8;
	[tilespmem:$0x1F480] =	vst v63  }
0x55: {  	_ =	swait.ge [sflag:s8], $0x4000  }
0x56: {  	[sflag:s8] =	ssyncset.done $0x0  }
0x57: {  	s13 =	simm.s32 $0x2D00;
	[sflag:s8] =	ssyncadd.s32 $0xFFFFC000  }
0x58: {  	[spmem:s2] =	stream.indirect.scatter.add.f32 [tilespmem:s28], [sflag:$0x7], $0x80, s13, s23, $0xb8;
	[tilespmem:$0x1F480] =	vst v63  }
0x59: {  	_ =	swait.ge [sflag:s10], $0x4000  }
0x5a: {  	[sflag:s10] =	ssyncset.done $0x0  }
0x5b: {  	s12 =	simm.s32 $0x2D80;
	[sflag:s10] =	ssyncadd.s32 $0xFFFFC000  }
0x5c: {  	[spmem:s2] =	stream.indirect.scatter.add.f32 [tilespmem:s30], [sflag:$0x8], $0x80, s12, s23, $0xb8;
	[tilespmem:$0x1F480] =	vst v63  }
0x5d: {  	_ =	swait.ge [sflag:s9], $0x4000  }
0x5e: {  	[sflag:s9] =	ssyncset.done $0x0  }
0x5f: {  	s13 =	simm.s32 $0x200;
	[sflag:s9] =	ssyncadd.s32 $0xFFFFC000  }
0x60: {  	[tilespmem:s24], [sflag:$0x1] =	stream.indirect.gather [hbm4b:s1+s23], $0x80, s13, s23, $0xb8;
	[tilespmem:$0x1F480] =	vst v63  }
0x61: {  	_ =	swait.ge [sflag:s18], $0x4000  }
0x62: {  	[sflag:s18] =	ssyncset.done $0x0  }
0x63: {  	s12 =	simm.s32 $0x280;
	[sflag:s18] =	ssyncadd.s32 $0xFFFFC000  }
0x64: {  	[tilespmem:s25], [sflag:$0x2] =	stream.indirect.gather [hbm4b:s1+s23], $0x80, s12, s23, $0xb8;
	[tilespmem:$0x1F480] =	vst v63  }
0x65: {  	_ =	swait.ge [sflag:s19], $0x4000  }
0x66: {  	[sflag:s19] =	ssyncset.done $0x0  }
0x67: {  	s13 =	simm.s32 $0x300;
	[sflag:s19] =	ssyncadd.s32 $0xFFFFC000  }
0x68: {  	[tilespmem:s28], [sflag:$0x3] =	stream.indirect.gather [hbm4b:s1+s23], $0x80, s13, s23, $0xb8;
	[tilespmem:$0x1F480] =	vst v63  }
0x69: {  	_ =	swait.ge [sflag:s11], $0x4000  }
0x6a: {  	[sflag:s11] =	ssyncset.done $0x0  }
0x6b: {  	s4 =	simm.s32 $0x800;
	s12 =	simm.s32 $0x380;
	[sflag:s11] =	ssyncadd.s32 $0xFFFFC000  }
.LBB2_2:
0x6c: {  	[tilespmem:s30], [sflag:$0x4] =	stream.indirect.gather [hbm4b:s1+s23], $0x80, s12, s23, $0xb8;
	[tilespmem:$0x1F480] =	vst v63  }
0x6d: {  	s12 =	smov.u32 s4  }
0x6e: {  	p3 =	sne.s32 s4, $0x9800;
	s4 =	sadd.s32 $0x800, s4;
	_ =	swait.ge [sflag:s31], $0x4000  }
0x6f: {  	s12 =	sshra.s32 s12, $0x2;
	[sflag:s31] =	ssyncset.done $0x0  }
0x70: {  	s13 =	sadd.s32 $0x2C00, s12;
	[sflag:s31] =	ssyncadd.s32 $0xFFFFC000  }
0x71: {  	[spmem:s2] =	stream.indirect.scatter.add.f32 [tilespmem:s24], [sflag:$0x5], $0x80, s13, s23, $0xb8;
	[tilespmem:$0x1F480] =	vst v63  }
0x72: {  	_ =	swait.ge [sflag:s0], $0x4000  }
0x73: {  	[sflag:s0] =	ssyncset.done $0x0  }
0x74: {  	s13 =	sadd.s32 $0x2C80, s12;
	[sflag:s0] =	ssyncadd.s32 $0xFFFFC000  }
0x75: {  	[spmem:s2] =	stream.indirect.scatter.add.f32 [tilespmem:s25], [sflag:$0x6], $0x80, s13, s23, $0xb8;
	[tilespmem:$0x1F480] =	vst v63  }
0x76: {  	_ =	swait.ge [sflag:s8], $0x4000  }
0x77: {  	[sflag:s8] =	ssyncset.done $0x0  }
0x78: {  	s13 =	sadd.s32 $0x2D00, s12;
	[sflag:s8] =	ssyncadd.s32 $0xFFFFC000  }
0x79: {  	[spmem:s2] =	stream.indirect.scatter.add.f32 [tilespmem:s28], [sflag:$0x7], $0x80, s13, s23, $0xb8;
	[tilespmem:$0x1F480] =	vst v63  }
0x7a: {  	_ =	swait.ge [sflag:s10], $0x4000  }
0x7b: {  	[sflag:s10] =	ssyncset.done $0x0  }
0x7c: {  	s13 =	sadd.s32 $0x2D80, s12;
	[sflag:s10] =	ssyncadd.s32 $0xFFFFC000  }
0x7d: {  	[spmem:s2] =	stream.indirect.scatter.add.f32 [tilespmem:s30], [sflag:$0x8], $0x80, s13, s23, $0xb8;
	[tilespmem:$0x1F480] =	vst v63  }
0x7e: {  	_ =	swait.ge [sflag:s9], $0x4000  }
0x7f: {  	[sflag:s9] =	ssyncset.done $0x0  }
0x80: {  	s13 =	sadd.s32 $0x200, s12;
	[sflag:s9] =	ssyncadd.s32 $0xFFFFC000  }
0x81: {  	[tilespmem:s24], [sflag:$0x1] =	stream.indirect.gather [hbm4b:s1+s23], $0x80, s13, s23, $0xb8;
	[tilespmem:$0x1F480] =	vst v63  }
0x82: {  	_ =	swait.ge [sflag:s18], $0x4000  }
0x83: {  	[sflag:s18] =	ssyncset.done $0x0  }
0x84: {  	s13 =	sadd.s32 $0x280, s12;
	[sflag:s18] =	ssyncadd.s32 $0xFFFFC000  }
0x85: {  	[tilespmem:s25], [sflag:$0x2] =	stream.indirect.gather [hbm4b:s1+s23], $0x80, s13, s23, $0xb8;
	[tilespmem:$0x1F480] =	vst v63  }
0x86: {  	_ =	swait.ge [sflag:s19], $0x4000  }
0x87: {  	[sflag:s19] =	ssyncset.done $0x0  }
.Ltmp2:
0x88: {  	s13 =	sadd.s32 $0x300, s12;
	[sflag:s19] =	ssyncadd.s32 $0xFFFFC000;
	(pc) =	sbr.rel @p3 .LBB2_2-.Ltmp2, $4  }
0x89: {  	[tilespmem:s28], [sflag:$0x3] =	stream.indirect.gather [hbm4b:s1+s23], $0x80, s13, s23, $0xb8;
	[tilespmem:$0x1F480] =	vst v63  }
0x8a: {  	_ =	swait.ge [sflag:s11], $0x4000  }
0x8b: {  	[sflag:s11] =	ssyncset.done $0x0  }
0x8c: {  	s12 =	sadd.s32 $0x380, s12;
	[sflag:s11] =	ssyncadd.s32 $0xFFFFC000  }
0x8d: {  	[tilespmem:s30], [sflag:$0x4] =	stream.indirect.gather [hbm4b:s1+s23], $0x80, s12, s23, $0xb8;
	[tilespmem:$0x1F480] =	vst v63  }
0x8e: {  	_ =	swait.ge [sflag:s31], $0x4000  }
0x8f: {  	[sflag:s31] =	ssyncset.done $0x0  }
0x90: {  	s4 =	simm.s32 $0x5400;
	[sflag:s31] =	ssyncadd.s32 $0xFFFFC000  }
0x91: {  	[spmem:s2] =	stream.indirect.scatter.add.f32 [tilespmem:s24], [sflag:$0x5], $0x80, s4, s23, $0xb8;
	[tilespmem:$0x1F480] =	vst v63  }
0x92: {  	_ =	swait.ge [sflag:s0], $0x4000  }
0x93: {  	[sflag:s0] =	ssyncset.done $0x0  }
0x94: {  	s13 =	simm.s32 $0x5480;
	[sflag:s0] =	ssyncadd.s32 $0xFFFFC000  }
0x95: {  	[spmem:s2] =	stream.indirect.scatter.add.f32 [tilespmem:s25], [sflag:$0x6], $0x80, s13, s23, $0xb8;
	[tilespmem:$0x1F480] =	vst v63  }
0x96: {  	_ =	swait.ge [sflag:s8], $0x4000  }
0x97: {  	[sflag:s8] =	ssyncset.done $0x0  }
0x98: {  	s12 =	simm.s32 $0x5500;
	[sflag:s8] =	ssyncadd.s32 $0xFFFFC000  }
0x99: {  	[spmem:s2] =	stream.indirect.scatter.add.f32 [tilespmem:s28], [sflag:$0x7], $0x80, s12, s23, $0xb8;
	[tilespmem:$0x1F480] =	vst v63  }
0x9a: {  	_ =	swait.ge [sflag:s10], $0x4000  }
0x9b: {  	[sflag:s10] =	ssyncset.done $0x0  }
0x9c: {  	s13 =	simm.s32 $0x5580;
	[sflag:s10] =	ssyncadd.s32 $0xFFFFC000  }
0x9d: {  	[spmem:s2] =	stream.indirect.scatter.add.f32 [tilespmem:s30], [sflag:$0x8], $0x80, s13, s23, $0xb8;
	[tilespmem:$0x1F480] =	vst v63  }
0x9e: {  	_ =	swait.ge [sflag:s9], $0x4000  }
0x9f: {  	[sflag:s9] =	ssyncset.done $0x0  }
0xa0: {  	[sflag:s9] =	ssyncadd.s32 $0xFFFFC000  }
0xa1: {  	_ =	swait.ge [sflag:s18], $0x4000  }
0xa2: {  	[sflag:s18] =	ssyncset.done $0x0  }
0xa3: {  	[sflag:s18] =	ssyncadd.s32 $0xFFFFC000  }
0xa4: {  	_ =	swait.ge [sflag:s19], $0x4000  }
0xa5: {  	[sflag:s19] =	ssyncset.done $0x0  }
0xa6: {  	[sflag:s19] =	ssyncadd.s32 $0xFFFFC000  }
.Ltmp3:
0xa7: {  	_ =	swait.ge [sflag:s11], $0x4000;
	(pc) =	sbr.rel @p1 .LBB2_5-.Ltmp3, $3  }
0xa8: {  	[sflag:s11] =	ssyncset.done $0x0  }
0xa9: {  	[sflag:s11] =	ssyncadd.s32 $0xFFFFC000  }
0xaa: {  	[bflag:$0x0] =	sbarrier.arrive $0xFFFF;
	_ =	sdelay $0x1  }
0xab: {  	s4 =	rddreg [dreg:$0x6]  }
0xac: {  	[hbm:s4], [sflag:s26] =	dma.local [spmem:s29], $0x1380  }
.Ltmp4:
0xad: {  	_ = 	snop;
	(pc) =	sbr.rel @p2 .LBB2_6-.Ltmp4, $4  }
.Ltmp5:
0xae: {  	_ = 	snop;
	(pc) =	sbr.rel @!p2 .LBB2_7-.Ltmp5, $4  }
0xaf: {  	_ =	swait.ge [sflag:s17], $0x1380  }
0xb0: {  	[sflag:s17] =	ssyncset.done $0x0  }
0xb1: {  	s4 =	rddreg [dreg:$0x7];
	[sflag:s17] =	ssyncadd.s32 $0xFFFFEC80  }
0xb2: {  	_ = 	snop  }
.LBB2_5:
0xb3: {  	s4 =	rddreg [dreg:$0x4]  }
0xb4: {  	[hbm:s4], [sflag:s26] =	dma.local [spmem:s29], $0x1380  }
.Ltmp6:
0xb5: {  	_ = 	snop;
	(pc) =	sbr.rel @p0 .LBB2_7-.Ltmp6, $4  }
.Ltmp7:
0xb6: {  	_ = 	snop;
	(pc) =	sbr.rel @!p0 .LBB2_6-.Ltmp7, $4  }
0xb7: {  	_ =	swait.ge [sflag:s17], $0x1380  }
0xb8: {  	[sflag:s17] =	ssyncset.done $0x0  }
0xb9: {  	s4 =	rddreg [dreg:$0x5];
	[sflag:s17] =	ssyncadd.s32 $0xFFFFEC80  }
0xba: {  	_ = 	snop  }
.LBB2_8:
0xbb: {  	_ =	sfence.sel $0x180000  }
0xbc: {  	[bflag:$0x0] =	sbarrier.arrive $0xFFFF  }
0xbd: {  	_ =	strace $0x90000053  }
0xbe: {  	s0 =	stileid.u32;
	[bflag:$0x2] =	sbarrier.arrive $0xFFFF  }
0xbf: {  	p0 =	sne.s32 s0, $0x0;
	s0 =	rddreg [dreg:$0x3]  }
0xc0: {  	s0 =	sadd.s32 @!p0 $0x100000, s0  }
0xc1: {  	[sflag:s0] =	ssyncadd.tile.s32 @!p0 $0x1;
	_ =	shalt  }
.Lfunc_end2:
_tile_overlayer_lowered:
.L_overlay_start_2:
0xc2: {  	(tag) =	ssettag $0x2  }
0xc3: {  	s0 =	rddreg [dreg:$0x0];
	s2 =	stileid.u32  }
0xc4: {  	s1 =	rddreg [dreg:$0x1];
	p0 =	sne.s32 s2, $0x0  }
0xc5: {  	s3 =	rddreg [dreg:$0x2];
	[bflag:$0x3] =	sbarrier.arrive $0xFFFF;
	s2 =	simm.s32 @!p0 $0x1C09  }
0xc6: {  	[timem:s3], [sflag:s2] =	dma.local @!p0 [hbm:s0], s1  }
0xc7: {  	s0 =	simm.s32 @!p0 $0x9  }
0xc8: {  	_ =	swait.ge @!p0 [sflag:s0], s1  }
0xc9: {  	s1 =	ssub.s32 @!p0 $0x0, s1;
	[sflag:s0] =	ssyncset.done @!p0 $0x0  }
0xca: {  	[sflag:s0] =	ssyncadd.s32 @!p0 s1  }
0xcb: {  	[bflag:$0x3] =	sbarrier.arrive $0xFFFF  }
0xcc: {  	_ =	shalt  }

</sc_bundles>
